<compile_context>
chip_gen: v7x
topology: tpu7x:2x2x1
jax: 0.10.2.dev20260603
libtpu: 0.0.44.dev20260713+nightly
codegen_flags: <defaults>
</compile_context>

<pallas_src>
import functools

import jax
import jax.numpy as jnp
from jax import lax
from jax.experimental import pallas as pl
from jax.experimental.pallas import tpu as pltpu
from jax.experimental.pallas import tpu_sc as plsc

N = 10000
NP = 10240
E = 320000
D = 128
DH = D // 2
R = 8

NC, NS, L = 2, 16, 16
NW = NC * NS
EPT = E // NW
CB = 80
NB = EPT // CB
ROWS_PT = NP // NS
DEG_SLICE = (R * NP) // NS

_mesh = plsc.VectorSubcoreMesh(core_axis_name="c", subcore_axis_name="s")
_sc_params = pltpu.CompilerParams(needs_layout_passes=False,
                                  use_tc_tiling_on_sc=False)


@functools.partial(
    pl.kernel,
    out_type=[
        jax.ShapeDtypeStruct((NC * R * NP,), jnp.float32),
        jax.ShapeDtypeStruct((NC * R * NP,), jnp.float32),
    ],
    mesh=_mesh,
    compiler_params=_sc_params,
    scratch_types=[
        pltpu.VMEM((3 * CB,), jnp.int32),
        pltpu.VMEM((CB,), jnp.int32),
        pltpu.VMEM((CB,), jnp.int32),
        pltpu.VMEM((CB,), jnp.float32),
        pltpu.VMEM((DEG_SLICE,), jnp.float32),
        pltpu.VMEM_SHARED((R * NP,), jnp.float32),
        pltpu.VMEM_SHARED((R * NP,), jnp.float32),
    ],
)
def _deg_call(edges, deg_o_out, deg_i_out, eb, gidx, didx, ones,
              zbuf, deg_o_sh, deg_i_sh):
    cid = lax.axis_index("c")
    sid = lax.axis_index("s")
    wid = sid * NC + cid

    ones16 = jnp.ones((L,), jnp.float32)
    zeros16 = jnp.zeros((L,), jnp.float32)

    def _fill(i, _):
        ones[pl.ds(i * L, L)] = ones16
        return 0
    lax.fori_loop(0, CB // L, _fill, 0)

    def _zfill(i, _):
        zbuf[pl.ds(i * L, L)] = zeros16
        return 0
    lax.fori_loop(0, DEG_SLICE // L, _zfill, 0)

    my_deg = pl.ds(sid * DEG_SLICE, DEG_SLICE)
    pltpu.sync_copy(zbuf, deg_o_sh.at[my_deg])
    pltpu.sync_copy(zbuf, deg_i_sh.at[my_deg])
    plsc.subcore_barrier()

    base_b = wid * NB

    def _blk(bi, _):
        pltpu.sync_copy(edges.at[pl.ds((base_b + bi) * 3 * CB, 3 * CB)], eb)

        def _grp(g, _):
            s16 = eb[pl.ds(g * L, L)]
            d16 = eb[pl.ds(CB + g * L, L)]
            t16 = eb[pl.ds(2 * CB + g * L, L)]
            gidx[pl.ds(g * L, L)] = t16 * NP + s16
            didx[pl.ds(g * L, L)] = t16 * NP + d16
            return 0
        lax.fori_loop(0, CB // L, _grp, 0)

        pltpu.sync_copy(ones, deg_o_sh.at[gidx], add=True)
        pltpu.sync_copy(ones, deg_i_sh.at[didx], add=True)
        return 0
    lax.fori_loop(0, NB, _blk, 0)

    plsc.subcore_barrier()
    out_sl = pl.ds(cid * (R * NP) + sid * DEG_SLICE, DEG_SLICE)
    pltpu.sync_copy(deg_o_sh.at[my_deg], deg_o_out.at[out_sl])
    pltpu.sync_copy(deg_i_sh.at[my_deg], deg_i_out.at[out_sl])


BN = 2048


def _mm_body(deg_o_ref, deg_i_ref, x_ref, w_ref, h_ref, ndv_ref):
    deg_o = deg_o_ref[0, 0] + deg_o_ref[1, 0]
    deg_i = deg_i_ref[0, 0] + deg_i_ref[1, 0]
    ns = lax.rsqrt(jnp.clip(deg_o, 1.0, None))
    ndv_ref[0] = lax.rsqrt(jnp.clip(deg_i, 1.0, None))
    xs = x_ref[...] * ns
    h_ref[0] = jnp.dot(xs, w_ref[0],
                       preferred_element_type=jnp.float32,
                       precision=lax.Precision.HIGHEST)


_mm_call = pl.pallas_call(
    _mm_body,
    grid=(R, NP // BN),
    in_specs=[
        pl.BlockSpec((NC, 1, BN, 1), lambda r, i: (0, r, i, 0)),
        pl.BlockSpec((NC, 1, BN, 1), lambda r, i: (0, r, i, 0)),
        pl.BlockSpec((BN, D), lambda r, i: (i, 0)),
        pl.BlockSpec((1, D, D), lambda r, i: (r, 0, 0)),
    ],
    out_specs=[
        pl.BlockSpec((1, BN, D), lambda r, i: (r, i, 0)),
        pl.BlockSpec((1, BN, 1), lambda r, i: (r, i, 0)),
    ],
    out_shape=[
        jax.ShapeDtypeStruct((R, NP, D), jnp.float32),
        jax.ShapeDtypeStruct((R, NP, 1), jnp.float32),
    ],
)


@functools.partial(
    pl.kernel,
    out_type=jax.ShapeDtypeStruct((2, NC, NP, DH), jnp.float32),
    mesh=_mesh,
    compiler_params=_sc_params,
    scratch_types=[
        pltpu.VMEM((2, 3 * CB), jnp.int32),
        pltpu.VMEM((2, CB), jnp.int32),
        pltpu.VMEM((2, CB), jnp.int32),
        pltpu.VMEM((2, CB), jnp.int32),
        pltpu.VMEM((2, CB), jnp.float32),
        pltpu.VMEM((2 * CB, DH), jnp.float32),
        pltpu.VMEM_SHARED((NP, DH), jnp.float32),
        pltpu.SemaphoreType.DMA((2,)),
        pltpu.SemaphoreType.DMA((2,)),
        pltpu.SemaphoreType.DMA((2,)),
        pltpu.SemaphoreType.DMA((2,)),
    ],
)
def _agg_call(edges, hf, ndv, part_out, eb, gidx, didx, widx, wv,
              rows, acc_sh, esem, gsem, wsem, ssem):
    cid = lax.axis_index("c")
    sid = lax.axis_index("s")
    wid = sid * NC + cid

    zeros16 = jnp.zeros((L,), jnp.float32)
    base_r = sid * ROWS_PT
    base_b = wid * NB

    def _stage(bi, buf):
        pltpu.async_copy(edges.at[pl.ds((base_b + bi) * 3 * CB, 3 * CB)],
                         eb.at[buf], esem.at[buf])

    def _wait_stage(buf):
        pltpu.make_async_copy(edges.at[pl.ds(0, 3 * CB)], eb.at[buf],
                              esem.at[buf]).wait()

    def _wait_rowdma(sem, buf):
        pltpu.make_async_copy(hf.at[pl.ds(0, CB)],
                              rows.at[pl.ds(buf * CB, CB)],
                              sem.at[buf]).wait()

    for half in range(2):
        def _zrow(i, _):
            for k in range(DH // L):
                rows[i, pl.ds(k * L, L)] = zeros16
            return 0
        lax.fori_loop(0, CB, _zrow, 0)
        for j in range(ROWS_PT // CB):
            pltpu.sync_copy(rows.at[pl.ds(0, CB)],
                            acc_sh.at[pl.ds(base_r + j * CB, CB)])
        plsc.subcore_barrier()

        def _grp_block(buf):
            def _grp(g, _):
                s16 = eb[buf, pl.ds(g * L, L)]
                d16 = eb[buf, pl.ds(CB + g * L, L)]
                t16 = eb[buf, pl.ds(2 * CB + g * L, L)]
                gidx[buf, pl.ds(g * L, L)] = (t16 * NP + s16) * 2 + half
                didx[buf, pl.ds(g * L, L)] = d16
                widx[buf, pl.ds(g * L, L)] = t16 * NP + d16
                return 0
            lax.fori_loop(0, CB // L, _grp, 0)

        def _start_gathers(buf):
            pltpu.async_copy(hf.at[gidx.at[buf]],
                             rows.at[pl.ds(buf * CB, CB)], gsem.at[buf])
            pltpu.async_copy(ndv.at[widx.at[buf]], wv.at[buf], wsem.at[buf])

        _stage(0, 0)
        _wait_stage(0)
        _grp_block(0)
        _start_gathers(0)
        _stage(1, 1)

        def _blk(bi, _):
            b = bi & 1
            nb = 1 - b

            @pl.when(bi + 1 < NB)
            def _():
                _wait_stage(nb)
                _grp_block(nb)

                @pl.when(bi >= 1)
                def _():
                    _wait_rowdma(ssem, nb)
                _start_gathers(nb)

                @pl.when(bi + 2 < NB)
                def _():
                    _stage(bi + 2, b)

            _wait_rowdma(gsem, b)
            pltpu.make_async_copy(ndv.at[pl.ds(0, CB)], wv.at[b],
                                  wsem.at[b]).wait()
            def _scale(g, _):
                for j in range(L):
                    jj = g * L + j
                    wj = plsc.load_gather(
                        wv, [jnp.zeros((L,), jnp.int32) + b,
                             jnp.zeros((L,), jnp.int32) + jj])
                    for k in range(DH // L):
                        row = b * CB + jj
                        rows[row, pl.ds(k * L, L)] = (
                            rows[row, pl.ds(k * L, L)] * wj)
                return 0
            lax.fori_loop(0, CB // L, _scale, 0)

            pltpu.async_copy(rows.at[pl.ds(b * CB, CB)],
                             acc_sh.at[didx.at[b]], ssem.at[b], add=True)
            return 0
        lax.fori_loop(0, NB, _blk, 0)

        _wait_rowdma(ssem, 1)
        _wait_rowdma(ssem, 0)

        plsc.subcore_barrier()
        for j in range(ROWS_PT // CB):
            sl = pl.ds(base_r + j * CB, CB)
            pltpu.sync_copy(acc_sh.at[sl], part_out.at[half, cid, sl])


BD = 2000


def _fin_body(p_ref, b_ref, o_ref):
    bias = jnp.sum(b_ref[...], axis=0, keepdims=True)
    left = p_ref[0, 0] + p_ref[0, 1]
    right = p_ref[1, 0] + p_ref[1, 1]
    o_ref[...] = jnp.concatenate([left, right], axis=1) + bias


_fin_call = pl.pallas_call(
    _fin_body,
    grid=(N // BD,),
    in_specs=[
        pl.BlockSpec((2, NC, BD, DH), lambda i: (0, 0, i, 0)),
        pl.BlockSpec((R, D), lambda i: (0, 0)),
    ],
    out_specs=pl.BlockSpec((BD, D), lambda i: (i, 0)),
    out_shape=jax.ShapeDtypeStruct((N, D), jnp.float32),
)


def kernel(x, edge_index, edge_type, W, b):
    edges = (jnp.concatenate([edge_index[0], edge_index[1], edge_type])
             .astype(jnp.int32)
             .reshape(3, E // CB, CB)
             .transpose(1, 0, 2)
             .reshape(-1))
    x_pad = jnp.pad(x, ((0, NP - N), (0, 0)))
    deg_o, deg_i = _deg_call(edges)
    h, ndv = _mm_call(deg_o.reshape(NC, R, NP, 1),
                      deg_i.reshape(NC, R, NP, 1), x_pad, W)
    part = _agg_call(edges, h.reshape(R * NP * 2, DH), ndv.reshape(R * NP))
    return _fin_call(part, b)

# --- scband reference (transcript-rebuilt; emitter-appended) ---
"""Pipeline reference for scband-rgcnlayer-65678639891192 (READ-ONLY COPY).

The authoritative reference and input builder live on the scoring server;
editing this copy changes nothing except your own understanding.
"""

import jax, jax.numpy as jnp
import numpy as np

N = 10000
E = 320000
D_IN = 128
D_OUT = 128
R = 8


def setup_inputs(seed: int = 0) -> dict:
    key = jax.random.key(seed)
    k1, k2, k3, k4, k5 = jax.random.split(key, 5)
    x = jax.random.normal(k1, (N, D_IN), dtype=jnp.float32)
    edge_index = jax.random.randint(k2, (2, E), 0, N, dtype=jnp.int32)
    edge_type = jax.random.randint(k3, (E,), 0, R, dtype=jnp.int32)
    # per-relation GraphConv weights (glorot-ish) and biases, as in dglnn.GraphConv
    limit = float(np.sqrt(6.0 / (D_IN + D_OUT)))
    W = jax.random.uniform(k4, (R, D_IN, D_OUT), dtype=jnp.float32, minval=-limit, maxval=limit)
    b = jnp.zeros((R, D_OUT), dtype=jnp.float32)
    return {"x": x, "edge_index": edge_index, "edge_type": edge_type, "W": W, "b": b}


def reference(x, edge_index, edge_type, W, b):
    # RGCN layer = HeteroGraphConv({r: GraphConv(in, out)} for r in rels), aggregate='sum'.
    # Each GraphConv uses DGL default norm='both':
    #   out = D_dst^{-1/2} * A_r * D_src^{-1/2} * X * W_r + b_r  (degrees per relation subgraph)
    src = edge_index[0]
    dst = edge_index[1]
    out = jnp.zeros((N, D_OUT), dtype=jnp.float32)
    for r in range(R):
        w_e = (edge_type == r).astype(jnp.float32)  # edge mask for relation r
        deg_out = jax.ops.segment_sum(w_e, src, num_segments=N)
        deg_in = jax.ops.segment_sum(w_e, dst, num_segments=N)
        norm_src = jax.lax.rsqrt(jnp.clip(deg_out, 1.0, None))
        norm_dst = jax.lax.rsqrt(jnp.clip(deg_in, 1.0, None))
        h = x * norm_src[:, None]
        msg = h[src] * w_e[:, None]          # gather + mask edges of relation r
        agg = jax.ops.segment_sum(msg, dst, num_segments=N)  # scatter-add to dst
        agg = agg * norm_dst[:, None]
        out = out + agg @ W[r] + b[r]
    return out

if __name__ == "__main__":
    import jax
    _d = setup_inputs()
    print(jax.jit(kernel)(*tuple(_d.values())))

</pallas_src>

<mosaic_0001>
#map = affine_map<(d0, d1) -> (0)>
module attributes {stable_mosaic.version = 14 : i64} {
  func.func @_deg_call(%arg0: i32, %arg1: i32, %arg2: memref<960000xi32, #tpu.memory_space<hbm>>, %arg3: memref<163840xf32, #tpu.memory_space<hbm>>, %arg4: memref<163840xf32, #tpu.memory_space<hbm>>, %arg5: memref<240xi32, #tpu.memory_space<vmem>>, %arg6: memref<80xi32, #tpu.memory_space<vmem>>, %arg7: memref<80xi32, #tpu.memory_space<vmem>>, %arg8: memref<80xf32, #tpu.memory_space<vmem>>, %arg9: memref<5120xf32, #tpu.memory_space<vmem>>, %arg10: memref<81920xf32, #tpu.memory_space<vmem_shared>>, %arg11: memref<81920xf32, #tpu.memory_space<vmem_shared>>) attributes {dimension_semantics = [#tpu.dimension_semantics<core_parallel>, #tpu.dimension_semantics<subcore_parallel>], iteration_bounds = array<i64: 2, 16>, scalar_prefetch = 0 : i64, scratch_operands = 7 : i64, tpu.core_type = #tpu.core_type<sc_vector_subcore>, window_params = [{transform_indices = #map}, {transform_indices = #map}, {transform_indices = #map}]} {
    %mul3A = arith.constant 2 : i32
    %mul3A_0 = arith.muli %arg1, %mul3A : i32
    %add3A = arith.addi %mul3A_0, %arg0 : i32
    %broadcast_in_dim3A = arith.constant 1.000000e+00 : f32
    %broadcast_in_dim3A_1 = vector.broadcast %broadcast_in_dim3A : f32 to vector<16xf32>
    %broadcast_in_dim3A_2 = arith.constant 0.000000e+00 : f32
    %broadcast_in_dim3A_3 = vector.broadcast %broadcast_in_dim3A_2 : f32 to vector<16xf32>
    %scan3A = arith.constant 0 : i32
    %scan3A_4 = arith.constant 0 : i32
    %scan3A_5 = arith.constant 5 : i32
    %scan3A_6 = arith.addi %scan3A_4, %scan3A_5 : i32
    %scan3A_7 = arith.constant 1 : i32
    %scan3A_8 = scf.for %scan3A_34 = %scan3A_4 to %scan3A_6 step %scan3A_7 iter_args(%scan3A_35 = %scan3A) -> (i32)  : i32 {
      %mul3A_36 = arith.constant 16 : i32
      %mul3A_37 = arith.muli %scan3A_34, %mul3A_36 : i32
      %swap3A = arith.index_cast %mul3A_37 : i32 to index
      %swap3A_38 = tpu.vector_load %arg8[%swap3A] {strides = array<i32>} : memref<80xf32, #tpu.memory_space<vmem>>, vector<16xf32>,
      tpu.vector_store %arg8[%swap3A], %broadcast_in_dim3A_1 {strides = array<i32>} : memref<80xf32, #tpu.memory_space<vmem>>, vector<16xf32>,
      %scan3A_39 = arith.constant 0 : i32
      scf.yield %scan3A_39 : i32
    }
    %scan3A_9 = arith.constant 5 : i32
    %scan3A_10 = arith.constant 0 : i32
    %scan3A_11 = arith.constant 0 : i32
    %scan3A_12 = arith.constant 320 : i32
    %scan3A_13 = arith.addi %scan3A_11, %scan3A_12 : i32
    %scan3A_14 = arith.constant 1 : i32
    %scan3A_15 = scf.for %scan3A_34 = %scan3A_11 to %scan3A_13 step %scan3A_14 iter_args(%scan3A_35 = %scan3A_10) -> (i32)  : i32 {
      %mul3A_36 = arith.constant 16 : i32
      %mul3A_37 = arith.muli %scan3A_34, %mul3A_36 : i32
      %swap3A = arith.index_cast %mul3A_37 : i32 to index
      %swap3A_38 = tpu.vector_load %arg9[%swap3A] {strides = array<i32>} : memref<5120xf32, #tpu.memory_space<vmem>>, vector<16xf32>,
      tpu.vector_store %arg9[%swap3A], %broadcast_in_dim3A_3 {strides = array<i32>} : memref<5120xf32, #tpu.memory_space<vmem>>, vector<16xf32>,
      %scan3A_39 = arith.constant 0 : i32
      scf.yield %scan3A_39 : i32
    }
    %scan3A_16 = arith.constant 320 : i32
    %mul3A_17 = arith.constant 5120 : i32
    %mul3A_18 = arith.muli %arg1, %mul3A_17 : i32
    "tpu.region"() ({
      %run_scoped3A = tpu.sem_alloc : memref<!tpu.dma_semaphore, #tpu.memory_space<semaphore_mem>>
      %dma_start3A = tpu.memref_slice %arg10[%mul3A_18] : memref<81920xf32, #tpu.memory_space<vmem_shared>> -> memref<5120xf32, #tpu.memory_space<vmem_shared>>
      %dma_start3A_34 = tpu.memref_slice %arg10[%mul3A_18] : memref<81920xf32, #tpu.memory_space<vmem_shared>> -> memref<5120xf32, #tpu.memory_space<vmem_shared>>
      tpu.enqueue_dma source(%arg9 : memref<5120xf32, #tpu.memory_space<vmem>>) target(%dma_start3A_34 : memref<5120xf32, #tpu.memory_space<vmem_shared>>) target_semaphore(%run_scoped3A : memref<!tpu.dma_semaphore, #tpu.memory_space<semaphore_mem>>)
      %dma_wait3A = tpu.memref_slice %arg10[%mul3A_18] : memref<81920xf32, #tpu.memory_space<vmem_shared>> -> memref<5120xf32, #tpu.memory_space<vmem_shared>>
      %dma_wait3A_35 = tpu.memref_slice %arg10[%mul3A_18] : memref<81920xf32, #tpu.memory_space<vmem_shared>> -> memref<5120xf32, #tpu.memory_space<vmem_shared>>
      tpu.wait_dma2 semaphore(%run_scoped3A : memref<!tpu.dma_semaphore, #tpu.memory_space<semaphore_mem>>) src(%arg9 : memref<5120xf32, #tpu.memory_space<vmem>>) dst(%dma_wait3A_35 : memref<5120xf32, #tpu.memory_space<vmem_shared>>)
      tpu.yield
    }) : () -> ()
    "tpu.region"() ({
      %run_scoped3A = tpu.sem_alloc : memref<!tpu.dma_semaphore, #tpu.memory_space<semaphore_mem>>
      %dma_start3A = tpu.memref_slice %arg11[%mul3A_18] : memref<81920xf32, #tpu.memory_space<vmem_shared>> -> memref<5120xf32, #tpu.memory_space<vmem_shared>>
      %dma_start3A_34 = tpu.memref_slice %arg11[%mul3A_18] : memref<81920xf32, #tpu.memory_space<vmem_shared>> -> memref<5120xf32, #tpu.memory_space<vmem_shared>>
      tpu.enqueue_dma source(%arg9 : memref<5120xf32, #tpu.memory_space<vmem>>) target(%dma_start3A_34 : memref<5120xf32, #tpu.memory_space<vmem_shared>>) target_semaphore(%run_scoped3A : memref<!tpu.dma_semaphore, #tpu.memory_space<semaphore_mem>>)
      %dma_wait3A = tpu.memref_slice %arg11[%mul3A_18] : memref<81920xf32, #tpu.memory_space<vmem_shared>> -> memref<5120xf32, #tpu.memory_space<vmem_shared>>
      %dma_wait3A_35 = tpu.memref_slice %arg11[%mul3A_18] : memref<81920xf32, #tpu.memory_space<vmem_shared>> -> memref<5120xf32, #tpu.memory_space<vmem_shared>>
      tpu.wait_dma2 semaphore(%run_scoped3A : memref<!tpu.dma_semaphore, #tpu.memory_space<semaphore_mem>>) src(%arg9 : memref<5120xf32, #tpu.memory_space<vmem>>) dst(%dma_wait3A_35 : memref<5120xf32, #tpu.memory_space<vmem_shared>>)
      tpu.yield
    }) : () -> ()
    %barrier3A = arith.constant 0 : index
    tpu.barrier barrier_id(%barrier3A)
    %mul3A_19 = arith.constant 125 : i32
    %mul3A_20 = arith.muli %add3A, %mul3A_19 : i32
    %scan3A_21 = arith.constant 0 : i32
    %scan3A_22 = arith.constant 0 : i32
    %scan3A_23 = arith.constant 125 : i32
    %scan3A_24 = arith.addi %scan3A_22, %scan3A_23 : i32
    %scan3A_25 = arith.constant 1 : i32
    %scan3A_26 = scf.for %scan3A_34 = %scan3A_22 to %scan3A_24 step %scan3A_25 iter_args(%scan3A_35 = %scan3A_21) -> (i32)  : i32 {
      %add3A_36 = arith.addi %mul3A_20, %scan3A_34 : i32
      %mul3A_37 = arith.constant 3 : i32
      %mul3A_38 = arith.muli %add3A_36, %mul3A_37 : i32
      %mul3A_39 = arith.constant 80 : i32
      %mul3A_40 = arith.muli %mul3A_38, %mul3A_39 : i32
      "tpu.region"() ({
        %run_scoped3A = tpu.sem_alloc : memref<!tpu.dma_semaphore, #tpu.memory_space<semaphore_mem>>
        %dma_start3A = tpu.memref_slice %arg2[%mul3A_40] : memref<960000xi32, #tpu.memory_space<hbm>> -> memref<240xi32, #tpu.memory_space<hbm>>
        %dma_start3A_49 = tpu.memref_slice %arg2[%mul3A_40] : memref<960000xi32, #tpu.memory_space<hbm>> -> memref<240xi32, #tpu.memory_space<hbm>>
        tpu.enqueue_dma source(%dma_start3A_49 : memref<240xi32, #tpu.memory_space<hbm>>) target(%arg5 : memref<240xi32, #tpu.memory_space<vmem>>) target_semaphore(%run_scoped3A : memref<!tpu.dma_semaphore, #tpu.memory_space<semaphore_mem>>)
        %dma_wait3A = tpu.memref_slice %arg2[%mul3A_40] : memref<960000xi32, #tpu.memory_space<hbm>> -> memref<240xi32, #tpu.memory_space<hbm>>
        %dma_wait3A_50 = tpu.memref_slice %arg2[%mul3A_40] : memref<960000xi32, #tpu.memory_space<hbm>> -> memref<240xi32, #tpu.memory_space<hbm>>
        tpu.wait_dma2 semaphore(%run_scoped3A : memref<!tpu.dma_semaphore, #tpu.memory_space<semaphore_mem>>) src(%dma_wait3A_50 : memref<240xi32, #tpu.memory_space<hbm>>) dst(%arg5 : memref<240xi32, #tpu.memory_space<vmem>>)
        tpu.yield
      }) : () -> ()
      %scan3A_41 = arith.constant 0 : i32
      %scan3A_42 = arith.constant 0 : i32
      %scan3A_43 = arith.constant 5 : i32
      %scan3A_44 = arith.addi %scan3A_42, %scan3A_43 : i32
      %scan3A_45 = arith.constant 1 : i32
      %scan3A_46 = scf.for %scan3A_49 = %scan3A_42 to %scan3A_44 step %scan3A_45 iter_args(%scan3A_50 = %scan3A_41) -> (i32)  : i32 {
        %mul3A_51 = arith.constant 16 : i32
        %mul3A_52 = arith.muli %scan3A_49, %mul3A_51 : i32
        %get3A = arith.index_cast %mul3A_52 : i32 to index
        %get3A_53 = tpu.vector_load %arg5[%get3A] {strides = array<i32>} : memref<240xi32, #tpu.memory_space<vmem>>, vector<16xi32>,
        %mul3A_54 = arith.constant 16 : i32
        %mul3A_55 = arith.muli %scan3A_49, %mul3A_54 : i32
        %add3A_56 = arith.constant 80 : i32
        %add3A_57 = arith.addi %add3A_56, %mul3A_55 : i32
        %get3A_58 = arith.index_cast %add3A_57 : i32 to index
        %get3A_59 = tpu.vector_load %arg5[%get3A_58] {strides = array<i32>} : memref<240xi32, #tpu.memory_space<vmem>>, vector<16xi32>,
        %mul3A_60 = arith.constant 16 : i32
        %mul3A_61 = arith.muli %scan3A_49, %mul3A_60 : i32
        %add3A_62 = arith.constant 160 : i32
        %add3A_63 = arith.addi %add3A_62, %mul3A_61 : i32
        %get3A_64 = arith.index_cast %add3A_63 : i32 to index
        %get3A_65 = tpu.vector_load %arg5[%get3A_64] {strides = array<i32>} : memref<240xi32, #tpu.memory_space<vmem>>, vector<16xi32>,
        %mul3A_66 = arith.constant 10240 : i32
        %mul3A_67 = vector.broadcast %mul3A_66 : i32 to vector<16xi32>
        %mul3A_68 = arith.muli %get3A_65, %mul3A_67 : vector<16xi32>
        %add3A_69 = arith.addi %mul3A_68, %get3A_53 : vector<16xi32>
        %mul3A_70 = arith.constant 16 : i32
        %mul3A_71 = arith.muli %scan3A_49, %mul3A_70 : i32
        %swap3A = arith.index_cast %mul3A_71 : i32 to index
        %swap3A_72 = tpu.vector_load %arg6[%swap3A] {strides = array<i32>} : memref<80xi32, #tpu.memory_space<vmem>>, vector<16xi32>,
        tpu.vector_store %arg6[%swap3A], %add3A_69 {strides = array<i32>} : memref<80xi32, #tpu.memory_space<vmem>>, vector<16xi32>,
        %mul3A_73 = arith.constant 10240 : i32
        %mul3A_74 = vector.broadcast %mul3A_73 : i32 to vector<16xi32>
        %mul3A_75 = arith.muli %get3A_65, %mul3A_74 : vector<16xi32>
        %add3A_76 = arith.addi %mul3A_75, %get3A_59 : vector<16xi32>
        %mul3A_77 = arith.constant 16 : i32
        %mul3A_78 = arith.muli %scan3A_49, %mul3A_77 : i32
        %swap3A_79 = arith.index_cast %mul3A_78 : i32 to index
        %swap3A_80 = tpu.vector_load %arg7[%swap3A_79] {strides = array<i32>} : memref<80xi32, #tpu.memory_space<vmem>>, vector<16xi32>,
        tpu.vector_store %arg7[%swap3A_79], %add3A_76 {strides = array<i32>} : memref<80xi32, #tpu.memory_space<vmem>>, vector<16xi32>,
        %scan3A_81 = arith.constant 0 : i32
        scf.yield %scan3A_81 : i32
      }
      %scan3A_47 = arith.constant 5 : i32
      "tpu.region"() ({
        %run_scoped3A = tpu.sem_alloc : memref<!tpu.dma_semaphore, #tpu.memory_space<semaphore_mem>>
        %dma_start3A = arith.constant 0 : i32
        %dma_start3A_49 = tpu.memref_slice %arg10[%dma_start3A] : memref<81920xf32, #tpu.memory_space<vmem_shared>> -> memref<81920xf32, #tpu.memory_space<vmem_shared>>
        tpu.enqueue_indirect_dma source(%arg8 : memref<80xf32, #tpu.memory_space<vmem>>) target(%dma_start3A_49 : memref<81920xf32, #tpu.memory_space<vmem_shared>>) offsets(%arg6 : memref<80xi32, #tpu.memory_space<vmem>>) semaphore(%run_scoped3A : memref<!tpu.dma_semaphore, #tpu.memory_space<semaphore_mem>>) {add = true}
        %dma_wait3A = arith.constant 0 : i32
        %dma_wait3A_50 = tpu.memref_slice %arg10[%dma_wait3A] : memref<81920xf32, #tpu.memory_space<vmem_shared>> -> memref<81920xf32, #tpu.memory_space<vmem_shared>>
        tpu.wait_indirect_dma semaphore(%run_scoped3A : memref<!tpu.dma_semaphore, #tpu.memory_space<semaphore_mem>>) src(%arg8 : memref<80xf32, #tpu.memory_space<vmem>>) dst(%dma_wait3A_50 : memref<81920xf32, #tpu.memory_space<vmem_shared>>)
        tpu.yield
      }) : () -> ()
      "tpu.region"() ({
        %run_scoped3A = tpu.sem_alloc : memref<!tpu.dma_semaphore, #tpu.memory_space<semaphore_mem>>
        %dma_start3A = arith.constant 0 : i32
        %dma_start3A_49 = tpu.memref_slice %arg11[%dma_start3A] : memref<81920xf32, #tpu.memory_space<vmem_shared>> -> memref<81920xf32, #tpu.memory_space<vmem_shared>>
        tpu.enqueue_indirect_dma source(%arg8 : memref<80xf32, #tpu.memory_space<vmem>>) target(%dma_start3A_49 : memref<81920xf32, #tpu.memory_space<vmem_shared>>) offsets(%arg7 : memref<80xi32, #tpu.memory_space<vmem>>) semaphore(%run_scoped3A : memref<!tpu.dma_semaphore, #tpu.memory_space<semaphore_mem>>) {add = true}
        %dma_wait3A = arith.constant 0 : i32
        %dma_wait3A_50 = tpu.memref_slice %arg11[%dma_wait3A] : memref<81920xf32, #tpu.memory_space<vmem_shared>> -> memref<81920xf32, #tpu.memory_space<vmem_shared>>
        tpu.wait_indirect_dma semaphore(%run_scoped3A : memref<!tpu.dma_semaphore, #tpu.memory_space<semaphore_mem>>) src(%arg8 : memref<80xf32, #tpu.memory_space<vmem>>) dst(%dma_wait3A_50 : memref<81920xf32, #tpu.memory_space<vmem_shared>>)
        tpu.yield
      }) : () -> ()
      %scan3A_48 = arith.constant 0 : i32
      scf.yield %scan3A_48 : i32
    }
    %scan3A_27 = arith.constant 125 : i32
    %barrier3A_28 = arith.constant 0 : index
    tpu.barrier barrier_id(%barrier3A_28)
    %mul3A_29 = arith.constant 81920 : i32
    %mul3A_30 = arith.muli %arg0, %mul3A_29 : i32
    %mul3A_31 = arith.constant 5120 : i32
    %mul3A_32 = arith.muli %arg1, %mul3A_31 : i32
    %add3A_33 = arith.addi %mul3A_30, %mul3A_32 : i32
    "tpu.region"() ({
      %run_scoped3A = tpu.sem_alloc : memref<!tpu.dma_semaphore, #tpu.memory_space<semaphore_mem>>
      %dma_start3A = tpu.memref_slice %arg3[%add3A_33] : memref<163840xf32, #tpu.memory_space<hbm>> -> memref<5120xf32, #tpu.memory_space<hbm>>
      %dma_start3A_34 = tpu.memref_slice %arg10[%mul3A_18] : memref<81920xf32, #tpu.memory_space<vmem_shared>> -> memref<5120xf32, #tpu.memory_space<vmem_shared>>
      tpu.enqueue_dma source(%dma_start3A_34 : memref<5120xf32, #tpu.memory_space<vmem_shared>>) target(%dma_start3A : memref<5120xf32, #tpu.memory_space<hbm>>) target_semaphore(%run_scoped3A : memref<!tpu.dma_semaphore, #tpu.memory_space<semaphore_mem>>)
      %dma_wait3A = tpu.memref_slice %arg3[%add3A_33] : memref<163840xf32, #tpu.memory_space<hbm>> -> memref<5120xf32, #tpu.memory_space<hbm>>
      %dma_wait3A_35 = tpu.memref_slice %arg10[%mul3A_18] : memref<81920xf32, #tpu.memory_space<vmem_shared>> -> memref<5120xf32, #tpu.memory_space<vmem_shared>>
      tpu.wait_dma2 semaphore(%run_scoped3A : memref<!tpu.dma_semaphore, #tpu.memory_space<semaphore_mem>>) src(%dma_wait3A_35 : memref<5120xf32, #tpu.memory_space<vmem_shared>>) dst(%dma_wait3A : memref<5120xf32, #tpu.memory_space<hbm>>)
      tpu.yield
    }) : () -> ()
    "tpu.region"() ({
      %run_scoped3A = tpu.sem_alloc : memref<!tpu.dma_semaphore, #tpu.memory_space<semaphore_mem>>
      %dma_start3A = tpu.memref_slice %arg4[%add3A_33] : memref<163840xf32, #tpu.memory_space<hbm>> -> memref<5120xf32, #tpu.memory_space<hbm>>
      %dma_start3A_34 = tpu.memref_slice %arg11[%mul3A_18] : memref<81920xf32, #tpu.memory_space<vmem_shared>> -> memref<5120xf32, #tpu.memory_space<vmem_shared>>
      tpu.enqueue_dma source(%dma_start3A_34 : memref<5120xf32, #tpu.memory_space<vmem_shared>>) target(%dma_start3A : memref<5120xf32, #tpu.memory_space<hbm>>) target_semaphore(%run_scoped3A : memref<!tpu.dma_semaphore, #tpu.memory_space<semaphore_mem>>)
      %dma_wait3A = tpu.memref_slice %arg4[%add3A_33] : memref<163840xf32, #tpu.memory_space<hbm>> -> memref<5120xf32, #tpu.memory_space<hbm>>
      %dma_wait3A_35 = tpu.memref_slice %arg11[%mul3A_18] : memref<81920xf32, #tpu.memory_space<vmem_shared>> -> memref<5120xf32, #tpu.memory_space<vmem_shared>>
      tpu.wait_dma2 semaphore(%run_scoped3A : memref<!tpu.dma_semaphore, #tpu.memory_space<semaphore_mem>>) src(%dma_wait3A_35 : memref<5120xf32, #tpu.memory_space<vmem_shared>>) dst(%dma_wait3A : memref<5120xf32, #tpu.memory_space<hbm>>)
      tpu.yield
    }) : () -> ()
    return
  }
}

#map = affine_map<(d0, d1) -> (0)>
#map1 = affine_map<(d0, d1) -> (0, 0)>
#map2 = affine_map<(d0, d1) -> (0, 0, 0, 0)>
module attributes {stable_mosaic.version = 14 : i64} {
  func.func @_agg_call(%arg0: i32, %arg1: i32, %arg2: memref<960000xi32, #tpu.memory_space<hbm>>, %arg3: memref<163840x64xf32, #tpu.memory_space<hbm>>, %arg4: memref<81920xf32, #tpu.memory_space<hbm>>, %arg5: memref<2x2x10240x64xf32, #tpu.memory_space<hbm>>, %arg6: memref<2x240xi32, #tpu.memory_space<vmem>>, %arg7: memref<2x80xi32, #tpu.memory_space<vmem>>, %arg8: memref<2x80xi32, #tpu.memory_space<vmem>>, %arg9: memref<2x80xi32, #tpu.memory_space<vmem>>, %arg10: memref<2x80xf32, #tpu.memory_space<vmem>>, %arg11: memref<160x64xf32, #tpu.memory_space<vmem>>, %arg12: memref<10240x64xf32, #tpu.memory_space<vmem_shared>>, %arg13: memref<2x!tpu.dma_semaphore, #tpu.memory_space<semaphore_mem>>, %arg14: memref<2x!tpu.dma_semaphore, #tpu.memory_space<semaphore_mem>>, %arg15: memref<2x!tpu.dma_semaphore, #tpu.memory_space<semaphore_mem>>, %arg16: memref<2x!tpu.dma_semaphore, #tpu.memory_space<semaphore_mem>>) attributes {dimension_semantics = [#tpu.dimension_semantics<core_parallel>, #tpu.dimension_semantics<subcore_parallel>], iteration_bounds = array<i64: 2, 16>, scalar_prefetch = 0 : i64, scratch_operands = 11 : i64, tpu.core_type = #tpu.core_type<sc_vector_subcore>, window_params = [{transform_indices = #map}, {transform_indices = #map1}, {transform_indices = #map}, {transform_indices = #map2}]} {
    %mul3A = arith.constant 2 : i32
    %mul3A_0 = arith.muli %arg1, %mul3A : i32
    %add3A = arith.addi %mul3A_0, %arg0 : i32
    %broadcast_in_dim3A = arith.constant 0.000000e+00 : f32
    %broadcast_in_dim3A_1 = vector.broadcast %broadcast_in_dim3A : f32 to vector<16xf32>
    %mul3A_2 = arith.constant 640 : i32
    %mul3A_3 = arith.muli %arg1, %mul3A_2 : i32
    %mul3A_4 = arith.constant 125 : i32
    %mul3A_5 = arith.muli %add3A, %mul3A_4 : i32
    %scan3A = arith.constant 0 : i32
    %scan3A_6 = arith.constant 0 : i32
    %scan3A_7 = arith.constant 80 : i32
    %scan3A_8 = arith.addi %scan3A_6, %scan3A_7 : i32
    %scan3A_9 = arith.constant 1 : i32
    %scan3A_10 = scf.for %scan3A_339 = %scan3A_6 to %scan3A_8 step %scan3A_9 iter_args(%scan3A_340 = %scan3A) -> (i32)  : i32 {
      %swap3A = arith.index_cast %scan3A_339 : i32 to index
      %swap3A_341 = arith.constant 0 : index
      %swap3A_342 = tpu.vector_load %arg11[%swap3A, %swap3A_341] {strides = array<i32>} : memref<160x64xf32, #tpu.memory_space<vmem>>, vector<16xf32>,
      tpu.vector_store %arg11[%swap3A, %swap3A_341], %broadcast_in_dim3A_1 {strides = array<i32>} : memref<160x64xf32, #tpu.memory_space<vmem>>, vector<16xf32>,
      %swap3A_343 = arith.index_cast %scan3A_339 : i32 to index
      %swap3A_344 = arith.constant 16 : index
      %swap3A_345 = tpu.vector_load %arg11[%swap3A_343, %swap3A_344] {strides = array<i32>} : memref<160x64xf32, #tpu.memory_space<vmem>>, vector<16xf32>,
      tpu.vector_store %arg11[%swap3A_343, %swap3A_344], %broadcast_in_dim3A_1 {strides = array<i32>} : memref<160x64xf32, #tpu.memory_space<vmem>>, vector<16xf32>,
      %swap3A_346 = arith.index_cast %scan3A_339 : i32 to index
      %swap3A_347 = arith.constant 32 : index
      %swap3A_348 = tpu.vector_load %arg11[%swap3A_346, %swap3A_347] {strides = array<i32>} : memref<160x64xf32, #tpu.memory_space<vmem>>, vector<16xf32>,
      tpu.vector_store %arg11[%swap3A_346, %swap3A_347], %broadcast_in_dim3A_1 {strides = array<i32>} : memref<160x64xf32, #tpu.memory_space<vmem>>, vector<16xf32>,
      %swap3A_349 = arith.index_cast %scan3A_339 : i32 to index
      %swap3A_350 = arith.constant 48 : index
      %swap3A_351 = tpu.vector_load %arg11[%swap3A_349, %swap3A_350] {strides = array<i32>} : memref<160x64xf32, #tpu.memory_space<vmem>>, vector<16xf32>,
      tpu.vector_store %arg11[%swap3A_349, %swap3A_350], %broadcast_in_dim3A_1 {strides = array<i32>} : memref<160x64xf32, #tpu.memory_space<vmem>>, vector<16xf32>,
      %scan3A_352 = arith.constant 0 : i32
      scf.yield %scan3A_352 : i32
    }
    %scan3A_11 = arith.constant 80 : i32
    %add3A_12 = arith.constant 0 : i32
    %add3A_13 = arith.addi %mul3A_3, %add3A_12 : i32
    "tpu.region"() ({
      %run_scoped3A_339 = tpu.sem_alloc : memref<!tpu.dma_semaphore, #tpu.memory_space<semaphore_mem>>
      %dma_start3A_340 = arith.constant 0 : i32
      %dma_start3A_341 = arith.constant 0 : i32
      %dma_start3A_342 = tpu.memref_slice %arg11[%dma_start3A_340, %dma_start3A_341] : memref<160x64xf32, #tpu.memory_space<vmem>> -> memref<80x64xf32, #tpu.memory_space<vmem>>
      %dma_start3A_343 = arith.constant 0 : i32
      %dma_start3A_344 = tpu.memref_slice %arg12[%add3A_13, %dma_start3A_343] : memref<10240x64xf32, #tpu.memory_space<vmem_shared>> -> memref<80x64xf32, #tpu.memory_space<vmem_shared>>
      %dma_start3A_345 = arith.constant 0 : i32
      %dma_start3A_346 = tpu.memref_slice %arg12[%add3A_13, %dma_start3A_345] : memref<10240x64xf32, #tpu.memory_space<vmem_shared>> -> memref<80x64xf32, #tpu.memory_space<vmem_shared>>
      %dma_start3A_347 = arith.constant 0 : i32
      %dma_start3A_348 = arith.constant 0 : i32
      %dma_start3A_349 = tpu.memref_slice %arg11[%dma_start3A_347, %dma_start3A_348] : memref<160x64xf32, #tpu.memory_space<vmem>> -> memref<80x64xf32, #tpu.memory_space<vmem>>
      tpu.enqueue_dma source(%dma_start3A_349 : memref<80x64xf32, #tpu.memory_space<vmem>>) target(%dma_start3A_346 : memref<80x64xf32, #tpu.memory_space<vmem_shared>>) target_semaphore(%run_scoped3A_339 : memref<!tpu.dma_semaphore, #tpu.memory_space<semaphore_mem>>)
      %dma_wait3A_350 = arith.constant 0 : i32
      %dma_wait3A_351 = arith.constant 0 : i32
      %dma_wait3A_352 = tpu.memref_slice %arg11[%dma_wait3A_350, %dma_wait3A_351] : memref<160x64xf32, #tpu.memory_space<vmem>> -> memref<80x64xf32, #tpu.memory_space<vmem>>
      %dma_wait3A_353 = arith.constant 0 : i32
      %dma_wait3A_354 = tpu.memref_slice %arg12[%add3A_13, %dma_wait3A_353] : memref<10240x64xf32, #tpu.memory_space<vmem_shared>> -> memref<80x64xf32, #tpu.memory_space<vmem_shared>>
      %dma_wait3A_355 = arith.constant 0 : i32
      %dma_wait3A_356 = tpu.memref_slice %arg12[%add3A_13, %dma_wait3A_355] : memref<10240x64xf32, #tpu.memory_space<vmem_shared>> -> memref<80x64xf32, #tpu.memory_space<vmem_shared>>
      %dma_wait3A_357 = arith.constant 0 : i32
      %dma_wait3A_358 = arith.constant 0 : i32
      %dma_wait3A_359 = tpu.memref_slice %arg11[%dma_wait3A_357, %dma_wait3A_358] : memref<160x64xf32, #tpu.memory_space<vmem>> -> memref<80x64xf32, #tpu.memory_space<vmem>>
      tpu.wait_dma2 semaphore(%run_scoped3A_339 : memref<!tpu.dma_semaphore, #tpu.memory_space<semaphore_mem>>) src(%dma_wait3A_359 : memref<80x64xf32, #tpu.memory_space<vmem>>) dst(%dma_wait3A_356 : memref<80x64xf32, #tpu.memory_space<vmem_shared>>)
      tpu.yield
    }) : () -> ()
    %add3A_14 = arith.constant 80 : i32
    %add3A_15 = arith.addi %mul3A_3, %add3A_14 : i32
    "tpu.region"() ({
      %run_scoped3A_339 = tpu.sem_alloc : memref<!tpu.dma_semaphore, #tpu.memory_space<semaphore_mem>>
      %dma_start3A_340 = arith.constant 0 : i32
      %dma_start3A_341 = arith.constant 0 : i32
      %dma_start3A_342 = tpu.memref_slice %arg11[%dma_start3A_340, %dma_start3A_341] : memref<160x64xf32, #tpu.memory_space<vmem>> -> memref<80x64xf32, #tpu.memory_space<vmem>>
      %dma_start3A_343 = arith.constant 0 : i32
      %dma_start3A_344 = tpu.memref_slice %arg12[%add3A_15, %dma_start3A_343] : memref<10240x64xf32, #tpu.memory_space<vmem_shared>> -> memref<80x64xf32, #tpu.memory_space<vmem_shared>>
      %dma_start3A_345 = arith.constant 0 : i32
      %dma_start3A_346 = tpu.memref_slice %arg12[%add3A_15, %dma_start3A_345] : memref<10240x64xf32, #tpu.memory_space<vmem_shared>> -> memref<80x64xf32, #tpu.memory_space<vmem_shared>>
      %dma_start3A_347 = arith.constant 0 : i32
      %dma_start3A_348 = arith.constant 0 : i32
      %dma_start3A_349 = tpu.memref_slice %arg11[%dma_start3A_347, %dma_start3A_348] : memref<160x64xf32, #tpu.memory_space<vmem>> -> memref<80x64xf32, #tpu.memory_space<vmem>>
      tpu.enqueue_dma source(%dma_start3A_349 : memref<80x64xf32, #tpu.memory_space<vmem>>) target(%dma_start3A_346 : memref<80x64xf32, #tpu.memory_space<vmem_shared>>) target_semaphore(%run_scoped3A_339 : memref<!tpu.dma_semaphore, #tpu.memory_space<semaphore_mem>>)
      %dma_wait3A_350 = arith.constant 0 : i32
      %dma_wait3A_351 = arith.constant 0 : i32
      %dma_wait3A_352 = tpu.memref_slice %arg11[%dma_wait3A_350, %dma_wait3A_351] : memref<160x64xf32, #tpu.memory_space<vmem>> -> memref<80x64xf32, #tpu.memory_space<vmem>>
      %dma_wait3A_353 = arith.constant 0 : i32
      %dma_wait3A_354 = tpu.memref_slice %arg12[%add3A_15, %dma_wait3A_353] : memref<10240x64xf32, #tpu.memory_space<vmem_shared>> -> memref<80x64xf32, #tpu.memory_space<vmem_shared>>
      %dma_wait3A_355 = arith.constant 0 : i32
      %dma_wait3A_356 = tpu.memref_slice %arg12[%add3A_15, %dma_wait3A_355] : memref<10240x64xf32, #tpu.memory_space<vmem_shared>> -> memref<80x64xf32, #tpu.memory_space<vmem_shared>>
      %dma_wait3A_357 = arith.constant 0 : i32
      %dma_wait3A_358 = arith.constant 0 : i32
      %dma_wait3A_359 = tpu.memref_slice %arg11[%dma_wait3A_357, %dma_wait3A_358] : memref<160x64xf32, #tpu.memory_space<vmem>> -> memref<80x64xf32, #tpu.memory_space<vmem>>
      tpu.wait_dma2 semaphore(%run_scoped3A_339 : memref<!tpu.dma_semaphore, #tpu.memory_space<semaphore_mem>>) src(%dma_wait3A_359 : memref<80x64xf32, #tpu.memory_space<vmem>>) dst(%dma_wait3A_356 : memref<80x64xf32, #tpu.memory_space<vmem_shared>>)
      tpu.yield
    }) : () -> ()
    %add3A_16 = arith.constant 160 : i32
    %add3A_17 = arith.addi %mul3A_3, %add3A_16 : i32
    "tpu.region"() ({
      %run_scoped3A_339 = tpu.sem_alloc : memref<!tpu.dma_semaphore, #tpu.memory_space<semaphore_mem>>
      %dma_start3A_340 = arith.constant 0 : i32
      %dma_start3A_341 = arith.constant 0 : i32
      %dma_start3A_342 = tpu.memref_slice %arg11[%dma_start3A_340, %dma_start3A_341] : memref<160x64xf32, #tpu.memory_space<vmem>> -> memref<80x64xf32, #tpu.memory_space<vmem>>
      %dma_start3A_343 = arith.constant 0 : i32
      %dma_start3A_344 = tpu.memref_slice %arg12[%add3A_17, %dma_start3A_343] : memref<10240x64xf32, #tpu.memory_space<vmem_shared>> -> memref<80x64xf32, #tpu.memory_space<vmem_shared>>
      %dma_start3A_345 = arith.constant 0 : i32
      %dma_start3A_346 = tpu.memref_slice %arg12[%add3A_17, %dma_start3A_345] : memref<10240x64xf32, #tpu.memory_space<vmem_shared>> -> memref<80x64xf32, #tpu.memory_space<vmem_shared>>
      %dma_start3A_347 = arith.constant 0 : i32
      %dma_start3A_348 = arith.constant 0 : i32
      %dma_start3A_349 = tpu.memref_slice %arg11[%dma_start3A_347, %dma_start3A_348] : memref<160x64xf32, #tpu.memory_space<vmem>> -> memref<80x64xf32, #tpu.memory_space<vmem>>
      tpu.enqueue_dma source(%dma_start3A_349 : memref<80x64xf32, #tpu.memory_space<vmem>>) target(%dma_start3A_346 : memref<80x64xf32, #tpu.memory_space<vmem_shared>>) target_semaphore(%run_scoped3A_339 : memref<!tpu.dma_semaphore, #tpu.memory_space<semaphore_mem>>)
      %dma_wait3A_350 = arith.constant 0 : i32
      %dma_wait3A_351 = arith.constant 0 : i32
      %dma_wait3A_352 = tpu.memref_slice %arg11[%dma_wait3A_350, %dma_wait3A_351] : memref<160x64xf32, #tpu.memory_space<vmem>> -> memref<80x64xf32, #tpu.memory_space<vmem>>
      %dma_wait3A_353 = arith.constant 0 : i32
      %dma_wait3A_354 = tpu.memref_slice %arg12[%add3A_17, %dma_wait3A_353] : memref<10240x64xf32, #tpu.memory_space<vmem_shared>> -> memref<80x64xf32, #tpu.memory_space<vmem_shared>>
      %dma_wait3A_355 = arith.constant 0 : i32
      %dma_wait3A_356 = tpu.memref_slice %arg12[%add3A_17, %dma_wait3A_355] : memref<10240x64xf32, #tpu.memory_space<vmem_shared>> -> memref<80x64xf32, #tpu.memory_space<vmem_shared>>
      %dma_wait3A_357 = arith.constant 0 : i32
      %dma_wait3A_358 = arith.constant 0 : i32
      %dma_wait3A_359 = tpu.memref_slice %arg11[%dma_wait3A_357, %dma_wait3A_358] : memref<160x64xf32, #tpu.memory_space<vmem>> -> memref<80x64xf32, #tpu.memory_space<vmem>>
      tpu.wait_dma2 semaphore(%run_scoped3A_339 : memref<!tpu.dma_semaphore, #tpu.memory_space<semaphore_mem>>) src(%dma_wait3A_359 : memref<80x64xf32, #tpu.memory_space<vmem>>) dst(%dma_wait3A_356 : memref<80x64xf32, #tpu.memory_space<vmem_shared>>)
      tpu.yield
    }) : () -> ()
    %add3A_18 = arith.constant 240 : i32
    %add3A_19 = arith.addi %mul3A_3, %add3A_18 : i32
    "tpu.region"() ({
      %run_scoped3A_339 = tpu.sem_alloc : memref<!tpu.dma_semaphore, #tpu.memory_space<semaphore_mem>>
      %dma_start3A_340 = arith.constant 0 : i32
      %dma_start3A_341 = arith.constant 0 : i32
      %dma_start3A_342 = tpu.memref_slice %arg11[%dma_start3A_340, %dma_start3A_341] : memref<160x64xf32, #tpu.memory_space<vmem>> -> memref<80x64xf32, #tpu.memory_space<vmem>>
      %dma_start3A_343 = arith.constant 0 : i32
      %dma_start3A_344 = tpu.memref_slice %arg12[%add3A_19, %dma_start3A_343] : memref<10240x64xf32, #tpu.memory_space<vmem_shared>> -> memref<80x64xf32, #tpu.memory_space<vmem_shared>>
      %dma_start3A_345 = arith.constant 0 : i32
      %dma_start3A_346 = tpu.memref_slice %arg12[%add3A_19, %dma_start3A_345] : memref<10240x64xf32, #tpu.memory_space<vmem_shared>> -> memref<80x64xf32, #tpu.memory_space<vmem_shared>>
      %dma_start3A_347 = arith.constant 0 : i32
      %dma_start3A_348 = arith.constant 0 : i32
      %dma_start3A_349 = tpu.memref_slice %arg11[%dma_start3A_347, %dma_start3A_348] : memref<160x64xf32, #tpu.memory_space<vmem>> -> memref<80x64xf32, #tpu.memory_space<vmem>>
      tpu.enqueue_dma source(%dma_start3A_349 : memref<80x64xf32, #tpu.memory_space<vmem>>) target(%dma_start3A_346 : memref<80x64xf32, #tpu.memory_space<vmem_shared>>) target_semaphore(%run_scoped3A_339 : memref<!tpu.dma_semaphore, #tpu.memory_space<semaphore_mem>>)
      %dma_wait3A_350 = arith.constant 0 : i32
      %dma_wait3A_351 = arith.constant 0 : i32
      %dma_wait3A_352 = tpu.memref_slice %arg11[%dma_wait3A_350, %dma_wait3A_351] : memref<160x64xf32, #tpu.memory_space<vmem>> -> memref<80x64xf32, #tpu.memory_space<vmem>>
      %dma_wait3A_353 = arith.constant 0 : i32
      %dma_wait3A_354 = tpu.memref_slice %arg12[%add3A_19, %dma_wait3A_353] : memref<10240x64xf32, #tpu.memory_space<vmem_shared>> -> memref<80x64xf32, #tpu.memory_space<vmem_shared>>
      %dma_wait3A_355 = arith.constant 0 : i32
      %dma_wait3A_356 = tpu.memref_slice %arg12[%add3A_19, %dma_wait3A_355] : memref<10240x64xf32, #tpu.memory_space<vmem_shared>> -> memref<80x64xf32, #tpu.memory_space<vmem_shared>>
      %dma_wait3A_357 = arith.constant 0 : i32
      %dma_wait3A_358 = arith.constant 0 : i32
      %dma_wait3A_359 = tpu.memref_slice %arg11[%dma_wait3A_357, %dma_wait3A_358] : memref<160x64xf32, #tpu.memory_space<vmem>> -> memref<80x64xf32, #tpu.memory_space<vmem>>
      tpu.wait_dma2 semaphore(%run_scoped3A_339 : memref<!tpu.dma_semaphore, #tpu.memory_space<semaphore_mem>>) src(%dma_wait3A_359 : memref<80x64xf32, #tpu.memory_space<vmem>>) dst(%dma_wait3A_356 : memref<80x64xf32, #tpu.memory_space<vmem_shared>>)
      tpu.yield
    }) : () -> ()
    %add3A_20 = arith.constant 320 : i32
    %add3A_21 = arith.addi %mul3A_3, %add3A_20 : i32
    "tpu.region"() ({
      %run_scoped3A_339 = tpu.sem_alloc : memref<!tpu.dma_semaphore, #tpu.memory_space<semaphore_mem>>
      %dma_start3A_340 = arith.constant 0 : i32
      %dma_start3A_341 = arith.constant 0 : i32
      %dma_start3A_342 = tpu.memref_slice %arg11[%dma_start3A_340, %dma_start3A_341] : memref<160x64xf32, #tpu.memory_space<vmem>> -> memref<80x64xf32, #tpu.memory_space<vmem>>
      %dma_start3A_343 = arith.constant 0 : i32
      %dma_start3A_344 = tpu.memref_slice %arg12[%add3A_21, %dma_start3A_343] : memref<10240x64xf32, #tpu.memory_space<vmem_shared>> -> memref<80x64xf32, #tpu.memory_space<vmem_shared>>
      %dma_start3A_345 = arith.constant 0 : i32
      %dma_start3A_346 = tpu.memref_slice %arg12[%add3A_21, %dma_start3A_345] : memref<10240x64xf32, #tpu.memory_space<vmem_shared>> -> memref<80x64xf32, #tpu.memory_space<vmem_shared>>
      %dma_start3A_347 = arith.constant 0 : i32
      %dma_start3A_348 = arith.constant 0 : i32
      %dma_start3A_349 = tpu.memref_slice %arg11[%dma_start3A_347, %dma_start3A_348] : memref<160x64xf32, #tpu.memory_space<vmem>> -> memref<80x64xf32, #tpu.memory_space<vmem>>
      tpu.enqueue_dma source(%dma_start3A_349 : memref<80x64xf32, #tpu.memory_space<vmem>>) target(%dma_start3A_346 : memref<80x64xf32, #tpu.memory_space<vmem_shared>>) target_semaphore(%run_scoped3A_339 : memref<!tpu.dma_semaphore, #tpu.memory_space<semaphore_mem>>)
      %dma_wait3A_350 = arith.constant 0 : i32
      %dma_wait3A_351 = arith.constant 0 : i32
      %dma_wait3A_352 = tpu.memref_slice %arg11[%dma_wait3A_350, %dma_wait3A_351] : memref<160x64xf32, #tpu.memory_space<vmem>> -> memref<80x64xf32, #tpu.memory_space<vmem>>
      %dma_wait3A_353 = arith.constant 0 : i32
      %dma_wait3A_354 = tpu.memref_slice %arg12[%add3A_21, %dma_wait3A_353] : memref<10240x64xf32, #tpu.memory_space<vmem_shared>> -> memref<80x64xf32, #tpu.memory_space<vmem_shared>>
      %dma_wait3A_355 = arith.constant 0 : i32
      %dma_wait3A_356 = tpu.memref_slice %arg12[%add3A_21, %dma_wait3A_355] : memref<10240x64xf32, #tpu.memory_space<vmem_shared>> -> memref<80x64xf32, #tpu.memory_space<vmem_shared>>
      %dma_wait3A_357 = arith.constant 0 : i32
      %dma_wait3A_358 = arith.constant 0 : i32
      %dma_wait3A_359 = tpu.memref_slice %arg11[%dma_wait3A_357, %dma_wait3A_358] : memref<160x64xf32, #tpu.memory_space<vmem>> -> memref<80x64xf32, #tpu.memory_space<vmem>>
      tpu.wait_dma2 semaphore(%run_scoped3A_339 : memref<!tpu.dma_semaphore, #tpu.memory_space<semaphore_mem>>) src(%dma_wait3A_359 : memref<80x64xf32, #tpu.memory_space<vmem>>) dst(%dma_wait3A_356 : memref<80x64xf32, #tpu.memory_space<vmem_shared>>)
      tpu.yield
    }) : () -> ()
    %add3A_22 = arith.constant 400 : i32
    %add3A_23 = arith.addi %mul3A_3, %add3A_22 : i32
    "tpu.region"() ({
      %run_scoped3A_339 = tpu.sem_alloc : memref<!tpu.dma_semaphore, #tpu.memory_space<semaphore_mem>>
      %dma_start3A_340 = arith.constant 0 : i32
      %dma_start3A_341 = arith.constant 0 : i32
      %dma_start3A_342 = tpu.memref_slice %arg11[%dma_start3A_340, %dma_start3A_341] : memref<160x64xf32, #tpu.memory_space<vmem>> -> memref<80x64xf32, #tpu.memory_space<vmem>>
      %dma_start3A_343 = arith.constant 0 : i32
      %dma_start3A_344 = tpu.memref_slice %arg12[%add3A_23, %dma_start3A_343] : memref<10240x64xf32, #tpu.memory_space<vmem_shared>> -> memref<80x64xf32, #tpu.memory_space<vmem_shared>>
      %dma_start3A_345 = arith.constant 0 : i32
      %dma_start3A_346 = tpu.memref_slice %arg12[%add3A_23, %dma_start3A_345] : memref<10240x64xf32, #tpu.memory_space<vmem_shared>> -> memref<80x64xf32, #tpu.memory_space<vmem_shared>>
      %dma_start3A_347 = arith.constant 0 : i32
      %dma_start3A_348 = arith.constant 0 : i32
      %dma_start3A_349 = tpu.memref_slice %arg11[%dma_start3A_347, %dma_start3A_348] : memref<160x64xf32, #tpu.memory_space<vmem>> -> memref<80x64xf32, #tpu.memory_space<vmem>>
      tpu.enqueue_dma source(%dma_start3A_349 : memref<80x64xf32, #tpu.memory_space<vmem>>) target(%dma_start3A_346 : memref<80x64xf32, #tpu.memory_space<vmem_shared>>) target_semaphore(%run_scoped3A_339 : memref<!tpu.dma_semaphore, #tpu.memory_space<semaphore_mem>>)
      %dma_wait3A_350 = arith.constant 0 : i32
      %dma_wait3A_351 = arith.constant 0 : i32
      %dma_wait3A_352 = tpu.memref_slice %arg11[%dma_wait3A_350, %dma_wait3A_351] : memref<160x64xf32, #tpu.memory_space<vmem>> -> memref<80x64xf32, #tpu.memory_space<vmem>>
      %dma_wait3A_353 = arith.constant 0 : i32
      %dma_wait3A_354 = tpu.memref_slice %arg12[%add3A_23, %dma_wait3A_353] : memref<10240x64xf32, #tpu.memory_space<vmem_shared>> -> memref<80x64xf32, #tpu.memory_space<vmem_shared>>
      %dma_wait3A_355 = arith.constant 0 : i32
      %dma_wait3A_356 = tpu.memref_slice %arg12[%add3A_23, %dma_wait3A_355] : memref<10240x64xf32, #tpu.memory_space<vmem_shared>> -> memref<80x64xf32, #tpu.memory_space<vmem_shared>>
      %dma_wait3A_357 = arith.constant 0 : i32
      %dma_wait3A_358 = arith.constant 0 : i32
      %dma_wait3A_359 = tpu.memref_slice %arg11[%dma_wait3A_357, %dma_wait3A_358] : memref<160x64xf32, #tpu.memory_space<vmem>> -> memref<80x64xf32, #tpu.memory_space<vmem>>
      tpu.wait_dma2 semaphore(%run_scoped3A_339 : memref<!tpu.dma_semaphore, #tpu.memory_space<semaphore_mem>>) src(%dma_wait3A_359 : memref<80x64xf32, #tpu.memory_space<vmem>>) dst(%dma_wait3A_356 : memref<80x64xf32, #tpu.memory_space<vmem_shared>>)
      tpu.yield
    }) : () -> ()
    %add3A_24 = arith.constant 480 : i32
    %add3A_25 = arith.addi %mul3A_3, %add3A_24 : i32
    "tpu.region"() ({
      %run_scoped3A_339 = tpu.sem_alloc : memref<!tpu.dma_semaphore, #tpu.memory_space<semaphore_mem>>
      %dma_start3A_340 = arith.constant 0 : i32
      %dma_start3A_341 = arith.constant 0 : i32
      %dma_start3A_342 = tpu.memref_slice %arg11[%dma_start3A_340, %dma_start3A_341] : memref<160x64xf32, #tpu.memory_space<vmem>> -> memref<80x64xf32, #tpu.memory_space<vmem>>
      %dma_start3A_343 = arith.constant 0 : i32
      %dma_start3A_344 = tpu.memref_slice %arg12[%add3A_25, %dma_start3A_343] : memref<10240x64xf32, #tpu.memory_space<vmem_shared>> -> memref<80x64xf32, #tpu.memory_space<vmem_shared>>
      %dma_start3A_345 = arith.constant 0 : i32
      %dma_start3A_346 = tpu.memref_slice %arg12[%add3A_25, %dma_start3A_345] : memref<10240x64xf32, #tpu.memory_space<vmem_shared>> -> memref<80x64xf32, #tpu.memory_space<vmem_shared>>
      %dma_start3A_347 = arith.constant 0 : i32
      %dma_start3A_348 = arith.constant 0 : i32
      %dma_start3A_349 = tpu.memref_slice %arg11[%dma_start3A_347, %dma_start3A_348] : memref<160x64xf32, #tpu.memory_space<vmem>> -> memref<80x64xf32, #tpu.memory_space<vmem>>
      tpu.enqueue_dma source(%dma_start3A_349 : memref<80x64xf32, #tpu.memory_space<vmem>>) target(%dma_start3A_346 : memref<80x64xf32, #tpu.memory_space<vmem_shared>>) target_semaphore(%run_scoped3A_339 : memref<!tpu.dma_semaphore, #tpu.memory_space<semaphore_mem>>)
      %dma_wait3A_350 = arith.constant 0 : i32
      %dma_wait3A_351 = arith.constant 0 : i32
      %dma_wait3A_352 = tpu.memref_slice %arg11[%dma_wait3A_350, %dma_wait3A_351] : memref<160x64xf32, #tpu.memory_space<vmem>> -> memref<80x64xf32, #tpu.memory_space<vmem>>
      %dma_wait3A_353 = arith.constant 0 : i32
      %dma_wait3A_354 = tpu.memref_slice %arg12[%add3A_25, %dma_wait3A_353] : memref<10240x64xf32, #tpu.memory_space<vmem_shared>> -> memref<80x64xf32, #tpu.memory_space<vmem_shared>>
      %dma_wait3A_355 = arith.constant 0 : i32
      %dma_wait3A_356 = tpu.memref_slice %arg12[%add3A_25, %dma_wait3A_355] : memref<10240x64xf32, #tpu.memory_space<vmem_shared>> -> memref<80x64xf32, #tpu.memory_space<vmem_shared>>
      %dma_wait3A_357 = arith.constant 0 : i32
      %dma_wait3A_358 = arith.constant 0 : i32
      %dma_wait3A_359 = tpu.memref_slice %arg11[%dma_wait3A_357, %dma_wait3A_358] : memref<160x64xf32, #tpu.memory_space<vmem>> -> memref<80x64xf32, #tpu.memory_space<vmem>>
      tpu.wait_dma2 semaphore(%run_scoped3A_339 : memref<!tpu.dma_semaphore, #tpu.memory_space<semaphore_mem>>) src(%dma_wait3A_359 : memref<80x64xf32, #tpu.memory_space<vmem>>) dst(%dma_wait3A_356 : memref<80x64xf32, #tpu.memory_space<vmem_shared>>)
      tpu.yield
    }) : () -> ()
    %add3A_26 = arith.constant 560 : i32
    %add3A_27 = arith.addi %mul3A_3, %add3A_26 : i32
    "tpu.region"() ({
      %run_scoped3A_339 = tpu.sem_alloc : memref<!tpu.dma_semaphore, #tpu.memory_space<semaphore_mem>>
      %dma_start3A_340 = arith.constant 0 : i32
      %dma_start3A_341 = arith.constant 0 : i32
      %dma_start3A_342 = tpu.memref_slice %arg11[%dma_start3A_340, %dma_start3A_341] : memref<160x64xf32, #tpu.memory_space<vmem>> -> memref<80x64xf32, #tpu.memory_space<vmem>>
      %dma_start3A_343 = arith.constant 0 : i32
      %dma_start3A_344 = tpu.memref_slice %arg12[%add3A_27, %dma_start3A_343] : memref<10240x64xf32, #tpu.memory_space<vmem_shared>> -> memref<80x64xf32, #tpu.memory_space<vmem_shared>>
      %dma_start3A_345 = arith.constant 0 : i32
      %dma_start3A_346 = tpu.memref_slice %arg12[%add3A_27, %dma_start3A_345] : memref<10240x64xf32, #tpu.memory_space<vmem_shared>> -> memref<80x64xf32, #tpu.memory_space<vmem_shared>>
      %dma_start3A_347 = arith.constant 0 : i32
      %dma_start3A_348 = arith.constant 0 : i32
      %dma_start3A_349 = tpu.memref_slice %arg11[%dma_start3A_347, %dma_start3A_348] : memref<160x64xf32, #tpu.memory_space<vmem>> -> memref<80x64xf32, #tpu.memory_space<vmem>>
      tpu.enqueue_dma source(%dma_start3A_349 : memref<80x64xf32, #tpu.memory_space<vmem>>) target(%dma_start3A_346 : memref<80x64xf32, #tpu.memory_space<vmem_shared>>) target_semaphore(%run_scoped3A_339 : memref<!tpu.dma_semaphore, #tpu.memory_space<semaphore_mem>>)
      %dma_wait3A_350 = arith.constant 0 : i32
      %dma_wait3A_351 = arith.constant 0 : i32
      %dma_wait3A_352 = tpu.memref_slice %arg11[%dma_wait3A_350, %dma_wait3A_351] : memref<160x64xf32, #tpu.memory_space<vmem>> -> memref<80x64xf32, #tpu.memory_space<vmem>>
      %dma_wait3A_353 = arith.constant 0 : i32
      %dma_wait3A_354 = tpu.memref_slice %arg12[%add3A_27, %dma_wait3A_353] : memref<10240x64xf32, #tpu.memory_space<vmem_shared>> -> memref<80x64xf32, #tpu.memory_space<vmem_shared>>
      %dma_wait3A_355 = arith.constant 0 : i32
      %dma_wait3A_356 = tpu.memref_slice %arg12[%add3A_27, %dma_wait3A_355] : memref<10240x64xf32, #tpu.memory_space<vmem_shared>> -> memref<80x64xf32, #tpu.memory_space<vmem_shared>>
      %dma_wait3A_357 = arith.constant 0 : i32
      %dma_wait3A_358 = arith.constant 0 : i32
      %dma_wait3A_359 = tpu.memref_slice %arg11[%dma_wait3A_357, %dma_wait3A_358] : memref<160x64xf32, #tpu.memory_space<vmem>> -> memref<80x64xf32, #tpu.memory_space<vmem>>
      tpu.wait_dma2 semaphore(%run_scoped3A_339 : memref<!tpu.dma_semaphore, #tpu.memory_space<semaphore_mem>>) src(%dma_wait3A_359 : memref<80x64xf32, #tpu.memory_space<vmem>>) dst(%dma_wait3A_356 : memref<80x64xf32, #tpu.memory_space<vmem_shared>>)
      tpu.yield
    }) : () -> ()
    %barrier3A = arith.constant 0 : index
    tpu.barrier barrier_id(%barrier3A)
    %add3A_28 = arith.constant 0 : i32
    %add3A_29 = arith.addi %mul3A_5, %add3A_28 : i32
    %mul3A_30 = arith.constant 3 : i32
    %mul3A_31 = arith.muli %add3A_29, %mul3A_30 : i32
    %mul3A_32 = arith.constant 80 : i32
    %mul3A_33 = arith.muli %mul3A_31, %mul3A_32 : i32
    %dma_start3A = arith.constant 0 : i32
    %dma_start3A_34 = arith.constant 0 : i32
    %dma_start3A_35 = arith.constant 0 : i32
    %dma_start3A_36 = tpu.memref_slice %arg6[%dma_start3A, %dma_start3A_35] : memref<2x240xi32, #tpu.memory_space<vmem>> -> memref<1x240xi32, #tpu.memory_space<vmem>>
    %dma_start3A_37 = tpu.memref_squeeze %dma_start3A_36 : memref<1x240xi32, #tpu.memory_space<vmem>> -> memref<240xi32, #tpu.memory_space<vmem>>
    %dma_start3A_38 = tpu.memref_slice %arg2[%mul3A_33] : memref<960000xi32, #tpu.memory_space<hbm>> -> memref<240xi32, #tpu.memory_space<hbm>>
    %dma_start3A_39 = tpu.memref_slice %arg13[%dma_start3A_34] : memref<2x!tpu.dma_semaphore, #tpu.memory_space<semaphore_mem>> -> memref<1x!tpu.dma_semaphore, #tpu.memory_space<semaphore_mem>>
    %dma_start3A_40 = tpu.memref_squeeze %dma_start3A_39 : memref<1x!tpu.dma_semaphore, #tpu.memory_space<semaphore_mem>> -> memref<!tpu.dma_semaphore, #tpu.memory_space<semaphore_mem>>
    %dma_start3A_41 = arith.constant 0 : i32
    %dma_start3A_42 = tpu.memref_slice %arg6[%dma_start3A, %dma_start3A_41] : memref<2x240xi32, #tpu.memory_space<vmem>> -> memref<1x240xi32, #tpu.memory_space<vmem>>
    %dma_start3A_43 = tpu.memref_squeeze %dma_start3A_42 : memref<1x240xi32, #tpu.memory_space<vmem>> -> memref<240xi32, #tpu.memory_space<vmem>>
    %dma_start3A_44 = tpu.memref_slice %arg2[%mul3A_33] : memref<960000xi32, #tpu.memory_space<hbm>> -> memref<240xi32, #tpu.memory_space<hbm>>
    tpu.enqueue_dma source(%dma_start3A_44 : memref<240xi32, #tpu.memory_space<hbm>>) target(%dma_start3A_43 : memref<240xi32, #tpu.memory_space<vmem>>) target_semaphore(%dma_start3A_40 : memref<!tpu.dma_semaphore, #tpu.memory_space<semaphore_mem>>)
    %dma_wait3A = arith.constant 0 : i32
    %dma_wait3A_45 = arith.constant 0 : i32
    %dma_wait3A_46 = arith.constant 0 : i32
    %dma_wait3A_47 = tpu.memref_slice %arg6[%dma_wait3A, %dma_wait3A_46] : memref<2x240xi32, #tpu.memory_space<vmem>> -> memref<1x240xi32, #tpu.memory_space<vmem>>
    %dma_wait3A_48 = tpu.memref_squeeze %dma_wait3A_47 : memref<1x240xi32, #tpu.memory_space<vmem>> -> memref<240xi32, #tpu.memory_space<vmem>>
    %dma_wait3A_49 = arith.constant 0 : i32
    %dma_wait3A_50 = tpu.memref_slice %arg2[%dma_wait3A_49] : memref<960000xi32, #tpu.memory_space<hbm>> -> memref<240xi32, #tpu.memory_space<hbm>>
    %dma_wait3A_51 = tpu.memref_slice %arg13[%dma_wait3A_45] : memref<2x!tpu.dma_semaphore, #tpu.memory_space<semaphore_mem>> -> memref<1x!tpu.dma_semaphore, #tpu.memory_space<semaphore_mem>>
    %dma_wait3A_52 = tpu.memref_squeeze %dma_wait3A_51 : memref<1x!tpu.dma_semaphore, #tpu.memory_space<semaphore_mem>> -> memref<!tpu.dma_semaphore, #tpu.memory_space<semaphore_mem>>
    %dma_wait3A_53 = arith.constant 0 : i32
    %dma_wait3A_54 = tpu.memref_slice %arg6[%dma_wait3A, %dma_wait3A_53] : memref<2x240xi32, #tpu.memory_space<vmem>> -> memref<1x240xi32, #tpu.memory_space<vmem>>
    %dma_wait3A_55 = tpu.memref_squeeze %dma_wait3A_54 : memref<1x240xi32, #tpu.memory_space<vmem>> -> memref<240xi32, #tpu.memory_space<vmem>>
    %dma_wait3A_56 = arith.constant 0 : i32
    %dma_wait3A_57 = tpu.memref_slice %arg2[%dma_wait3A_56] : memref<960000xi32, #tpu.memory_space<hbm>> -> memref<240xi32, #tpu.memory_space<hbm>>
    tpu.wait_dma2 semaphore(%dma_wait3A_52 : memref<!tpu.dma_semaphore, #tpu.memory_space<semaphore_mem>>) src(%dma_wait3A_57 : memref<240xi32, #tpu.memory_space<hbm>>) dst(%dma_wait3A_55 : memref<240xi32, #tpu.memory_space<vmem>>)
    %scan3A_58 = arith.constant 0 : i32
    %scan3A_59 = arith.constant 0 : i32
    %scan3A_60 = arith.constant 5 : i32
    %scan3A_61 = arith.addi %scan3A_59, %scan3A_60 : i32
    %scan3A_62 = arith.constant 1 : i32
    %scan3A_63 = scf.for %scan3A_339 = %scan3A_59 to %scan3A_61 step %scan3A_62 iter_args(%scan3A_340 = %scan3A_58) -> (i32)  : i32 {
      %mul3A_341 = arith.constant 16 : i32
      %mul3A_342 = arith.muli %scan3A_339, %mul3A_341 : i32
      %get3A = arith.constant 0 : i32
      %get3A_343 = arith.index_cast %get3A : i32 to index
      %get3A_344 = arith.index_cast %mul3A_342 : i32 to index
      %get3A_345 = tpu.vector_load %arg6[%get3A_343, %get3A_344] {strides = array<i32>} : memref<2x240xi32, #tpu.memory_space<vmem>>, vector<16xi32>,
      %mul3A_346 = arith.constant 16 : i32
      %mul3A_347 = arith.muli %scan3A_339, %mul3A_346 : i32
      %add3A_348 = arith.constant 80 : i32
      %add3A_349 = arith.addi %add3A_348, %mul3A_347 : i32
      %get3A_350 = arith.constant 0 : i32
      %get3A_351 = arith.index_cast %get3A_350 : i32 to index
      %get3A_352 = arith.index_cast %add3A_349 : i32 to index
      %get3A_353 = tpu.vector_load %arg6[%get3A_351, %get3A_352] {strides = array<i32>} : memref<2x240xi32, #tpu.memory_space<vmem>>, vector<16xi32>,
      %mul3A_354 = arith.constant 16 : i32
      %mul3A_355 = arith.muli %scan3A_339, %mul3A_354 : i32
      %add3A_356 = arith.constant 160 : i32
      %add3A_357 = arith.addi %add3A_356, %mul3A_355 : i32
      %get3A_358 = arith.constant 0 : i32
      %get3A_359 = arith.index_cast %get3A_358 : i32 to index
      %get3A_360 = arith.index_cast %add3A_357 : i32 to index
      %get3A_361 = tpu.vector_load %arg6[%get3A_359, %get3A_360] {strides = array<i32>} : memref<2x240xi32, #tpu.memory_space<vmem>>, vector<16xi32>,
      %mul3A_362 = arith.constant 10240 : i32
      %mul3A_363 = vector.broadcast %mul3A_362 : i32 to vector<16xi32>
      %mul3A_364 = arith.muli %get3A_361, %mul3A_363 : vector<16xi32>
      %add3A_365 = arith.addi %mul3A_364, %get3A_345 : vector<16xi32>
      %mul3A_366 = arith.constant 2 : i32
      %mul3A_367 = vector.broadcast %mul3A_366 : i32 to vector<16xi32>
      %mul3A_368 = arith.muli %add3A_365, %mul3A_367 : vector<16xi32>
      %add3A_369 = arith.constant 0 : i32
      %add3A_370 = vector.broadcast %add3A_369 : i32 to vector<16xi32>
      %add3A_371 = arith.addi %mul3A_368, %add3A_370 : vector<16xi32>
      %mul3A_372 = arith.constant 16 : i32
      %mul3A_373 = arith.muli %scan3A_339, %mul3A_372 : i32
      %swap3A = arith.constant 0 : i32
      %swap3A_374 = arith.index_cast %swap3A : i32 to index
      %swap3A_375 = arith.index_cast %mul3A_373 : i32 to index
      %swap3A_376 = tpu.vector_load %arg7[%swap3A_374, %swap3A_375] {strides = array<i32>} : memref<2x80xi32, #tpu.memory_space<vmem>>, vector<16xi32>,
      tpu.vector_store %arg7[%swap3A_374, %swap3A_375], %add3A_371 {strides = array<i32>} : memref<2x80xi32, #tpu.memory_space<vmem>>, vector<16xi32>,
      %mul3A_377 = arith.constant 16 : i32
      %mul3A_378 = arith.muli %scan3A_339, %mul3A_377 : i32
      %swap3A_379 = arith.constant 0 : i32
      %swap3A_380 = arith.index_cast %swap3A_379 : i32 to index
      %swap3A_381 = arith.index_cast %mul3A_378 : i32 to index
      %swap3A_382 = tpu.vector_load %arg8[%swap3A_380, %swap3A_381] {strides = array<i32>} : memref<2x80xi32, #tpu.memory_space<vmem>>, vector<16xi32>,
      tpu.vector_store %arg8[%swap3A_380, %swap3A_381], %get3A_353 {strides = array<i32>} : memref<2x80xi32, #tpu.memory_space<vmem>>, vector<16xi32>,
      %mul3A_383 = arith.constant 10240 : i32
      %mul3A_384 = vector.broadcast %mul3A_383 : i32 to vector<16xi32>
      %mul3A_385 = arith.muli %get3A_361, %mul3A_384 : vector<16xi32>
      %add3A_386 = arith.addi %mul3A_385, %get3A_353 : vector<16xi32>
      %mul3A_387 = arith.constant 16 : i32
      %mul3A_388 = arith.muli %scan3A_339, %mul3A_387 : i32
      %swap3A_389 = arith.constant 0 : i32
      %swap3A_390 = arith.index_cast %swap3A_389 : i32 to index
      %swap3A_391 = arith.index_cast %mul3A_388 : i32 to index
      %swap3A_392 = tpu.vector_load %arg9[%swap3A_390, %swap3A_391] {strides = array<i32>} : memref<2x80xi32, #tpu.memory_space<vmem>>, vector<16xi32>,
      tpu.vector_store %arg9[%swap3A_390, %swap3A_391], %add3A_386 {strides = array<i32>} : memref<2x80xi32, #tpu.memory_space<vmem>>, vector<16xi32>,
      %scan3A_393 = arith.constant 0 : i32
      scf.yield %scan3A_393 : i32
    }
    %scan3A_64 = arith.constant 5 : i32
    %dma_start3A_65 = arith.constant 0 : i32
    %dma_start3A_66 = arith.constant 0 : i32
    %dma_start3A_67 = arith.constant 0 : i32
    %dma_start3A_68 = arith.constant 0 : i32
    %dma_start3A_69 = tpu.memref_slice %arg11[%dma_start3A_67, %dma_start3A_68] : memref<160x64xf32, #tpu.memory_space<vmem>> -> memref<80x64xf32, #tpu.memory_space<vmem>>
    %dma_start3A_70 = arith.constant 0 : i32
    %dma_start3A_71 = tpu.memref_slice %arg7[%dma_start3A_65, %dma_start3A_70] : memref<2x80xi32, #tpu.memory_space<vmem>> -> memref<1x80xi32, #tpu.memory_space<vmem>>
    %dma_start3A_72 = tpu.memref_squeeze %dma_start3A_71 : memref<1x80xi32, #tpu.memory_space<vmem>> -> memref<80xi32, #tpu.memory_space<vmem>>
    %dma_start3A_73 = arith.constant 0 : i32
    %dma_start3A_74 = arith.constant 0 : i32
    %dma_start3A_75 = tpu.memref_slice %arg3[%dma_start3A_73, %dma_start3A_74] : memref<163840x64xf32, #tpu.memory_space<hbm>> -> memref<163840x64xf32, #tpu.memory_space<hbm>>
    %dma_start3A_76 = tpu.memref_slice %arg14[%dma_start3A_66] : memref<2x!tpu.dma_semaphore, #tpu.memory_space<semaphore_mem>> -> memref<1x!tpu.dma_semaphore, #tpu.memory_space<semaphore_mem>>
    %dma_start3A_77 = tpu.memref_squeeze %dma_start3A_76 : memref<1x!tpu.dma_semaphore, #tpu.memory_space<semaphore_mem>> -> memref<!tpu.dma_semaphore, #tpu.memory_space<semaphore_mem>>
    tpu.enqueue_indirect_dma source(%dma_start3A_75 : memref<163840x64xf32, #tpu.memory_space<hbm>>) target(%dma_start3A_69 : memref<80x64xf32, #tpu.memory_space<vmem>>) offsets(%dma_start3A_72 : memref<80xi32, #tpu.memory_space<vmem>>) semaphore(%dma_start3A_77 : memref<!tpu.dma_semaphore, #tpu.memory_space<semaphore_mem>>)
    %dma_start3A_78 = arith.constant 0 : i32
    %dma_start3A_79 = arith.constant 0 : i32
    %dma_start3A_80 = arith.constant 0 : i32
    %dma_start3A_81 = arith.constant 0 : i32
    %dma_start3A_82 = tpu.memref_slice %arg10[%dma_start3A_79, %dma_start3A_81] : memref<2x80xf32, #tpu.memory_space<vmem>> -> memref<1x80xf32, #tpu.memory_space<vmem>>
    %dma_start3A_83 = tpu.memref_squeeze %dma_start3A_82 : memref<1x80xf32, #tpu.memory_space<vmem>> -> memref<80xf32, #tpu.memory_space<vmem>>
    %dma_start3A_84 = arith.constant 0 : i32
    %dma_start3A_85 = tpu.memref_slice %arg9[%dma_start3A_78, %dma_start3A_84] : memref<2x80xi32, #tpu.memory_space<vmem>> -> memref<1x80xi32, #tpu.memory_space<vmem>>
    %dma_start3A_86 = tpu.memref_squeeze %dma_start3A_85 : memref<1x80xi32, #tpu.memory_space<vmem>> -> memref<80xi32, #tpu.memory_space<vmem>>
    %dma_start3A_87 = arith.constant 0 : i32
    %dma_start3A_88 = tpu.memref_slice %arg4[%dma_start3A_87] : memref<81920xf32, #tpu.memory_space<hbm>> -> memref<81920xf32, #tpu.memory_space<hbm>>
    %dma_start3A_89 = tpu.memref_slice %arg15[%dma_start3A_80] : memref<2x!tpu.dma_semaphore, #tpu.memory_space<semaphore_mem>> -> memref<1x!tpu.dma_semaphore, #tpu.memory_space<semaphore_mem>>
    %dma_start3A_90 = tpu.memref_squeeze %dma_start3A_89 : memref<1x!tpu.dma_semaphore, #tpu.memory_space<semaphore_mem>> -> memref<!tpu.dma_semaphore, #tpu.memory_space<semaphore_mem>>
    tpu.enqueue_indirect_dma source(%dma_start3A_88 : memref<81920xf32, #tpu.memory_space<hbm>>) target(%dma_start3A_83 : memref<80xf32, #tpu.memory_space<vmem>>) offsets(%dma_start3A_86 : memref<80xi32, #tpu.memory_space<vmem>>) semaphore(%dma_start3A_90 : memref<!tpu.dma_semaphore, #tpu.memory_space<semaphore_mem>>)
    %add3A_91 = arith.constant 1 : i32
    %add3A_92 = arith.addi %mul3A_5, %add3A_91 : i32
    %mul3A_93 = arith.constant 3 : i32
    %mul3A_94 = arith.muli %add3A_92, %mul3A_93 : i32
    %mul3A_95 = arith.constant 80 : i32
    %mul3A_96 = arith.muli %mul3A_94, %mul3A_95 : i32
    %dma_start3A_97 = arith.constant 1 : i32
    %dma_start3A_98 = arith.constant 1 : i32
    %dma_start3A_99 = arith.constant 0 : i32
    %dma_start3A_100 = tpu.memref_slice %arg6[%dma_start3A_97, %dma_start3A_99] : memref<2x240xi32, #tpu.memory_space<vmem>> -> memref<1x240xi32, #tpu.memory_space<vmem>>
    %dma_start3A_101 = tpu.memref_squeeze %dma_start3A_100 : memref<1x240xi32, #tpu.memory_space<vmem>> -> memref<240xi32, #tpu.memory_space<vmem>>
    %dma_start3A_102 = tpu.memref_slice %arg2[%mul3A_96] : memref<960000xi32, #tpu.memory_space<hbm>> -> memref<240xi32, #tpu.memory_space<hbm>>
    %dma_start3A_103 = tpu.memref_slice %arg13[%dma_start3A_98] : memref<2x!tpu.dma_semaphore, #tpu.memory_space<semaphore_mem>> -> memref<1x!tpu.dma_semaphore, #tpu.memory_space<semaphore_mem>>
    %dma_start3A_104 = tpu.memref_squeeze %dma_start3A_103 : memref<1x!tpu.dma_semaphore, #tpu.memory_space<semaphore_mem>> -> memref<!tpu.dma_semaphore, #tpu.memory_space<semaphore_mem>>
    %dma_start3A_105 = arith.constant 0 : i32
    %dma_start3A_106 = tpu.memref_slice %arg6[%dma_start3A_97, %dma_start3A_105] : memref<2x240xi32, #tpu.memory_space<vmem>> -> memref<1x240xi32, #tpu.memory_space<vmem>>
    %dma_start3A_107 = tpu.memref_squeeze %dma_start3A_106 : memref<1x240xi32, #tpu.memory_space<vmem>> -> memref<240xi32, #tpu.memory_space<vmem>>
    %dma_start3A_108 = tpu.memref_slice %arg2[%mul3A_96] : memref<960000xi32, #tpu.memory_space<hbm>> -> memref<240xi32, #tpu.memory_space<hbm>>
    tpu.enqueue_dma source(%dma_start3A_108 : memref<240xi32, #tpu.memory_space<hbm>>) target(%dma_start3A_107 : memref<240xi32, #tpu.memory_space<vmem>>) target_semaphore(%dma_start3A_104 : memref<!tpu.dma_semaphore, #tpu.memory_space<semaphore_mem>>)
    %scan3A_109 = arith.constant 0 : i32
    %scan3A_110 = arith.constant 0 : i32
    %scan3A_111 = arith.constant 125 : i32
    %scan3A_112 = arith.addi %scan3A_110, %scan3A_111 : i32
    %scan3A_113 = arith.constant 1 : i32
    %scan3A_114 = scf.for %scan3A_339 = %scan3A_110 to %scan3A_112 step %scan3A_113 iter_args(%scan3A_340 = %scan3A_109) -> (i32)  : i32 {
      %and3A = arith.constant 1 : i32
      %and3A_341 = arith.andi %scan3A_339, %and3A : i32
      %sub3A = arith.constant 1 : i32
      %sub3A_342 = arith.subi %sub3A, %and3A_341 : i32
      %add3A_343 = arith.constant 1 : i32
      %add3A_344 = arith.addi %scan3A_339, %add3A_343 : i32
      %lt3A = arith.constant 125 : i32
      %lt3A_345 = arith.cmpi slt, %add3A_344, %lt3A : i32
      %convert_element_type3A = arith.extui %lt3A_345 : i1 to i32
      %cond3A = arith.constant 0 : i32
      %cond3A_346 = arith.cmpi ne, %convert_element_type3A, %cond3A : i32
      scf.if %cond3A_346 {
        %dma_wait3A_393 = arith.constant 0 : i32
        %dma_wait3A_394 = tpu.memref_slice %arg6[%sub3A_342, %dma_wait3A_393] : memref<2x240xi32, #tpu.memory_space<vmem>> -> memref<1x240xi32, #tpu.memory_space<vmem>>
        %dma_wait3A_395 = tpu.memref_squeeze %dma_wait3A_394 : memref<1x240xi32, #tpu.memory_space<vmem>> -> memref<240xi32, #tpu.memory_space<vmem>>
        %dma_wait3A_396 = arith.constant 0 : i32
        %dma_wait3A_397 = tpu.memref_slice %arg2[%dma_wait3A_396] : memref<960000xi32, #tpu.memory_space<hbm>> -> memref<240xi32, #tpu.memory_space<hbm>>
        %dma_wait3A_398 = tpu.memref_slice %arg13[%sub3A_342] : memref<2x!tpu.dma_semaphore, #tpu.memory_space<semaphore_mem>> -> memref<1x!tpu.dma_semaphore, #tpu.memory_space<semaphore_mem>>
        %dma_wait3A_399 = tpu.memref_squeeze %dma_wait3A_398 : memref<1x!tpu.dma_semaphore, #tpu.memory_space<semaphore_mem>> -> memref<!tpu.dma_semaphore, #tpu.memory_space<semaphore_mem>>
        %dma_wait3A_400 = arith.constant 0 : i32
        %dma_wait3A_401 = tpu.memref_slice %arg6[%sub3A_342, %dma_wait3A_400] : memref<2x240xi32, #tpu.memory_space<vmem>> -> memref<1x240xi32, #tpu.memory_space<vmem>>
        %dma_wait3A_402 = tpu.memref_squeeze %dma_wait3A_401 : memref<1x240xi32, #tpu.memory_space<vmem>> -> memref<240xi32, #tpu.memory_space<vmem>>
        %dma_wait3A_403 = arith.constant 0 : i32
        %dma_wait3A_404 = tpu.memref_slice %arg2[%dma_wait3A_403] : memref<960000xi32, #tpu.memory_space<hbm>> -> memref<240xi32, #tpu.memory_space<hbm>>
        tpu.wait_dma2 semaphore(%dma_wait3A_399 : memref<!tpu.dma_semaphore, #tpu.memory_space<semaphore_mem>>) src(%dma_wait3A_404 : memref<240xi32, #tpu.memory_space<hbm>>) dst(%dma_wait3A_402 : memref<240xi32, #tpu.memory_space<vmem>>)
        %scan3A_405 = arith.constant 0 : i32
        %scan3A_406 = arith.constant 0 : i32
        %scan3A_407 = arith.constant 5 : i32
        %scan3A_408 = arith.addi %scan3A_406, %scan3A_407 : i32
        %scan3A_409 = arith.constant 1 : i32
        %scan3A_410 = scf.for %scan3A_445 = %scan3A_406 to %scan3A_408 step %scan3A_409 iter_args(%scan3A_446 = %scan3A_405) -> (i32)  : i32 {
          %mul3A_447 = arith.constant 16 : i32
          %mul3A_448 = arith.muli %scan3A_445, %mul3A_447 : i32
          %get3A = arith.index_cast %sub3A_342 : i32 to index
          %get3A_449 = arith.index_cast %mul3A_448 : i32 to index
          %get3A_450 = tpu.vector_load %arg6[%get3A, %get3A_449] {strides = array<i32>} : memref<2x240xi32, #tpu.memory_space<vmem>>, vector<16xi32>,
          %mul3A_451 = arith.constant 16 : i32
          %mul3A_452 = arith.muli %scan3A_445, %mul3A_451 : i32
          %add3A_453 = arith.constant 80 : i32
          %add3A_454 = arith.addi %add3A_453, %mul3A_452 : i32
          %get3A_455 = arith.index_cast %sub3A_342 : i32 to index
          %get3A_456 = arith.index_cast %add3A_454 : i32 to index
          %get3A_457 = tpu.vector_load %arg6[%get3A_455, %get3A_456] {strides = array<i32>} : memref<2x240xi32, #tpu.memory_space<vmem>>, vector<16xi32>,
          %mul3A_458 = arith.constant 16 : i32
          %mul3A_459 = arith.muli %scan3A_445, %mul3A_458 : i32
          %add3A_460 = arith.constant 160 : i32
          %add3A_461 = arith.addi %add3A_460, %mul3A_459 : i32
          %get3A_462 = arith.index_cast %sub3A_342 : i32 to index
          %get3A_463 = arith.index_cast %add3A_461 : i32 to index
          %get3A_464 = tpu.vector_load %arg6[%get3A_462, %get3A_463] {strides = array<i32>} : memref<2x240xi32, #tpu.memory_space<vmem>>, vector<16xi32>,
          %mul3A_465 = arith.constant 10240 : i32
          %mul3A_466 = vector.broadcast %mul3A_465 : i32 to vector<16xi32>
          %mul3A_467 = arith.muli %get3A_464, %mul3A_466 : vector<16xi32>
          %add3A_468 = arith.addi %mul3A_467, %get3A_450 : vector<16xi32>
          %mul3A_469 = arith.constant 2 : i32
          %mul3A_470 = vector.broadcast %mul3A_469 : i32 to vector<16xi32>
          %mul3A_471 = arith.muli %add3A_468, %mul3A_470 : vector<16xi32>
          %add3A_472 = arith.constant 0 : i32
          %add3A_473 = vector.broadcast %add3A_472 : i32 to vector<16xi32>
          %add3A_474 = arith.addi %mul3A_471, %add3A_473 : vector<16xi32>
          %mul3A_475 = arith.constant 16 : i32
          %mul3A_476 = arith.muli %scan3A_445, %mul3A_475 : i32
          %swap3A = arith.index_cast %sub3A_342 : i32 to index
          %swap3A_477 = arith.index_cast %mul3A_476 : i32 to index
          %swap3A_478 = tpu.vector_load %arg7[%swap3A, %swap3A_477] {strides = array<i32>} : memref<2x80xi32, #tpu.memory_space<vmem>>, vector<16xi32>,
          tpu.vector_store %arg7[%swap3A, %swap3A_477], %add3A_474 {strides = array<i32>} : memref<2x80xi32, #tpu.memory_space<vmem>>, vector<16xi32>,
          %mul3A_479 = arith.constant 16 : i32
          %mul3A_480 = arith.muli %scan3A_445, %mul3A_479 : i32
          %swap3A_481 = arith.index_cast %sub3A_342 : i32 to index
          %swap3A_482 = arith.index_cast %mul3A_480 : i32 to index
          %swap3A_483 = tpu.vector_load %arg8[%swap3A_481, %swap3A_482] {strides = array<i32>} : memref<2x80xi32, #tpu.memory_space<vmem>>, vector<16xi32>,
          tpu.vector_store %arg8[%swap3A_481, %swap3A_482], %get3A_457 {strides = array<i32>} : memref<2x80xi32, #tpu.memory_space<vmem>>, vector<16xi32>,
          %mul3A_484 = arith.constant 10240 : i32
          %mul3A_485 = vector.broadcast %mul3A_484 : i32 to vector<16xi32>
          %mul3A_486 = arith.muli %get3A_464, %mul3A_485 : vector<16xi32>
          %add3A_487 = arith.addi %mul3A_486, %get3A_457 : vector<16xi32>
          %mul3A_488 = arith.constant 16 : i32
          %mul3A_489 = arith.muli %scan3A_445, %mul3A_488 : i32
          %swap3A_490 = arith.index_cast %sub3A_342 : i32 to index
          %swap3A_491 = arith.index_cast %mul3A_489 : i32 to index
          %swap3A_492 = tpu.vector_load %arg9[%swap3A_490, %swap3A_491] {strides = array<i32>} : memref<2x80xi32, #tpu.memory_space<vmem>>, vector<16xi32>,
          tpu.vector_store %arg9[%swap3A_490, %swap3A_491], %add3A_487 {strides = array<i32>} : memref<2x80xi32, #tpu.memory_space<vmem>>, vector<16xi32>,
          %scan3A_493 = arith.constant 0 : i32
          scf.yield %scan3A_493 : i32
        }
        %scan3A_411 = arith.constant 5 : i32
        %ge3A = arith.constant 1 : i32
        %ge3A_412 = arith.cmpi sge, %scan3A_339, %ge3A : i32
        %convert_element_type3A_413 = arith.extui %ge3A_412 : i1 to i32
        %cond3A_414 = arith.constant 0 : i32
        %cond3A_415 = arith.cmpi ne, %convert_element_type3A_413, %cond3A_414 : i32
        scf.if %cond3A_415 {
          %mul3A_445 = arith.constant 80 : i32
          %mul3A_446 = arith.muli %sub3A_342, %mul3A_445 : i32
          %dma_wait3A_447 = arith.constant 0 : i32
          %dma_wait3A_448 = tpu.memref_slice %arg11[%mul3A_446, %dma_wait3A_447] : memref<160x64xf32, #tpu.memory_space<vmem>> -> memref<80x64xf32, #tpu.memory_space<vmem>>
          %dma_wait3A_449 = arith.constant 0 : i32
          %dma_wait3A_450 = arith.constant 0 : i32
          %dma_wait3A_451 = tpu.memref_slice %arg3[%dma_wait3A_449, %dma_wait3A_450] : memref<163840x64xf32, #tpu.memory_space<hbm>> -> memref<80x64xf32, #tpu.memory_space<hbm>>
          %dma_wait3A_452 = tpu.memref_slice %arg16[%sub3A_342] : memref<2x!tpu.dma_semaphore, #tpu.memory_space<semaphore_mem>> -> memref<1x!tpu.dma_semaphore, #tpu.memory_space<semaphore_mem>>
          %dma_wait3A_453 = tpu.memref_squeeze %dma_wait3A_452 : memref<1x!tpu.dma_semaphore, #tpu.memory_space<semaphore_mem>> -> memref<!tpu.dma_semaphore, #tpu.memory_space<semaphore_mem>>
          %dma_wait3A_454 = arith.constant 0 : i32
          %dma_wait3A_455 = tpu.memref_slice %arg11[%mul3A_446, %dma_wait3A_454] : memref<160x64xf32, #tpu.memory_space<vmem>> -> memref<80x64xf32, #tpu.memory_space<vmem>>
          %dma_wait3A_456 = arith.constant 0 : i32
          %dma_wait3A_457 = arith.constant 0 : i32
          %dma_wait3A_458 = tpu.memref_slice %arg3[%dma_wait3A_456, %dma_wait3A_457] : memref<163840x64xf32, #tpu.memory_space<hbm>> -> memref<80x64xf32, #tpu.memory_space<hbm>>
          tpu.wait_dma2 semaphore(%dma_wait3A_453 : memref<!tpu.dma_semaphore, #tpu.memory_space<semaphore_mem>>) src(%dma_wait3A_458 : memref<80x64xf32, #tpu.memory_space<hbm>>) dst(%dma_wait3A_455 : memref<80x64xf32, #tpu.memory_space<vmem>>)
        } else {
        }
        %mul3A_416 = arith.constant 80 : i32
        %mul3A_417 = arith.muli %sub3A_342, %mul3A_416 : i32
        %dma_start3A_418 = arith.constant 0 : i32
        %dma_start3A_419 = tpu.memref_slice %arg11[%mul3A_417, %dma_start3A_418] : memref<160x64xf32, #tpu.memory_space<vmem>> -> memref<80x64xf32, #tpu.memory_space<vmem>>
        %dma_start3A_420 = arith.constant 0 : i32
        %dma_start3A_421 = tpu.memref_slice %arg7[%sub3A_342, %dma_start3A_420] : memref<2x80xi32, #tpu.memory_space<vmem>> -> memref<1x80xi32, #tpu.memory_space<vmem>>
        %dma_start3A_422 = tpu.memref_squeeze %dma_start3A_421 : memref<1x80xi32, #tpu.memory_space<vmem>> -> memref<80xi32, #tpu.memory_space<vmem>>
        %dma_start3A_423 = arith.constant 0 : i32
        %dma_start3A_424 = arith.constant 0 : i32
        %dma_start3A_425 = tpu.memref_slice %arg3[%dma_start3A_423, %dma_start3A_424] : memref<163840x64xf32, #tpu.memory_space<hbm>> -> memref<163840x64xf32, #tpu.memory_space<hbm>>
        %dma_start3A_426 = tpu.memref_slice %arg14[%sub3A_342] : memref<2x!tpu.dma_semaphore, #tpu.memory_space<semaphore_mem>> -> memref<1x!tpu.dma_semaphore, #tpu.memory_space<semaphore_mem>>
        %dma_start3A_427 = tpu.memref_squeeze %dma_start3A_426 : memref<1x!tpu.dma_semaphore, #tpu.memory_space<semaphore_mem>> -> memref<!tpu.dma_semaphore, #tpu.memory_space<semaphore_mem>>
        tpu.enqueue_indirect_dma source(%dma_start3A_425 : memref<163840x64xf32, #tpu.memory_space<hbm>>) target(%dma_start3A_419 : memref<80x64xf32, #tpu.memory_space<vmem>>) offsets(%dma_start3A_422 : memref<80xi32, #tpu.memory_space<vmem>>) semaphore(%dma_start3A_427 : memref<!tpu.dma_semaphore, #tpu.memory_space<semaphore_mem>>)
        %dma_start3A_428 = arith.constant 0 : i32
        %dma_start3A_429 = tpu.memref_slice %arg10[%sub3A_342, %dma_start3A_428] : memref<2x80xf32, #tpu.memory_space<vmem>> -> memref<1x80xf32, #tpu.memory_space<vmem>>
        %dma_start3A_430 = tpu.memref_squeeze %dma_start3A_429 : memref<1x80xf32, #tpu.memory_space<vmem>> -> memref<80xf32, #tpu.memory_space<vmem>>
        %dma_start3A_431 = arith.constant 0 : i32
        %dma_start3A_432 = tpu.memref_slice %arg9[%sub3A_342, %dma_start3A_431] : memref<2x80xi32, #tpu.memory_space<vmem>> -> memref<1x80xi32, #tpu.memory_space<vmem>>
        %dma_start3A_433 = tpu.memref_squeeze %dma_start3A_432 : memref<1x80xi32, #tpu.memory_space<vmem>> -> memref<80xi32, #tpu.memory_space<vmem>>
        %dma_start3A_434 = arith.constant 0 : i32
        %dma_start3A_435 = tpu.memref_slice %arg4[%dma_start3A_434] : memref<81920xf32, #tpu.memory_space<hbm>> -> memref<81920xf32, #tpu.memory_space<hbm>>
        %dma_start3A_436 = tpu.memref_slice %arg15[%sub3A_342] : memref<2x!tpu.dma_semaphore, #tpu.memory_space<semaphore_mem>> -> memref<1x!tpu.dma_semaphore, #tpu.memory_space<semaphore_mem>>
        %dma_start3A_437 = tpu.memref_squeeze %dma_start3A_436 : memref<1x!tpu.dma_semaphore, #tpu.memory_space<semaphore_mem>> -> memref<!tpu.dma_semaphore, #tpu.memory_space<semaphore_mem>>
        tpu.enqueue_indirect_dma source(%dma_start3A_435 : memref<81920xf32, #tpu.memory_space<hbm>>) target(%dma_start3A_430 : memref<80xf32, #tpu.memory_space<vmem>>) offsets(%dma_start3A_433 : memref<80xi32, #tpu.memory_space<vmem>>) semaphore(%dma_start3A_437 : memref<!tpu.dma_semaphore, #tpu.memory_space<semaphore_mem>>)
        %add3A_438 = arith.constant 2 : i32
        %add3A_439 = arith.addi %scan3A_339, %add3A_438 : i32
        %lt3A_440 = arith.constant 125 : i32
        %lt3A_441 = arith.cmpi slt, %add3A_439, %lt3A_440 : i32
        %convert_element_type3A_442 = arith.extui %lt3A_441 : i1 to i32
        %cond3A_443 = arith.constant 0 : i32
        %cond3A_444 = arith.cmpi ne, %convert_element_type3A_442, %cond3A_443 : i32
        scf.if %cond3A_444 {
          %add3A_445 = arith.constant 2 : i32
          %add3A_446 = arith.addi %scan3A_339, %add3A_445 : i32
          %add3A_447 = arith.addi %mul3A_5, %add3A_446 : i32
          %mul3A_448 = arith.constant 3 : i32
          %mul3A_449 = arith.muli %add3A_447, %mul3A_448 : i32
          %mul3A_450 = arith.constant 80 : i32
          %mul3A_451 = arith.muli %mul3A_449, %mul3A_450 : i32
          %dma_start3A_452 = arith.constant 0 : i32
          %dma_start3A_453 = tpu.memref_slice %arg6[%and3A_341, %dma_start3A_452] : memref<2x240xi32, #tpu.memory_space<vmem>> -> memref<1x240xi32, #tpu.memory_space<vmem>>
          %dma_start3A_454 = tpu.memref_squeeze %dma_start3A_453 : memref<1x240xi32, #tpu.memory_space<vmem>> -> memref<240xi32, #tpu.memory_space<vmem>>
          %dma_start3A_455 = tpu.memref_slice %arg2[%mul3A_451] : memref<960000xi32, #tpu.memory_space<hbm>> -> memref<240xi32, #tpu.memory_space<hbm>>
          %dma_start3A_456 = tpu.memref_slice %arg13[%and3A_341] : memref<2x!tpu.dma_semaphore, #tpu.memory_space<semaphore_mem>> -> memref<1x!tpu.dma_semaphore, #tpu.memory_space<semaphore_mem>>
          %dma_start3A_457 = tpu.memref_squeeze %dma_start3A_456 : memref<1x!tpu.dma_semaphore, #tpu.memory_space<semaphore_mem>> -> memref<!tpu.dma_semaphore, #tpu.memory_space<semaphore_mem>>
          %dma_start3A_458 = arith.constant 0 : i32
          %dma_start3A_459 = tpu.memref_slice %arg6[%and3A_341, %dma_start3A_458] : memref<2x240xi32, #tpu.memory_space<vmem>> -> memref<1x240xi32, #tpu.memory_space<vmem>>
          %dma_start3A_460 = tpu.memref_squeeze %dma_start3A_459 : memref<1x240xi32, #tpu.memory_space<vmem>> -> memref<240xi32, #tpu.memory_space<vmem>>
          %dma_start3A_461 = tpu.memref_slice %arg2[%mul3A_451] : memref<960000xi32, #tpu.memory_space<hbm>> -> memref<240xi32, #tpu.memory_space<hbm>>
          tpu.enqueue_dma source(%dma_start3A_461 : memref<240xi32, #tpu.memory_space<hbm>>) target(%dma_start3A_460 : memref<240xi32, #tpu.memory_space<vmem>>) target_semaphore(%dma_start3A_457 : memref<!tpu.dma_semaphore, #tpu.memory_space<semaphore_mem>>)
        } else {
        }
      } else {
      }
      %mul3A_347 = arith.constant 80 : i32
      %mul3A_348 = arith.muli %and3A_341, %mul3A_347 : i32
      %dma_wait3A_349 = arith.constant 0 : i32
      %dma_wait3A_350 = tpu.memref_slice %arg11[%mul3A_348, %dma_wait3A_349] : memref<160x64xf32, #tpu.memory_space<vmem>> -> memref<80x64xf32, #tpu.memory_space<vmem>>
      %dma_wait3A_351 = arith.constant 0 : i32
      %dma_wait3A_352 = arith.constant 0 : i32
      %dma_wait3A_353 = tpu.memref_slice %arg3[%dma_wait3A_351, %dma_wait3A_352] : memref<163840x64xf32, #tpu.memory_space<hbm>> -> memref<80x64xf32, #tpu.memory_space<hbm>>
      %dma_wait3A_354 = tpu.memref_slice %arg14[%and3A_341] : memref<2x!tpu.dma_semaphore, #tpu.memory_space<semaphore_mem>> -> memref<1x!tpu.dma_semaphore, #tpu.memory_space<semaphore_mem>>
      %dma_wait3A_355 = tpu.memref_squeeze %dma_wait3A_354 : memref<1x!tpu.dma_semaphore, #tpu.memory_space<semaphore_mem>> -> memref<!tpu.dma_semaphore, #tpu.memory_space<semaphore_mem>>
      %dma_wait3A_356 = arith.constant 0 : i32
      %dma_wait3A_357 = tpu.memref_slice %arg11[%mul3A_348, %dma_wait3A_356] : memref<160x64xf32, #tpu.memory_space<vmem>> -> memref<80x64xf32, #tpu.memory_space<vmem>>
      %dma_wait3A_358 = arith.constant 0 : i32
      %dma_wait3A_359 = arith.constant 0 : i32
      %dma_wait3A_360 = tpu.memref_slice %arg3[%dma_wait3A_358, %dma_wait3A_359] : memref<163840x64xf32, #tpu.memory_space<hbm>> -> memref<80x64xf32, #tpu.memory_space<hbm>>
      tpu.wait_dma2 semaphore(%dma_wait3A_355 : memref<!tpu.dma_semaphore, #tpu.memory_space<semaphore_mem>>) src(%dma_wait3A_360 : memref<80x64xf32, #tpu.memory_space<hbm>>) dst(%dma_wait3A_357 : memref<80x64xf32, #tpu.memory_space<vmem>>)
      %dma_wait3A_361 = arith.constant 0 : i32
      %dma_wait3A_362 = tpu.memref_slice %arg10[%and3A_341, %dma_wait3A_361] : memref<2x80xf32, #tpu.memory_space<vmem>> -> memref<1x80xf32, #tpu.memory_space<vmem>>
      %dma_wait3A_363 = tpu.memref_squeeze %dma_wait3A_362 : memref<1x80xf32, #tpu.memory_space<vmem>> -> memref<80xf32, #tpu.memory_space<vmem>>
      %dma_wait3A_364 = arith.constant 0 : i32
      %dma_wait3A_365 = tpu.memref_slice %arg4[%dma_wait3A_364] : memref<81920xf32, #tpu.memory_space<hbm>> -> memref<80xf32, #tpu.memory_space<hbm>>
      %dma_wait3A_366 = tpu.memref_slice %arg15[%and3A_341] : memref<2x!tpu.dma_semaphore, #tpu.memory_space<semaphore_mem>> -> memref<1x!tpu.dma_semaphore, #tpu.memory_space<semaphore_mem>>
      %dma_wait3A_367 = tpu.memref_squeeze %dma_wait3A_366 : memref<1x!tpu.dma_semaphore, #tpu.memory_space<semaphore_mem>> -> memref<!tpu.dma_semaphore, #tpu.memory_space<semaphore_mem>>
      %dma_wait3A_368 = arith.constant 0 : i32
      %dma_wait3A_369 = tpu.memref_slice %arg10[%and3A_341, %dma_wait3A_368] : memref<2x80xf32, #tpu.memory_space<vmem>> -> memref<1x80xf32, #tpu.memory_space<vmem>>
      %dma_wait3A_370 = tpu.memref_squeeze %dma_wait3A_369 : memref<1x80xf32, #tpu.memory_space<vmem>> -> memref<80xf32, #tpu.memory_space<vmem>>
      %dma_wait3A_371 = arith.constant 0 : i32
      %dma_wait3A_372 = tpu.memref_slice %arg4[%dma_wait3A_371] : memref<81920xf32, #tpu.memory_space<hbm>> -> memref<80xf32, #tpu.memory_space<hbm>>
      tpu.wait_dma2 semaphore(%dma_wait3A_367 : memref<!tpu.dma_semaphore, #tpu.memory_space<semaphore_mem>>) src(%dma_wait3A_372 : memref<80xf32, #tpu.memory_space<hbm>>) dst(%dma_wait3A_370 : memref<80xf32, #tpu.memory_space<vmem>>)
      %scan3A_373 = arith.constant 0 : i32
      %scan3A_374 = arith.constant 0 : i32
      %scan3A_375 = arith.constant 5 : i32
      %scan3A_376 = arith.addi %scan3A_374, %scan3A_375 : i32
      %scan3A_377 = arith.constant 1 : i32
      %scan3A_378 = scf.for %scan3A_393 = %scan3A_374 to %scan3A_376 step %scan3A_377 iter_args(%scan3A_394 = %scan3A_373) -> (i32)  : i32 {
        %mul3A_395 = arith.constant 16 : i32
        %mul3A_396 = arith.muli %scan3A_393, %mul3A_395 : i32
        %add3A_397 = arith.constant 0 : i32
        %add3A_398 = arith.addi %mul3A_396, %add3A_397 : i32
        %broadcast_in_dim3A_399 = arith.constant 0 : i32
        %broadcast_in_dim3A_400 = vector.broadcast %broadcast_in_dim3A_399 : i32 to vector<16xi32>
        %add3A_401 = vector.broadcast %and3A_341 : i32 to vector<16xi32>
        %add3A_402 = arith.addi %broadcast_in_dim3A_400, %add3A_401 : vector<16xi32>
        %broadcast_in_dim3A_403 = arith.constant 0 : i32
        %broadcast_in_dim3A_404 = vector.broadcast %broadcast_in_dim3A_403 : i32 to vector<16xi32>
        %add3A_405 = vector.broadcast %add3A_398 : i32 to vector<16xi32>
        %add3A_406 = arith.addi %broadcast_in_dim3A_404, %add3A_405 : vector<16xi32>
        %gather3A = tpu.vector_load_idx %arg10[%add3A_402, %add3A_406] : memref<2x80xf32, #tpu.memory_space<vmem>>[vector<16xi32>, vector<16xi32>], vector<16xf32>,
        %mul3A_407 = arith.constant 80 : i32
        %mul3A_408 = arith.muli %and3A_341, %mul3A_407 : i32
        %add3A_409 = arith.addi %mul3A_408, %add3A_398 : i32
        %get3A = arith.index_cast %add3A_409 : i32 to index
        %get3A_410 = arith.constant 0 : index
        %get3A_411 = tpu.vector_load %arg11[%get3A, %get3A_410] {strides = array<i32>} : memref<160x64xf32, #tpu.memory_space<vmem>>, vector<16xf32>,
        %mul3A_412 = arith.mulf %get3A_411, %gather3A : vector<16xf32>
        %swap3A = arith.index_cast %add3A_409 : i32 to index
        %swap3A_413 = arith.constant 0 : index
        %swap3A_414 = tpu.vector_load %arg11[%swap3A, %swap3A_413] {strides = array<i32>} : memref<160x64xf32, #tpu.memory_space<vmem>>, vector<16xf32>,
        tpu.vector_store %arg11[%swap3A, %swap3A_413], %mul3A_412 {strides = array<i32>} : memref<160x64xf32, #tpu.memory_space<vmem>>, vector<16xf32>,
        %mul3A_415 = arith.constant 80 : i32
        %mul3A_416 = arith.muli %and3A_341, %mul3A_415 : i32
        %add3A_417 = arith.addi %mul3A_416, %add3A_398 : i32
        %get3A_418 = arith.index_cast %add3A_417 : i32 to index
        %get3A_419 = arith.constant 16 : index
        %get3A_420 = tpu.vector_load %arg11[%get3A_418, %get3A_419] {strides = array<i32>} : memref<160x64xf32, #tpu.memory_space<vmem>>, vector<16xf32>,
        %mul3A_421 = arith.mulf %get3A_420, %gather3A : vector<16xf32>
        %swap3A_422 = arith.index_cast %add3A_417 : i32 to index
        %swap3A_423 = arith.constant 16 : index
        %swap3A_424 = tpu.vector_load %arg11[%swap3A_422, %swap3A_423] {strides = array<i32>} : memref<160x64xf32, #tpu.memory_space<vmem>>, vector<16xf32>,
        tpu.vector_store %arg11[%swap3A_422, %swap3A_423], %mul3A_421 {strides = array<i32>} : memref<160x64xf32, #tpu.memory_space<vmem>>, vector<16xf32>,
        %mul3A_425 = arith.constant 80 : i32
        %mul3A_426 = arith.muli %and3A_341, %mul3A_425 : i32
        %add3A_427 = arith.addi %mul3A_426, %add3A_398 : i32
        %get3A_428 = arith.index_cast %add3A_427 : i32 to index
        %get3A_429 = arith.constant 32 : index
        %get3A_430 = tpu.vector_load %arg11[%get3A_428, %get3A_429] {strides = array<i32>} : memref<160x64xf32, #tpu.memory_space<vmem>>, vector<16xf32>,
        %mul3A_431 = arith.mulf %get3A_430, %gather3A : vector<16xf32>
        %swap3A_432 = arith.index_cast %add3A_427 : i32 to index
        %swap3A_433 = arith.constant 32 : index
        %swap3A_434 = tpu.vector_load %arg11[%swap3A_432, %swap3A_433] {strides = array<i32>} : memref<160x64xf32, #tpu.memory_space<vmem>>, vector<16xf32>,
        tpu.vector_store %arg11[%swap3A_432, %swap3A_433], %mul3A_431 {strides = array<i32>} : memref<160x64xf32, #tpu.memory_space<vmem>>, vector<16xf32>,
        %mul3A_435 = arith.constant 80 : i32
        %mul3A_436 = arith.muli %and3A_341, %mul3A_435 : i32
        %add3A_437 = arith.addi %mul3A_436, %add3A_398 : i32
        %get3A_438 = arith.index_cast %add3A_437 : i32 to index
        %get3A_439 = arith.constant 48 : index
        %get3A_440 = tpu.vector_load %arg11[%get3A_438, %get3A_439] {strides = array<i32>} : memref<160x64xf32, #tpu.memory_space<vmem>>, vector<16xf32>,
        %mul3A_441 = arith.mulf %get3A_440, %gather3A : vector<16xf32>
        %swap3A_442 = arith.index_cast %add3A_437 : i32 to index
        %swap3A_443 = arith.constant 48 : index
        %swap3A_444 = tpu.vector_load %arg11[%swap3A_442, %swap3A_443] {strides = array<i32>} : memref<160x64xf32, #tpu.memory_space<vmem>>, vector<16xf32>,
        tpu.vector_store %arg11[%swap3A_442, %swap3A_443], %mul3A_441 {strides = array<i32>} : memref<160x64xf32, #tpu.memory_space<vmem>>, vector<16xf32>,
        %mul3A_445 = arith.constant 16 : i32
        %mul3A_446 = arith.muli %scan3A_393, %mul3A_445 : i32
        %add3A_447 = arith.constant 1 : i32
        %add3A_448 = arith.addi %mul3A_446, %add3A_447 : i32
        %broadcast_in_dim3A_449 = arith.constant 0 : i32
        %broadcast_in_dim3A_450 = vector.broadcast %broadcast_in_dim3A_449 : i32 to vector<16xi32>
        %add3A_451 = vector.broadcast %and3A_341 : i32 to vector<16xi32>
        %add3A_452 = arith.addi %broadcast_in_dim3A_450, %add3A_451 : vector<16xi32>
        %broadcast_in_dim3A_453 = arith.constant 0 : i32
        %broadcast_in_dim3A_454 = vector.broadcast %broadcast_in_dim3A_453 : i32 to vector<16xi32>
        %add3A_455 = vector.broadcast %add3A_448 : i32 to vector<16xi32>
        %add3A_456 = arith.addi %broadcast_in_dim3A_454, %add3A_455 : vector<16xi32>
        %gather3A_457 = tpu.vector_load_idx %arg10[%add3A_452, %add3A_456] : memref<2x80xf32, #tpu.memory_space<vmem>>[vector<16xi32>, vector<16xi32>], vector<16xf32>,
        %mul3A_458 = arith.constant 80 : i32
        %mul3A_459 = arith.muli %and3A_341, %mul3A_458 : i32
        %add3A_460 = arith.addi %mul3A_459, %add3A_448 : i32
        %get3A_461 = arith.index_cast %add3A_460 : i32 to index
        %get3A_462 = arith.constant 0 : index
        %get3A_463 = tpu.vector_load %arg11[%get3A_461, %get3A_462] {strides = array<i32>} : memref<160x64xf32, #tpu.memory_space<vmem>>, vector<16xf32>,
        %mul3A_464 = arith.mulf %get3A_463, %gather3A_457 : vector<16xf32>
        %swap3A_465 = arith.index_cast %add3A_460 : i32 to index
        %swap3A_466 = arith.constant 0 : index
        %swap3A_467 = tpu.vector_load %arg11[%swap3A_465, %swap3A_466] {strides = array<i32>} : memref<160x64xf32, #tpu.memory_space<vmem>>, vector<16xf32>,
        tpu.vector_store %arg11[%swap3A_465, %swap3A_466], %mul3A_464 {strides = array<i32>} : memref<160x64xf32, #tpu.memory_space<vmem>>, vector<16xf32>,
        %mul3A_468 = arith.constant 80 : i32
        %mul3A_469 = arith.muli %and3A_341, %mul3A_468 : i32
        %add3A_470 = arith.addi %mul3A_469, %add3A_448 : i32
        %get3A_471 = arith.index_cast %add3A_470 : i32 to index
        %get3A_472 = arith.constant 16 : index
        %get3A_473 = tpu.vector_load %arg11[%get3A_471, %get3A_472] {strides = array<i32>} : memref<160x64xf32, #tpu.memory_space<vmem>>, vector<16xf32>,
        %mul3A_474 = arith.mulf %get3A_473, %gather3A_457 : vector<16xf32>
        %swap3A_475 = arith.index_cast %add3A_470 : i32 to index
        %swap3A_476 = arith.constant 16 : index
        %swap3A_477 = tpu.vector_load %arg11[%swap3A_475, %swap3A_476] {strides = array<i32>} : memref<160x64xf32, #tpu.memory_space<vmem>>, vector<16xf32>,
        tpu.vector_store %arg11[%swap3A_475, %swap3A_476], %mul3A_474 {strides = array<i32>} : memref<160x64xf32, #tpu.memory_space<vmem>>, vector<16xf32>,
        %mul3A_478 = arith.constant 80 : i32
        %mul3A_479 = arith.muli %and3A_341, %mul3A_478 : i32
        %add3A_480 = arith.addi %mul3A_479, %add3A_448 : i32
        %get3A_481 = arith.index_cast %add3A_480 : i32 to index
        %get3A_482 = arith.constant 32 : index
        %get3A_483 = tpu.vector_load %arg11[%get3A_481, %get3A_482] {strides = array<i32>} : memref<160x64xf32, #tpu.memory_space<vmem>>, vector<16xf32>,
        %mul3A_484 = arith.mulf %get3A_483, %gather3A_457 : vector<16xf32>
        %swap3A_485 = arith.index_cast %add3A_480 : i32 to index
        %swap3A_486 = arith.constant 32 : index
        %swap3A_487 = tpu.vector_load %arg11[%swap3A_485, %swap3A_486] {strides = array<i32>} : memref<160x64xf32, #tpu.memory_space<vmem>>, vector<16xf32>,
        tpu.vector_store %arg11[%swap3A_485, %swap3A_486], %mul3A_484 {strides = array<i32>} : memref<160x64xf32, #tpu.memory_space<vmem>>, vector<16xf32>,
        %mul3A_488 = arith.constant 80 : i32
        %mul3A_489 = arith.muli %and3A_341, %mul3A_488 : i32
        %add3A_490 = arith.addi %mul3A_489, %add3A_448 : i32
        %get3A_491 = arith.index_cast %add3A_490 : i32 to index
        %get3A_492 = arith.constant 48 : index
        %get3A_493 = tpu.vector_load %arg11[%get3A_491, %get3A_492] {strides = array<i32>} : memref<160x64xf32, #tpu.memory_space<vmem>>, vector<16xf32>,
        %mul3A_494 = arith.mulf %get3A_493, %gather3A_457 : vector<16xf32>
        %swap3A_495 = arith.index_cast %add3A_490 : i32 to index
        %swap3A_496 = arith.constant 48 : index
        %swap3A_497 = tpu.vector_load %arg11[%swap3A_495, %swap3A_496] {strides = array<i32>} : memref<160x64xf32, #tpu.memory_space<vmem>>, vector<16xf32>,
        tpu.vector_store %arg11[%swap3A_495, %swap3A_496], %mul3A_494 {strides = array<i32>} : memref<160x64xf32, #tpu.memory_space<vmem>>, vector<16xf32>,
        %mul3A_498 = arith.constant 16 : i32
        %mul3A_499 = arith.muli %scan3A_393, %mul3A_498 : i32
        %add3A_500 = arith.constant 2 : i32
        %add3A_501 = arith.addi %mul3A_499, %add3A_500 : i32
        %broadcast_in_dim3A_502 = arith.constant 0 : i32
        %broadcast_in_dim3A_503 = vector.broadcast %broadcast_in_dim3A_502 : i32 to vector<16xi32>
        %add3A_504 = vector.broadcast %and3A_341 : i32 to vector<16xi32>
        %add3A_505 = arith.addi %broadcast_in_dim3A_503, %add3A_504 : vector<16xi32>
        %broadcast_in_dim3A_506 = arith.constant 0 : i32
        %broadcast_in_dim3A_507 = vector.broadcast %broadcast_in_dim3A_506 : i32 to vector<16xi32>
        %add3A_508 = vector.broadcast %add3A_501 : i32 to vector<16xi32>
        %add3A_509 = arith.addi %broadcast_in_dim3A_507, %add3A_508 : vector<16xi32>
        %gather3A_510 = tpu.vector_load_idx %arg10[%add3A_505, %add3A_509] : memref<2x80xf32, #tpu.memory_space<vmem>>[vector<16xi32>, vector<16xi32>], vector<16xf32>,
        %mul3A_511 = arith.constant 80 : i32
        %mul3A_512 = arith.muli %and3A_341, %mul3A_511 : i32
        %add3A_513 = arith.addi %mul3A_512, %add3A_501 : i32
        %get3A_514 = arith.index_cast %add3A_513 : i32 to index
        %get3A_515 = arith.constant 0 : index
        %get3A_516 = tpu.vector_load %arg11[%get3A_514, %get3A_515] {strides = array<i32>} : memref<160x64xf32, #tpu.memory_space<vmem>>, vector<16xf32>,
        %mul3A_517 = arith.mulf %get3A_516, %gather3A_510 : vector<16xf32>
        %swap3A_518 = arith.index_cast %add3A_513 : i32 to index
        %swap3A_519 = arith.constant 0 : index
        %swap3A_520 = tpu.vector_load %arg11[%swap3A_518, %swap3A_519] {strides = array<i32>} : memref<160x64xf32, #tpu.memory_space<vmem>>, vector<16xf32>,
        tpu.vector_store %arg11[%swap3A_518, %swap3A_519], %mul3A_517 {strides = array<i32>} : memref<160x64xf32, #tpu.memory_space<vmem>>, vector<16xf32>,
        %mul3A_521 = arith.constant 80 : i32
        %mul3A_522 = arith.muli %and3A_341, %mul3A_521 : i32
        %add3A_523 = arith.addi %mul3A_522, %add3A_501 : i32
        %get3A_524 = arith.index_cast %add3A_523 : i32 to index
        %get3A_525 = arith.constant 16 : index
        %get3A_526 = tpu.vector_load %arg11[%get3A_524, %get3A_525] {strides = array<i32>} : memref<160x64xf32, #tpu.memory_space<vmem>>, vector<16xf32>,
        %mul3A_527 = arith.mulf %get3A_526, %gather3A_510 : vector<16xf32>
        %swap3A_528 = arith.index_cast %add3A_523 : i32 to index
        %swap3A_529 = arith.constant 16 : index
        %swap3A_530 = tpu.vector_load %arg11[%swap3A_528, %swap3A_529] {strides = array<i32>} : memref<160x64xf32, #tpu.memory_space<vmem>>, vector<16xf32>,
        tpu.vector_store %arg11[%swap3A_528, %swap3A_529], %mul3A_527 {strides = array<i32>} : memref<160x64xf32, #tpu.memory_space<vmem>>, vector<16xf32>,
        %mul3A_531 = arith.constant 80 : i32
        %mul3A_532 = arith.muli %and3A_341, %mul3A_531 : i32
        %add3A_533 = arith.addi %mul3A_532, %add3A_501 : i32
        %get3A_534 = arith.index_cast %add3A_533 : i32 to index
        %get3A_535 = arith.constant 32 : index
        %get3A_536 = tpu.vector_load %arg11[%get3A_534, %get3A_535] {strides = array<i32>} : memref<160x64xf32, #tpu.memory_space<vmem>>, vector<16xf32>,
        %mul3A_537 = arith.mulf %get3A_536, %gather3A_510 : vector<16xf32>
        %swap3A_538 = arith.index_cast %add3A_533 : i32 to index
        %swap3A_539 = arith.constant 32 : index
        %swap3A_540 = tpu.vector_load %arg11[%swap3A_538, %swap3A_539] {strides = array<i32>} : memref<160x64xf32, #tpu.memory_space<vmem>>, vector<16xf32>,
        tpu.vector_store %arg11[%swap3A_538, %swap3A_539], %mul3A_537 {strides = array<i32>} : memref<160x64xf32, #tpu.memory_space<vmem>>, vector<16xf32>,
        %mul3A_541 = arith.constant 80 : i32
        %mul3A_542 = arith.muli %and3A_341, %mul3A_541 : i32
        %add3A_543 = arith.addi %mul3A_542, %add3A_501 : i32
        %get3A_544 = arith.index_cast %add3A_543 : i32 to index
        %get3A_545 = arith.constant 48 : index
        %get3A_546 = tpu.vector_load %arg11[%get3A_544, %get3A_545] {strides = array<i32>} : memref<160x64xf32, #tpu.memory_space<vmem>>, vector<16xf32>,
        %mul3A_547 = arith.mulf %get3A_546, %gather3A_510 : vector<16xf32>
        %swap3A_548 = arith.index_cast %add3A_543 : i32 to index
        %swap3A_549 = arith.constant 48 : index
        %swap3A_550 = tpu.vector_load %arg11[%swap3A_548, %swap3A_549] {strides = array<i32>} : memref<160x64xf32, #tpu.memory_space<vmem>>, vector<16xf32>,
        tpu.vector_store %arg11[%swap3A_548, %swap3A_549], %mul3A_547 {strides = array<i32>} : memref<160x64xf32, #tpu.memory_space<vmem>>, vector<16xf32>,
        %mul3A_551 = arith.constant 16 : i32
        %mul3A_552 = arith.muli %scan3A_393, %mul3A_551 : i32
        %add3A_553 = arith.constant 3 : i32
        %add3A_554 = arith.addi %mul3A_552, %add3A_553 : i32
        %broadcast_in_dim3A_555 = arith.constant 0 : i32
        %broadcast_in_dim3A_556 = vector.broadcast %broadcast_in_dim3A_555 : i32 to vector<16xi32>
        %add3A_557 = vector.broadcast %and3A_341 : i32 to vector<16xi32>
        %add3A_558 = arith.addi %broadcast_in_dim3A_556, %add3A_557 : vector<16xi32>
        %broadcast_in_dim3A_559 = arith.constant 0 : i32
        %broadcast_in_dim3A_560 = vector.broadcast %broadcast_in_dim3A_559 : i32 to vector<16xi32>
        %add3A_561 = vector.broadcast %add3A_554 : i32 to vector<16xi32>
        %add3A_562 = arith.addi %broadcast_in_dim3A_560, %add3A_561 : vector<16xi32>
        %gather3A_563 = tpu.vector_load_idx %arg10[%add3A_558, %add3A_562] : memref<2x80xf32, #tpu.memory_space<vmem>>[vector<16xi32>, vector<16xi32>], vector<16xf32>,
        %mul3A_564 = arith.constant 80 : i32
        %mul3A_565 = arith.muli %and3A_341, %mul3A_564 : i32
        %add3A_566 = arith.addi %mul3A_565, %add3A_554 : i32
        %get3A_567 = arith.index_cast %add3A_566 : i32 to index
        %get3A_568 = arith.constant 0 : index
        %get3A_569 = tpu.vector_load %arg11[%get3A_567, %get3A_568] {strides = array<i32>} : memref<160x64xf32, #tpu.memory_space<vmem>>, vector<16xf32>,
        %mul3A_570 = arith.mulf %get3A_569, %gather3A_563 : vector<16xf32>
        %swap3A_571 = arith.index_cast %add3A_566 : i32 to index
        %swap3A_572 = arith.constant 0 : index
        %swap3A_573 = tpu.vector_load %arg11[%swap3A_571, %swap3A_572] {strides = array<i32>} : memref<160x64xf32, #tpu.memory_space<vmem>>, vector<16xf32>,
        tpu.vector_store %arg11[%swap3A_571, %swap3A_572], %mul3A_570 {strides = array<i32>} : memref<160x64xf32, #tpu.memory_space<vmem>>, vector<16xf32>,
        %mul3A_574 = arith.constant 80 : i32
        %mul3A_575 = arith.muli %and3A_341, %mul3A_574 : i32
        %add3A_576 = arith.addi %mul3A_575, %add3A_554 : i32
        %get3A_577 = arith.index_cast %add3A_576 : i32 to index
        %get3A_578 = arith.constant 16 : index
        %get3A_579 = tpu.vector_load %arg11[%get3A_577, %get3A_578] {strides = array<i32>} : memref<160x64xf32, #tpu.memory_space<vmem>>, vector<16xf32>,
        %mul3A_580 = arith.mulf %get3A_579, %gather3A_563 : vector<16xf32>
        %swap3A_581 = arith.index_cast %add3A_576 : i32 to index
        %swap3A_582 = arith.constant 16 : index
        %swap3A_583 = tpu.vector_load %arg11[%swap3A_581, %swap3A_582] {strides = array<i32>} : memref<160x64xf32, #tpu.memory_space<vmem>>, vector<16xf32>,
        tpu.vector_store %arg11[%swap3A_581, %swap3A_582], %mul3A_580 {strides = array<i32>} : memref<160x64xf32, #tpu.memory_space<vmem>>, vector<16xf32>,
        %mul3A_584 = arith.constant 80 : i32
        %mul3A_585 = arith.muli %and3A_341, %mul3A_584 : i32
        %add3A_586 = arith.addi %mul3A_585, %add3A_554 : i32
        %get3A_587 = arith.index_cast %add3A_586 : i32 to index
        %get3A_588 = arith.constant 32 : index
        %get3A_589 = tpu.vector_load %arg11[%get3A_587, %get3A_588] {strides = array<i32>} : memref<160x64xf32, #tpu.memory_space<vmem>>, vector<16xf32>,
        %mul3A_590 = arith.mulf %get3A_589, %gather3A_563 : vector<16xf32>
        %swap3A_591 = arith.index_cast %add3A_586 : i32 to index
        %swap3A_592 = arith.constant 32 : index
        %swap3A_593 = tpu.vector_load %arg11[%swap3A_591, %swap3A_592] {strides = array<i32>} : memref<160x64xf32, #tpu.memory_space<vmem>>, vector<16xf32>,
        tpu.vector_store %arg11[%swap3A_591, %swap3A_592], %mul3A_590 {strides = array<i32>} : memref<160x64xf32, #tpu.memory_space<vmem>>, vector<16xf32>,
        %mul3A_594 = arith.constant 80 : i32
        %mul3A_595 = arith.muli %and3A_341, %mul3A_594 : i32
        %add3A_596 = arith.addi %mul3A_595, %add3A_554 : i32
        %get3A_597 = arith.index_cast %add3A_596 : i32 to index
        %get3A_598 = arith.constant 48 : index
        %get3A_599 = tpu.vector_load %arg11[%get3A_597, %get3A_598] {strides = array<i32>} : memref<160x64xf32, #tpu.memory_space<vmem>>, vector<16xf32>,
        %mul3A_600 = arith.mulf %get3A_599, %gather3A_563 : vector<16xf32>
        %swap3A_601 = arith.index_cast %add3A_596 : i32 to index
        %swap3A_602 = arith.constant 48 : index
        %swap3A_603 = tpu.vector_load %arg11[%swap3A_601, %swap3A_602] {strides = array<i32>} : memref<160x64xf32, #tpu.memory_space<vmem>>, vector<16xf32>,
        tpu.vector_store %arg11[%swap3A_601, %swap3A_602], %mul3A_600 {strides = array<i32>} : memref<160x64xf32, #tpu.memory_space<vmem>>, vector<16xf32>,
        %mul3A_604 = arith.constant 16 : i32
        %mul3A_605 = arith.muli %scan3A_393, %mul3A_604 : i32
        %add3A_606 = arith.constant 4 : i32
        %add3A_607 = arith.addi %mul3A_605, %add3A_606 : i32
        %broadcast_in_dim3A_608 = arith.constant 0 : i32
        %broadcast_in_dim3A_609 = vector.broadcast %broadcast_in_dim3A_608 : i32 to vector<16xi32>
        %add3A_610 = vector.broadcast %and3A_341 : i32 to vector<16xi32>
        %add3A_611 = arith.addi %broadcast_in_dim3A_609, %add3A_610 : vector<16xi32>
        %broadcast_in_dim3A_612 = arith.constant 0 : i32
        %broadcast_in_dim3A_613 = vector.broadcast %broadcast_in_dim3A_612 : i32 to vector<16xi32>
        %add3A_614 = vector.broadcast %add3A_607 : i32 to vector<16xi32>
        %add3A_615 = arith.addi %broadcast_in_dim3A_613, %add3A_614 : vector<16xi32>
        %gather3A_616 = tpu.vector_load_idx %arg10[%add3A_611, %add3A_615] : memref<2x80xf32, #tpu.memory_space<vmem>>[vector<16xi32>, vector<16xi32>], vector<16xf32>,
        %mul3A_617 = arith.constant 80 : i32
        %mul3A_618 = arith.muli %and3A_341, %mul3A_617 : i32
        %add3A_619 = arith.addi %mul3A_618, %add3A_607 : i32
        %get3A_620 = arith.index_cast %add3A_619 : i32 to index
        %get3A_621 = arith.constant 0 : index
        %get3A_622 = tpu.vector_load %arg11[%get3A_620, %get3A_621] {strides = array<i32>} : memref<160x64xf32, #tpu.memory_space<vmem>>, vector<16xf32>,
        %mul3A_623 = arith.mulf %get3A_622, %gather3A_616 : vector<16xf32>
        %swap3A_624 = arith.index_cast %add3A_619 : i32 to index
        %swap3A_625 = arith.constant 0 : index
        %swap3A_626 = tpu.vector_load %arg11[%swap3A_624, %swap3A_625] {strides = array<i32>} : memref<160x64xf32, #tpu.memory_space<vmem>>, vector<16xf32>,
        tpu.vector_store %arg11[%swap3A_624, %swap3A_625], %mul3A_623 {strides = array<i32>} : memref<160x64xf32, #tpu.memory_space<vmem>>, vector<16xf32>,
        %mul3A_627 = arith.constant 80 : i32
        %mul3A_628 = arith.muli %and3A_341, %mul3A_627 : i32
        %add3A_629 = arith.addi %mul3A_628, %add3A_607 : i32
        %get3A_630 = arith.index_cast %add3A_629 : i32 to index
        %get3A_631 = arith.constant 16 : index
        %get3A_632 = tpu.vector_load %arg11[%get3A_630, %get3A_631] {strides = array<i32>} : memref<160x64xf32, #tpu.memory_space<vmem>>, vector<16xf32>,
        %mul3A_633 = arith.mulf %get3A_632, %gather3A_616 : vector<16xf32>
        %swap3A_634 = arith.index_cast %add3A_629 : i32 to index
        %swap3A_635 = arith.constant 16 : index
        %swap3A_636 = tpu.vector_load %arg11[%swap3A_634, %swap3A_635] {strides = array<i32>} : memref<160x64xf32, #tpu.memory_space<vmem>>, vector<16xf32>,
        tpu.vector_store %arg11[%swap3A_634, %swap3A_635], %mul3A_633 {strides = array<i32>} : memref<160x64xf32, #tpu.memory_space<vmem>>, vector<16xf32>,
        %mul3A_637 = arith.constant 80 : i32
        %mul3A_638 = arith.muli %and3A_341, %mul3A_637 : i32
        %add3A_639 = arith.addi %mul3A_638, %add3A_607 : i32
        %get3A_640 = arith.index_cast %add3A_639 : i32 to index
        %get3A_641 = arith.constant 32 : index
        %get3A_642 = tpu.vector_load %arg11[%get3A_640, %get3A_641] {strides = array<i32>} : memref<160x64xf32, #tpu.memory_space<vmem>>, vector<16xf32>,
        %mul3A_643 = arith.mulf %get3A_642, %gather3A_616 : vector<16xf32>
        %swap3A_644 = arith.index_cast %add3A_639 : i32 to index
        %swap3A_645 = arith.constant 32 : index
        %swap3A_646 = tpu.vector_load %arg11[%swap3A_644, %swap3A_645] {strides = array<i32>} : memref<160x64xf32, #tpu.memory_space<vmem>>, vector<16xf32>,
        tpu.vector_store %arg11[%swap3A_644, %swap3A_645], %mul3A_643 {strides = array<i32>} : memref<160x64xf32, #tpu.memory_space<vmem>>, vector<16xf32>,
        %mul3A_647 = arith.constant 80 : i32
        %mul3A_648 = arith.muli %and3A_341, %mul3A_647 : i32
        %add3A_649 = arith.addi %mul3A_648, %add3A_607 : i32
        %get3A_650 = arith.index_cast %add3A_649 : i32 to index
        %get3A_651 = arith.constant 48 : index
        %get3A_652 = tpu.vector_load %arg11[%get3A_650, %get3A_651] {strides = array<i32>} : memref<160x64xf32, #tpu.memory_space<vmem>>, vector<16xf32>,
        %mul3A_653 = arith.mulf %get3A_652, %gather3A_616 : vector<16xf32>
        %swap3A_654 = arith.index_cast %add3A_649 : i32 to index
        %swap3A_655 = arith.constant 48 : index
        %swap3A_656 = tpu.vector_load %arg11[%swap3A_654, %swap3A_655] {strides = array<i32>} : memref<160x64xf32, #tpu.memory_space<vmem>>, vector<16xf32>,
        tpu.vector_store %arg11[%swap3A_654, %swap3A_655], %mul3A_653 {strides = array<i32>} : memref<160x64xf32, #tpu.memory_space<vmem>>, vector<16xf32>,
        %mul3A_657 = arith.constant 16 : i32
        %mul3A_658 = arith.muli %scan3A_393, %mul3A_657 : i32
        %add3A_659 = arith.constant 5 : i32
        %add3A_660 = arith.addi %mul3A_658, %add3A_659 : i32
        %broadcast_in_dim3A_661 = arith.constant 0 : i32
        %broadcast_in_dim3A_662 = vector.broadcast %broadcast_in_dim3A_661 : i32 to vector<16xi32>
        %add3A_663 = vector.broadcast %and3A_341 : i32 to vector<16xi32>
        %add3A_664 = arith.addi %broadcast_in_dim3A_662, %add3A_663 : vector<16xi32>
        %broadcast_in_dim3A_665 = arith.constant 0 : i32
        %broadcast_in_dim3A_666 = vector.broadcast %broadcast_in_dim3A_665 : i32 to vector<16xi32>
        %add3A_667 = vector.broadcast %add3A_660 : i32 to vector<16xi32>
        %add3A_668 = arith.addi %broadcast_in_dim3A_666, %add3A_667 : vector<16xi32>
        %gather3A_669 = tpu.vector_load_idx %arg10[%add3A_664, %add3A_668] : memref<2x80xf32, #tpu.memory_space<vmem>>[vector<16xi32>, vector<16xi32>], vector<16xf32>,
        %mul3A_670 = arith.constant 80 : i32
        %mul3A_671 = arith.muli %and3A_341, %mul3A_670 : i32
        %add3A_672 = arith.addi %mul3A_671, %add3A_660 : i32
        %get3A_673 = arith.index_cast %add3A_672 : i32 to index
        %get3A_674 = arith.constant 0 : index
        %get3A_675 = tpu.vector_load %arg11[%get3A_673, %get3A_674] {strides = array<i32>} : memref<160x64xf32, #tpu.memory_space<vmem>>, vector<16xf32>,
        %mul3A_676 = arith.mulf %get3A_675, %gather3A_669 : vector<16xf32>
        %swap3A_677 = arith.index_cast %add3A_672 : i32 to index
        %swap3A_678 = arith.constant 0 : index
        %swap3A_679 = tpu.vector_load %arg11[%swap3A_677, %swap3A_678] {strides = array<i32>} : memref<160x64xf32, #tpu.memory_space<vmem>>, vector<16xf32>,
        tpu.vector_store %arg11[%swap3A_677, %swap3A_678], %mul3A_676 {strides = array<i32>} : memref<160x64xf32, #tpu.memory_space<vmem>>, vector<16xf32>,
        %mul3A_680 = arith.constant 80 : i32
        %mul3A_681 = arith.muli %and3A_341, %mul3A_680 : i32
        %add3A_682 = arith.addi %mul3A_681, %add3A_660 : i32
        %get3A_683 = arith.index_cast %add3A_682 : i32 to index
        %get3A_684 = arith.constant 16 : index
        %get3A_685 = tpu.vector_load %arg11[%get3A_683, %get3A_684] {strides = array<i32>} : memref<160x64xf32, #tpu.memory_space<vmem>>, vector<16xf32>,
        %mul3A_686 = arith.mulf %get3A_685, %gather3A_669 : vector<16xf32>
        %swap3A_687 = arith.index_cast %add3A_682 : i32 to index
        %swap3A_688 = arith.constant 16 : index
        %swap3A_689 = tpu.vector_load %arg11[%swap3A_687, %swap3A_688] {strides = array<i32>} : memref<160x64xf32, #tpu.memory_space<vmem>>, vector<16xf32>,
        tpu.vector_store %arg11[%swap3A_687, %swap3A_688], %mul3A_686 {strides = array<i32>} : memref<160x64xf32, #tpu.memory_space<vmem>>, vector<16xf32>,
        %mul3A_690 = arith.constant 80 : i32
        %mul3A_691 = arith.muli %and3A_341, %mul3A_690 : i32
        %add3A_692 = arith.addi %mul3A_691, %add3A_660 : i32
        %get3A_693 = arith.index_cast %add3A_692 : i32 to index
        %get3A_694 = arith.constant 32 : index
        %get3A_695 = tpu.vector_load %arg11[%get3A_693, %get3A_694] {strides = array<i32>} : memref<160x64xf32, #tpu.memory_space<vmem>>, vector<16xf32>,
        %mul3A_696 = arith.mulf %get3A_695, %gather3A_669 : vector<16xf32>
        %swap3A_697 = arith.index_cast %add3A_692 : i32 to index
        %swap3A_698 = arith.constant 32 : index
        %swap3A_699 = tpu.vector_load %arg11[%swap3A_697, %swap3A_698] {strides = array<i32>} : memref<160x64xf32, #tpu.memory_space<vmem>>, vector<16xf32>,
        tpu.vector_store %arg11[%swap3A_697, %swap3A_698], %mul3A_696 {strides = array<i32>} : memref<160x64xf32, #tpu.memory_space<vmem>>, vector<16xf32>,
        %mul3A_700 = arith.constant 80 : i32
        %mul3A_701 = arith.muli %and3A_341, %mul3A_700 : i32
        %add3A_702 = arith.addi %mul3A_701, %add3A_660 : i32
        %get3A_703 = arith.index_cast %add3A_702 : i32 to index
        %get3A_704 = arith.constant 48 : index
        %get3A_705 = tpu.vector_load %arg11[%get3A_703, %get3A_704] {strides = array<i32>} : memref<160x64xf32, #tpu.memory_space<vmem>>, vector<16xf32>,
        %mul3A_706 = arith.mulf %get3A_705, %gather3A_669 : vector<16xf32>
        %swap3A_707 = arith.index_cast %add3A_702 : i32 to index
        %swap3A_708 = arith.constant 48 : index
        %swap3A_709 = tpu.vector_load %arg11[%swap3A_707, %swap3A_708] {strides = array<i32>} : memref<160x64xf32, #tpu.memory_space<vmem>>, vector<16xf32>,
        tpu.vector_store %arg11[%swap3A_707, %swap3A_708], %mul3A_706 {strides = array<i32>} : memref<160x64xf32, #tpu.memory_space<vmem>>, vector<16xf32>,
        %mul3A_710 = arith.constant 16 : i32
        %mul3A_711 = arith.muli %scan3A_393, %mul3A_710 : i32
        %add3A_712 = arith.constant 6 : i32
        %add3A_713 = arith.addi %mul3A_711, %add3A_712 : i32
        %broadcast_in_dim3A_714 = arith.constant 0 : i32
        %broadcast_in_dim3A_715 = vector.broadcast %broadcast_in_dim3A_714 : i32 to vector<16xi32>
        %add3A_716 = vector.broadcast %and3A_341 : i32 to vector<16xi32>
        %add3A_717 = arith.addi %broadcast_in_dim3A_715, %add3A_716 : vector<16xi32>
        %broadcast_in_dim3A_718 = arith.constant 0 : i32
        %broadcast_in_dim3A_719 = vector.broadcast %broadcast_in_dim3A_718 : i32 to vector<16xi32>
        %add3A_720 = vector.broadcast %add3A_713 : i32 to vector<16xi32>
        %add3A_721 = arith.addi %broadcast_in_dim3A_719, %add3A_720 : vector<16xi32>
        %gather3A_722 = tpu.vector_load_idx %arg10[%add3A_717, %add3A_721] : memref<2x80xf32, #tpu.memory_space<vmem>>[vector<16xi32>, vector<16xi32>], vector<16xf32>,
        %mul3A_723 = arith.constant 80 : i32
        %mul3A_724 = arith.muli %and3A_341, %mul3A_723 : i32
        %add3A_725 = arith.addi %mul3A_724, %add3A_713 : i32
        %get3A_726 = arith.index_cast %add3A_725 : i32 to index
        %get3A_727 = arith.constant 0 : index
        %get3A_728 = tpu.vector_load %arg11[%get3A_726, %get3A_727] {strides = array<i32>} : memref<160x64xf32, #tpu.memory_space<vmem>>, vector<16xf32>,
        %mul3A_729 = arith.mulf %get3A_728, %gather3A_722 : vector<16xf32>
        %swap3A_730 = arith.index_cast %add3A_725 : i32 to index
        %swap3A_731 = arith.constant 0 : index
        %swap3A_732 = tpu.vector_load %arg11[%swap3A_730, %swap3A_731] {strides = array<i32>} : memref<160x64xf32, #tpu.memory_space<vmem>>, vector<16xf32>,
        tpu.vector_store %arg11[%swap3A_730, %swap3A_731], %mul3A_729 {strides = array<i32>} : memref<160x64xf32, #tpu.memory_space<vmem>>, vector<16xf32>,
        %mul3A_733 = arith.constant 80 : i32
        %mul3A_734 = arith.muli %and3A_341, %mul3A_733 : i32
        %add3A_735 = arith.addi %mul3A_734, %add3A_713 : i32
        %get3A_736 = arith.index_cast %add3A_735 : i32 to index
        %get3A_737 = arith.constant 16 : index
        %get3A_738 = tpu.vector_load %arg11[%get3A_736, %get3A_737] {strides = array<i32>} : memref<160x64xf32, #tpu.memory_space<vmem>>, vector<16xf32>,
        %mul3A_739 = arith.mulf %get3A_738, %gather3A_722 : vector<16xf32>
        %swap3A_740 = arith.index_cast %add3A_735 : i32 to index
        %swap3A_741 = arith.constant 16 : index
        %swap3A_742 = tpu.vector_load %arg11[%swap3A_740, %swap3A_741] {strides = array<i32>} : memref<160x64xf32, #tpu.memory_space<vmem>>, vector<16xf32>,
        tpu.vector_store %arg11[%swap3A_740, %swap3A_741], %mul3A_739 {strides = array<i32>} : memref<160x64xf32, #tpu.memory_space<vmem>>, vector<16xf32>,
        %mul3A_743 = arith.constant 80 : i32
        %mul3A_744 = arith.muli %and3A_341, %mul3A_743 : i32
        %add3A_745 = arith.addi %mul3A_744, %add3A_713 : i32
        %get3A_746 = arith.index_cast %add3A_745 : i32 to index
        %get3A_747 = arith.constant 32 : index
        %get3A_748 = tpu.vector_load %arg11[%get3A_746, %get3A_747] {strides = array<i32>} : memref<160x64xf32, #tpu.memory_space<vmem>>, vector<16xf32>,
        %mul3A_749 = arith.mulf %get3A_748, %gather3A_722 : vector<16xf32>
        %swap3A_750 = arith.index_cast %add3A_745 : i32 to index
        %swap3A_751 = arith.constant 32 : index
        %swap3A_752 = tpu.vector_load %arg11[%swap3A_750, %swap3A_751] {strides = array<i32>} : memref<160x64xf32, #tpu.memory_space<vmem>>, vector<16xf32>,
        tpu.vector_store %arg11[%swap3A_750, %swap3A_751], %mul3A_749 {strides = array<i32>} : memref<160x64xf32, #tpu.memory_space<vmem>>, vector<16xf32>,
        %mul3A_753 = arith.constant 80 : i32
        %mul3A_754 = arith.muli %and3A_341, %mul3A_753 : i32
        %add3A_755 = arith.addi %mul3A_754, %add3A_713 : i32
        %get3A_756 = arith.index_cast %add3A_755 : i32 to index
        %get3A_757 = arith.constant 48 : index
        %get3A_758 = tpu.vector_load %arg11[%get3A_756, %get3A_757] {strides = array<i32>} : memref<160x64xf32, #tpu.memory_space<vmem>>, vector<16xf32>,
        %mul3A_759 = arith.mulf %get3A_758, %gather3A_722 : vector<16xf32>
        %swap3A_760 = arith.index_cast %add3A_755 : i32 to index
        %swap3A_761 = arith.constant 48 : index
        %swap3A_762 = tpu.vector_load %arg11[%swap3A_760, %swap3A_761] {strides = array<i32>} : memref<160x64xf32, #tpu.memory_space<vmem>>, vector<16xf32>,
        tpu.vector_store %arg11[%swap3A_760, %swap3A_761], %mul3A_759 {strides = array<i32>} : memref<160x64xf32, #tpu.memory_space<vmem>>, vector<16xf32>,
        %mul3A_763 = arith.constant 16 : i32
        %mul3A_764 = arith.muli %scan3A_393, %mul3A_763 : i32
        %add3A_765 = arith.constant 7 : i32
        %add3A_766 = arith.addi %mul3A_764, %add3A_765 : i32
        %broadcast_in_dim3A_767 = arith.constant 0 : i32
        %broadcast_in_dim3A_768 = vector.broadcast %broadcast_in_dim3A_767 : i32 to vector<16xi32>
        %add3A_769 = vector.broadcast %and3A_341 : i32 to vector<16xi32>
        %add3A_770 = arith.addi %broadcast_in_dim3A_768, %add3A_769 : vector<16xi32>
        %broadcast_in_dim3A_771 = arith.constant 0 : i32
        %broadcast_in_dim3A_772 = vector.broadcast %broadcast_in_dim3A_771 : i32 to vector<16xi32>
        %add3A_773 = vector.broadcast %add3A_766 : i32 to vector<16xi32>
        %add3A_774 = arith.addi %broadcast_in_dim3A_772, %add3A_773 : vector<16xi32>
        %gather3A_775 = tpu.vector_load_idx %arg10[%add3A_770, %add3A_774] : memref<2x80xf32, #tpu.memory_space<vmem>>[vector<16xi32>, vector<16xi32>], vector<16xf32>,
        %mul3A_776 = arith.constant 80 : i32
        %mul3A_777 = arith.muli %and3A_341, %mul3A_776 : i32
        %add3A_778 = arith.addi %mul3A_777, %add3A_766 : i32
        %get3A_779 = arith.index_cast %add3A_778 : i32 to index
        %get3A_780 = arith.constant 0 : index
        %get3A_781 = tpu.vector_load %arg11[%get3A_779, %get3A_780] {strides = array<i32>} : memref<160x64xf32, #tpu.memory_space<vmem>>, vector<16xf32>,
        %mul3A_782 = arith.mulf %get3A_781, %gather3A_775 : vector<16xf32>
        %swap3A_783 = arith.index_cast %add3A_778 : i32 to index
        %swap3A_784 = arith.constant 0 : index
        %swap3A_785 = tpu.vector_load %arg11[%swap3A_783, %swap3A_784] {strides = array<i32>} : memref<160x64xf32, #tpu.memory_space<vmem>>, vector<16xf32>,
        tpu.vector_store %arg11[%swap3A_783, %swap3A_784], %mul3A_782 {strides = array<i32>} : memref<160x64xf32, #tpu.memory_space<vmem>>, vector<16xf32>,
        %mul3A_786 = arith.constant 80 : i32
        %mul3A_787 = arith.muli %and3A_341, %mul3A_786 : i32
        %add3A_788 = arith.addi %mul3A_787, %add3A_766 : i32
        %get3A_789 = arith.index_cast %add3A_788 : i32 to index
        %get3A_790 = arith.constant 16 : index
        %get3A_791 = tpu.vector_load %arg11[%get3A_789, %get3A_790] {strides = array<i32>} : memref<160x64xf32, #tpu.memory_space<vmem>>, vector<16xf32>,
        %mul3A_792 = arith.mulf %get3A_791, %gather3A_775 : vector<16xf32>
        %swap3A_793 = arith.index_cast %add3A_788 : i32 to index
        %swap3A_794 = arith.constant 16 : index
        %swap3A_795 = tpu.vector_load %arg11[%swap3A_793, %swap3A_794] {strides = array<i32>} : memref<160x64xf32, #tpu.memory_space<vmem>>, vector<16xf32>,
        tpu.vector_store %arg11[%swap3A_793, %swap3A_794], %mul3A_792 {strides = array<i32>} : memref<160x64xf32, #tpu.memory_space<vmem>>, vector<16xf32>,
        %mul3A_796 = arith.constant 80 : i32
        %mul3A_797 = arith.muli %and3A_341, %mul3A_796 : i32
        %add3A_798 = arith.addi %mul3A_797, %add3A_766 : i32
        %get3A_799 = arith.index_cast %add3A_798 : i32 to index
        %get3A_800 = arith.constant 32 : index
        %get3A_801 = tpu.vector_load %arg11[%get3A_799, %get3A_800] {strides = array<i32>} : memref<160x64xf32, #tpu.memory_space<vmem>>, vector<16xf32>,
        %mul3A_802 = arith.mulf %get3A_801, %gather3A_775 : vector<16xf32>
        %swap3A_803 = arith.index_cast %add3A_798 : i32 to index
        %swap3A_804 = arith.constant 32 : index
        %swap3A_805 = tpu.vector_load %arg11[%swap3A_803, %swap3A_804] {strides = array<i32>} : memref<160x64xf32, #tpu.memory_space<vmem>>, vector<16xf32>,
        tpu.vector_store %arg11[%swap3A_803, %swap3A_804], %mul3A_802 {strides = array<i32>} : memref<160x64xf32, #tpu.memory_space<vmem>>, vector<16xf32>,
        %mul3A_806 = arith.constant 80 : i32
        %mul3A_807 = arith.muli %and3A_341, %mul3A_806 : i32
        %add3A_808 = arith.addi %mul3A_807, %add3A_766 : i32
        %get3A_809 = arith.index_cast %add3A_808 : i32 to index
        %get3A_810 = arith.constant 48 : index
        %get3A_811 = tpu.vector_load %arg11[%get3A_809, %get3A_810] {strides = array<i32>} : memref<160x64xf32, #tpu.memory_space<vmem>>, vector<16xf32>,
        %mul3A_812 = arith.mulf %get3A_811, %gather3A_775 : vector<16xf32>
        %swap3A_813 = arith.index_cast %add3A_808 : i32 to index
        %swap3A_814 = arith.constant 48 : index
        %swap3A_815 = tpu.vector_load %arg11[%swap3A_813, %swap3A_814] {strides = array<i32>} : memref<160x64xf32, #tpu.memory_space<vmem>>, vector<16xf32>,
        tpu.vector_store %arg11[%swap3A_813, %swap3A_814], %mul3A_812 {strides = array<i32>} : memref<160x64xf32, #tpu.memory_space<vmem>>, vector<16xf32>,
        %mul3A_816 = arith.constant 16 : i32
        %mul3A_817 = arith.muli %scan3A_393, %mul3A_816 : i32
        %add3A_818 = arith.constant 8 : i32
        %add3A_819 = arith.addi %mul3A_817, %add3A_818 : i32
        %broadcast_in_dim3A_820 = arith.constant 0 : i32
        %broadcast_in_dim3A_821 = vector.broadcast %broadcast_in_dim3A_820 : i32 to vector<16xi32>
        %add3A_822 = vector.broadcast %and3A_341 : i32 to vector<16xi32>
        %add3A_823 = arith.addi %broadcast_in_dim3A_821, %add3A_822 : vector<16xi32>
        %broadcast_in_dim3A_824 = arith.constant 0 : i32
        %broadcast_in_dim3A_825 = vector.broadcast %broadcast_in_dim3A_824 : i32 to vector<16xi32>
        %add3A_826 = vector.broadcast %add3A_819 : i32 to vector<16xi32>
        %add3A_827 = arith.addi %broadcast_in_dim3A_825, %add3A_826 : vector<16xi32>
        %gather3A_828 = tpu.vector_load_idx %arg10[%add3A_823, %add3A_827] : memref<2x80xf32, #tpu.memory_space<vmem>>[vector<16xi32>, vector<16xi32>], vector<16xf32>,
        %mul3A_829 = arith.constant 80 : i32
        %mul3A_830 = arith.muli %and3A_341, %mul3A_829 : i32
        %add3A_831 = arith.addi %mul3A_830, %add3A_819 : i32
        %get3A_832 = arith.index_cast %add3A_831 : i32 to index
        %get3A_833 = arith.constant 0 : index
        %get3A_834 = tpu.vector_load %arg11[%get3A_832, %get3A_833] {strides = array<i32>} : memref<160x64xf32, #tpu.memory_space<vmem>>, vector<16xf32>,
        %mul3A_835 = arith.mulf %get3A_834, %gather3A_828 : vector<16xf32>
        %swap3A_836 = arith.index_cast %add3A_831 : i32 to index
        %swap3A_837 = arith.constant 0 : index
        %swap3A_838 = tpu.vector_load %arg11[%swap3A_836, %swap3A_837] {strides = array<i32>} : memref<160x64xf32, #tpu.memory_space<vmem>>, vector<16xf32>,
        tpu.vector_store %arg11[%swap3A_836, %swap3A_837], %mul3A_835 {strides = array<i32>} : memref<160x64xf32, #tpu.memory_space<vmem>>, vector<16xf32>,
        %mul3A_839 = arith.constant 80 : i32
        %mul3A_840 = arith.muli %and3A_341, %mul3A_839 : i32
        %add3A_841 = arith.addi %mul3A_840, %add3A_819 : i32
        %get3A_842 = arith.index_cast %add3A_841 : i32 to index
        %get3A_843 = arith.constant 16 : index
        %get3A_844 = tpu.vector_load %arg11[%get3A_842, %get3A_843] {strides = array<i32>} : memref<160x64xf32, #tpu.memory_space<vmem>>, vector<16xf32>,
        %mul3A_845 = arith.mulf %get3A_844, %gather3A_828 : vector<16xf32>
        %swap3A_846 = arith.index_cast %add3A_841 : i32 to index
        %swap3A_847 = arith.constant 16 : index
        %swap3A_848 = tpu.vector_load %arg11[%swap3A_846, %swap3A_847] {strides = array<i32>} : memref<160x64xf32, #tpu.memory_space<vmem>>, vector<16xf32>,
        tpu.vector_store %arg11[%swap3A_846, %swap3A_847], %mul3A_845 {strides = array<i32>} : memref<160x64xf32, #tpu.memory_space<vmem>>, vector<16xf32>,
        %mul3A_849 = arith.constant 80 : i32
        %mul3A_850 = arith.muli %and3A_341, %mul3A_849 : i32
        %add3A_851 = arith.addi %mul3A_850, %add3A_819 : i32
        %get3A_852 = arith.index_cast %add3A_851 : i32 to index
        %get3A_853 = arith.constant 32 : index
        %get3A_854 = tpu.vector_load %arg11[%get3A_852, %get3A_853] {strides = array<i32>} : memref<160x64xf32, #tpu.memory_space<vmem>>, vector<16xf32>,
        %mul3A_855 = arith.mulf %get3A_854, %gather3A_828 : vector<16xf32>
        %swap3A_856 = arith.index_cast %add3A_851 : i32 to index
        %swap3A_857 = arith.constant 32 : index
        %swap3A_858 = tpu.vector_load %arg11[%swap3A_856, %swap3A_857] {strides = array<i32>} : memref<160x64xf32, #tpu.memory_space<vmem>>, vector<16xf32>,
        tpu.vector_store %arg11[%swap3A_856, %swap3A_857], %mul3A_855 {strides = array<i32>} : memref<160x64xf32, #tpu.memory_space<vmem>>, vector<16xf32>,
        %mul3A_859 = arith.constant 80 : i32
        %mul3A_860 = arith.muli %and3A_341, %mul3A_859 : i32
        %add3A_861 = arith.addi %mul3A_860, %add3A_819 : i32
        %get3A_862 = arith.index_cast %add3A_861 : i32 to index
        %get3A_863 = arith.constant 48 : index
        %get3A_864 = tpu.vector_load %arg11[%get3A_862, %get3A_863] {strides = array<i32>} : memref<160x64xf32, #tpu.memory_space<vmem>>, vector<16xf32>,
        %mul3A_865 = arith.mulf %get3A_864, %gather3A_828 : vector<16xf32>
        %swap3A_866 = arith.index_cast %add3A_861 : i32 to index
        %swap3A_867 = arith.constant 48 : index
        %swap3A_868 = tpu.vector_load %arg11[%swap3A_866, %swap3A_867] {strides = array<i32>} : memref<160x64xf32, #tpu.memory_space<vmem>>, vector<16xf32>,
        tpu.vector_store %arg11[%swap3A_866, %swap3A_867], %mul3A_865 {strides = array<i32>} : memref<160x64xf32, #tpu.memory_space<vmem>>, vector<16xf32>,
        %mul3A_869 = arith.constant 16 : i32
        %mul3A_870 = arith.muli %scan3A_393, %mul3A_869 : i32
        %add3A_871 = arith.constant 9 : i32
        %add3A_872 = arith.addi %mul3A_870, %add3A_871 : i32
        %broadcast_in_dim3A_873 = arith.constant 0 : i32
        %broadcast_in_dim3A_874 = vector.broadcast %broadcast_in_dim3A_873 : i32 to vector<16xi32>
        %add3A_875 = vector.broadcast %and3A_341 : i32 to vector<16xi32>
        %add3A_876 = arith.addi %broadcast_in_dim3A_874, %add3A_875 : vector<16xi32>
        %broadcast_in_dim3A_877 = arith.constant 0 : i32
        %broadcast_in_dim3A_878 = vector.broadcast %broadcast_in_dim3A_877 : i32 to vector<16xi32>
        %add3A_879 = vector.broadcast %add3A_872 : i32 to vector<16xi32>
        %add3A_880 = arith.addi %broadcast_in_dim3A_878, %add3A_879 : vector<16xi32>
        %gather3A_881 = tpu.vector_load_idx %arg10[%add3A_876, %add3A_880] : memref<2x80xf32, #tpu.memory_space<vmem>>[vector<16xi32>, vector<16xi32>], vector<16xf32>,
        %mul3A_882 = arith.constant 80 : i32
        %mul3A_883 = arith.muli %and3A_341, %mul3A_882 : i32
        %add3A_884 = arith.addi %mul3A_883, %add3A_872 : i32
        %get3A_885 = arith.index_cast %add3A_884 : i32 to index
        %get3A_886 = arith.constant 0 : index
        %get3A_887 = tpu.vector_load %arg11[%get3A_885, %get3A_886] {strides = array<i32>} : memref<160x64xf32, #tpu.memory_space<vmem>>, vector<16xf32>,
        %mul3A_888 = arith.mulf %get3A_887, %gather3A_881 : vector<16xf32>
        %swap3A_889 = arith.index_cast %add3A_884 : i32 to index
        %swap3A_890 = arith.constant 0 : index
        %swap3A_891 = tpu.vector_load %arg11[%swap3A_889, %swap3A_890] {strides = array<i32>} : memref<160x64xf32, #tpu.memory_space<vmem>>, vector<16xf32>,
        tpu.vector_store %arg11[%swap3A_889, %swap3A_890], %mul3A_888 {strides = array<i32>} : memref<160x64xf32, #tpu.memory_space<vmem>>, vector<16xf32>,
        %mul3A_892 = arith.constant 80 : i32
        %mul3A_893 = arith.muli %and3A_341, %mul3A_892 : i32
        %add3A_894 = arith.addi %mul3A_893, %add3A_872 : i32
        %get3A_895 = arith.index_cast %add3A_894 : i32 to index
        %get3A_896 = arith.constant 16 : index
        %get3A_897 = tpu.vector_load %arg11[%get3A_895, %get3A_896] {strides = array<i32>} : memref<160x64xf32, #tpu.memory_space<vmem>>, vector<16xf32>,
        %mul3A_898 = arith.mulf %get3A_897, %gather3A_881 : vector<16xf32>
        %swap3A_899 = arith.index_cast %add3A_894 : i32 to index
        %swap3A_900 = arith.constant 16 : index
        %swap3A_901 = tpu.vector_load %arg11[%swap3A_899, %swap3A_900] {strides = array<i32>} : memref<160x64xf32, #tpu.memory_space<vmem>>, vector<16xf32>,
        tpu.vector_store %arg11[%swap3A_899, %swap3A_900], %mul3A_898 {strides = array<i32>} : memref<160x64xf32, #tpu.memory_space<vmem>>, vector<16xf32>,
        %mul3A_902 = arith.constant 80 : i32
        %mul3A_903 = arith.muli %and3A_341, %mul3A_902 : i32
        %add3A_904 = arith.addi %mul3A_903, %add3A_872 : i32
        %get3A_905 = arith.index_cast %add3A_904 : i32 to index
        %get3A_906 = arith.constant 32 : index
        %get3A_907 = tpu.vector_load %arg11[%get3A_905, %get3A_906] {strides = array<i32>} : memref<160x64xf32, #tpu.memory_space<vmem>>, vector<16xf32>,
        %mul3A_908 = arith.mulf %get3A_907, %gather3A_881 : vector<16xf32>
        %swap3A_909 = arith.index_cast %add3A_904 : i32 to index
        %swap3A_910 = arith.constant 32 : index
        %swap3A_911 = tpu.vector_load %arg11[%swap3A_909, %swap3A_910] {strides = array<i32>} : memref<160x64xf32, #tpu.memory_space<vmem>>, vector<16xf32>,
        tpu.vector_store %arg11[%swap3A_909, %swap3A_910], %mul3A_908 {strides = array<i32>} : memref<160x64xf32, #tpu.memory_space<vmem>>, vector<16xf32>,
        %mul3A_912 = arith.constant 80 : i32
        %mul3A_913 = arith.muli %and3A_341, %mul3A_912 : i32
        %add3A_914 = arith.addi %mul3A_913, %add3A_872 : i32
        %get3A_915 = arith.index_cast %add3A_914 : i32 to index
        %get3A_916 = arith.constant 48 : index
        %get3A_917 = tpu.vector_load %arg11[%get3A_915, %get3A_916] {strides = array<i32>} : memref<160x64xf32, #tpu.memory_space<vmem>>, vector<16xf32>,
        %mul3A_918 = arith.mulf %get3A_917, %gather3A_881 : vector<16xf32>
        %swap3A_919 = arith.index_cast %add3A_914 : i32 to index
        %swap3A_920 = arith.constant 48 : index
        %swap3A_921 = tpu.vector_load %arg11[%swap3A_919, %swap3A_920] {strides = array<i32>} : memref<160x64xf32, #tpu.memory_space<vmem>>, vector<16xf32>,
        tpu.vector_store %arg11[%swap3A_919, %swap3A_920], %mul3A_918 {strides = array<i32>} : memref<160x64xf32, #tpu.memory_space<vmem>>, vector<16xf32>,
        %mul3A_922 = arith.constant 16 : i32
        %mul3A_923 = arith.muli %scan3A_393, %mul3A_922 : i32
        %add3A_924 = arith.constant 10 : i32
        %add3A_925 = arith.addi %mul3A_923, %add3A_924 : i32
        %broadcast_in_dim3A_926 = arith.constant 0 : i32
        %broadcast_in_dim3A_927 = vector.broadcast %broadcast_in_dim3A_926 : i32 to vector<16xi32>
        %add3A_928 = vector.broadcast %and3A_341 : i32 to vector<16xi32>
        %add3A_929 = arith.addi %broadcast_in_dim3A_927, %add3A_928 : vector<16xi32>
        %broadcast_in_dim3A_930 = arith.constant 0 : i32
        %broadcast_in_dim3A_931 = vector.broadcast %broadcast_in_dim3A_930 : i32 to vector<16xi32>
        %add3A_932 = vector.broadcast %add3A_925 : i32 to vector<16xi32>
        %add3A_933 = arith.addi %broadcast_in_dim3A_931, %add3A_932 : vector<16xi32>
        %gather3A_934 = tpu.vector_load_idx %arg10[%add3A_929, %add3A_933] : memref<2x80xf32, #tpu.memory_space<vmem>>[vector<16xi32>, vector<16xi32>], vector<16xf32>,
        %mul3A_935 = arith.constant 80 : i32
        %mul3A_936 = arith.muli %and3A_341, %mul3A_935 : i32
        %add3A_937 = arith.addi %mul3A_936, %add3A_925 : i32
        %get3A_938 = arith.index_cast %add3A_937 : i32 to index
        %get3A_939 = arith.constant 0 : index
        %get3A_940 = tpu.vector_load %arg11[%get3A_938, %get3A_939] {strides = array<i32>} : memref<160x64xf32, #tpu.memory_space<vmem>>, vector<16xf32>,
        %mul3A_941 = arith.mulf %get3A_940, %gather3A_934 : vector<16xf32>
        %swap3A_942 = arith.index_cast %add3A_937 : i32 to index
        %swap3A_943 = arith.constant 0 : index
        %swap3A_944 = tpu.vector_load %arg11[%swap3A_942, %swap3A_943] {strides = array<i32>} : memref<160x64xf32, #tpu.memory_space<vmem>>, vector<16xf32>,
        tpu.vector_store %arg11[%swap3A_942, %swap3A_943], %mul3A_941 {strides = array<i32>} : memref<160x64xf32, #tpu.memory_space<vmem>>, vector<16xf32>,
        %mul3A_945 = arith.constant 80 : i32
        %mul3A_946 = arith.muli %and3A_341, %mul3A_945 : i32
        %add3A_947 = arith.addi %mul3A_946, %add3A_925 : i32
        %get3A_948 = arith.index_cast %add3A_947 : i32 to index
        %get3A_949 = arith.constant 16 : index
        %get3A_950 = tpu.vector_load %arg11[%get3A_948, %get3A_949] {strides = array<i32>} : memref<160x64xf32, #tpu.memory_space<vmem>>, vector<16xf32>,
        %mul3A_951 = arith.mulf %get3A_950, %gather3A_934 : vector<16xf32>
        %swap3A_952 = arith.index_cast %add3A_947 : i32 to index
        %swap3A_953 = arith.constant 16 : index
        %swap3A_954 = tpu.vector_load %arg11[%swap3A_952, %swap3A_953] {strides = array<i32>} : memref<160x64xf32, #tpu.memory_space<vmem>>, vector<16xf32>,
        tpu.vector_store %arg11[%swap3A_952, %swap3A_953], %mul3A_951 {strides = array<i32>} : memref<160x64xf32, #tpu.memory_space<vmem>>, vector<16xf32>,
        %mul3A_955 = arith.constant 80 : i32
        %mul3A_956 = arith.muli %and3A_341, %mul3A_955 : i32
        %add3A_957 = arith.addi %mul3A_956, %add3A_925 : i32
        %get3A_958 = arith.index_cast %add3A_957 : i32 to index
        %get3A_959 = arith.constant 32 : index
        %get3A_960 = tpu.vector_load %arg11[%get3A_958, %get3A_959] {strides = array<i32>} : memref<160x64xf32, #tpu.memory_space<vmem>>, vector<16xf32>,
        %mul3A_961 = arith.mulf %get3A_960, %gather3A_934 : vector<16xf32>
        %swap3A_962 = arith.index_cast %add3A_957 : i32 to index
        %swap3A_963 = arith.constant 32 : index
        %swap3A_964 = tpu.vector_load %arg11[%swap3A_962, %swap3A_963] {strides = array<i32>} : memref<160x64xf32, #tpu.memory_space<vmem>>, vector<16xf32>,
        tpu.vector_store %arg11[%swap3A_962, %swap3A_963], %mul3A_961 {strides = array<i32>} : memref<160x64xf32, #tpu.memory_space<vmem>>, vector<16xf32>,
        %mul3A_965 = arith.constant 80 : i32
        %mul3A_966 = arith.muli %and3A_341, %mul3A_965 : i32
        %add3A_967 = arith.addi %mul3A_966, %add3A_925 : i32
        %get3A_968 = arith.index_cast %add3A_967 : i32 to index
        %get3A_969 = arith.constant 48 : index
        %get3A_970 = tpu.vector_load %arg11[%get3A_968, %get3A_969] {strides = array<i32>} : memref<160x64xf32, #tpu.memory_space<vmem>>, vector<16xf32>,
        %mul3A_971 = arith.mulf %get3A_970, %gather3A_934 : vector<16xf32>
        %swap3A_972 = arith.index_cast %add3A_967 : i32 to index
        %swap3A_973 = arith.constant 48 : index
        %swap3A_974 = tpu.vector_load %arg11[%swap3A_972, %swap3A_973] {strides = array<i32>} : memref<160x64xf32, #tpu.memory_space<vmem>>, vector<16xf32>,
        tpu.vector_store %arg11[%swap3A_972, %swap3A_973], %mul3A_971 {strides = array<i32>} : memref<160x64xf32, #tpu.memory_space<vmem>>, vector<16xf32>,
        %mul3A_975 = arith.constant 16 : i32
        %mul3A_976 = arith.muli %scan3A_393, %mul3A_975 : i32
        %add3A_977 = arith.constant 11 : i32
        %add3A_978 = arith.addi %mul3A_976, %add3A_977 : i32
        %broadcast_in_dim3A_979 = arith.constant 0 : i32
        %broadcast_in_dim3A_980 = vector.broadcast %broadcast_in_dim3A_979 : i32 to vector<16xi32>
        %add3A_981 = vector.broadcast %and3A_341 : i32 to vector<16xi32>
        %add3A_982 = arith.addi %broadcast_in_dim3A_980, %add3A_981 : vector<16xi32>
        %broadcast_in_dim3A_983 = arith.constant 0 : i32
        %broadcast_in_dim3A_984 = vector.broadcast %broadcast_in_dim3A_983 : i32 to vector<16xi32>
        %add3A_985 = vector.broadcast %add3A_978 : i32 to vector<16xi32>
        %add3A_986 = arith.addi %broadcast_in_dim3A_984, %add3A_985 : vector<16xi32>
        %gather3A_987 = tpu.vector_load_idx %arg10[%add3A_982, %add3A_986] : memref<2x80xf32, #tpu.memory_space<vmem>>[vector<16xi32>, vector<16xi32>], vector<16xf32>,
        %mul3A_988 = arith.constant 80 : i32
        %mul3A_989 = arith.muli %and3A_341, %mul3A_988 : i32
        %add3A_990 = arith.addi %mul3A_989, %add3A_978 : i32
        %get3A_991 = arith.index_cast %add3A_990 : i32 to index
        %get3A_992 = arith.constant 0 : index
        %get3A_993 = tpu.vector_load %arg11[%get3A_991, %get3A_992] {strides = array<i32>} : memref<160x64xf32, #tpu.memory_space<vmem>>, vector<16xf32>,
        %mul3A_994 = arith.mulf %get3A_993, %gather3A_987 : vector<16xf32>
        %swap3A_995 = arith.index_cast %add3A_990 : i32 to index
        %swap3A_996 = arith.constant 0 : index
        %swap3A_997 = tpu.vector_load %arg11[%swap3A_995, %swap3A_996] {strides = array<i32>} : memref<160x64xf32, #tpu.memory_space<vmem>>, vector<16xf32>,
        tpu.vector_store %arg11[%swap3A_995, %swap3A_996], %mul3A_994 {strides = array<i32>} : memref<160x64xf32, #tpu.memory_space<vmem>>, vector<16xf32>,
        %mul3A_998 = arith.constant 80 : i32
        %mul3A_999 = arith.muli %and3A_341, %mul3A_998 : i32
        %add3A_1000 = arith.addi %mul3A_999, %add3A_978 : i32
        %get3A_1001 = arith.index_cast %add3A_1000 : i32 to index
        %get3A_1002 = arith.constant 16 : index
        %get3A_1003 = tpu.vector_load %arg11[%get3A_1001, %get3A_1002] {strides = array<i32>} : memref<160x64xf32, #tpu.memory_space<vmem>>, vector<16xf32>,
        %mul3A_1004 = arith.mulf %get3A_1003, %gather3A_987 : vector<16xf32>
        %swap3A_1005 = arith.index_cast %add3A_1000 : i32 to index
        %swap3A_1006 = arith.constant 16 : index
        %swap3A_1007 = tpu.vector_load %arg11[%swap3A_1005, %swap3A_1006] {strides = array<i32>} : memref<160x64xf32, #tpu.memory_space<vmem>>, vector<16xf32>,
        tpu.vector_store %arg11[%swap3A_1005, %swap3A_1006], %mul3A_1004 {strides = array<i32>} : memref<160x64xf32, #tpu.memory_space<vmem>>, vector<16xf32>,
        %mul3A_1008 = arith.constant 80 : i32
        %mul3A_1009 = arith.muli %and3A_341, %mul3A_1008 : i32
        %add3A_1010 = arith.addi %mul3A_1009, %add3A_978 : i32
        %get3A_1011 = arith.index_cast %add3A_1010 : i32 to index
        %get3A_1012 = arith.constant 32 : index
        %get3A_1013 = tpu.vector_load %arg11[%get3A_1011, %get3A_1012] {strides = array<i32>} : memref<160x64xf32, #tpu.memory_space<vmem>>, vector<16xf32>,
        %mul3A_1014 = arith.mulf %get3A_1013, %gather3A_987 : vector<16xf32>
        %swap3A_1015 = arith.index_cast %add3A_1010 : i32 to index
        %swap3A_1016 = arith.constant 32 : index
        %swap3A_1017 = tpu.vector_load %arg11[%swap3A_1015, %swap3A_1016] {strides = array<i32>} : memref<160x64xf32, #tpu.memory_space<vmem>>, vector<16xf32>,
        tpu.vector_store %arg11[%swap3A_1015, %swap3A_1016], %mul3A_1014 {strides = array<i32>} : memref<160x64xf32, #tpu.memory_space<vmem>>, vector<16xf32>,
        %mul3A_1018 = arith.constant 80 : i32
        %mul3A_1019 = arith.muli %and3A_341, %mul3A_1018 : i32
        %add3A_1020 = arith.addi %mul3A_1019, %add3A_978 : i32
        %get3A_1021 = arith.index_cast %add3A_1020 : i32 to index
        %get3A_1022 = arith.constant 48 : index
        %get3A_1023 = tpu.vector_load %arg11[%get3A_1021, %get3A_1022] {strides = array<i32>} : memref<160x64xf32, #tpu.memory_space<vmem>>, vector<16xf32>,
        %mul3A_1024 = arith.mulf %get3A_1023, %gather3A_987 : vector<16xf32>
        %swap3A_1025 = arith.index_cast %add3A_1020 : i32 to index
        %swap3A_1026 = arith.constant 48 : index
        %swap3A_1027 = tpu.vector_load %arg11[%swap3A_1025, %swap3A_1026] {strides = array<i32>} : memref<160x64xf32, #tpu.memory_space<vmem>>, vector<16xf32>,
        tpu.vector_store %arg11[%swap3A_1025, %swap3A_1026], %mul3A_1024 {strides = array<i32>} : memref<160x64xf32, #tpu.memory_space<vmem>>, vector<16xf32>,
        %mul3A_1028 = arith.constant 16 : i32
        %mul3A_1029 = arith.muli %scan3A_393, %mul3A_1028 : i32
        %add3A_1030 = arith.constant 12 : i32
        %add3A_1031 = arith.addi %mul3A_1029, %add3A_1030 : i32
        %broadcast_in_dim3A_1032 = arith.constant 0 : i32
        %broadcast_in_dim3A_1033 = vector.broadcast %broadcast_in_dim3A_1032 : i32 to vector<16xi32>
        %add3A_1034 = vector.broadcast %and3A_341 : i32 to vector<16xi32>
        %add3A_1035 = arith.addi %broadcast_in_dim3A_1033, %add3A_1034 : vector<16xi32>
        %broadcast_in_dim3A_1036 = arith.constant 0 : i32
        %broadcast_in_dim3A_1037 = vector.broadcast %broadcast_in_dim3A_1036 : i32 to vector<16xi32>
        %add3A_1038 = vector.broadcast %add3A_1031 : i32 to vector<16xi32>
        %add3A_1039 = arith.addi %broadcast_in_dim3A_1037, %add3A_1038 : vector<16xi32>
        %gather3A_1040 = tpu.vector_load_idx %arg10[%add3A_1035, %add3A_1039] : memref<2x80xf32, #tpu.memory_space<vmem>>[vector<16xi32>, vector<16xi32>], vector<16xf32>,
        %mul3A_1041 = arith.constant 80 : i32
        %mul3A_1042 = arith.muli %and3A_341, %mul3A_1041 : i32
        %add3A_1043 = arith.addi %mul3A_1042, %add3A_1031 : i32
        %get3A_1044 = arith.index_cast %add3A_1043 : i32 to index
        %get3A_1045 = arith.constant 0 : index
        %get3A_1046 = tpu.vector_load %arg11[%get3A_1044, %get3A_1045] {strides = array<i32>} : memref<160x64xf32, #tpu.memory_space<vmem>>, vector<16xf32>,
        %mul3A_1047 = arith.mulf %get3A_1046, %gather3A_1040 : vector<16xf32>
        %swap3A_1048 = arith.index_cast %add3A_1043 : i32 to index
        %swap3A_1049 = arith.constant 0 : index
        %swap3A_1050 = tpu.vector_load %arg11[%swap3A_1048, %swap3A_1049] {strides = array<i32>} : memref<160x64xf32, #tpu.memory_space<vmem>>, vector<16xf32>,
        tpu.vector_store %arg11[%swap3A_1048, %swap3A_1049], %mul3A_1047 {strides = array<i32>} : memref<160x64xf32, #tpu.memory_space<vmem>>, vector<16xf32>,
        %mul3A_1051 = arith.constant 80 : i32
        %mul3A_1052 = arith.muli %and3A_341, %mul3A_1051 : i32
        %add3A_1053 = arith.addi %mul3A_1052, %add3A_1031 : i32
        %get3A_1054 = arith.index_cast %add3A_1053 : i32 to index
        %get3A_1055 = arith.constant 16 : index
        %get3A_1056 = tpu.vector_load %arg11[%get3A_1054, %get3A_1055] {strides = array<i32>} : memref<160x64xf32, #tpu.memory_space<vmem>>, vector<16xf32>,
        %mul3A_1057 = arith.mulf %get3A_1056, %gather3A_1040 : vector<16xf32>
        %swap3A_1058 = arith.index_cast %add3A_1053 : i32 to index
        %swap3A_1059 = arith.constant 16 : index
        %swap3A_1060 = tpu.vector_load %arg11[%swap3A_1058, %swap3A_1059] {strides = array<i32>} : memref<160x64xf32, #tpu.memory_space<vmem>>, vector<16xf32>,
        tpu.vector_store %arg11[%swap3A_1058, %swap3A_1059], %mul3A_1057 {strides = array<i32>} : memref<160x64xf32, #tpu.memory_space<vmem>>, vector<16xf32>,
        %mul3A_1061 = arith.constant 80 : i32
        %mul3A_1062 = arith.muli %and3A_341, %mul3A_1061 : i32
        %add3A_1063 = arith.addi %mul3A_1062, %add3A_1031 : i32
        %get3A_1064 = arith.index_cast %add3A_1063 : i32 to index
        %get3A_1065 = arith.constant 32 : index
        %get3A_1066 = tpu.vector_load %arg11[%get3A_1064, %get3A_1065] {strides = array<i32>} : memref<160x64xf32, #tpu.memory_space<vmem>>, vector<16xf32>,
        %mul3A_1067 = arith.mulf %get3A_1066, %gather3A_1040 : vector<16xf32>
        %swap3A_1068 = arith.index_cast %add3A_1063 : i32 to index
        %swap3A_1069 = arith.constant 32 : index
        %swap3A_1070 = tpu.vector_load %arg11[%swap3A_1068, %swap3A_1069] {strides = array<i32>} : memref<160x64xf32, #tpu.memory_space<vmem>>, vector<16xf32>,
        tpu.vector_store %arg11[%swap3A_1068, %swap3A_1069], %mul3A_1067 {strides = array<i32>} : memref<160x64xf32, #tpu.memory_space<vmem>>, vector<16xf32>,
        %mul3A_1071 = arith.constant 80 : i32
        %mul3A_1072 = arith.muli %and3A_341, %mul3A_1071 : i32
        %add3A_1073 = arith.addi %mul3A_1072, %add3A_1031 : i32
        %get3A_1074 = arith.index_cast %add3A_1073 : i32 to index
        %get3A_1075 = arith.constant 48 : index
        %get3A_1076 = tpu.vector_load %arg11[%get3A_1074, %get3A_1075] {strides = array<i32>} : memref<160x64xf32, #tpu.memory_space<vmem>>, vector<16xf32>,
        %mul3A_1077 = arith.mulf %get3A_1076, %gather3A_1040 : vector<16xf32>
        %swap3A_1078 = arith.index_cast %add3A_1073 : i32 to index
        %swap3A_1079 = arith.constant 48 : index
        %swap3A_1080 = tpu.vector_load %arg11[%swap3A_1078, %swap3A_1079] {strides = array<i32>} : memref<160x64xf32, #tpu.memory_space<vmem>>, vector<16xf32>,
        tpu.vector_store %arg11[%swap3A_1078, %swap3A_1079], %mul3A_1077 {strides = array<i32>} : memref<160x64xf32, #tpu.memory_space<vmem>>, vector<16xf32>,
        %mul3A_1081 = arith.constant 16 : i32
        %mul3A_1082 = arith.muli %scan3A_393, %mul3A_1081 : i32
        %add3A_1083 = arith.constant 13 : i32
        %add3A_1084 = arith.addi %mul3A_1082, %add3A_1083 : i32
        %broadcast_in_dim3A_1085 = arith.constant 0 : i32
        %broadcast_in_dim3A_1086 = vector.broadcast %broadcast_in_dim3A_1085 : i32 to vector<16xi32>
        %add3A_1087 = vector.broadcast %and3A_341 : i32 to vector<16xi32>
        %add3A_1088 = arith.addi %broadcast_in_dim3A_1086, %add3A_1087 : vector<16xi32>
        %broadcast_in_dim3A_1089 = arith.constant 0 : i32
        %broadcast_in_dim3A_1090 = vector.broadcast %broadcast_in_dim3A_1089 : i32 to vector<16xi32>
        %add3A_1091 = vector.broadcast %add3A_1084 : i32 to vector<16xi32>
        %add3A_1092 = arith.addi %broadcast_in_dim3A_1090, %add3A_1091 : vector<16xi32>
        %gather3A_1093 = tpu.vector_load_idx %arg10[%add3A_1088, %add3A_1092] : memref<2x80xf32, #tpu.memory_space<vmem>>[vector<16xi32>, vector<16xi32>], vector<16xf32>,
        %mul3A_1094 = arith.constant 80 : i32
        %mul3A_1095 = arith.muli %and3A_341, %mul3A_1094 : i32
        %add3A_1096 = arith.addi %mul3A_1095, %add3A_1084 : i32
        %get3A_1097 = arith.index_cast %add3A_1096 : i32 to index
        %get3A_1098 = arith.constant 0 : index
        %get3A_1099 = tpu.vector_load %arg11[%get3A_1097, %get3A_1098] {strides = array<i32>} : memref<160x64xf32, #tpu.memory_space<vmem>>, vector<16xf32>,
        %mul3A_1100 = arith.mulf %get3A_1099, %gather3A_1093 : vector<16xf32>
        %swap3A_1101 = arith.index_cast %add3A_1096 : i32 to index
        %swap3A_1102 = arith.constant 0 : index
        %swap3A_1103 = tpu.vector_load %arg11[%swap3A_1101, %swap3A_1102] {strides = array<i32>} : memref<160x64xf32, #tpu.memory_space<vmem>>, vector<16xf32>,
        tpu.vector_store %arg11[%swap3A_1101, %swap3A_1102], %mul3A_1100 {strides = array<i32>} : memref<160x64xf32, #tpu.memory_space<vmem>>, vector<16xf32>,
        %mul3A_1104 = arith.constant 80 : i32
        %mul3A_1105 = arith.muli %and3A_341, %mul3A_1104 : i32
        %add3A_1106 = arith.addi %mul3A_1105, %add3A_1084 : i32
        %get3A_1107 = arith.index_cast %add3A_1106 : i32 to index
        %get3A_1108 = arith.constant 16 : index
        %get3A_1109 = tpu.vector_load %arg11[%get3A_1107, %get3A_1108] {strides = array<i32>} : memref<160x64xf32, #tpu.memory_space<vmem>>, vector<16xf32>,
        %mul3A_1110 = arith.mulf %get3A_1109, %gather3A_1093 : vector<16xf32>
        %swap3A_1111 = arith.index_cast %add3A_1106 : i32 to index
        %swap3A_1112 = arith.constant 16 : index
        %swap3A_1113 = tpu.vector_load %arg11[%swap3A_1111, %swap3A_1112] {strides = array<i32>} : memref<160x64xf32, #tpu.memory_space<vmem>>, vector<16xf32>,
        tpu.vector_store %arg11[%swap3A_1111, %swap3A_1112], %mul3A_1110 {strides = array<i32>} : memref<160x64xf32, #tpu.memory_space<vmem>>, vector<16xf32>,
        %mul3A_1114 = arith.constant 80 : i32
        %mul3A_1115 = arith.muli %and3A_341, %mul3A_1114 : i32
        %add3A_1116 = arith.addi %mul3A_1115, %add3A_1084 : i32
        %get3A_1117 = arith.index_cast %add3A_1116 : i32 to index
        %get3A_1118 = arith.constant 32 : index
        %get3A_1119 = tpu.vector_load %arg11[%get3A_1117, %get3A_1118] {strides = array<i32>} : memref<160x64xf32, #tpu.memory_space<vmem>>, vector<16xf32>,
        %mul3A_1120 = arith.mulf %get3A_1119, %gather3A_1093 : vector<16xf32>
        %swap3A_1121 = arith.index_cast %add3A_1116 : i32 to index
        %swap3A_1122 = arith.constant 32 : index
        %swap3A_1123 = tpu.vector_load %arg11[%swap3A_1121, %swap3A_1122] {strides = array<i32>} : memref<160x64xf32, #tpu.memory_space<vmem>>, vector<16xf32>,
        tpu.vector_store %arg11[%swap3A_1121, %swap3A_1122], %mul3A_1120 {strides = array<i32>} : memref<160x64xf32, #tpu.memory_space<vmem>>, vector<16xf32>,
        %mul3A_1124 = arith.constant 80 : i32
        %mul3A_1125 = arith.muli %and3A_341, %mul3A_1124 : i32
        %add3A_1126 = arith.addi %mul3A_1125, %add3A_1084 : i32
        %get3A_1127 = arith.index_cast %add3A_1126 : i32 to index
        %get3A_1128 = arith.constant 48 : index
        %get3A_1129 = tpu.vector_load %arg11[%get3A_1127, %get3A_1128] {strides = array<i32>} : memref<160x64xf32, #tpu.memory_space<vmem>>, vector<16xf32>,
        %mul3A_1130 = arith.mulf %get3A_1129, %gather3A_1093 : vector<16xf32>
        %swap3A_1131 = arith.index_cast %add3A_1126 : i32 to index
        %swap3A_1132 = arith.constant 48 : index
        %swap3A_1133 = tpu.vector_load %arg11[%swap3A_1131, %swap3A_1132] {strides = array<i32>} : memref<160x64xf32, #tpu.memory_space<vmem>>, vector<16xf32>,
        tpu.vector_store %arg11[%swap3A_1131, %swap3A_1132], %mul3A_1130 {strides = array<i32>} : memref<160x64xf32, #tpu.memory_space<vmem>>, vector<16xf32>,
        %mul3A_1134 = arith.constant 16 : i32
        %mul3A_1135 = arith.muli %scan3A_393, %mul3A_1134 : i32
        %add3A_1136 = arith.constant 14 : i32
        %add3A_1137 = arith.addi %mul3A_1135, %add3A_1136 : i32
        %broadcast_in_dim3A_1138 = arith.constant 0 : i32
        %broadcast_in_dim3A_1139 = vector.broadcast %broadcast_in_dim3A_1138 : i32 to vector<16xi32>
        %add3A_1140 = vector.broadcast %and3A_341 : i32 to vector<16xi32>
        %add3A_1141 = arith.addi %broadcast_in_dim3A_1139, %add3A_1140 : vector<16xi32>
        %broadcast_in_dim3A_1142 = arith.constant 0 : i32
        %broadcast_in_dim3A_1143 = vector.broadcast %broadcast_in_dim3A_1142 : i32 to vector<16xi32>
        %add3A_1144 = vector.broadcast %add3A_1137 : i32 to vector<16xi32>
        %add3A_1145 = arith.addi %broadcast_in_dim3A_1143, %add3A_1144 : vector<16xi32>
        %gather3A_1146 = tpu.vector_load_idx %arg10[%add3A_1141, %add3A_1145] : memref<2x80xf32, #tpu.memory_space<vmem>>[vector<16xi32>, vector<16xi32>], vector<16xf32>,
        %mul3A_1147 = arith.constant 80 : i32
        %mul3A_1148 = arith.muli %and3A_341, %mul3A_1147 : i32
        %add3A_1149 = arith.addi %mul3A_1148, %add3A_1137 : i32
        %get3A_1150 = arith.index_cast %add3A_1149 : i32 to index
        %get3A_1151 = arith.constant 0 : index
        %get3A_1152 = tpu.vector_load %arg11[%get3A_1150, %get3A_1151] {strides = array<i32>} : memref<160x64xf32, #tpu.memory_space<vmem>>, vector<16xf32>,
        %mul3A_1153 = arith.mulf %get3A_1152, %gather3A_1146 : vector<16xf32>
        %swap3A_1154 = arith.index_cast %add3A_1149 : i32 to index
        %swap3A_1155 = arith.constant 0 : index
        %swap3A_1156 = tpu.vector_load %arg11[%swap3A_1154, %swap3A_1155] {strides = array<i32>} : memref<160x64xf32, #tpu.memory_space<vmem>>, vector<16xf32>,
        tpu.vector_store %arg11[%swap3A_1154, %swap3A_1155], %mul3A_1153 {strides = array<i32>} : memref<160x64xf32, #tpu.memory_space<vmem>>, vector<16xf32>,
        %mul3A_1157 = arith.constant 80 : i32
        %mul3A_1158 = arith.muli %and3A_341, %mul3A_1157 : i32
        %add3A_1159 = arith.addi %mul3A_1158, %add3A_1137 : i32
        %get3A_1160 = arith.index_cast %add3A_1159 : i32 to index
        %get3A_1161 = arith.constant 16 : index
        %get3A_1162 = tpu.vector_load %arg11[%get3A_1160, %get3A_1161] {strides = array<i32>} : memref<160x64xf32, #tpu.memory_space<vmem>>, vector<16xf32>,
        %mul3A_1163 = arith.mulf %get3A_1162, %gather3A_1146 : vector<16xf32>
        %swap3A_1164 = arith.index_cast %add3A_1159 : i32 to index
        %swap3A_1165 = arith.constant 16 : index
        %swap3A_1166 = tpu.vector_load %arg11[%swap3A_1164, %swap3A_1165] {strides = array<i32>} : memref<160x64xf32, #tpu.memory_space<vmem>>, vector<16xf32>,
        tpu.vector_store %arg11[%swap3A_1164, %swap3A_1165], %mul3A_1163 {strides = array<i32>} : memref<160x64xf32, #tpu.memory_space<vmem>>, vector<16xf32>,
        %mul3A_1167 = arith.constant 80 : i32
        %mul3A_1168 = arith.muli %and3A_341, %mul3A_1167 : i32
        %add3A_1169 = arith.addi %mul3A_1168, %add3A_1137 : i32
        %get3A_1170 = arith.index_cast %add3A_1169 : i32 to index
        %get3A_1171 = arith.constant 32 : index
        %get3A_1172 = tpu.vector_load %arg11[%get3A_1170, %get3A_1171] {strides = array<i32>} : memref<160x64xf32, #tpu.memory_space<vmem>>, vector<16xf32>,
        %mul3A_1173 = arith.mulf %get3A_1172, %gather3A_1146 : vector<16xf32>
        %swap3A_1174 = arith.index_cast %add3A_1169 : i32 to index
        %swap3A_1175 = arith.constant 32 : index
        %swap3A_1176 = tpu.vector_load %arg11[%swap3A_1174, %swap3A_1175] {strides = array<i32>} : memref<160x64xf32, #tpu.memory_space<vmem>>, vector<16xf32>,
        tpu.vector_store %arg11[%swap3A_1174, %swap3A_1175], %mul3A_1173 {strides = array<i32>} : memref<160x64xf32, #tpu.memory_space<vmem>>, vector<16xf32>,
        %mul3A_1177 = arith.constant 80 : i32
        %mul3A_1178 = arith.muli %and3A_341, %mul3A_1177 : i32
        %add3A_1179 = arith.addi %mul3A_1178, %add3A_1137 : i32
        %get3A_1180 = arith.index_cast %add3A_1179 : i32 to index
        %get3A_1181 = arith.constant 48 : index
        %get3A_1182 = tpu.vector_load %arg11[%get3A_1180, %get3A_1181] {strides = array<i32>} : memref<160x64xf32, #tpu.memory_space<vmem>>, vector<16xf32>,
        %mul3A_1183 = arith.mulf %get3A_1182, %gather3A_1146 : vector<16xf32>
        %swap3A_1184 = arith.index_cast %add3A_1179 : i32 to index
        %swap3A_1185 = arith.constant 48 : index
        %swap3A_1186 = tpu.vector_load %arg11[%swap3A_1184, %swap3A_1185] {strides = array<i32>} : memref<160x64xf32, #tpu.memory_space<vmem>>, vector<16xf32>,
        tpu.vector_store %arg11[%swap3A_1184, %swap3A_1185], %mul3A_1183 {strides = array<i32>} : memref<160x64xf32, #tpu.memory_space<vmem>>, vector<16xf32>,
        %mul3A_1187 = arith.constant 16 : i32
        %mul3A_1188 = arith.muli %scan3A_393, %mul3A_1187 : i32
        %add3A_1189 = arith.constant 15 : i32
        %add3A_1190 = arith.addi %mul3A_1188, %add3A_1189 : i32
        %broadcast_in_dim3A_1191 = arith.constant 0 : i32
        %broadcast_in_dim3A_1192 = vector.broadcast %broadcast_in_dim3A_1191 : i32 to vector<16xi32>
        %add3A_1193 = vector.broadcast %and3A_341 : i32 to vector<16xi32>
        %add3A_1194 = arith.addi %broadcast_in_dim3A_1192, %add3A_1193 : vector<16xi32>
        %broadcast_in_dim3A_1195 = arith.constant 0 : i32
        %broadcast_in_dim3A_1196 = vector.broadcast %broadcast_in_dim3A_1195 : i32 to vector<16xi32>
        %add3A_1197 = vector.broadcast %add3A_1190 : i32 to vector<16xi32>
        %add3A_1198 = arith.addi %broadcast_in_dim3A_1196, %add3A_1197 : vector<16xi32>
        %gather3A_1199 = tpu.vector_load_idx %arg10[%add3A_1194, %add3A_1198] : memref<2x80xf32, #tpu.memory_space<vmem>>[vector<16xi32>, vector<16xi32>], vector<16xf32>,
        %mul3A_1200 = arith.constant 80 : i32
        %mul3A_1201 = arith.muli %and3A_341, %mul3A_1200 : i32
        %add3A_1202 = arith.addi %mul3A_1201, %add3A_1190 : i32
        %get3A_1203 = arith.index_cast %add3A_1202 : i32 to index
        %get3A_1204 = arith.constant 0 : index
        %get3A_1205 = tpu.vector_load %arg11[%get3A_1203, %get3A_1204] {strides = array<i32>} : memref<160x64xf32, #tpu.memory_space<vmem>>, vector<16xf32>,
        %mul3A_1206 = arith.mulf %get3A_1205, %gather3A_1199 : vector<16xf32>
        %swap3A_1207 = arith.index_cast %add3A_1202 : i32 to index
        %swap3A_1208 = arith.constant 0 : index
        %swap3A_1209 = tpu.vector_load %arg11[%swap3A_1207, %swap3A_1208] {strides = array<i32>} : memref<160x64xf32, #tpu.memory_space<vmem>>, vector<16xf32>,
        tpu.vector_store %arg11[%swap3A_1207, %swap3A_1208], %mul3A_1206 {strides = array<i32>} : memref<160x64xf32, #tpu.memory_space<vmem>>, vector<16xf32>,
        %mul3A_1210 = arith.constant 80 : i32
        %mul3A_1211 = arith.muli %and3A_341, %mul3A_1210 : i32
        %add3A_1212 = arith.addi %mul3A_1211, %add3A_1190 : i32
        %get3A_1213 = arith.index_cast %add3A_1212 : i32 to index
        %get3A_1214 = arith.constant 16 : index
        %get3A_1215 = tpu.vector_load %arg11[%get3A_1213, %get3A_1214] {strides = array<i32>} : memref<160x64xf32, #tpu.memory_space<vmem>>, vector<16xf32>,
        %mul3A_1216 = arith.mulf %get3A_1215, %gather3A_1199 : vector<16xf32>
        %swap3A_1217 = arith.index_cast %add3A_1212 : i32 to index
        %swap3A_1218 = arith.constant 16 : index
        %swap3A_1219 = tpu.vector_load %arg11[%swap3A_1217, %swap3A_1218] {strides = array<i32>} : memref<160x64xf32, #tpu.memory_space<vmem>>, vector<16xf32>,
        tpu.vector_store %arg11[%swap3A_1217, %swap3A_1218], %mul3A_1216 {strides = array<i32>} : memref<160x64xf32, #tpu.memory_space<vmem>>, vector<16xf32>,
        %mul3A_1220 = arith.constant 80 : i32
        %mul3A_1221 = arith.muli %and3A_341, %mul3A_1220 : i32
        %add3A_1222 = arith.addi %mul3A_1221, %add3A_1190 : i32
        %get3A_1223 = arith.index_cast %add3A_1222 : i32 to index
        %get3A_1224 = arith.constant 32 : index
        %get3A_1225 = tpu.vector_load %arg11[%get3A_1223, %get3A_1224] {strides = array<i32>} : memref<160x64xf32, #tpu.memory_space<vmem>>, vector<16xf32>,
        %mul3A_1226 = arith.mulf %get3A_1225, %gather3A_1199 : vector<16xf32>
        %swap3A_1227 = arith.index_cast %add3A_1222 : i32 to index
        %swap3A_1228 = arith.constant 32 : index
        %swap3A_1229 = tpu.vector_load %arg11[%swap3A_1227, %swap3A_1228] {strides = array<i32>} : memref<160x64xf32, #tpu.memory_space<vmem>>, vector<16xf32>,
        tpu.vector_store %arg11[%swap3A_1227, %swap3A_1228], %mul3A_1226 {strides = array<i32>} : memref<160x64xf32, #tpu.memory_space<vmem>>, vector<16xf32>,
        %mul3A_1230 = arith.constant 80 : i32
        %mul3A_1231 = arith.muli %and3A_341, %mul3A_1230 : i32
        %add3A_1232 = arith.addi %mul3A_1231, %add3A_1190 : i32
        %get3A_1233 = arith.index_cast %add3A_1232 : i32 to index
        %get3A_1234 = arith.constant 48 : index
        %get3A_1235 = tpu.vector_load %arg11[%get3A_1233, %get3A_1234] {strides = array<i32>} : memref<160x64xf32, #tpu.memory_space<vmem>>, vector<16xf32>,
        %mul3A_1236 = arith.mulf %get3A_1235, %gather3A_1199 : vector<16xf32>
        %swap3A_1237 = arith.index_cast %add3A_1232 : i32 to index
        %swap3A_1238 = arith.constant 48 : index
        %swap3A_1239 = tpu.vector_load %arg11[%swap3A_1237, %swap3A_1238] {strides = array<i32>} : memref<160x64xf32, #tpu.memory_space<vmem>>, vector<16xf32>,
        tpu.vector_store %arg11[%swap3A_1237, %swap3A_1238], %mul3A_1236 {strides = array<i32>} : memref<160x64xf32, #tpu.memory_space<vmem>>, vector<16xf32>,
        %scan3A_1240 = arith.constant 0 : i32
        scf.yield %scan3A_1240 : i32
      }
      %scan3A_379 = arith.constant 5 : i32
      %mul3A_380 = arith.constant 80 : i32
      %mul3A_381 = arith.muli %and3A_341, %mul3A_380 : i32
      %dma_start3A_382 = arith.constant 0 : i32
      %dma_start3A_383 = tpu.memref_slice %arg11[%mul3A_381, %dma_start3A_382] : memref<160x64xf32, #tpu.memory_space<vmem>> -> memref<80x64xf32, #tpu.memory_space<vmem>>
      %dma_start3A_384 = arith.constant 0 : i32
      %dma_start3A_385 = tpu.memref_slice %arg8[%and3A_341, %dma_start3A_384] : memref<2x80xi32, #tpu.memory_space<vmem>> -> memref<1x80xi32, #tpu.memory_space<vmem>>
      %dma_start3A_386 = tpu.memref_squeeze %dma_start3A_385 : memref<1x80xi32, #tpu.memory_space<vmem>> -> memref<80xi32, #tpu.memory_space<vmem>>
      %dma_start3A_387 = arith.constant 0 : i32
      %dma_start3A_388 = arith.constant 0 : i32
      %dma_start3A_389 = tpu.memref_slice %arg12[%dma_start3A_387, %dma_start3A_388] : memref<10240x64xf32, #tpu.memory_space<vmem_shared>> -> memref<10240x64xf32, #tpu.memory_space<vmem_shared>>
      %dma_start3A_390 = tpu.memref_slice %arg16[%and3A_341] : memref<2x!tpu.dma_semaphore, #tpu.memory_space<semaphore_mem>> -> memref<1x!tpu.dma_semaphore, #tpu.memory_space<semaphore_mem>>
      %dma_start3A_391 = tpu.memref_squeeze %dma_start3A_390 : memref<1x!tpu.dma_semaphore, #tpu.memory_space<semaphore_mem>> -> memref<!tpu.dma_semaphore, #tpu.memory_space<semaphore_mem>>
      tpu.enqueue_indirect_dma source(%dma_start3A_383 : memref<80x64xf32, #tpu.memory_space<vmem>>) target(%dma_start3A_389 : memref<10240x64xf32, #tpu.memory_space<vmem_shared>>) offsets(%dma_start3A_386 : memref<80xi32, #tpu.memory_space<vmem>>) semaphore(%dma_start3A_391 : memref<!tpu.dma_semaphore, #tpu.memory_space<semaphore_mem>>) {add = true}
      %scan3A_392 = arith.constant 0 : i32
      scf.yield %scan3A_392 : i32
    }
    %scan3A_115 = arith.constant 125 : i32
    %dma_wait3A_116 = arith.constant 1 : i32
    %dma_wait3A_117 = arith.constant 80 : i32
    %dma_wait3A_118 = arith.constant 0 : i32
    %dma_wait3A_119 = tpu.memref_slice %arg11[%dma_wait3A_117, %dma_wait3A_118] : memref<160x64xf32, #tpu.memory_space<vmem>> -> memref<80x64xf32, #tpu.memory_space<vmem>>
    %dma_wait3A_120 = arith.constant 0 : i32
    %dma_wait3A_121 = arith.constant 0 : i32
    %dma_wait3A_122 = tpu.memref_slice %arg3[%dma_wait3A_120, %dma_wait3A_121] : memref<163840x64xf32, #tpu.memory_space<hbm>> -> memref<80x64xf32, #tpu.memory_space<hbm>>
    %dma_wait3A_123 = tpu.memref_slice %arg16[%dma_wait3A_116] : memref<2x!tpu.dma_semaphore, #tpu.memory_space<semaphore_mem>> -> memref<1x!tpu.dma_semaphore, #tpu.memory_space<semaphore_mem>>
    %dma_wait3A_124 = tpu.memref_squeeze %dma_wait3A_123 : memref<1x!tpu.dma_semaphore, #tpu.memory_space<semaphore_mem>> -> memref<!tpu.dma_semaphore, #tpu.memory_space<semaphore_mem>>
    %dma_wait3A_125 = arith.constant 80 : i32
    %dma_wait3A_126 = arith.constant 0 : i32
    %dma_wait3A_127 = tpu.memref_slice %arg11[%dma_wait3A_125, %dma_wait3A_126] : memref<160x64xf32, #tpu.memory_space<vmem>> -> memref<80x64xf32, #tpu.memory_space<vmem>>
    %dma_wait3A_128 = arith.constant 0 : i32
    %dma_wait3A_129 = arith.constant 0 : i32
    %dma_wait3A_130 = tpu.memref_slice %arg3[%dma_wait3A_128, %dma_wait3A_129] : memref<163840x64xf32, #tpu.memory_space<hbm>> -> memref<80x64xf32, #tpu.memory_space<hbm>>
    tpu.wait_dma2 semaphore(%dma_wait3A_124 : memref<!tpu.dma_semaphore, #tpu.memory_space<semaphore_mem>>) src(%dma_wait3A_130 : memref<80x64xf32, #tpu.memory_space<hbm>>) dst(%dma_wait3A_127 : memref<80x64xf32, #tpu.memory_space<vmem>>)
    %dma_wait3A_131 = arith.constant 0 : i32
    %dma_wait3A_132 = arith.constant 0 : i32
    %dma_wait3A_133 = arith.constant 0 : i32
    %dma_wait3A_134 = tpu.memref_slice %arg11[%dma_wait3A_132, %dma_wait3A_133] : memref<160x64xf32, #tpu.memory_space<vmem>> -> memref<80x64xf32, #tpu.memory_space<vmem>>
    %dma_wait3A_135 = arith.constant 0 : i32
    %dma_wait3A_136 = arith.constant 0 : i32
    %dma_wait3A_137 = tpu.memref_slice %arg3[%dma_wait3A_135, %dma_wait3A_136] : memref<163840x64xf32, #tpu.memory_space<hbm>> -> memref<80x64xf32, #tpu.memory_space<hbm>>
    %dma_wait3A_138 = tpu.memref_slice %arg16[%dma_wait3A_131] : memref<2x!tpu.dma_semaphore, #tpu.memory_space<semaphore_mem>> -> memref<1x!tpu.dma_semaphore, #tpu.memory_space<semaphore_mem>>
    %dma_wait3A_139 = tpu.memref_squeeze %dma_wait3A_138 : memref<1x!tpu.dma_semaphore, #tpu.memory_space<semaphore_mem>> -> memref<!tpu.dma_semaphore, #tpu.memory_space<semaphore_mem>>
    %dma_wait3A_140 = arith.constant 0 : i32
    %dma_wait3A_141 = arith.constant 0 : i32
    %dma_wait3A_142 = tpu.memref_slice %arg11[%dma_wait3A_140, %dma_wait3A_141] : memref<160x64xf32, #tpu.memory_space<vmem>> -> memref<80x64xf32, #tpu.memory_space<vmem>>
    %dma_wait3A_143 = arith.constant 0 : i32
    %dma_wait3A_144 = arith.constant 0 : i32
    %dma_wait3A_145 = tpu.memref_slice %arg3[%dma_wait3A_143, %dma_wait3A_144] : memref<163840x64xf32, #tpu.memory_space<hbm>> -> memref<80x64xf32, #tpu.memory_space<hbm>>
    tpu.wait_dma2 semaphore(%dma_wait3A_139 : memref<!tpu.dma_semaphore, #tpu.memory_space<semaphore_mem>>) src(%dma_wait3A_145 : memref<80x64xf32, #tpu.memory_space<hbm>>) dst(%dma_wait3A_142 : memref<80x64xf32, #tpu.memory_space<vmem>>)
    %barrier3A_146 = arith.constant 0 : index
    tpu.barrier barrier_id(%barrier3A_146)
    %add3A_147 = arith.constant 0 : i32
    %add3A_148 = arith.addi %mul3A_3, %add3A_147 : i32
    %run_scoped3A = arith.constant 0 : i32
    "tpu.region"() ({
      %run_scoped3A_339 = tpu.sem_alloc : memref<!tpu.dma_semaphore, #tpu.memory_space<semaphore_mem>>
      %dma_start3A_340 = arith.constant 0 : i32
      %dma_start3A_341 = tpu.memref_slice %arg5[%run_scoped3A, %arg0, %add3A_148, %dma_start3A_340] : memref<2x2x10240x64xf32, #tpu.memory_space<hbm>> -> memref<1x1x80x64xf32, #tpu.memory_space<hbm>>
      %dma_start3A_342 = tpu.memref_squeeze %dma_start3A_341 : memref<1x1x80x64xf32, #tpu.memory_space<hbm>> -> memref<80x64xf32, #tpu.memory_space<hbm>>
      %dma_start3A_343 = arith.constant 0 : i32
      %dma_start3A_344 = tpu.memref_slice %arg12[%add3A_148, %dma_start3A_343] : memref<10240x64xf32, #tpu.memory_space<vmem_shared>> -> memref<80x64xf32, #tpu.memory_space<vmem_shared>>
      tpu.enqueue_dma source(%dma_start3A_344 : memref<80x64xf32, #tpu.memory_space<vmem_shared>>) target(%dma_start3A_342 : memref<80x64xf32, #tpu.memory_space<hbm>>) target_semaphore(%run_scoped3A_339 : memref<!tpu.dma_semaphore, #tpu.memory_space<semaphore_mem>>)
      %dma_wait3A_345 = arith.constant 0 : i32
      %dma_wait3A_346 = tpu.memref_slice %arg5[%run_scoped3A, %arg0, %add3A_148, %dma_wait3A_345] : memref<2x2x10240x64xf32, #tpu.memory_space<hbm>> -> memref<1x1x80x64xf32, #tpu.memory_space<hbm>>
      %dma_wait3A_347 = tpu.memref_squeeze %dma_wait3A_346 : memref<1x1x80x64xf32, #tpu.memory_space<hbm>> -> memref<80x64xf32, #tpu.memory_space<hbm>>
      %dma_wait3A_348 = arith.constant 0 : i32
      %dma_wait3A_349 = tpu.memref_slice %arg12[%add3A_148, %dma_wait3A_348] : memref<10240x64xf32, #tpu.memory_space<vmem_shared>> -> memref<80x64xf32, #tpu.memory_space<vmem_shared>>
      tpu.wait_dma2 semaphore(%run_scoped3A_339 : memref<!tpu.dma_semaphore, #tpu.memory_space<semaphore_mem>>) src(%dma_wait3A_349 : memref<80x64xf32, #tpu.memory_space<vmem_shared>>) dst(%dma_wait3A_347 : memref<80x64xf32, #tpu.memory_space<hbm>>)
      tpu.yield
    }) : () -> ()
    %add3A_149 = arith.constant 80 : i32
    %add3A_150 = arith.addi %mul3A_3, %add3A_149 : i32
    %run_scoped3A_151 = arith.constant 0 : i32
    "tpu.region"() ({
      %run_scoped3A_339 = tpu.sem_alloc : memref<!tpu.dma_semaphore, #tpu.memory_space<semaphore_mem>>
      %dma_start3A_340 = arith.constant 0 : i32
      %dma_start3A_341 = tpu.memref_slice %arg5[%run_scoped3A_151, %arg0, %add3A_150, %dma_start3A_340] : memref<2x2x10240x64xf32, #tpu.memory_space<hbm>> -> memref<1x1x80x64xf32, #tpu.memory_space<hbm>>
      %dma_start3A_342 = tpu.memref_squeeze %dma_start3A_341 : memref<1x1x80x64xf32, #tpu.memory_space<hbm>> -> memref<80x64xf32, #tpu.memory_space<hbm>>
      %dma_start3A_343 = arith.constant 0 : i32
      %dma_start3A_344 = tpu.memref_slice %arg12[%add3A_150, %dma_start3A_343] : memref<10240x64xf32, #tpu.memory_space<vmem_shared>> -> memref<80x64xf32, #tpu.memory_space<vmem_shared>>
      tpu.enqueue_dma source(%dma_start3A_344 : memref<80x64xf32, #tpu.memory_space<vmem_shared>>) target(%dma_start3A_342 : memref<80x64xf32, #tpu.memory_space<hbm>>) target_semaphore(%run_scoped3A_339 : memref<!tpu.dma_semaphore, #tpu.memory_space<semaphore_mem>>)
      %dma_wait3A_345 = arith.constant 0 : i32
      %dma_wait3A_346 = tpu.memref_slice %arg5[%run_scoped3A_151, %arg0, %add3A_150, %dma_wait3A_345] : memref<2x2x10240x64xf32, #tpu.memory_space<hbm>> -> memref<1x1x80x64xf32, #tpu.memory_space<hbm>>
      %dma_wait3A_347 = tpu.memref_squeeze %dma_wait3A_346 : memref<1x1x80x64xf32, #tpu.memory_space<hbm>> -> memref<80x64xf32, #tpu.memory_space<hbm>>
      %dma_wait3A_348 = arith.constant 0 : i32
      %dma_wait3A_349 = tpu.memref_slice %arg12[%add3A_150, %dma_wait3A_348] : memref<10240x64xf32, #tpu.memory_space<vmem_shared>> -> memref<80x64xf32, #tpu.memory_space<vmem_shared>>
      tpu.wait_dma2 semaphore(%run_scoped3A_339 : memref<!tpu.dma_semaphore, #tpu.memory_space<semaphore_mem>>) src(%dma_wait3A_349 : memref<80x64xf32, #tpu.memory_space<vmem_shared>>) dst(%dma_wait3A_347 : memref<80x64xf32, #tpu.memory_space<hbm>>)
      tpu.yield
    }) : () -> ()
    %add3A_152 = arith.constant 160 : i32
    %add3A_153 = arith.addi %mul3A_3, %add3A_152 : i32
    %run_scoped3A_154 = arith.constant 0 : i32
    "tpu.region"() ({
      %run_scoped3A_339 = tpu.sem_alloc : memref<!tpu.dma_semaphore, #tpu.memory_space<semaphore_mem>>
      %dma_start3A_340 = arith.constant 0 : i32
      %dma_start3A_341 = tpu.memref_slice %arg5[%run_scoped3A_154, %arg0, %add3A_153, %dma_start3A_340] : memref<2x2x10240x64xf32, #tpu.memory_space<hbm>> -> memref<1x1x80x64xf32, #tpu.memory_space<hbm>>
      %dma_start3A_342 = tpu.memref_squeeze %dma_start3A_341 : memref<1x1x80x64xf32, #tpu.memory_space<hbm>> -> memref<80x64xf32, #tpu.memory_space<hbm>>
      %dma_start3A_343 = arith.constant 0 : i32
      %dma_start3A_344 = tpu.memref_slice %arg12[%add3A_153, %dma_start3A_343] : memref<10240x64xf32, #tpu.memory_space<vmem_shared>> -> memref<80x64xf32, #tpu.memory_space<vmem_shared>>
      tpu.enqueue_dma source(%dma_start3A_344 : memref<80x64xf32, #tpu.memory_space<vmem_shared>>) target(%dma_start3A_342 : memref<80x64xf32, #tpu.memory_space<hbm>>) target_semaphore(%run_scoped3A_339 : memref<!tpu.dma_semaphore, #tpu.memory_space<semaphore_mem>>)
      %dma_wait3A_345 = arith.constant 0 : i32
      %dma_wait3A_346 = tpu.memref_slice %arg5[%run_scoped3A_154, %arg0, %add3A_153, %dma_wait3A_345] : memref<2x2x10240x64xf32, #tpu.memory_space<hbm>> -> memref<1x1x80x64xf32, #tpu.memory_space<hbm>>
      %dma_wait3A_347 = tpu.memref_squeeze %dma_wait3A_346 : memref<1x1x80x64xf32, #tpu.memory_space<hbm>> -> memref<80x64xf32, #tpu.memory_space<hbm>>
      %dma_wait3A_348 = arith.constant 0 : i32
      %dma_wait3A_349 = tpu.memref_slice %arg12[%add3A_153, %dma_wait3A_348] : memref<10240x64xf32, #tpu.memory_space<vmem_shared>> -> memref<80x64xf32, #tpu.memory_space<vmem_shared>>
      tpu.wait_dma2 semaphore(%run_scoped3A_339 : memref<!tpu.dma_semaphore, #tpu.memory_space<semaphore_mem>>) src(%dma_wait3A_349 : memref<80x64xf32, #tpu.memory_space<vmem_shared>>) dst(%dma_wait3A_347 : memref<80x64xf32, #tpu.memory_space<hbm>>)
      tpu.yield
    }) : () -> ()
    %add3A_155 = arith.constant 240 : i32
    %add3A_156 = arith.addi %mul3A_3, %add3A_155 : i32
    %run_scoped3A_157 = arith.constant 0 : i32
    "tpu.region"() ({
      %run_scoped3A_339 = tpu.sem_alloc : memref<!tpu.dma_semaphore, #tpu.memory_space<semaphore_mem>>
      %dma_start3A_340 = arith.constant 0 : i32
      %dma_start3A_341 = tpu.memref_slice %arg5[%run_scoped3A_157, %arg0, %add3A_156, %dma_start3A_340] : memref<2x2x10240x64xf32, #tpu.memory_space<hbm>> -> memref<1x1x80x64xf32, #tpu.memory_space<hbm>>
      %dma_start3A_342 = tpu.memref_squeeze %dma_start3A_341 : memref<1x1x80x64xf32, #tpu.memory_space<hbm>> -> memref<80x64xf32, #tpu.memory_space<hbm>>
      %dma_start3A_343 = arith.constant 0 : i32
      %dma_start3A_344 = tpu.memref_slice %arg12[%add3A_156, %dma_start3A_343] : memref<10240x64xf32, #tpu.memory_space<vmem_shared>> -> memref<80x64xf32, #tpu.memory_space<vmem_shared>>
      tpu.enqueue_dma source(%dma_start3A_344 : memref<80x64xf32, #tpu.memory_space<vmem_shared>>) target(%dma_start3A_342 : memref<80x64xf32, #tpu.memory_space<hbm>>) target_semaphore(%run_scoped3A_339 : memref<!tpu.dma_semaphore, #tpu.memory_space<semaphore_mem>>)
      %dma_wait3A_345 = arith.constant 0 : i32
      %dma_wait3A_346 = tpu.memref_slice %arg5[%run_scoped3A_157, %arg0, %add3A_156, %dma_wait3A_345] : memref<2x2x10240x64xf32, #tpu.memory_space<hbm>> -> memref<1x1x80x64xf32, #tpu.memory_space<hbm>>
      %dma_wait3A_347 = tpu.memref_squeeze %dma_wait3A_346 : memref<1x1x80x64xf32, #tpu.memory_space<hbm>> -> memref<80x64xf32, #tpu.memory_space<hbm>>
      %dma_wait3A_348 = arith.constant 0 : i32
      %dma_wait3A_349 = tpu.memref_slice %arg12[%add3A_156, %dma_wait3A_348] : memref<10240x64xf32, #tpu.memory_space<vmem_shared>> -> memref<80x64xf32, #tpu.memory_space<vmem_shared>>
      tpu.wait_dma2 semaphore(%run_scoped3A_339 : memref<!tpu.dma_semaphore, #tpu.memory_space<semaphore_mem>>) src(%dma_wait3A_349 : memref<80x64xf32, #tpu.memory_space<vmem_shared>>) dst(%dma_wait3A_347 : memref<80x64xf32, #tpu.memory_space<hbm>>)
      tpu.yield
    }) : () -> ()
    %add3A_158 = arith.constant 320 : i32
    %add3A_159 = arith.addi %mul3A_3, %add3A_158 : i32
    %run_scoped3A_160 = arith.constant 0 : i32
    "tpu.region"() ({
      %run_scoped3A_339 = tpu.sem_alloc : memref<!tpu.dma_semaphore, #tpu.memory_space<semaphore_mem>>
      %dma_start3A_340 = arith.constant 0 : i32
      %dma_start3A_341 = tpu.memref_slice %arg5[%run_scoped3A_160, %arg0, %add3A_159, %dma_start3A_340] : memref<2x2x10240x64xf32, #tpu.memory_space<hbm>> -> memref<1x1x80x64xf32, #tpu.memory_space<hbm>>
      %dma_start3A_342 = tpu.memref_squeeze %dma_start3A_341 : memref<1x1x80x64xf32, #tpu.memory_space<hbm>> -> memref<80x64xf32, #tpu.memory_space<hbm>>
      %dma_start3A_343 = arith.constant 0 : i32
      %dma_start3A_344 = tpu.memref_slice %arg12[%add3A_159, %dma_start3A_343] : memref<10240x64xf32, #tpu.memory_space<vmem_shared>> -> memref<80x64xf32, #tpu.memory_space<vmem_shared>>
      tpu.enqueue_dma source(%dma_start3A_344 : memref<80x64xf32, #tpu.memory_space<vmem_shared>>) target(%dma_start3A_342 : memref<80x64xf32, #tpu.memory_space<hbm>>) target_semaphore(%run_scoped3A_339 : memref<!tpu.dma_semaphore, #tpu.memory_space<semaphore_mem>>)
      %dma_wait3A_345 = arith.constant 0 : i32
      %dma_wait3A_346 = tpu.memref_slice %arg5[%run_scoped3A_160, %arg0, %add3A_159, %dma_wait3A_345] : memref<2x2x10240x64xf32, #tpu.memory_space<hbm>> -> memref<1x1x80x64xf32, #tpu.memory_space<hbm>>
      %dma_wait3A_347 = tpu.memref_squeeze %dma_wait3A_346 : memref<1x1x80x64xf32, #tpu.memory_space<hbm>> -> memref<80x64xf32, #tpu.memory_space<hbm>>
      %dma_wait3A_348 = arith.constant 0 : i32
      %dma_wait3A_349 = tpu.memref_slice %arg12[%add3A_159, %dma_wait3A_348] : memref<10240x64xf32, #tpu.memory_space<vmem_shared>> -> memref<80x64xf32, #tpu.memory_space<vmem_shared>>
      tpu.wait_dma2 semaphore(%run_scoped3A_339 : memref<!tpu.dma_semaphore, #tpu.memory_space<semaphore_mem>>) src(%dma_wait3A_349 : memref<80x64xf32, #tpu.memory_space<vmem_shared>>) dst(%dma_wait3A_347 : memref<80x64xf32, #tpu.memory_space<hbm>>)
      tpu.yield
    }) : () -> ()
    %add3A_161 = arith.constant 400 : i32
    %add3A_162 = arith.addi %mul3A_3, %add3A_161 : i32
    %run_scoped3A_163 = arith.constant 0 : i32
    "tpu.region"() ({
      %run_scoped3A_339 = tpu.sem_alloc : memref<!tpu.dma_semaphore, #tpu.memory_space<semaphore_mem>>
      %dma_start3A_340 = arith.constant 0 : i32
      %dma_start3A_341 = tpu.memref_slice %arg5[%run_scoped3A_163, %arg0, %add3A_162, %dma_start3A_340] : memref<2x2x10240x64xf32, #tpu.memory_space<hbm>> -> memref<1x1x80x64xf32, #tpu.memory_space<hbm>>
      %dma_start3A_342 = tpu.memref_squeeze %dma_start3A_341 : memref<1x1x80x64xf32, #tpu.memory_space<hbm>> -> memref<80x64xf32, #tpu.memory_space<hbm>>
      %dma_start3A_343 = arith.constant 0 : i32
      %dma_start3A_344 = tpu.memref_slice %arg12[%add3A_162, %dma_start3A_343] : memref<10240x64xf32, #tpu.memory_space<vmem_shared>> -> memref<80x64xf32, #tpu.memory_space<vmem_shared>>
      tpu.enqueue_dma source(%dma_start3A_344 : memref<80x64xf32, #tpu.memory_space<vmem_shared>>) target(%dma_start3A_342 : memref<80x64xf32, #tpu.memory_space<hbm>>) target_semaphore(%run_scoped3A_339 : memref<!tpu.dma_semaphore, #tpu.memory_space<semaphore_mem>>)
      %dma_wait3A_345 = arith.constant 0 : i32
      %dma_wait3A_346 = tpu.memref_slice %arg5[%run_scoped3A_163, %arg0, %add3A_162, %dma_wait3A_345] : memref<2x2x10240x64xf32, #tpu.memory_space<hbm>> -> memref<1x1x80x64xf32, #tpu.memory_space<hbm>>
      %dma_wait3A_347 = tpu.memref_squeeze %dma_wait3A_346 : memref<1x1x80x64xf32, #tpu.memory_space<hbm>> -> memref<80x64xf32, #tpu.memory_space<hbm>>
      %dma_wait3A_348 = arith.constant 0 : i32
      %dma_wait3A_349 = tpu.memref_slice %arg12[%add3A_162, %dma_wait3A_348] : memref<10240x64xf32, #tpu.memory_space<vmem_shared>> -> memref<80x64xf32, #tpu.memory_space<vmem_shared>>
      tpu.wait_dma2 semaphore(%run_scoped3A_339 : memref<!tpu.dma_semaphore, #tpu.memory_space<semaphore_mem>>) src(%dma_wait3A_349 : memref<80x64xf32, #tpu.memory_space<vmem_shared>>) dst(%dma_wait3A_347 : memref<80x64xf32, #tpu.memory_space<hbm>>)
      tpu.yield
    }) : () -> ()
    %add3A_164 = arith.constant 480 : i32
    %add3A_165 = arith.addi %mul3A_3, %add3A_164 : i32
    %run_scoped3A_166 = arith.constant 0 : i32
    "tpu.region"() ({
      %run_scoped3A_339 = tpu.sem_alloc : memref<!tpu.dma_semaphore, #tpu.memory_space<semaphore_mem>>
      %dma_start3A_340 = arith.constant 0 : i32
      %dma_start3A_341 = tpu.memref_slice %arg5[%run_scoped3A_166, %arg0, %add3A_165, %dma_start3A_340] : memref<2x2x10240x64xf32, #tpu.memory_space<hbm>> -> memref<1x1x80x64xf32, #tpu.memory_space<hbm>>
      %dma_start3A_342 = tpu.memref_squeeze %dma_start3A_341 : memref<1x1x80x64xf32, #tpu.memory_space<hbm>> -> memref<80x64xf32, #tpu.memory_space<hbm>>
      %dma_start3A_343 = arith.constant 0 : i32
      %dma_start3A_344 = tpu.memref_slice %arg12[%add3A_165, %dma_start3A_343] : memref<10240x64xf32, #tpu.memory_space<vmem_shared>> -> memref<80x64xf32, #tpu.memory_space<vmem_shared>>
      tpu.enqueue_dma source(%dma_start3A_344 : memref<80x64xf32, #tpu.memory_space<vmem_shared>>) target(%dma_start3A_342 : memref<80x64xf32, #tpu.memory_space<hbm>>) target_semaphore(%run_scoped3A_339 : memref<!tpu.dma_semaphore, #tpu.memory_space<semaphore_mem>>)
      %dma_wait3A_345 = arith.constant 0 : i32
      %dma_wait3A_346 = tpu.memref_slice %arg5[%run_scoped3A_166, %arg0, %add3A_165, %dma_wait3A_345] : memref<2x2x10240x64xf32, #tpu.memory_space<hbm>> -> memref<1x1x80x64xf32, #tpu.memory_space<hbm>>
      %dma_wait3A_347 = tpu.memref_squeeze %dma_wait3A_346 : memref<1x1x80x64xf32, #tpu.memory_space<hbm>> -> memref<80x64xf32, #tpu.memory_space<hbm>>
      %dma_wait3A_348 = arith.constant 0 : i32
      %dma_wait3A_349 = tpu.memref_slice %arg12[%add3A_165, %dma_wait3A_348] : memref<10240x64xf32, #tpu.memory_space<vmem_shared>> -> memref<80x64xf32, #tpu.memory_space<vmem_shared>>
      tpu.wait_dma2 semaphore(%run_scoped3A_339 : memref<!tpu.dma_semaphore, #tpu.memory_space<semaphore_mem>>) src(%dma_wait3A_349 : memref<80x64xf32, #tpu.memory_space<vmem_shared>>) dst(%dma_wait3A_347 : memref<80x64xf32, #tpu.memory_space<hbm>>)
      tpu.yield
    }) : () -> ()
    %add3A_167 = arith.constant 560 : i32
    %add3A_168 = arith.addi %mul3A_3, %add3A_167 : i32
    %run_scoped3A_169 = arith.constant 0 : i32
    "tpu.region"() ({
      %run_scoped3A_339 = tpu.sem_alloc : memref<!tpu.dma_semaphore, #tpu.memory_space<semaphore_mem>>
      %dma_start3A_340 = arith.constant 0 : i32
      %dma_start3A_341 = tpu.memref_slice %arg5[%run_scoped3A_169, %arg0, %add3A_168, %dma_start3A_340] : memref<2x2x10240x64xf32, #tpu.memory_space<hbm>> -> memref<1x1x80x64xf32, #tpu.memory_space<hbm>>
      %dma_start3A_342 = tpu.memref_squeeze %dma_start3A_341 : memref<1x1x80x64xf32, #tpu.memory_space<hbm>> -> memref<80x64xf32, #tpu.memory_space<hbm>>
      %dma_start3A_343 = arith.constant 0 : i32
      %dma_start3A_344 = tpu.memref_slice %arg12[%add3A_168, %dma_start3A_343] : memref<10240x64xf32, #tpu.memory_space<vmem_shared>> -> memref<80x64xf32, #tpu.memory_space<vmem_shared>>
      tpu.enqueue_dma source(%dma_start3A_344 : memref<80x64xf32, #tpu.memory_space<vmem_shared>>) target(%dma_start3A_342 : memref<80x64xf32, #tpu.memory_space<hbm>>) target_semaphore(%run_scoped3A_339 : memref<!tpu.dma_semaphore, #tpu.memory_space<semaphore_mem>>)
      %dma_wait3A_345 = arith.constant 0 : i32
      %dma_wait3A_346 = tpu.memref_slice %arg5[%run_scoped3A_169, %arg0, %add3A_168, %dma_wait3A_345] : memref<2x2x10240x64xf32, #tpu.memory_space<hbm>> -> memref<1x1x80x64xf32, #tpu.memory_space<hbm>>
      %dma_wait3A_347 = tpu.memref_squeeze %dma_wait3A_346 : memref<1x1x80x64xf32, #tpu.memory_space<hbm>> -> memref<80x64xf32, #tpu.memory_space<hbm>>
      %dma_wait3A_348 = arith.constant 0 : i32
      %dma_wait3A_349 = tpu.memref_slice %arg12[%add3A_168, %dma_wait3A_348] : memref<10240x64xf32, #tpu.memory_space<vmem_shared>> -> memref<80x64xf32, #tpu.memory_space<vmem_shared>>
      tpu.wait_dma2 semaphore(%run_scoped3A_339 : memref<!tpu.dma_semaphore, #tpu.memory_space<semaphore_mem>>) src(%dma_wait3A_349 : memref<80x64xf32, #tpu.memory_space<vmem_shared>>) dst(%dma_wait3A_347 : memref<80x64xf32, #tpu.memory_space<hbm>>)
      tpu.yield
    }) : () -> ()
    %scan3A_170 = arith.constant 0 : i32
    %scan3A_171 = arith.constant 0 : i32
    %scan3A_172 = arith.constant 80 : i32
    %scan3A_173 = arith.addi %scan3A_171, %scan3A_172 : i32
    %scan3A_174 = arith.constant 1 : i32
    %scan3A_175 = scf.for %scan3A_339 = %scan3A_171 to %scan3A_173 step %scan3A_174 iter_args(%scan3A_340 = %scan3A_170) -> (i32)  : i32 {
      %swap3A = arith.index_cast %scan3A_339 : i32 to index
      %swap3A_341 = arith.constant 0 : index
      %swap3A_342 = tpu.vector_load %arg11[%swap3A, %swap3A_341] {strides = array<i32>} : memref<160x64xf32, #tpu.memory_space<vmem>>, vector<16xf32>,
      tpu.vector_store %arg11[%swap3A, %swap3A_341], %broadcast_in_dim3A_1 {strides = array<i32>} : memref<160x64xf32, #tpu.memory_space<vmem>>, vector<16xf32>,
      %swap3A_343 = arith.index_cast %scan3A_339 : i32 to index
      %swap3A_344 = arith.constant 16 : index
      %swap3A_345 = tpu.vector_load %arg11[%swap3A_343, %swap3A_344] {strides = array<i32>} : memref<160x64xf32, #tpu.memory_space<vmem>>, vector<16xf32>,
      tpu.vector_store %arg11[%swap3A_343, %swap3A_344], %broadcast_in_dim3A_1 {strides = array<i32>} : memref<160x64xf32, #tpu.memory_space<vmem>>, vector<16xf32>,
      %swap3A_346 = arith.index_cast %scan3A_339 : i32 to index
      %swap3A_347 = arith.constant 32 : index
      %swap3A_348 = tpu.vector_load %arg11[%swap3A_346, %swap3A_347] {strides = array<i32>} : memref<160x64xf32, #tpu.memory_space<vmem>>, vector<16xf32>,
      tpu.vector_store %arg11[%swap3A_346, %swap3A_347], %broadcast_in_dim3A_1 {strides = array<i32>} : memref<160x64xf32, #tpu.memory_space<vmem>>, vector<16xf32>,
      %swap3A_349 = arith.index_cast %scan3A_339 : i32 to index
      %swap3A_350 = arith.constant 48 : index
      %swap3A_351 = tpu.vector_load %arg11[%swap3A_349, %swap3A_350] {strides = array<i32>} : memref<160x64xf32, #tpu.memory_space<vmem>>, vector<16xf32>,
      tpu.vector_store %arg11[%swap3A_349, %swap3A_350], %broadcast_in_dim3A_1 {strides = array<i32>} : memref<160x64xf32, #tpu.memory_space<vmem>>, vector<16xf32>,
      %scan3A_352 = arith.constant 0 : i32
      scf.yield %scan3A_352 : i32
    }
    %scan3A_176 = arith.constant 80 : i32
    %add3A_177 = arith.constant 0 : i32
    %add3A_178 = arith.addi %mul3A_3, %add3A_177 : i32
    "tpu.region"() ({
      %run_scoped3A_339 = tpu.sem_alloc : memref<!tpu.dma_semaphore, #tpu.memory_space<semaphore_mem>>
      %dma_start3A_340 = arith.constant 0 : i32
      %dma_start3A_341 = arith.constant 0 : i32
      %dma_start3A_342 = tpu.memref_slice %arg11[%dma_start3A_340, %dma_start3A_341] : memref<160x64xf32, #tpu.memory_space<vmem>> -> memref<80x64xf32, #tpu.memory_space<vmem>>
      %dma_start3A_343 = arith.constant 0 : i32
      %dma_start3A_344 = tpu.memref_slice %arg12[%add3A_178, %dma_start3A_343] : memref<10240x64xf32, #tpu.memory_space<vmem_shared>> -> memref<80x64xf32, #tpu.memory_space<vmem_shared>>
      %dma_start3A_345 = arith.constant 0 : i32
      %dma_start3A_346 = tpu.memref_slice %arg12[%add3A_178, %dma_start3A_345] : memref<10240x64xf32, #tpu.memory_space<vmem_shared>> -> memref<80x64xf32, #tpu.memory_space<vmem_shared>>
      %dma_start3A_347 = arith.constant 0 : i32
      %dma_start3A_348 = arith.constant 0 : i32
      %dma_start3A_349 = tpu.memref_slice %arg11[%dma_start3A_347, %dma_start3A_348] : memref<160x64xf32, #tpu.memory_space<vmem>> -> memref<80x64xf32, #tpu.memory_space<vmem>>
      tpu.enqueue_dma source(%dma_start3A_349 : memref<80x64xf32, #tpu.memory_space<vmem>>) target(%dma_start3A_346 : memref<80x64xf32, #tpu.memory_space<vmem_shared>>) target_semaphore(%run_scoped3A_339 : memref<!tpu.dma_semaphore, #tpu.memory_space<semaphore_mem>>)
      %dma_wait3A_350 = arith.constant 0 : i32
      %dma_wait3A_351 = arith.constant 0 : i32
      %dma_wait3A_352 = tpu.memref_slice %arg11[%dma_wait3A_350, %dma_wait3A_351] : memref<160x64xf32, #tpu.memory_space<vmem>> -> memref<80x64xf32, #tpu.memory_space<vmem>>
      %dma_wait3A_353 = arith.constant 0 : i32
      %dma_wait3A_354 = tpu.memref_slice %arg12[%add3A_178, %dma_wait3A_353] : memref<10240x64xf32, #tpu.memory_space<vmem_shared>> -> memref<80x64xf32, #tpu.memory_space<vmem_shared>>
      %dma_wait3A_355 = arith.constant 0 : i32
      %dma_wait3A_356 = tpu.memref_slice %arg12[%add3A_178, %dma_wait3A_355] : memref<10240x64xf32, #tpu.memory_space<vmem_shared>> -> memref<80x64xf32, #tpu.memory_space<vmem_shared>>
      %dma_wait3A_357 = arith.constant 0 : i32
      %dma_wait3A_358 = arith.constant 0 : i32
      %dma_wait3A_359 = tpu.memref_slice %arg11[%dma_wait3A_357, %dma_wait3A_358] : memref<160x64xf32, #tpu.memory_space<vmem>> -> memref<80x64xf32, #tpu.memory_space<vmem>>
      tpu.wait_dma2 semaphore(%run_scoped3A_339 : memref<!tpu.dma_semaphore, #tpu.memory_space<semaphore_mem>>) src(%dma_wait3A_359 : memref<80x64xf32, #tpu.memory_space<vmem>>) dst(%dma_wait3A_356 : memref<80x64xf32, #tpu.memory_space<vmem_shared>>)
      tpu.yield
    }) : () -> ()
    %add3A_179 = arith.constant 80 : i32
    %add3A_180 = arith.addi %mul3A_3, %add3A_179 : i32
    "tpu.region"() ({
      %run_scoped3A_339 = tpu.sem_alloc : memref<!tpu.dma_semaphore, #tpu.memory_space<semaphore_mem>>
      %dma_start3A_340 = arith.constant 0 : i32
      %dma_start3A_341 = arith.constant 0 : i32
      %dma_start3A_342 = tpu.memref_slice %arg11[%dma_start3A_340, %dma_start3A_341] : memref<160x64xf32, #tpu.memory_space<vmem>> -> memref<80x64xf32, #tpu.memory_space<vmem>>
      %dma_start3A_343 = arith.constant 0 : i32
      %dma_start3A_344 = tpu.memref_slice %arg12[%add3A_180, %dma_start3A_343] : memref<10240x64xf32, #tpu.memory_space<vmem_shared>> -> memref<80x64xf32, #tpu.memory_space<vmem_shared>>
      %dma_start3A_345 = arith.constant 0 : i32
      %dma_start3A_346 = tpu.memref_slice %arg12[%add3A_180, %dma_start3A_345] : memref<10240x64xf32, #tpu.memory_space<vmem_shared>> -> memref<80x64xf32, #tpu.memory_space<vmem_shared>>
      %dma_start3A_347 = arith.constant 0 : i32
      %dma_start3A_348 = arith.constant 0 : i32
      %dma_start3A_349 = tpu.memref_slice %arg11[%dma_start3A_347, %dma_start3A_348] : memref<160x64xf32, #tpu.memory_space<vmem>> -> memref<80x64xf32, #tpu.memory_space<vmem>>
      tpu.enqueue_dma source(%dma_start3A_349 : memref<80x64xf32, #tpu.memory_space<vmem>>) target(%dma_start3A_346 : memref<80x64xf32, #tpu.memory_space<vmem_shared>>) target_semaphore(%run_scoped3A_339 : memref<!tpu.dma_semaphore, #tpu.memory_space<semaphore_mem>>)
      %dma_wait3A_350 = arith.constant 0 : i32
      %dma_wait3A_351 = arith.constant 0 : i32
      %dma_wait3A_352 = tpu.memref_slice %arg11[%dma_wait3A_350, %dma_wait3A_351] : memref<160x64xf32, #tpu.memory_space<vmem>> -> memref<80x64xf32, #tpu.memory_space<vmem>>
      %dma_wait3A_353 = arith.constant 0 : i32
      %dma_wait3A_354 = tpu.memref_slice %arg12[%add3A_180, %dma_wait3A_353] : memref<10240x64xf32, #tpu.memory_space<vmem_shared>> -> memref<80x64xf32, #tpu.memory_space<vmem_shared>>
      %dma_wait3A_355 = arith.constant 0 : i32
      %dma_wait3A_356 = tpu.memref_slice %arg12[%add3A_180, %dma_wait3A_355] : memref<10240x64xf32, #tpu.memory_space<vmem_shared>> -> memref<80x64xf32, #tpu.memory_space<vmem_shared>>
      %dma_wait3A_357 = arith.constant 0 : i32
      %dma_wait3A_358 = arith.constant 0 : i32
      %dma_wait3A_359 = tpu.memref_slice %arg11[%dma_wait3A_357, %dma_wait3A_358] : memref<160x64xf32, #tpu.memory_space<vmem>> -> memref<80x64xf32, #tpu.memory_space<vmem>>
      tpu.wait_dma2 semaphore(%run_scoped3A_339 : memref<!tpu.dma_semaphore, #tpu.memory_space<semaphore_mem>>) src(%dma_wait3A_359 : memref<80x64xf32, #tpu.memory_space<vmem>>) dst(%dma_wait3A_356 : memref<80x64xf32, #tpu.memory_space<vmem_shared>>)
      tpu.yield
    }) : () -> ()
    %add3A_181 = arith.constant 160 : i32
    %add3A_182 = arith.addi %mul3A_3, %add3A_181 : i32
    "tpu.region"() ({
      %run_scoped3A_339 = tpu.sem_alloc : memref<!tpu.dma_semaphore, #tpu.memory_space<semaphore_mem>>
      %dma_start3A_340 = arith.constant 0 : i32
      %dma_start3A_341 = arith.constant 0 : i32
      %dma_start3A_342 = tpu.memref_slice %arg11[%dma_start3A_340, %dma_start3A_341] : memref<160x64xf32, #tpu.memory_space<vmem>> -> memref<80x64xf32, #tpu.memory_space<vmem>>
      %dma_start3A_343 = arith.constant 0 : i32
      %dma_start3A_344 = tpu.memref_slice %arg12[%add3A_182, %dma_start3A_343] : memref<10240x64xf32, #tpu.memory_space<vmem_shared>> -> memref<80x64xf32, #tpu.memory_space<vmem_shared>>
      %dma_start3A_345 = arith.constant 0 : i32
      %dma_start3A_346 = tpu.memref_slice %arg12[%add3A_182, %dma_start3A_345] : memref<10240x64xf32, #tpu.memory_space<vmem_shared>> -> memref<80x64xf32, #tpu.memory_space<vmem_shared>>
      %dma_start3A_347 = arith.constant 0 : i32
      %dma_start3A_348 = arith.constant 0 : i32
      %dma_start3A_349 = tpu.memref_slice %arg11[%dma_start3A_347, %dma_start3A_348] : memref<160x64xf32, #tpu.memory_space<vmem>> -> memref<80x64xf32, #tpu.memory_space<vmem>>
      tpu.enqueue_dma source(%dma_start3A_349 : memref<80x64xf32, #tpu.memory_space<vmem>>) target(%dma_start3A_346 : memref<80x64xf32, #tpu.memory_space<vmem_shared>>) target_semaphore(%run_scoped3A_339 : memref<!tpu.dma_semaphore, #tpu.memory_space<semaphore_mem>>)
      %dma_wait3A_350 = arith.constant 0 : i32
      %dma_wait3A_351 = arith.constant 0 : i32
      %dma_wait3A_352 = tpu.memref_slice %arg11[%dma_wait3A_350, %dma_wait3A_351] : memref<160x64xf32, #tpu.memory_space<vmem>> -> memref<80x64xf32, #tpu.memory_space<vmem>>
      %dma_wait3A_353 = arith.constant 0 : i32
      %dma_wait3A_354 = tpu.memref_slice %arg12[%add3A_182, %dma_wait3A_353] : memref<10240x64xf32, #tpu.memory_space<vmem_shared>> -> memref<80x64xf32, #tpu.memory_space<vmem_shared>>
      %dma_wait3A_355 = arith.constant 0 : i32
      %dma_wait3A_356 = tpu.memref_slice %arg12[%add3A_182, %dma_wait3A_355] : memref<10240x64xf32, #tpu.memory_space<vmem_shared>> -> memref<80x64xf32, #tpu.memory_space<vmem_shared>>
      %dma_wait3A_357 = arith.constant 0 : i32
      %dma_wait3A_358 = arith.constant 0 : i32
      %dma_wait3A_359 = tpu.memref_slice %arg11[%dma_wait3A_357, %dma_wait3A_358] : memref<160x64xf32, #tpu.memory_space<vmem>> -> memref<80x64xf32, #tpu.memory_space<vmem>>
      tpu.wait_dma2 semaphore(%run_scoped3A_339 : memref<!tpu.dma_semaphore, #tpu.memory_space<semaphore_mem>>) src(%dma_wait3A_359 : memref<80x64xf32, #tpu.memory_space<vmem>>) dst(%dma_wait3A_356 : memref<80x64xf32, #tpu.memory_space<vmem_shared>>)
      tpu.yield
    }) : () -> ()
    %add3A_183 = arith.constant 240 : i32
    %add3A_184 = arith.addi %mul3A_3, %add3A_183 : i32
    "tpu.region"() ({
      %run_scoped3A_339 = tpu.sem_alloc : memref<!tpu.dma_semaphore, #tpu.memory_space<semaphore_mem>>
      %dma_start3A_340 = arith.constant 0 : i32
      %dma_start3A_341 = arith.constant 0 : i32
      %dma_start3A_342 = tpu.memref_slice %arg11[%dma_start3A_340, %dma_start3A_341] : memref<160x64xf32, #tpu.memory_space<vmem>> -> memref<80x64xf32, #tpu.memory_space<vmem>>
      %dma_start3A_343 = arith.constant 0 : i32
      %dma_start3A_344 = tpu.memref_slice %arg12[%add3A_184, %dma_start3A_343] : memref<10240x64xf32, #tpu.memory_space<vmem_shared>> -> memref<80x64xf32, #tpu.memory_space<vmem_shared>>
      %dma_start3A_345 = arith.constant 0 : i32
      %dma_start3A_346 = tpu.memref_slice %arg12[%add3A_184, %dma_start3A_345] : memref<10240x64xf32, #tpu.memory_space<vmem_shared>> -> memref<80x64xf32, #tpu.memory_space<vmem_shared>>
      %dma_start3A_347 = arith.constant 0 : i32
      %dma_start3A_348 = arith.constant 0 : i32
      %dma_start3A_349 = tpu.memref_slice %arg11[%dma_start3A_347, %dma_start3A_348] : memref<160x64xf32, #tpu.memory_space<vmem>> -> memref<80x64xf32, #tpu.memory_space<vmem>>
      tpu.enqueue_dma source(%dma_start3A_349 : memref<80x64xf32, #tpu.memory_space<vmem>>) target(%dma_start3A_346 : memref<80x64xf32, #tpu.memory_space<vmem_shared>>) target_semaphore(%run_scoped3A_339 : memref<!tpu.dma_semaphore, #tpu.memory_space<semaphore_mem>>)
      %dma_wait3A_350 = arith.constant 0 : i32
      %dma_wait3A_351 = arith.constant 0 : i32
      %dma_wait3A_352 = tpu.memref_slice %arg11[%dma_wait3A_350, %dma_wait3A_351] : memref<160x64xf32, #tpu.memory_space<vmem>> -> memref<80x64xf32, #tpu.memory_space<vmem>>
      %dma_wait3A_353 = arith.constant 0 : i32
      %dma_wait3A_354 = tpu.memref_slice %arg12[%add3A_184, %dma_wait3A_353] : memref<10240x64xf32, #tpu.memory_space<vmem_shared>> -> memref<80x64xf32, #tpu.memory_space<vmem_shared>>
      %dma_wait3A_355 = arith.constant 0 : i32
      %dma_wait3A_356 = tpu.memref_slice %arg12[%add3A_184, %dma_wait3A_355] : memref<10240x64xf32, #tpu.memory_space<vmem_shared>> -> memref<80x64xf32, #tpu.memory_space<vmem_shared>>
      %dma_wait3A_357 = arith.constant 0 : i32
      %dma_wait3A_358 = arith.constant 0 : i32
      %dma_wait3A_359 = tpu.memref_slice %arg11[%dma_wait3A_357, %dma_wait3A_358] : memref<160x64xf32, #tpu.memory_space<vmem>> -> memref<80x64xf32, #tpu.memory_space<vmem>>
      tpu.wait_dma2 semaphore(%run_scoped3A_339 : memref<!tpu.dma_semaphore, #tpu.memory_space<semaphore_mem>>) src(%dma_wait3A_359 : memref<80x64xf32, #tpu.memory_space<vmem>>) dst(%dma_wait3A_356 : memref<80x64xf32, #tpu.memory_space<vmem_shared>>)
      tpu.yield
    }) : () -> ()
    %add3A_185 = arith.constant 320 : i32
    %add3A_186 = arith.addi %mul3A_3, %add3A_185 : i32
    "tpu.region"() ({
      %run_scoped3A_339 = tpu.sem_alloc : memref<!tpu.dma_semaphore, #tpu.memory_space<semaphore_mem>>
      %dma_start3A_340 = arith.constant 0 : i32
      %dma_start3A_341 = arith.constant 0 : i32
      %dma_start3A_342 = tpu.memref_slice %arg11[%dma_start3A_340, %dma_start3A_341] : memref<160x64xf32, #tpu.memory_space<vmem>> -> memref<80x64xf32, #tpu.memory_space<vmem>>
      %dma_start3A_343 = arith.constant 0 : i32
      %dma_start3A_344 = tpu.memref_slice %arg12[%add3A_186, %dma_start3A_343] : memref<10240x64xf32, #tpu.memory_space<vmem_shared>> -> memref<80x64xf32, #tpu.memory_space<vmem_shared>>
      %dma_start3A_345 = arith.constant 0 : i32
      %dma_start3A_346 = tpu.memref_slice %arg12[%add3A_186, %dma_start3A_345] : memref<10240x64xf32, #tpu.memory_space<vmem_shared>> -> memref<80x64xf32, #tpu.memory_space<vmem_shared>>
      %dma_start3A_347 = arith.constant 0 : i32
      %dma_start3A_348 = arith.constant 0 : i32
      %dma_start3A_349 = tpu.memref_slice %arg11[%dma_start3A_347, %dma_start3A_348] : memref<160x64xf32, #tpu.memory_space<vmem>> -> memref<80x64xf32, #tpu.memory_space<vmem>>
      tpu.enqueue_dma source(%dma_start3A_349 : memref<80x64xf32, #tpu.memory_space<vmem>>) target(%dma_start3A_346 : memref<80x64xf32, #tpu.memory_space<vmem_shared>>) target_semaphore(%run_scoped3A_339 : memref<!tpu.dma_semaphore, #tpu.memory_space<semaphore_mem>>)
      %dma_wait3A_350 = arith.constant 0 : i32
      %dma_wait3A_351 = arith.constant 0 : i32
      %dma_wait3A_352 = tpu.memref_slice %arg11[%dma_wait3A_350, %dma_wait3A_351] : memref<160x64xf32, #tpu.memory_space<vmem>> -> memref<80x64xf32, #tpu.memory_space<vmem>>
      %dma_wait3A_353 = arith.constant 0 : i32
      %dma_wait3A_354 = tpu.memref_slice %arg12[%add3A_186, %dma_wait3A_353] : memref<10240x64xf32, #tpu.memory_space<vmem_shared>> -> memref<80x64xf32, #tpu.memory_space<vmem_shared>>
      %dma_wait3A_355 = arith.constant 0 : i32
      %dma_wait3A_356 = tpu.memref_slice %arg12[%add3A_186, %dma_wait3A_355] : memref<10240x64xf32, #tpu.memory_space<vmem_shared>> -> memref<80x64xf32, #tpu.memory_space<vmem_shared>>
      %dma_wait3A_357 = arith.constant 0 : i32
      %dma_wait3A_358 = arith.constant 0 : i32
      %dma_wait3A_359 = tpu.memref_slice %arg11[%dma_wait3A_357, %dma_wait3A_358] : memref<160x64xf32, #tpu.memory_space<vmem>> -> memref<80x64xf32, #tpu.memory_space<vmem>>
      tpu.wait_dma2 semaphore(%run_scoped3A_339 : memref<!tpu.dma_semaphore, #tpu.memory_space<semaphore_mem>>) src(%dma_wait3A_359 : memref<80x64xf32, #tpu.memory_space<vmem>>) dst(%dma_wait3A_356 : memref<80x64xf32, #tpu.memory_space<vmem_shared>>)
      tpu.yield
    }) : () -> ()
    %add3A_187 = arith.constant 400 : i32
    %add3A_188 = arith.addi %mul3A_3, %add3A_187 : i32
    "tpu.region"() ({
      %run_scoped3A_339 = tpu.sem_alloc : memref<!tpu.dma_semaphore, #tpu.memory_space<semaphore_mem>>
      %dma_start3A_340 = arith.constant 0 : i32
      %dma_start3A_341 = arith.constant 0 : i32
      %dma_start3A_342 = tpu.memref_slice %arg11[%dma_start3A_340, %dma_start3A_341] : memref<160x64xf32, #tpu.memory_space<vmem>> -> memref<80x64xf32, #tpu.memory_space<vmem>>
      %dma_start3A_343 = arith.constant 0 : i32
      %dma_start3A_344 = tpu.memref_slice %arg12[%add3A_188, %dma_start3A_343] : memref<10240x64xf32, #tpu.memory_space<vmem_shared>> -> memref<80x64xf32, #tpu.memory_space<vmem_shared>>
      %dma_start3A_345 = arith.constant 0 : i32
      %dma_start3A_346 = tpu.memref_slice %arg12[%add3A_188, %dma_start3A_345] : memref<10240x64xf32, #tpu.memory_space<vmem_shared>> -> memref<80x64xf32, #tpu.memory_space<vmem_shared>>
      %dma_start3A_347 = arith.constant 0 : i32
      %dma_start3A_348 = arith.constant 0 : i32
      %dma_start3A_349 = tpu.memref_slice %arg11[%dma_start3A_347, %dma_start3A_348] : memref<160x64xf32, #tpu.memory_space<vmem>> -> memref<80x64xf32, #tpu.memory_space<vmem>>
      tpu.enqueue_dma source(%dma_start3A_349 : memref<80x64xf32, #tpu.memory_space<vmem>>) target(%dma_start3A_346 : memref<80x64xf32, #tpu.memory_space<vmem_shared>>) target_semaphore(%run_scoped3A_339 : memref<!tpu.dma_semaphore, #tpu.memory_space<semaphore_mem>>)
      %dma_wait3A_350 = arith.constant 0 : i32
      %dma_wait3A_351 = arith.constant 0 : i32
      %dma_wait3A_352 = tpu.memref_slice %arg11[%dma_wait3A_350, %dma_wait3A_351] : memref<160x64xf32, #tpu.memory_space<vmem>> -> memref<80x64xf32, #tpu.memory_space<vmem>>
      %dma_wait3A_353 = arith.constant 0 : i32
      %dma_wait3A_354 = tpu.memref_slice %arg12[%add3A_188, %dma_wait3A_353] : memref<10240x64xf32, #tpu.memory_space<vmem_shared>> -> memref<80x64xf32, #tpu.memory_space<vmem_shared>>
      %dma_wait3A_355 = arith.constant 0 : i32
      %dma_wait3A_356 = tpu.memref_slice %arg12[%add3A_188, %dma_wait3A_355] : memref<10240x64xf32, #tpu.memory_space<vmem_shared>> -> memref<80x64xf32, #tpu.memory_space<vmem_shared>>
      %dma_wait3A_357 = arith.constant 0 : i32
      %dma_wait3A_358 = arith.constant 0 : i32
      %dma_wait3A_359 = tpu.memref_slice %arg11[%dma_wait3A_357, %dma_wait3A_358] : memref<160x64xf32, #tpu.memory_space<vmem>> -> memref<80x64xf32, #tpu.memory_space<vmem>>
      tpu.wait_dma2 semaphore(%run_scoped3A_339 : memref<!tpu.dma_semaphore, #tpu.memory_space<semaphore_mem>>) src(%dma_wait3A_359 : memref<80x64xf32, #tpu.memory_space<vmem>>) dst(%dma_wait3A_356 : memref<80x64xf32, #tpu.memory_space<vmem_shared>>)
      tpu.yield
    }) : () -> ()
    %add3A_189 = arith.constant 480 : i32
    %add3A_190 = arith.addi %mul3A_3, %add3A_189 : i32
    "tpu.region"() ({
      %run_scoped3A_339 = tpu.sem_alloc : memref<!tpu.dma_semaphore, #tpu.memory_space<semaphore_mem>>
      %dma_start3A_340 = arith.constant 0 : i32
      %dma_start3A_341 = arith.constant 0 : i32
      %dma_start3A_342 = tpu.memref_slice %arg11[%dma_start3A_340, %dma_start3A_341] : memref<160x64xf32, #tpu.memory_space<vmem>> -> memref<80x64xf32, #tpu.memory_space<vmem>>
      %dma_start3A_343 = arith.constant 0 : i32
      %dma_start3A_344 = tpu.memref_slice %arg12[%add3A_190, %dma_start3A_343] : memref<10240x64xf32, #tpu.memory_space<vmem_shared>> -> memref<80x64xf32, #tpu.memory_space<vmem_shared>>
      %dma_start3A_345 = arith.constant 0 : i32
      %dma_start3A_346 = tpu.memref_slice %arg12[%add3A_190, %dma_start3A_345] : memref<10240x64xf32, #tpu.memory_space<vmem_shared>> -> memref<80x64xf32, #tpu.memory_space<vmem_shared>>
      %dma_start3A_347 = arith.constant 0 : i32
      %dma_start3A_348 = arith.constant 0 : i32
      %dma_start3A_349 = tpu.memref_slice %arg11[%dma_start3A_347, %dma_start3A_348] : memref<160x64xf32, #tpu.memory_space<vmem>> -> memref<80x64xf32, #tpu.memory_space<vmem>>
      tpu.enqueue_dma source(%dma_start3A_349 : memref<80x64xf32, #tpu.memory_space<vmem>>) target(%dma_start3A_346 : memref<80x64xf32, #tpu.memory_space<vmem_shared>>) target_semaphore(%run_scoped3A_339 : memref<!tpu.dma_semaphore, #tpu.memory_space<semaphore_mem>>)
      %dma_wait3A_350 = arith.constant 0 : i32
      %dma_wait3A_351 = arith.constant 0 : i32
      %dma_wait3A_352 = tpu.memref_slice %arg11[%dma_wait3A_350, %dma_wait3A_351] : memref<160x64xf32, #tpu.memory_space<vmem>> -> memref<80x64xf32, #tpu.memory_space<vmem>>
      %dma_wait3A_353 = arith.constant 0 : i32
      %dma_wait3A_354 = tpu.memref_slice %arg12[%add3A_190, %dma_wait3A_353] : memref<10240x64xf32, #tpu.memory_space<vmem_shared>> -> memref<80x64xf32, #tpu.memory_space<vmem_shared>>
      %dma_wait3A_355 = arith.constant 0 : i32
      %dma_wait3A_356 = tpu.memref_slice %arg12[%add3A_190, %dma_wait3A_355] : memref<10240x64xf32, #tpu.memory_space<vmem_shared>> -> memref<80x64xf32, #tpu.memory_space<vmem_shared>>
      %dma_wait3A_357 = arith.constant 0 : i32
      %dma_wait3A_358 = arith.constant 0 : i32
      %dma_wait3A_359 = tpu.memref_slice %arg11[%dma_wait3A_357, %dma_wait3A_358] : memref<160x64xf32, #tpu.memory_space<vmem>> -> memref<80x64xf32, #tpu.memory_space<vmem>>
      tpu.wait_dma2 semaphore(%run_scoped3A_339 : memref<!tpu.dma_semaphore, #tpu.memory_space<semaphore_mem>>) src(%dma_wait3A_359 : memref<80x64xf32, #tpu.memory_space<vmem>>) dst(%dma_wait3A_356 : memref<80x64xf32, #tpu.memory_space<vmem_shared>>)
      tpu.yield
    }) : () -> ()
    %add3A_191 = arith.constant 560 : i32
    %add3A_192 = arith.addi %mul3A_3, %add3A_191 : i32
    "tpu.region"() ({
      %run_scoped3A_339 = tpu.sem_alloc : memref<!tpu.dma_semaphore, #tpu.memory_space<semaphore_mem>>
      %dma_start3A_340 = arith.constant 0 : i32
      %dma_start3A_341 = arith.constant 0 : i32
      %dma_start3A_342 = tpu.memref_slice %arg11[%dma_start3A_340, %dma_start3A_341] : memref<160x64xf32, #tpu.memory_space<vmem>> -> memref<80x64xf32, #tpu.memory_space<vmem>>
      %dma_start3A_343 = arith.constant 0 : i32
      %dma_start3A_344 = tpu.memref_slice %arg12[%add3A_192, %dma_start3A_343] : memref<10240x64xf32, #tpu.memory_space<vmem_shared>> -> memref<80x64xf32, #tpu.memory_space<vmem_shared>>
      %dma_start3A_345 = arith.constant 0 : i32
      %dma_start3A_346 = tpu.memref_slice %arg12[%add3A_192, %dma_start3A_345] : memref<10240x64xf32, #tpu.memory_space<vmem_shared>> -> memref<80x64xf32, #tpu.memory_space<vmem_shared>>
      %dma_start3A_347 = arith.constant 0 : i32
      %dma_start3A_348 = arith.constant 0 : i32
      %dma_start3A_349 = tpu.memref_slice %arg11[%dma_start3A_347, %dma_start3A_348] : memref<160x64xf32, #tpu.memory_space<vmem>> -> memref<80x64xf32, #tpu.memory_space<vmem>>
      tpu.enqueue_dma source(%dma_start3A_349 : memref<80x64xf32, #tpu.memory_space<vmem>>) target(%dma_start3A_346 : memref<80x64xf32, #tpu.memory_space<vmem_shared>>) target_semaphore(%run_scoped3A_339 : memref<!tpu.dma_semaphore, #tpu.memory_space<semaphore_mem>>)
      %dma_wait3A_350 = arith.constant 0 : i32
      %dma_wait3A_351 = arith.constant 0 : i32
      %dma_wait3A_352 = tpu.memref_slice %arg11[%dma_wait3A_350, %dma_wait3A_351] : memref<160x64xf32, #tpu.memory_space<vmem>> -> memref<80x64xf32, #tpu.memory_space<vmem>>
      %dma_wait3A_353 = arith.constant 0 : i32
      %dma_wait3A_354 = tpu.memref_slice %arg12[%add3A_192, %dma_wait3A_353] : memref<10240x64xf32, #tpu.memory_space<vmem_shared>> -> memref<80x64xf32, #tpu.memory_space<vmem_shared>>
      %dma_wait3A_355 = arith.constant 0 : i32
      %dma_wait3A_356 = tpu.memref_slice %arg12[%add3A_192, %dma_wait3A_355] : memref<10240x64xf32, #tpu.memory_space<vmem_shared>> -> memref<80x64xf32, #tpu.memory_space<vmem_shared>>
      %dma_wait3A_357 = arith.constant 0 : i32
      %dma_wait3A_358 = arith.constant 0 : i32
      %dma_wait3A_359 = tpu.memref_slice %arg11[%dma_wait3A_357, %dma_wait3A_358] : memref<160x64xf32, #tpu.memory_space<vmem>> -> memref<80x64xf32, #tpu.memory_space<vmem>>
      tpu.wait_dma2 semaphore(%run_scoped3A_339 : memref<!tpu.dma_semaphore, #tpu.memory_space<semaphore_mem>>) src(%dma_wait3A_359 : memref<80x64xf32, #tpu.memory_space<vmem>>) dst(%dma_wait3A_356 : memref<80x64xf32, #tpu.memory_space<vmem_shared>>)
      tpu.yield
    }) : () -> ()
    %barrier3A_193 = arith.constant 0 : index
    tpu.barrier barrier_id(%barrier3A_193)
    %add3A_194 = arith.constant 0 : i32
    %add3A_195 = arith.addi %mul3A_5, %add3A_194 : i32
    %mul3A_196 = arith.constant 3 : i32
    %mul3A_197 = arith.muli %add3A_195, %mul3A_196 : i32
    %mul3A_198 = arith.constant 80 : i32
    %mul3A_199 = arith.muli %mul3A_197, %mul3A_198 : i32
    %dma_start3A_200 = arith.constant 0 : i32
    %dma_start3A_201 = arith.constant 0 : i32
    %dma_start3A_202 = arith.constant 0 : i32
    %dma_start3A_203 = tpu.memref_slice %arg6[%dma_start3A_200, %dma_start3A_202] : memref<2x240xi32, #tpu.memory_space<vmem>> -> memref<1x240xi32, #tpu.memory_space<vmem>>
    %dma_start3A_204 = tpu.memref_squeeze %dma_start3A_203 : memref<1x240xi32, #tpu.memory_space<vmem>> -> memref<240xi32, #tpu.memory_space<vmem>>
    %dma_start3A_205 = tpu.memref_slice %arg2[%mul3A_199] : memref<960000xi32, #tpu.memory_space<hbm>> -> memref<240xi32, #tpu.memory_space<hbm>>
    %dma_start3A_206 = tpu.memref_slice %arg13[%dma_start3A_201] : memref<2x!tpu.dma_semaphore, #tpu.memory_space<semaphore_mem>> -> memref<1x!tpu.dma_semaphore, #tpu.memory_space<semaphore_mem>>
    %dma_start3A_207 = tpu.memref_squeeze %dma_start3A_206 : memref<1x!tpu.dma_semaphore, #tpu.memory_space<semaphore_mem>> -> memref<!tpu.dma_semaphore, #tpu.memory_space<semaphore_mem>>
    %dma_start3A_208 = arith.constant 0 : i32
    %dma_start3A_209 = tpu.memref_slice %arg6[%dma_start3A_200, %dma_start3A_208] : memref<2x240xi32, #tpu.memory_space<vmem>> -> memref<1x240xi32, #tpu.memory_space<vmem>>
    %dma_start3A_210 = tpu.memref_squeeze %dma_start3A_209 : memref<1x240xi32, #tpu.memory_space<vmem>> -> memref<240xi32, #tpu.memory_space<vmem>>
    %dma_start3A_211 = tpu.memref_slice %arg2[%mul3A_199] : memref<960000xi32, #tpu.memory_space<hbm>> -> memref<240xi32, #tpu.memory_space<hbm>>
    tpu.enqueue_dma source(%dma_start3A_211 : memref<240xi32, #tpu.memory_space<hbm>>) target(%dma_start3A_210 : memref<240xi32, #tpu.memory_space<vmem>>) target_semaphore(%dma_start3A_207 : memref<!tpu.dma_semaphore, #tpu.memory_space<semaphore_mem>>)
    %dma_wait3A_212 = arith.constant 0 : i32
    %dma_wait3A_213 = arith.constant 0 : i32
    %dma_wait3A_214 = arith.constant 0 : i32
    %dma_wait3A_215 = tpu.memref_slice %arg6[%dma_wait3A_212, %dma_wait3A_214] : memref<2x240xi32, #tpu.memory_space<vmem>> -> memref<1x240xi32, #tpu.memory_space<vmem>>
    %dma_wait3A_216 = tpu.memref_squeeze %dma_wait3A_215 : memref<1x240xi32, #tpu.memory_space<vmem>> -> memref<240xi32, #tpu.memory_space<vmem>>
    %dma_wait3A_217 = arith.constant 0 : i32
    %dma_wait3A_218 = tpu.memref_slice %arg2[%dma_wait3A_217] : memref<960000xi32, #tpu.memory_space<hbm>> -> memref<240xi32, #tpu.memory_space<hbm>>
    %dma_wait3A_219 = tpu.memref_slice %arg13[%dma_wait3A_213] : memref<2x!tpu.dma_semaphore, #tpu.memory_space<semaphore_mem>> -> memref<1x!tpu.dma_semaphore, #tpu.memory_space<semaphore_mem>>
    %dma_wait3A_220 = tpu.memref_squeeze %dma_wait3A_219 : memref<1x!tpu.dma_semaphore, #tpu.memory_space<semaphore_mem>> -> memref<!tpu.dma_semaphore, #tpu.memory_space<semaphore_mem>>
    %dma_wait3A_221 = arith.constant 0 : i32
    %dma_wait3A_222 = tpu.memref_slice %arg6[%dma_wait3A_212, %dma_wait3A_221] : memref<2x240xi32, #tpu.memory_space<vmem>> -> memref<1x240xi32, #tpu.memory_space<vmem>>
    %dma_wait3A_223 = tpu.memref_squeeze %dma_wait3A_222 : memref<1x240xi32, #tpu.memory_space<vmem>> -> memref<240xi32, #tpu.memory_space<vmem>>
    %dma_wait3A_224 = arith.constant 0 : i32
    %dma_wait3A_225 = tpu.memref_slice %arg2[%dma_wait3A_224] : memref<960000xi32, #tpu.memory_space<hbm>> -> memref<240xi32, #tpu.memory_space<hbm>>
    tpu.wait_dma2 semaphore(%dma_wait3A_220 : memref<!tpu.dma_semaphore, #tpu.memory_space<semaphore_mem>>) src(%dma_wait3A_225 : memref<240xi32, #tpu.memory_space<hbm>>) dst(%dma_wait3A_223 : memref<240xi32, #tpu.memory_space<vmem>>)
    %scan3A_226 = arith.constant 0 : i32
    %scan3A_227 = arith.constant 0 : i32
    %scan3A_228 = arith.constant 5 : i32
    %scan3A_229 = arith.addi %scan3A_227, %scan3A_228 : i32
    %scan3A_230 = arith.constant 1 : i32
    %scan3A_231 = scf.for %scan3A_339 = %scan3A_227 to %scan3A_229 step %scan3A_230 iter_args(%scan3A_340 = %scan3A_226) -> (i32)  : i32 {
      %mul3A_341 = arith.constant 16 : i32
      %mul3A_342 = arith.muli %scan3A_339, %mul3A_341 : i32
      %get3A = arith.constant 0 : i32
      %get3A_343 = arith.index_cast %get3A : i32 to index
      %get3A_344 = arith.index_cast %mul3A_342 : i32 to index
      %get3A_345 = tpu.vector_load %arg6[%get3A_343, %get3A_344] {strides = array<i32>} : memref<2x240xi32, #tpu.memory_space<vmem>>, vector<16xi32>,
      %mul3A_346 = arith.constant 16 : i32
      %mul3A_347 = arith.muli %scan3A_339, %mul3A_346 : i32
      %add3A_348 = arith.constant 80 : i32
      %add3A_349 = arith.addi %add3A_348, %mul3A_347 : i32
      %get3A_350 = arith.constant 0 : i32
      %get3A_351 = arith.index_cast %get3A_350 : i32 to index
      %get3A_352 = arith.index_cast %add3A_349 : i32 to index
      %get3A_353 = tpu.vector_load %arg6[%get3A_351, %get3A_352] {strides = array<i32>} : memref<2x240xi32, #tpu.memory_space<vmem>>, vector<16xi32>,
      %mul3A_354 = arith.constant 16 : i32
      %mul3A_355 = arith.muli %scan3A_339, %mul3A_354 : i32
      %add3A_356 = arith.constant 160 : i32
      %add3A_357 = arith.addi %add3A_356, %mul3A_355 : i32
      %get3A_358 = arith.constant 0 : i32
      %get3A_359 = arith.index_cast %get3A_358 : i32 to index
      %get3A_360 = arith.index_cast %add3A_357 : i32 to index
      %get3A_361 = tpu.vector_load %arg6[%get3A_359, %get3A_360] {strides = array<i32>} : memref<2x240xi32, #tpu.memory_space<vmem>>, vector<16xi32>,
      %mul3A_362 = arith.constant 10240 : i32
      %mul3A_363 = vector.broadcast %mul3A_362 : i32 to vector<16xi32>
      %mul3A_364 = arith.muli %get3A_361, %mul3A_363 : vector<16xi32>
      %add3A_365 = arith.addi %mul3A_364, %get3A_345 : vector<16xi32>
      %mul3A_366 = arith.constant 2 : i32
      %mul3A_367 = vector.broadcast %mul3A_366 : i32 to vector<16xi32>
      %mul3A_368 = arith.muli %add3A_365, %mul3A_367 : vector<16xi32>
      %add3A_369 = arith.constant 1 : i32
      %add3A_370 = vector.broadcast %add3A_369 : i32 to vector<16xi32>
      %add3A_371 = arith.addi %mul3A_368, %add3A_370 : vector<16xi32>
      %mul3A_372 = arith.constant 16 : i32
      %mul3A_373 = arith.muli %scan3A_339, %mul3A_372 : i32
      %swap3A = arith.constant 0 : i32
      %swap3A_374 = arith.index_cast %swap3A : i32 to index
      %swap3A_375 = arith.index_cast %mul3A_373 : i32 to index
      %swap3A_376 = tpu.vector_load %arg7[%swap3A_374, %swap3A_375] {strides = array<i32>} : memref<2x80xi32, #tpu.memory_space<vmem>>, vector<16xi32>,
      tpu.vector_store %arg7[%swap3A_374, %swap3A_375], %add3A_371 {strides = array<i32>} : memref<2x80xi32, #tpu.memory_space<vmem>>, vector<16xi32>,
      %mul3A_377 = arith.constant 16 : i32
      %mul3A_378 = arith.muli %scan3A_339, %mul3A_377 : i32
      %swap3A_379 = arith.constant 0 : i32
      %swap3A_380 = arith.index_cast %swap3A_379 : i32 to index
      %swap3A_381 = arith.index_cast %mul3A_378 : i32 to index
      %swap3A_382 = tpu.vector_load %arg8[%swap3A_380, %swap3A_381] {strides = array<i32>} : memref<2x80xi32, #tpu.memory_space<vmem>>, vector<16xi32>,
      tpu.vector_store %arg8[%swap3A_380, %swap3A_381], %get3A_353 {strides = array<i32>} : memref<2x80xi32, #tpu.memory_space<vmem>>, vector<16xi32>,
      %mul3A_383 = arith.constant 10240 : i32
      %mul3A_384 = vector.broadcast %mul3A_383 : i32 to vector<16xi32>
      %mul3A_385 = arith.muli %get3A_361, %mul3A_384 : vector<16xi32>
      %add3A_386 = arith.addi %mul3A_385, %get3A_353 : vector<16xi32>
      %mul3A_387 = arith.constant 16 : i32
      %mul3A_388 = arith.muli %scan3A_339, %mul3A_387 : i32
      %swap3A_389 = arith.constant 0 : i32
      %swap3A_390 = arith.index_cast %swap3A_389 : i32 to index
      %swap3A_391 = arith.index_cast %mul3A_388 : i32 to index
      %swap3A_392 = tpu.vector_load %arg9[%swap3A_390, %swap3A_391] {strides = array<i32>} : memref<2x80xi32, #tpu.memory_space<vmem>>, vector<16xi32>,
      tpu.vector_store %arg9[%swap3A_390, %swap3A_391], %add3A_386 {strides = array<i32>} : memref<2x80xi32, #tpu.memory_space<vmem>>, vector<16xi32>,
      %scan3A_393 = arith.constant 0 : i32
      scf.yield %scan3A_393 : i32
    }
    %scan3A_232 = arith.constant 5 : i32
    %dma_start3A_233 = arith.constant 0 : i32
    %dma_start3A_234 = arith.constant 0 : i32
    %dma_start3A_235 = arith.constant 0 : i32
    %dma_start3A_236 = arith.constant 0 : i32
    %dma_start3A_237 = tpu.memref_slice %arg11[%dma_start3A_235, %dma_start3A_236] : memref<160x64xf32, #tpu.memory_space<vmem>> -> memref<80x64xf32, #tpu.memory_space<vmem>>
    %dma_start3A_238 = arith.constant 0 : i32
    %dma_start3A_239 = tpu.memref_slice %arg7[%dma_start3A_233, %dma_start3A_238] : memref<2x80xi32, #tpu.memory_space<vmem>> -> memref<1x80xi32, #tpu.memory_space<vmem>>
    %dma_start3A_240 = tpu.memref_squeeze %dma_start3A_239 : memref<1x80xi32, #tpu.memory_space<vmem>> -> memref<80xi32, #tpu.memory_space<vmem>>
    %dma_start3A_241 = arith.constant 0 : i32
    %dma_start3A_242 = arith.constant 0 : i32
    %dma_start3A_243 = tpu.memref_slice %arg3[%dma_start3A_241, %dma_start3A_242] : memref<163840x64xf32, #tpu.memory_space<hbm>> -> memref<163840x64xf32, #tpu.memory_space<hbm>>
    %dma_start3A_244 = tpu.memref_slice %arg14[%dma_start3A_234] : memref<2x!tpu.dma_semaphore, #tpu.memory_space<semaphore_mem>> -> memref<1x!tpu.dma_semaphore, #tpu.memory_space<semaphore_mem>>
    %dma_start3A_245 = tpu.memref_squeeze %dma_start3A_244 : memref<1x!tpu.dma_semaphore, #tpu.memory_space<semaphore_mem>> -> memref<!tpu.dma_semaphore, #tpu.memory_space<semaphore_mem>>
    tpu.enqueue_indirect_dma source(%dma_start3A_243 : memref<163840x64xf32, #tpu.memory_space<hbm>>) target(%dma_start3A_237 : memref<80x64xf32, #tpu.memory_space<vmem>>) offsets(%dma_start3A_240 : memref<80xi32, #tpu.memory_space<vmem>>) semaphore(%dma_start3A_245 : memref<!tpu.dma_semaphore, #tpu.memory_space<semaphore_mem>>)
    %dma_start3A_246 = arith.constant 0 : i32
    %dma_start3A_247 = arith.constant 0 : i32
    %dma_start3A_248 = arith.constant 0 : i32
    %dma_start3A_249 = arith.constant 0 : i32
    %dma_start3A_250 = tpu.memref_slice %arg10[%dma_start3A_247, %dma_start3A_249] : memref<2x80xf32, #tpu.memory_space<vmem>> -> memref<1x80xf32, #tpu.memory_space<vmem>>
    %dma_start3A_251 = tpu.memref_squeeze %dma_start3A_250 : memref<1x80xf32, #tpu.memory_space<vmem>> -> memref<80xf32, #tpu.memory_space<vmem>>
    %dma_start3A_252 = arith.constant 0 : i32
    %dma_start3A_253 = tpu.memref_slice %arg9[%dma_start3A_246, %dma_start3A_252] : memref<2x80xi32, #tpu.memory_space<vmem>> -> memref<1x80xi32, #tpu.memory_space<vmem>>
    %dma_start3A_254 = tpu.memref_squeeze %dma_start3A_253 : memref<1x80xi32, #tpu.memory_space<vmem>> -> memref<80xi32, #tpu.memory_space<vmem>>
    %dma_start3A_255 = arith.constant 0 : i32
    %dma_start3A_256 = tpu.memref_slice %arg4[%dma_start3A_255] : memref<81920xf32, #tpu.memory_space<hbm>> -> memref<81920xf32, #tpu.memory_space<hbm>>
    %dma_start3A_257 = tpu.memref_slice %arg15[%dma_start3A_248] : memref<2x!tpu.dma_semaphore, #tpu.memory_space<semaphore_mem>> -> memref<1x!tpu.dma_semaphore, #tpu.memory_space<semaphore_mem>>
    %dma_start3A_258 = tpu.memref_squeeze %dma_start3A_257 : memref<1x!tpu.dma_semaphore, #tpu.memory_space<semaphore_mem>> -> memref<!tpu.dma_semaphore, #tpu.memory_space<semaphore_mem>>
    tpu.enqueue_indirect_dma source(%dma_start3A_256 : memref<81920xf32, #tpu.memory_space<hbm>>) target(%dma_start3A_251 : memref<80xf32, #tpu.memory_space<vmem>>) offsets(%dma_start3A_254 : memref<80xi32, #tpu.memory_space<vmem>>) semaphore(%dma_start3A_258 : memref<!tpu.dma_semaphore, #tpu.memory_space<semaphore_mem>>)
    %add3A_259 = arith.constant 1 : i32
    %add3A_260 = arith.addi %mul3A_5, %add3A_259 : i32
    %mul3A_261 = arith.constant 3 : i32
    %mul3A_262 = arith.muli %add3A_260, %mul3A_261 : i32
    %mul3A_263 = arith.constant 80 : i32
    %mul3A_264 = arith.muli %mul3A_262, %mul3A_263 : i32
    %dma_start3A_265 = arith.constant 1 : i32
    %dma_start3A_266 = arith.constant 1 : i32
    %dma_start3A_267 = arith.constant 0 : i32
    %dma_start3A_268 = tpu.memref_slice %arg6[%dma_start3A_265, %dma_start3A_267] : memref<2x240xi32, #tpu.memory_space<vmem>> -> memref<1x240xi32, #tpu.memory_space<vmem>>
    %dma_start3A_269 = tpu.memref_squeeze %dma_start3A_268 : memref<1x240xi32, #tpu.memory_space<vmem>> -> memref<240xi32, #tpu.memory_space<vmem>>
    %dma_start3A_270 = tpu.memref_slice %arg2[%mul3A_264] : memref<960000xi32, #tpu.memory_space<hbm>> -> memref<240xi32, #tpu.memory_space<hbm>>
    %dma_start3A_271 = tpu.memref_slice %arg13[%dma_start3A_266] : memref<2x!tpu.dma_semaphore, #tpu.memory_space<semaphore_mem>> -> memref<1x!tpu.dma_semaphore, #tpu.memory_space<semaphore_mem>>
    %dma_start3A_272 = tpu.memref_squeeze %dma_start3A_271 : memref<1x!tpu.dma_semaphore, #tpu.memory_space<semaphore_mem>> -> memref<!tpu.dma_semaphore, #tpu.memory_space<semaphore_mem>>
    %dma_start3A_273 = arith.constant 0 : i32
    %dma_start3A_274 = tpu.memref_slice %arg6[%dma_start3A_265, %dma_start3A_273] : memref<2x240xi32, #tpu.memory_space<vmem>> -> memref<1x240xi32, #tpu.memory_space<vmem>>
    %dma_start3A_275 = tpu.memref_squeeze %dma_start3A_274 : memref<1x240xi32, #tpu.memory_space<vmem>> -> memref<240xi32, #tpu.memory_space<vmem>>
    %dma_start3A_276 = tpu.memref_slice %arg2[%mul3A_264] : memref<960000xi32, #tpu.memory_space<hbm>> -> memref<240xi32, #tpu.memory_space<hbm>>
    tpu.enqueue_dma source(%dma_start3A_276 : memref<240xi32, #tpu.memory_space<hbm>>) target(%dma_start3A_275 : memref<240xi32, #tpu.memory_space<vmem>>) target_semaphore(%dma_start3A_272 : memref<!tpu.dma_semaphore, #tpu.memory_space<semaphore_mem>>)
    %scan3A_277 = arith.constant 0 : i32
    %scan3A_278 = arith.constant 0 : i32
    %scan3A_279 = arith.constant 125 : i32
    %scan3A_280 = arith.addi %scan3A_278, %scan3A_279 : i32
    %scan3A_281 = arith.constant 1 : i32
    %scan3A_282 = scf.for %scan3A_339 = %scan3A_278 to %scan3A_280 step %scan3A_281 iter_args(%scan3A_340 = %scan3A_277) -> (i32)  : i32 {
      %and3A = arith.constant 1 : i32
      %and3A_341 = arith.andi %scan3A_339, %and3A : i32
      %sub3A = arith.constant 1 : i32
      %sub3A_342 = arith.subi %sub3A, %and3A_341 : i32
      %add3A_343 = arith.constant 1 : i32
      %add3A_344 = arith.addi %scan3A_339, %add3A_343 : i32
      %lt3A = arith.constant 125 : i32
      %lt3A_345 = arith.cmpi slt, %add3A_344, %lt3A : i32
      %convert_element_type3A = arith.extui %lt3A_345 : i1 to i32
      %cond3A = arith.constant 0 : i32
      %cond3A_346 = arith.cmpi ne, %convert_element_type3A, %cond3A : i32
      scf.if %cond3A_346 {
        %dma_wait3A_393 = arith.constant 0 : i32
        %dma_wait3A_394 = tpu.memref_slice %arg6[%sub3A_342, %dma_wait3A_393] : memref<2x240xi32, #tpu.memory_space<vmem>> -> memref<1x240xi32, #tpu.memory_space<vmem>>
        %dma_wait3A_395 = tpu.memref_squeeze %dma_wait3A_394 : memref<1x240xi32, #tpu.memory_space<vmem>> -> memref<240xi32, #tpu.memory_space<vmem>>
        %dma_wait3A_396 = arith.constant 0 : i32
        %dma_wait3A_397 = tpu.memref_slice %arg2[%dma_wait3A_396] : memref<960000xi32, #tpu.memory_space<hbm>> -> memref<240xi32, #tpu.memory_space<hbm>>
        %dma_wait3A_398 = tpu.memref_slice %arg13[%sub3A_342] : memref<2x!tpu.dma_semaphore, #tpu.memory_space<semaphore_mem>> -> memref<1x!tpu.dma_semaphore, #tpu.memory_space<semaphore_mem>>
        %dma_wait3A_399 = tpu.memref_squeeze %dma_wait3A_398 : memref<1x!tpu.dma_semaphore, #tpu.memory_space<semaphore_mem>> -> memref<!tpu.dma_semaphore, #tpu.memory_space<semaphore_mem>>
        %dma_wait3A_400 = arith.constant 0 : i32
        %dma_wait3A_401 = tpu.memref_slice %arg6[%sub3A_342, %dma_wait3A_400] : memref<2x240xi32, #tpu.memory_space<vmem>> -> memref<1x240xi32, #tpu.memory_space<vmem>>
        %dma_wait3A_402 = tpu.memref_squeeze %dma_wait3A_401 : memref<1x240xi32, #tpu.memory_space<vmem>> -> memref<240xi32, #tpu.memory_space<vmem>>
        %dma_wait3A_403 = arith.constant 0 : i32
        %dma_wait3A_404 = tpu.memref_slice %arg2[%dma_wait3A_403] : memref<960000xi32, #tpu.memory_space<hbm>> -> memref<240xi32, #tpu.memory_space<hbm>>
        tpu.wait_dma2 semaphore(%dma_wait3A_399 : memref<!tpu.dma_semaphore, #tpu.memory_space<semaphore_mem>>) src(%dma_wait3A_404 : memref<240xi32, #tpu.memory_space<hbm>>) dst(%dma_wait3A_402 : memref<240xi32, #tpu.memory_space<vmem>>)
        %scan3A_405 = arith.constant 0 : i32
        %scan3A_406 = arith.constant 0 : i32
        %scan3A_407 = arith.constant 5 : i32
        %scan3A_408 = arith.addi %scan3A_406, %scan3A_407 : i32
        %scan3A_409 = arith.constant 1 : i32
        %scan3A_410 = scf.for %scan3A_445 = %scan3A_406 to %scan3A_408 step %scan3A_409 iter_args(%scan3A_446 = %scan3A_405) -> (i32)  : i32 {
          %mul3A_447 = arith.constant 16 : i32
          %mul3A_448 = arith.muli %scan3A_445, %mul3A_447 : i32
          %get3A = arith.index_cast %sub3A_342 : i32 to index
          %get3A_449 = arith.index_cast %mul3A_448 : i32 to index
          %get3A_450 = tpu.vector_load %arg6[%get3A, %get3A_449] {strides = array<i32>} : memref<2x240xi32, #tpu.memory_space<vmem>>, vector<16xi32>,
          %mul3A_451 = arith.constant 16 : i32
          %mul3A_452 = arith.muli %scan3A_445, %mul3A_451 : i32
          %add3A_453 = arith.constant 80 : i32
          %add3A_454 = arith.addi %add3A_453, %mul3A_452 : i32
          %get3A_455 = arith.index_cast %sub3A_342 : i32 to index
          %get3A_456 = arith.index_cast %add3A_454 : i32 to index
          %get3A_457 = tpu.vector_load %arg6[%get3A_455, %get3A_456] {strides = array<i32>} : memref<2x240xi32, #tpu.memory_space<vmem>>, vector<16xi32>,
          %mul3A_458 = arith.constant 16 : i32
          %mul3A_459 = arith.muli %scan3A_445, %mul3A_458 : i32
          %add3A_460 = arith.constant 160 : i32
          %add3A_461 = arith.addi %add3A_460, %mul3A_459 : i32
          %get3A_462 = arith.index_cast %sub3A_342 : i32 to index
          %get3A_463 = arith.index_cast %add3A_461 : i32 to index
          %get3A_464 = tpu.vector_load %arg6[%get3A_462, %get3A_463] {strides = array<i32>} : memref<2x240xi32, #tpu.memory_space<vmem>>, vector<16xi32>,
          %mul3A_465 = arith.constant 10240 : i32
          %mul3A_466 = vector.broadcast %mul3A_465 : i32 to vector<16xi32>
          %mul3A_467 = arith.muli %get3A_464, %mul3A_466 : vector<16xi32>
          %add3A_468 = arith.addi %mul3A_467, %get3A_450 : vector<16xi32>
          %mul3A_469 = arith.constant 2 : i32
          %mul3A_470 = vector.broadcast %mul3A_469 : i32 to vector<16xi32>
          %mul3A_471 = arith.muli %add3A_468, %mul3A_470 : vector<16xi32>
          %add3A_472 = arith.constant 1 : i32
          %add3A_473 = vector.broadcast %add3A_472 : i32 to vector<16xi32>
          %add3A_474 = arith.addi %mul3A_471, %add3A_473 : vector<16xi32>
          %mul3A_475 = arith.constant 16 : i32
          %mul3A_476 = arith.muli %scan3A_445, %mul3A_475 : i32
          %swap3A = arith.index_cast %sub3A_342 : i32 to index
          %swap3A_477 = arith.index_cast %mul3A_476 : i32 to index
          %swap3A_478 = tpu.vector_load %arg7[%swap3A, %swap3A_477] {strides = array<i32>} : memref<2x80xi32, #tpu.memory_space<vmem>>, vector<16xi32>,
          tpu.vector_store %arg7[%swap3A, %swap3A_477], %add3A_474 {strides = array<i32>} : memref<2x80xi32, #tpu.memory_space<vmem>>, vector<16xi32>,
          %mul3A_479 = arith.constant 16 : i32
          %mul3A_480 = arith.muli %scan3A_445, %mul3A_479 : i32
          %swap3A_481 = arith.index_cast %sub3A_342 : i32 to index
          %swap3A_482 = arith.index_cast %mul3A_480 : i32 to index
          %swap3A_483 = tpu.vector_load %arg8[%swap3A_481, %swap3A_482] {strides = array<i32>} : memref<2x80xi32, #tpu.memory_space<vmem>>, vector<16xi32>,
          tpu.vector_store %arg8[%swap3A_481, %swap3A_482], %get3A_457 {strides = array<i32>} : memref<2x80xi32, #tpu.memory_space<vmem>>, vector<16xi32>,
          %mul3A_484 = arith.constant 10240 : i32
          %mul3A_485 = vector.broadcast %mul3A_484 : i32 to vector<16xi32>
          %mul3A_486 = arith.muli %get3A_464, %mul3A_485 : vector<16xi32>
          %add3A_487 = arith.addi %mul3A_486, %get3A_457 : vector<16xi32>
          %mul3A_488 = arith.constant 16 : i32
          %mul3A_489 = arith.muli %scan3A_445, %mul3A_488 : i32
          %swap3A_490 = arith.index_cast %sub3A_342 : i32 to index
          %swap3A_491 = arith.index_cast %mul3A_489 : i32 to index
          %swap3A_492 = tpu.vector_load %arg9[%swap3A_490, %swap3A_491] {strides = array<i32>} : memref<2x80xi32, #tpu.memory_space<vmem>>, vector<16xi32>,
          tpu.vector_store %arg9[%swap3A_490, %swap3A_491], %add3A_487 {strides = array<i32>} : memref<2x80xi32, #tpu.memory_space<vmem>>, vector<16xi32>,
          %scan3A_493 = arith.constant 0 : i32
          scf.yield %scan3A_493 : i32
        }
        %scan3A_411 = arith.constant 5 : i32
        %ge3A = arith.constant 1 : i32
        %ge3A_412 = arith.cmpi sge, %scan3A_339, %ge3A : i32
        %convert_element_type3A_413 = arith.extui %ge3A_412 : i1 to i32
        %cond3A_414 = arith.constant 0 : i32
        %cond3A_415 = arith.cmpi ne, %convert_element_type3A_413, %cond3A_414 : i32
        scf.if %cond3A_415 {
          %mul3A_445 = arith.constant 80 : i32
          %mul3A_446 = arith.muli %sub3A_342, %mul3A_445 : i32
          %dma_wait3A_447 = arith.constant 0 : i32
          %dma_wait3A_448 = tpu.memref_slice %arg11[%mul3A_446, %dma_wait3A_447] : memref<160x64xf32, #tpu.memory_space<vmem>> -> memref<80x64xf32, #tpu.memory_space<vmem>>
          %dma_wait3A_449 = arith.constant 0 : i32
          %dma_wait3A_450 = arith.constant 0 : i32
          %dma_wait3A_451 = tpu.memref_slice %arg3[%dma_wait3A_449, %dma_wait3A_450] : memref<163840x64xf32, #tpu.memory_space<hbm>> -> memref<80x64xf32, #tpu.memory_space<hbm>>
          %dma_wait3A_452 = tpu.memref_slice %arg16[%sub3A_342] : memref<2x!tpu.dma_semaphore, #tpu.memory_space<semaphore_mem>> -> memref<1x!tpu.dma_semaphore, #tpu.memory_space<semaphore_mem>>
          %dma_wait3A_453 = tpu.memref_squeeze %dma_wait3A_452 : memref<1x!tpu.dma_semaphore, #tpu.memory_space<semaphore_mem>> -> memref<!tpu.dma_semaphore, #tpu.memory_space<semaphore_mem>>
          %dma_wait3A_454 = arith.constant 0 : i32
          %dma_wait3A_455 = tpu.memref_slice %arg11[%mul3A_446, %dma_wait3A_454] : memref<160x64xf32, #tpu.memory_space<vmem>> -> memref<80x64xf32, #tpu.memory_space<vmem>>
          %dma_wait3A_456 = arith.constant 0 : i32
          %dma_wait3A_457 = arith.constant 0 : i32
          %dma_wait3A_458 = tpu.memref_slice %arg3[%dma_wait3A_456, %dma_wait3A_457] : memref<163840x64xf32, #tpu.memory_space<hbm>> -> memref<80x64xf32, #tpu.memory_space<hbm>>
          tpu.wait_dma2 semaphore(%dma_wait3A_453 : memref<!tpu.dma_semaphore, #tpu.memory_space<semaphore_mem>>) src(%dma_wait3A_458 : memref<80x64xf32, #tpu.memory_space<hbm>>) dst(%dma_wait3A_455 : memref<80x64xf32, #tpu.memory_space<vmem>>)
        } else {
        }
        %mul3A_416 = arith.constant 80 : i32
        %mul3A_417 = arith.muli %sub3A_342, %mul3A_416 : i32
        %dma_start3A_418 = arith.constant 0 : i32
        %dma_start3A_419 = tpu.memref_slice %arg11[%mul3A_417, %dma_start3A_418] : memref<160x64xf32, #tpu.memory_space<vmem>> -> memref<80x64xf32, #tpu.memory_space<vmem>>
        %dma_start3A_420 = arith.constant 0 : i32
        %dma_start3A_421 = tpu.memref_slice %arg7[%sub3A_342, %dma_start3A_420] : memref<2x80xi32, #tpu.memory_space<vmem>> -> memref<1x80xi32, #tpu.memory_space<vmem>>
        %dma_start3A_422 = tpu.memref_squeeze %dma_start3A_421 : memref<1x80xi32, #tpu.memory_space<vmem>> -> memref<80xi32, #tpu.memory_space<vmem>>
        %dma_start3A_423 = arith.constant 0 : i32
        %dma_start3A_424 = arith.constant 0 : i32
        %dma_start3A_425 = tpu.memref_slice %arg3[%dma_start3A_423, %dma_start3A_424] : memref<163840x64xf32, #tpu.memory_space<hbm>> -> memref<163840x64xf32, #tpu.memory_space<hbm>>
        %dma_start3A_426 = tpu.memref_slice %arg14[%sub3A_342] : memref<2x!tpu.dma_semaphore, #tpu.memory_space<semaphore_mem>> -> memref<1x!tpu.dma_semaphore, #tpu.memory_space<semaphore_mem>>
        %dma_start3A_427 = tpu.memref_squeeze %dma_start3A_426 : memref<1x!tpu.dma_semaphore, #tpu.memory_space<semaphore_mem>> -> memref<!tpu.dma_semaphore, #tpu.memory_space<semaphore_mem>>
        tpu.enqueue_indirect_dma source(%dma_start3A_425 : memref<163840x64xf32, #tpu.memory_space<hbm>>) target(%dma_start3A_419 : memref<80x64xf32, #tpu.memory_space<vmem>>) offsets(%dma_start3A_422 : memref<80xi32, #tpu.memory_space<vmem>>) semaphore(%dma_start3A_427 : memref<!tpu.dma_semaphore, #tpu.memory_space<semaphore_mem>>)
        %dma_start3A_428 = arith.constant 0 : i32
        %dma_start3A_429 = tpu.memref_slice %arg10[%sub3A_342, %dma_start3A_428] : memref<2x80xf32, #tpu.memory_space<vmem>> -> memref<1x80xf32, #tpu.memory_space<vmem>>
        %dma_start3A_430 = tpu.memref_squeeze %dma_start3A_429 : memref<1x80xf32, #tpu.memory_space<vmem>> -> memref<80xf32, #tpu.memory_space<vmem>>
        %dma_start3A_431 = arith.constant 0 : i32
        %dma_start3A_432 = tpu.memref_slice %arg9[%sub3A_342, %dma_start3A_431] : memref<2x80xi32, #tpu.memory_space<vmem>> -> memref<1x80xi32, #tpu.memory_space<vmem>>
        %dma_start3A_433 = tpu.memref_squeeze %dma_start3A_432 : memref<1x80xi32, #tpu.memory_space<vmem>> -> memref<80xi32, #tpu.memory_space<vmem>>
        %dma_start3A_434 = arith.constant 0 : i32
        %dma_start3A_435 = tpu.memref_slice %arg4[%dma_start3A_434] : memref<81920xf32, #tpu.memory_space<hbm>> -> memref<81920xf32, #tpu.memory_space<hbm>>
        %dma_start3A_436 = tpu.memref_slice %arg15[%sub3A_342] : memref<2x!tpu.dma_semaphore, #tpu.memory_space<semaphore_mem>> -> memref<1x!tpu.dma_semaphore, #tpu.memory_space<semaphore_mem>>
        %dma_start3A_437 = tpu.memref_squeeze %dma_start3A_436 : memref<1x!tpu.dma_semaphore, #tpu.memory_space<semaphore_mem>> -> memref<!tpu.dma_semaphore, #tpu.memory_space<semaphore_mem>>
        tpu.enqueue_indirect_dma source(%dma_start3A_435 : memref<81920xf32, #tpu.memory_space<hbm>>) target(%dma_start3A_430 : memref<80xf32, #tpu.memory_space<vmem>>) offsets(%dma_start3A_433 : memref<80xi32, #tpu.memory_space<vmem>>) semaphore(%dma_start3A_437 : memref<!tpu.dma_semaphore, #tpu.memory_space<semaphore_mem>>)
        %add3A_438 = arith.constant 2 : i32
        %add3A_439 = arith.addi %scan3A_339, %add3A_438 : i32
        %lt3A_440 = arith.constant 125 : i32
        %lt3A_441 = arith.cmpi slt, %add3A_439, %lt3A_440 : i32
        %convert_element_type3A_442 = arith.extui %lt3A_441 : i1 to i32
        %cond3A_443 = arith.constant 0 : i32
        %cond3A_444 = arith.cmpi ne, %convert_element_type3A_442, %cond3A_443 : i32
        scf.if %cond3A_444 {
          %add3A_445 = arith.constant 2 : i32
          %add3A_446 = arith.addi %scan3A_339, %add3A_445 : i32
          %add3A_447 = arith.addi %mul3A_5, %add3A_446 : i32
          %mul3A_448 = arith.constant 3 : i32
          %mul3A_449 = arith.muli %add3A_447, %mul3A_448 : i32
          %mul3A_450 = arith.constant 80 : i32
          %mul3A_451 = arith.muli %mul3A_449, %mul3A_450 : i32
          %dma_start3A_452 = arith.constant 0 : i32
          %dma_start3A_453 = tpu.memref_slice %arg6[%and3A_341, %dma_start3A_452] : memref<2x240xi32, #tpu.memory_space<vmem>> -> memref<1x240xi32, #tpu.memory_space<vmem>>
          %dma_start3A_454 = tpu.memref_squeeze %dma_start3A_453 : memref<1x240xi32, #tpu.memory_space<vmem>> -> memref<240xi32, #tpu.memory_space<vmem>>
          %dma_start3A_455 = tpu.memref_slice %arg2[%mul3A_451] : memref<960000xi32, #tpu.memory_space<hbm>> -> memref<240xi32, #tpu.memory_space<hbm>>
          %dma_start3A_456 = tpu.memref_slice %arg13[%and3A_341] : memref<2x!tpu.dma_semaphore, #tpu.memory_space<semaphore_mem>> -> memref<1x!tpu.dma_semaphore, #tpu.memory_space<semaphore_mem>>
          %dma_start3A_457 = tpu.memref_squeeze %dma_start3A_456 : memref<1x!tpu.dma_semaphore, #tpu.memory_space<semaphore_mem>> -> memref<!tpu.dma_semaphore, #tpu.memory_space<semaphore_mem>>
          %dma_start3A_458 = arith.constant 0 : i32
          %dma_start3A_459 = tpu.memref_slice %arg6[%and3A_341, %dma_start3A_458] : memref<2x240xi32, #tpu.memory_space<vmem>> -> memref<1x240xi32, #tpu.memory_space<vmem>>
          %dma_start3A_460 = tpu.memref_squeeze %dma_start3A_459 : memref<1x240xi32, #tpu.memory_space<vmem>> -> memref<240xi32, #tpu.memory_space<vmem>>
          %dma_start3A_461 = tpu.memref_slice %arg2[%mul3A_451] : memref<960000xi32, #tpu.memory_space<hbm>> -> memref<240xi32, #tpu.memory_space<hbm>>
          tpu.enqueue_dma source(%dma_start3A_461 : memref<240xi32, #tpu.memory_space<hbm>>) target(%dma_start3A_460 : memref<240xi32, #tpu.memory_space<vmem>>) target_semaphore(%dma_start3A_457 : memref<!tpu.dma_semaphore, #tpu.memory_space<semaphore_mem>>)
        } else {
        }
      } else {
      }
      %mul3A_347 = arith.constant 80 : i32
      %mul3A_348 = arith.muli %and3A_341, %mul3A_347 : i32
      %dma_wait3A_349 = arith.constant 0 : i32
      %dma_wait3A_350 = tpu.memref_slice %arg11[%mul3A_348, %dma_wait3A_349] : memref<160x64xf32, #tpu.memory_space<vmem>> -> memref<80x64xf32, #tpu.memory_space<vmem>>
      %dma_wait3A_351 = arith.constant 0 : i32
      %dma_wait3A_352 = arith.constant 0 : i32
      %dma_wait3A_353 = tpu.memref_slice %arg3[%dma_wait3A_351, %dma_wait3A_352] : memref<163840x64xf32, #tpu.memory_space<hbm>> -> memref<80x64xf32, #tpu.memory_space<hbm>>
      %dma_wait3A_354 = tpu.memref_slice %arg14[%and3A_341] : memref<2x!tpu.dma_semaphore, #tpu.memory_space<semaphore_mem>> -> memref<1x!tpu.dma_semaphore, #tpu.memory_space<semaphore_mem>>
      %dma_wait3A_355 = tpu.memref_squeeze %dma_wait3A_354 : memref<1x!tpu.dma_semaphore, #tpu.memory_space<semaphore_mem>> -> memref<!tpu.dma_semaphore, #tpu.memory_space<semaphore_mem>>
      %dma_wait3A_356 = arith.constant 0 : i32
      %dma_wait3A_357 = tpu.memref_slice %arg11[%mul3A_348, %dma_wait3A_356] : memref<160x64xf32, #tpu.memory_space<vmem>> -> memref<80x64xf32, #tpu.memory_space<vmem>>
      %dma_wait3A_358 = arith.constant 0 : i32
      %dma_wait3A_359 = arith.constant 0 : i32
      %dma_wait3A_360 = tpu.memref_slice %arg3[%dma_wait3A_358, %dma_wait3A_359] : memref<163840x64xf32, #tpu.memory_space<hbm>> -> memref<80x64xf32, #tpu.memory_space<hbm>>
      tpu.wait_dma2 semaphore(%dma_wait3A_355 : memref<!tpu.dma_semaphore, #tpu.memory_space<semaphore_mem>>) src(%dma_wait3A_360 : memref<80x64xf32, #tpu.memory_space<hbm>>) dst(%dma_wait3A_357 : memref<80x64xf32, #tpu.memory_space<vmem>>)
      %dma_wait3A_361 = arith.constant 0 : i32
      %dma_wait3A_362 = tpu.memref_slice %arg10[%and3A_341, %dma_wait3A_361] : memref<2x80xf32, #tpu.memory_space<vmem>> -> memref<1x80xf32, #tpu.memory_space<vmem>>
      %dma_wait3A_363 = tpu.memref_squeeze %dma_wait3A_362 : memref<1x80xf32, #tpu.memory_space<vmem>> -> memref<80xf32, #tpu.memory_space<vmem>>
      %dma_wait3A_364 = arith.constant 0 : i32
      %dma_wait3A_365 = tpu.memref_slice %arg4[%dma_wait3A_364] : memref<81920xf32, #tpu.memory_space<hbm>> -> memref<80xf32, #tpu.memory_space<hbm>>
      %dma_wait3A_366 = tpu.memref_slice %arg15[%and3A_341] : memref<2x!tpu.dma_semaphore, #tpu.memory_space<semaphore_mem>> -> memref<1x!tpu.dma_semaphore, #tpu.memory_space<semaphore_mem>>
      %dma_wait3A_367 = tpu.memref_squeeze %dma_wait3A_366 : memref<1x!tpu.dma_semaphore, #tpu.memory_space<semaphore_mem>> -> memref<!tpu.dma_semaphore, #tpu.memory_space<semaphore_mem>>
      %dma_wait3A_368 = arith.constant 0 : i32
      %dma_wait3A_369 = tpu.memref_slice %arg10[%and3A_341, %dma_wait3A_368] : memref<2x80xf32, #tpu.memory_space<vmem>> -> memref<1x80xf32, #tpu.memory_space<vmem>>
      %dma_wait3A_370 = tpu.memref_squeeze %dma_wait3A_369 : memref<1x80xf32, #tpu.memory_space<vmem>> -> memref<80xf32, #tpu.memory_space<vmem>>
      %dma_wait3A_371 = arith.constant 0 : i32
      %dma_wait3A_372 = tpu.memref_slice %arg4[%dma_wait3A_371] : memref<81920xf32, #tpu.memory_space<hbm>> -> memref<80xf32, #tpu.memory_space<hbm>>
      tpu.wait_dma2 semaphore(%dma_wait3A_367 : memref<!tpu.dma_semaphore, #tpu.memory_space<semaphore_mem>>) src(%dma_wait3A_372 : memref<80xf32, #tpu.memory_space<hbm>>) dst(%dma_wait3A_370 : memref<80xf32, #tpu.memory_space<vmem>>)
      %scan3A_373 = arith.constant 0 : i32
      %scan3A_374 = arith.constant 0 : i32
      %scan3A_375 = arith.constant 5 : i32
      %scan3A_376 = arith.addi %scan3A_374, %scan3A_375 : i32
      %scan3A_377 = arith.constant 1 : i32
      %scan3A_378 = scf.for %scan3A_393 = %scan3A_374 to %scan3A_376 step %scan3A_377 iter_args(%scan3A_394 = %scan3A_373) -> (i32)  : i32 {
        %mul3A_395 = arith.constant 16 : i32
        %mul3A_396 = arith.muli %scan3A_393, %mul3A_395 : i32
        %add3A_397 = arith.constant 0 : i32
        %add3A_398 = arith.addi %mul3A_396, %add3A_397 : i32
        %broadcast_in_dim3A_399 = arith.constant 0 : i32
        %broadcast_in_dim3A_400 = vector.broadcast %broadcast_in_dim3A_399 : i32 to vector<16xi32>
        %add3A_401 = vector.broadcast %and3A_341 : i32 to vector<16xi32>
        %add3A_402 = arith.addi %broadcast_in_dim3A_400, %add3A_401 : vector<16xi32>
        %broadcast_in_dim3A_403 = arith.constant 0 : i32
        %broadcast_in_dim3A_404 = vector.broadcast %broadcast_in_dim3A_403 : i32 to vector<16xi32>
        %add3A_405 = vector.broadcast %add3A_398 : i32 to vector<16xi32>
        %add3A_406 = arith.addi %broadcast_in_dim3A_404, %add3A_405 : vector<16xi32>
        %gather3A = tpu.vector_load_idx %arg10[%add3A_402, %add3A_406] : memref<2x80xf32, #tpu.memory_space<vmem>>[vector<16xi32>, vector<16xi32>], vector<16xf32>,
        %mul3A_407 = arith.constant 80 : i32
        %mul3A_408 = arith.muli %and3A_341, %mul3A_407 : i32
        %add3A_409 = arith.addi %mul3A_408, %add3A_398 : i32
        %get3A = arith.index_cast %add3A_409 : i32 to index
        %get3A_410 = arith.constant 0 : index
        %get3A_411 = tpu.vector_load %arg11[%get3A, %get3A_410] {strides = array<i32>} : memref<160x64xf32, #tpu.memory_space<vmem>>, vector<16xf32>,
        %mul3A_412 = arith.mulf %get3A_411, %gather3A : vector<16xf32>
        %swap3A = arith.index_cast %add3A_409 : i32 to index
        %swap3A_413 = arith.constant 0 : index
        %swap3A_414 = tpu.vector_load %arg11[%swap3A, %swap3A_413] {strides = array<i32>} : memref<160x64xf32, #tpu.memory_space<vmem>>, vector<16xf32>,
        tpu.vector_store %arg11[%swap3A, %swap3A_413], %mul3A_412 {strides = array<i32>} : memref<160x64xf32, #tpu.memory_space<vmem>>, vector<16xf32>,
        %mul3A_415 = arith.constant 80 : i32
        %mul3A_416 = arith.muli %and3A_341, %mul3A_415 : i32
        %add3A_417 = arith.addi %mul3A_416, %add3A_398 : i32
        %get3A_418 = arith.index_cast %add3A_417 : i32 to index
        %get3A_419 = arith.constant 16 : index
        %get3A_420 = tpu.vector_load %arg11[%get3A_418, %get3A_419] {strides = array<i32>} : memref<160x64xf32, #tpu.memory_space<vmem>>, vector<16xf32>,
        %mul3A_421 = arith.mulf %get3A_420, %gather3A : vector<16xf32>
        %swap3A_422 = arith.index_cast %add3A_417 : i32 to index
        %swap3A_423 = arith.constant 16 : index
        %swap3A_424 = tpu.vector_load %arg11[%swap3A_422, %swap3A_423] {strides = array<i32>} : memref<160x64xf32, #tpu.memory_space<vmem>>, vector<16xf32>,
        tpu.vector_store %arg11[%swap3A_422, %swap3A_423], %mul3A_421 {strides = array<i32>} : memref<160x64xf32, #tpu.memory_space<vmem>>, vector<16xf32>,
        %mul3A_425 = arith.constant 80 : i32
        %mul3A_426 = arith.muli %and3A_341, %mul3A_425 : i32
        %add3A_427 = arith.addi %mul3A_426, %add3A_398 : i32
        %get3A_428 = arith.index_cast %add3A_427 : i32 to index
        %get3A_429 = arith.constant 32 : index
        %get3A_430 = tpu.vector_load %arg11[%get3A_428, %get3A_429] {strides = array<i32>} : memref<160x64xf32, #tpu.memory_space<vmem>>, vector<16xf32>,
        %mul3A_431 = arith.mulf %get3A_430, %gather3A : vector<16xf32>
        %swap3A_432 = arith.index_cast %add3A_427 : i32 to index
        %swap3A_433 = arith.constant 32 : index
        %swap3A_434 = tpu.vector_load %arg11[%swap3A_432, %swap3A_433] {strides = array<i32>} : memref<160x64xf32, #tpu.memory_space<vmem>>, vector<16xf32>,
        tpu.vector_store %arg11[%swap3A_432, %swap3A_433], %mul3A_431 {strides = array<i32>} : memref<160x64xf32, #tpu.memory_space<vmem>>, vector<16xf32>,
        %mul3A_435 = arith.constant 80 : i32
        %mul3A_436 = arith.muli %and3A_341, %mul3A_435 : i32
        %add3A_437 = arith.addi %mul3A_436, %add3A_398 : i32
        %get3A_438 = arith.index_cast %add3A_437 : i32 to index
        %get3A_439 = arith.constant 48 : index
        %get3A_440 = tpu.vector_load %arg11[%get3A_438, %get3A_439] {strides = array<i32>} : memref<160x64xf32, #tpu.memory_space<vmem>>, vector<16xf32>,
        %mul3A_441 = arith.mulf %get3A_440, %gather3A : vector<16xf32>
        %swap3A_442 = arith.index_cast %add3A_437 : i32 to index
        %swap3A_443 = arith.constant 48 : index
        %swap3A_444 = tpu.vector_load %arg11[%swap3A_442, %swap3A_443] {strides = array<i32>} : memref<160x64xf32, #tpu.memory_space<vmem>>, vector<16xf32>,
        tpu.vector_store %arg11[%swap3A_442, %swap3A_443], %mul3A_441 {strides = array<i32>} : memref<160x64xf32, #tpu.memory_space<vmem>>, vector<16xf32>,
        %mul3A_445 = arith.constant 16 : i32
        %mul3A_446 = arith.muli %scan3A_393, %mul3A_445 : i32
        %add3A_447 = arith.constant 1 : i32
        %add3A_448 = arith.addi %mul3A_446, %add3A_447 : i32
        %broadcast_in_dim3A_449 = arith.constant 0 : i32
        %broadcast_in_dim3A_450 = vector.broadcast %broadcast_in_dim3A_449 : i32 to vector<16xi32>
        %add3A_451 = vector.broadcast %and3A_341 : i32 to vector<16xi32>
        %add3A_452 = arith.addi %broadcast_in_dim3A_450, %add3A_451 : vector<16xi32>
        %broadcast_in_dim3A_453 = arith.constant 0 : i32
        %broadcast_in_dim3A_454 = vector.broadcast %broadcast_in_dim3A_453 : i32 to vector<16xi32>
        %add3A_455 = vector.broadcast %add3A_448 : i32 to vector<16xi32>
        %add3A_456 = arith.addi %broadcast_in_dim3A_454, %add3A_455 : vector<16xi32>
        %gather3A_457 = tpu.vector_load_idx %arg10[%add3A_452, %add3A_456] : memref<2x80xf32, #tpu.memory_space<vmem>>[vector<16xi32>, vector<16xi32>], vector<16xf32>,
        %mul3A_458 = arith.constant 80 : i32
        %mul3A_459 = arith.muli %and3A_341, %mul3A_458 : i32
        %add3A_460 = arith.addi %mul3A_459, %add3A_448 : i32
        %get3A_461 = arith.index_cast %add3A_460 : i32 to index
        %get3A_462 = arith.constant 0 : index
        %get3A_463 = tpu.vector_load %arg11[%get3A_461, %get3A_462] {strides = array<i32>} : memref<160x64xf32, #tpu.memory_space<vmem>>, vector<16xf32>,
        %mul3A_464 = arith.mulf %get3A_463, %gather3A_457 : vector<16xf32>
        %swap3A_465 = arith.index_cast %add3A_460 : i32 to index
        %swap3A_466 = arith.constant 0 : index
        %swap3A_467 = tpu.vector_load %arg11[%swap3A_465, %swap3A_466] {strides = array<i32>} : memref<160x64xf32, #tpu.memory_space<vmem>>, vector<16xf32>,
        tpu.vector_store %arg11[%swap3A_465, %swap3A_466], %mul3A_464 {strides = array<i32>} : memref<160x64xf32, #tpu.memory_space<vmem>>, vector<16xf32>,
        %mul3A_468 = arith.constant 80 : i32
        %mul3A_469 = arith.muli %and3A_341, %mul3A_468 : i32
        %add3A_470 = arith.addi %mul3A_469, %add3A_448 : i32
        %get3A_471 = arith.index_cast %add3A_470 : i32 to index
        %get3A_472 = arith.constant 16 : index
        %get3A_473 = tpu.vector_load %arg11[%get3A_471, %get3A_472] {strides = array<i32>} : memref<160x64xf32, #tpu.memory_space<vmem>>, vector<16xf32>,
        %mul3A_474 = arith.mulf %get3A_473, %gather3A_457 : vector<16xf32>
        %swap3A_475 = arith.index_cast %add3A_470 : i32 to index
        %swap3A_476 = arith.constant 16 : index
        %swap3A_477 = tpu.vector_load %arg11[%swap3A_475, %swap3A_476] {strides = array<i32>} : memref<160x64xf32, #tpu.memory_space<vmem>>, vector<16xf32>,
        tpu.vector_store %arg11[%swap3A_475, %swap3A_476], %mul3A_474 {strides = array<i32>} : memref<160x64xf32, #tpu.memory_space<vmem>>, vector<16xf32>,
        %mul3A_478 = arith.constant 80 : i32
        %mul3A_479 = arith.muli %and3A_341, %mul3A_478 : i32
        %add3A_480 = arith.addi %mul3A_479, %add3A_448 : i32
        %get3A_481 = arith.index_cast %add3A_480 : i32 to index
        %get3A_482 = arith.constant 32 : index
        %get3A_483 = tpu.vector_load %arg11[%get3A_481, %get3A_482] {strides = array<i32>} : memref<160x64xf32, #tpu.memory_space<vmem>>, vector<16xf32>,
        %mul3A_484 = arith.mulf %get3A_483, %gather3A_457 : vector<16xf32>
        %swap3A_485 = arith.index_cast %add3A_480 : i32 to index
        %swap3A_486 = arith.constant 32 : index
        %swap3A_487 = tpu.vector_load %arg11[%swap3A_485, %swap3A_486] {strides = array<i32>} : memref<160x64xf32, #tpu.memory_space<vmem>>, vector<16xf32>,
        tpu.vector_store %arg11[%swap3A_485, %swap3A_486], %mul3A_484 {strides = array<i32>} : memref<160x64xf32, #tpu.memory_space<vmem>>, vector<16xf32>,
        %mul3A_488 = arith.constant 80 : i32
        %mul3A_489 = arith.muli %and3A_341, %mul3A_488 : i32
        %add3A_490 = arith.addi %mul3A_489, %add3A_448 : i32
        %get3A_491 = arith.index_cast %add3A_490 : i32 to index
        %get3A_492 = arith.constant 48 : index
        %get3A_493 = tpu.vector_load %arg11[%get3A_491, %get3A_492] {strides = array<i32>} : memref<160x64xf32, #tpu.memory_space<vmem>>, vector<16xf32>,
        %mul3A_494 = arith.mulf %get3A_493, %gather3A_457 : vector<16xf32>
        %swap3A_495 = arith.index_cast %add3A_490 : i32 to index
        %swap3A_496 = arith.constant 48 : index
        %swap3A_497 = tpu.vector_load %arg11[%swap3A_495, %swap3A_496] {strides = array<i32>} : memref<160x64xf32, #tpu.memory_space<vmem>>, vector<16xf32>,
        tpu.vector_store %arg11[%swap3A_495, %swap3A_496], %mul3A_494 {strides = array<i32>} : memref<160x64xf32, #tpu.memory_space<vmem>>, vector<16xf32>,
        %mul3A_498 = arith.constant 16 : i32
        %mul3A_499 = arith.muli %scan3A_393, %mul3A_498 : i32
        %add3A_500 = arith.constant 2 : i32
        %add3A_501 = arith.addi %mul3A_499, %add3A_500 : i32
        %broadcast_in_dim3A_502 = arith.constant 0 : i32
        %broadcast_in_dim3A_503 = vector.broadcast %broadcast_in_dim3A_502 : i32 to vector<16xi32>
        %add3A_504 = vector.broadcast %and3A_341 : i32 to vector<16xi32>
        %add3A_505 = arith.addi %broadcast_in_dim3A_503, %add3A_504 : vector<16xi32>
        %broadcast_in_dim3A_506 = arith.constant 0 : i32
        %broadcast_in_dim3A_507 = vector.broadcast %broadcast_in_dim3A_506 : i32 to vector<16xi32>
        %add3A_508 = vector.broadcast %add3A_501 : i32 to vector<16xi32>
        %add3A_509 = arith.addi %broadcast_in_dim3A_507, %add3A_508 : vector<16xi32>
        %gather3A_510 = tpu.vector_load_idx %arg10[%add3A_505, %add3A_509] : memref<2x80xf32, #tpu.memory_space<vmem>>[vector<16xi32>, vector<16xi32>], vector<16xf32>,
        %mul3A_511 = arith.constant 80 : i32
        %mul3A_512 = arith.muli %and3A_341, %mul3A_511 : i32
        %add3A_513 = arith.addi %mul3A_512, %add3A_501 : i32
        %get3A_514 = arith.index_cast %add3A_513 : i32 to index
        %get3A_515 = arith.constant 0 : index
        %get3A_516 = tpu.vector_load %arg11[%get3A_514, %get3A_515] {strides = array<i32>} : memref<160x64xf32, #tpu.memory_space<vmem>>, vector<16xf32>,
        %mul3A_517 = arith.mulf %get3A_516, %gather3A_510 : vector<16xf32>
        %swap3A_518 = arith.index_cast %add3A_513 : i32 to index
        %swap3A_519 = arith.constant 0 : index
        %swap3A_520 = tpu.vector_load %arg11[%swap3A_518, %swap3A_519] {strides = array<i32>} : memref<160x64xf32, #tpu.memory_space<vmem>>, vector<16xf32>,
        tpu.vector_store %arg11[%swap3A_518, %swap3A_519], %mul3A_517 {strides = array<i32>} : memref<160x64xf32, #tpu.memory_space<vmem>>, vector<16xf32>,
        %mul3A_521 = arith.constant 80 : i32
        %mul3A_522 = arith.muli %and3A_341, %mul3A_521 : i32
        %add3A_523 = arith.addi %mul3A_522, %add3A_501 : i32
        %get3A_524 = arith.index_cast %add3A_523 : i32 to index
        %get3A_525 = arith.constant 16 : index
        %get3A_526 = tpu.vector_load %arg11[%get3A_524, %get3A_525] {strides = array<i32>} : memref<160x64xf32, #tpu.memory_space<vmem>>, vector<16xf32>,
        %mul3A_527 = arith.mulf %get3A_526, %gather3A_510 : vector<16xf32>
        %swap3A_528 = arith.index_cast %add3A_523 : i32 to index
        %swap3A_529 = arith.constant 16 : index
        %swap3A_530 = tpu.vector_load %arg11[%swap3A_528, %swap3A_529] {strides = array<i32>} : memref<160x64xf32, #tpu.memory_space<vmem>>, vector<16xf32>,
        tpu.vector_store %arg11[%swap3A_528, %swap3A_529], %mul3A_527 {strides = array<i32>} : memref<160x64xf32, #tpu.memory_space<vmem>>, vector<16xf32>,
        %mul3A_531 = arith.constant 80 : i32
        %mul3A_532 = arith.muli %and3A_341, %mul3A_531 : i32
        %add3A_533 = arith.addi %mul3A_532, %add3A_501 : i32
        %get3A_534 = arith.index_cast %add3A_533 : i32 to index
        %get3A_535 = arith.constant 32 : index
        %get3A_536 = tpu.vector_load %arg11[%get3A_534, %get3A_535] {strides = array<i32>} : memref<160x64xf32, #tpu.memory_space<vmem>>, vector<16xf32>,
        %mul3A_537 = arith.mulf %get3A_536, %gather3A_510 : vector<16xf32>
        %swap3A_538 = arith.index_cast %add3A_533 : i32 to index
        %swap3A_539 = arith.constant 32 : index
        %swap3A_540 = tpu.vector_load %arg11[%swap3A_538, %swap3A_539] {strides = array<i32>} : memref<160x64xf32, #tpu.memory_space<vmem>>, vector<16xf32>,
        tpu.vector_store %arg11[%swap3A_538, %swap3A_539], %mul3A_537 {strides = array<i32>} : memref<160x64xf32, #tpu.memory_space<vmem>>, vector<16xf32>,
        %mul3A_541 = arith.constant 80 : i32
        %mul3A_542 = arith.muli %and3A_341, %mul3A_541 : i32
        %add3A_543 = arith.addi %mul3A_542, %add3A_501 : i32
        %get3A_544 = arith.index_cast %add3A_543 : i32 to index
        %get3A_545 = arith.constant 48 : index
        %get3A_546 = tpu.vector_load %arg11[%get3A_544, %get3A_545] {strides = array<i32>} : memref<160x64xf32, #tpu.memory_space<vmem>>, vector<16xf32>,
        %mul3A_547 = arith.mulf %get3A_546, %gather3A_510 : vector<16xf32>
        %swap3A_548 = arith.index_cast %add3A_543 : i32 to index
        %swap3A_549 = arith.constant 48 : index
        %swap3A_550 = tpu.vector_load %arg11[%swap3A_548, %swap3A_549] {strides = array<i32>} : memref<160x64xf32, #tpu.memory_space<vmem>>, vector<16xf32>,
        tpu.vector_store %arg11[%swap3A_548, %swap3A_549], %mul3A_547 {strides = array<i32>} : memref<160x64xf32, #tpu.memory_space<vmem>>, vector<16xf32>,
        %mul3A_551 = arith.constant 16 : i32
        %mul3A_552 = arith.muli %scan3A_393, %mul3A_551 : i32
        %add3A_553 = arith.constant 3 : i32
        %add3A_554 = arith.addi %mul3A_552, %add3A_553 : i32
        %broadcast_in_dim3A_555 = arith.constant 0 : i32
        %broadcast_in_dim3A_556 = vector.broadcast %broadcast_in_dim3A_555 : i32 to vector<16xi32>
        %add3A_557 = vector.broadcast %and3A_341 : i32 to vector<16xi32>
        %add3A_558 = arith.addi %broadcast_in_dim3A_556, %add3A_557 : vector<16xi32>
        %broadcast_in_dim3A_559 = arith.constant 0 : i32
        %broadcast_in_dim3A_560 = vector.broadcast %broadcast_in_dim3A_559 : i32 to vector<16xi32>
        %add3A_561 = vector.broadcast %add3A_554 : i32 to vector<16xi32>
        %add3A_562 = arith.addi %broadcast_in_dim3A_560, %add3A_561 : vector<16xi32>
        %gather3A_563 = tpu.vector_load_idx %arg10[%add3A_558, %add3A_562] : memref<2x80xf32, #tpu.memory_space<vmem>>[vector<16xi32>, vector<16xi32>], vector<16xf32>,
        %mul3A_564 = arith.constant 80 : i32
        %mul3A_565 = arith.muli %and3A_341, %mul3A_564 : i32
        %add3A_566 = arith.addi %mul3A_565, %add3A_554 : i32
        %get3A_567 = arith.index_cast %add3A_566 : i32 to index
        %get3A_568 = arith.constant 0 : index
        %get3A_569 = tpu.vector_load %arg11[%get3A_567, %get3A_568] {strides = array<i32>} : memref<160x64xf32, #tpu.memory_space<vmem>>, vector<16xf32>,
        %mul3A_570 = arith.mulf %get3A_569, %gather3A_563 : vector<16xf32>
        %swap3A_571 = arith.index_cast %add3A_566 : i32 to index
        %swap3A_572 = arith.constant 0 : index
        %swap3A_573 = tpu.vector_load %arg11[%swap3A_571, %swap3A_572] {strides = array<i32>} : memref<160x64xf32, #tpu.memory_space<vmem>>, vector<16xf32>,
        tpu.vector_store %arg11[%swap3A_571, %swap3A_572], %mul3A_570 {strides = array<i32>} : memref<160x64xf32, #tpu.memory_space<vmem>>, vector<16xf32>,
        %mul3A_574 = arith.constant 80 : i32
        %mul3A_575 = arith.muli %and3A_341, %mul3A_574 : i32
        %add3A_576 = arith.addi %mul3A_575, %add3A_554 : i32
        %get3A_577 = arith.index_cast %add3A_576 : i32 to index
        %get3A_578 = arith.constant 16 : index
        %get3A_579 = tpu.vector_load %arg11[%get3A_577, %get3A_578] {strides = array<i32>} : memref<160x64xf32, #tpu.memory_space<vmem>>, vector<16xf32>,
        %mul3A_580 = arith.mulf %get3A_579, %gather3A_563 : vector<16xf32>
        %swap3A_581 = arith.index_cast %add3A_576 : i32 to index
        %swap3A_582 = arith.constant 16 : index
        %swap3A_583 = tpu.vector_load %arg11[%swap3A_581, %swap3A_582] {strides = array<i32>} : memref<160x64xf32, #tpu.memory_space<vmem>>, vector<16xf32>,
        tpu.vector_store %arg11[%swap3A_581, %swap3A_582], %mul3A_580 {strides = array<i32>} : memref<160x64xf32, #tpu.memory_space<vmem>>, vector<16xf32>,
        %mul3A_584 = arith.constant 80 : i32
        %mul3A_585 = arith.muli %and3A_341, %mul3A_584 : i32
        %add3A_586 = arith.addi %mul3A_585, %add3A_554 : i32
        %get3A_587 = arith.index_cast %add3A_586 : i32 to index
        %get3A_588 = arith.constant 32 : index
        %get3A_589 = tpu.vector_load %arg11[%get3A_587, %get3A_588] {strides = array<i32>} : memref<160x64xf32, #tpu.memory_space<vmem>>, vector<16xf32>,
        %mul3A_590 = arith.mulf %get3A_589, %gather3A_563 : vector<16xf32>
        %swap3A_591 = arith.index_cast %add3A_586 : i32 to index
        %swap3A_592 = arith.constant 32 : index
        %swap3A_593 = tpu.vector_load %arg11[%swap3A_591, %swap3A_592] {strides = array<i32>} : memref<160x64xf32, #tpu.memory_space<vmem>>, vector<16xf32>,
        tpu.vector_store %arg11[%swap3A_591, %swap3A_592], %mul3A_590 {strides = array<i32>} : memref<160x64xf32, #tpu.memory_space<vmem>>, vector<16xf32>,
        %mul3A_594 = arith.constant 80 : i32
        %mul3A_595 = arith.muli %and3A_341, %mul3A_594 : i32
        %add3A_596 = arith.addi %mul3A_595, %add3A_554 : i32
        %get3A_597 = arith.index_cast %add3A_596 : i32 to index
        %get3A_598 = arith.constant 48 : index
        %get3A_599 = tpu.vector_load %arg11[%get3A_597, %get3A_598] {strides = array<i32>} : memref<160x64xf32, #tpu.memory_space<vmem>>, vector<16xf32>,
        %mul3A_600 = arith.mulf %get3A_599, %gather3A_563 : vector<16xf32>
        %swap3A_601 = arith.index_cast %add3A_596 : i32 to index
        %swap3A_602 = arith.constant 48 : index
        %swap3A_603 = tpu.vector_load %arg11[%swap3A_601, %swap3A_602] {strides = array<i32>} : memref<160x64xf32, #tpu.memory_space<vmem>>, vector<16xf32>,
        tpu.vector_store %arg11[%swap3A_601, %swap3A_602], %mul3A_600 {strides = array<i32>} : memref<160x64xf32, #tpu.memory_space<vmem>>, vector<16xf32>,
        %mul3A_604 = arith.constant 16 : i32
        %mul3A_605 = arith.muli %scan3A_393, %mul3A_604 : i32
        %add3A_606 = arith.constant 4 : i32
        %add3A_607 = arith.addi %mul3A_605, %add3A_606 : i32
        %broadcast_in_dim3A_608 = arith.constant 0 : i32
        %broadcast_in_dim3A_609 = vector.broadcast %broadcast_in_dim3A_608 : i32 to vector<16xi32>
        %add3A_610 = vector.broadcast %and3A_341 : i32 to vector<16xi32>
        %add3A_611 = arith.addi %broadcast_in_dim3A_609, %add3A_610 : vector<16xi32>
        %broadcast_in_dim3A_612 = arith.constant 0 : i32
        %broadcast_in_dim3A_613 = vector.broadcast %broadcast_in_dim3A_612 : i32 to vector<16xi32>
        %add3A_614 = vector.broadcast %add3A_607 : i32 to vector<16xi32>
        %add3A_615 = arith.addi %broadcast_in_dim3A_613, %add3A_614 : vector<16xi32>
        %gather3A_616 = tpu.vector_load_idx %arg10[%add3A_611, %add3A_615] : memref<2x80xf32, #tpu.memory_space<vmem>>[vector<16xi32>, vector<16xi32>], vector<16xf32>,
        %mul3A_617 = arith.constant 80 : i32
        %mul3A_618 = arith.muli %and3A_341, %mul3A_617 : i32
        %add3A_619 = arith.addi %mul3A_618, %add3A_607 : i32
        %get3A_620 = arith.index_cast %add3A_619 : i32 to index
        %get3A_621 = arith.constant 0 : index
        %get3A_622 = tpu.vector_load %arg11[%get3A_620, %get3A_621] {strides = array<i32>} : memref<160x64xf32, #tpu.memory_space<vmem>>, vector<16xf32>,
        %mul3A_623 = arith.mulf %get3A_622, %gather3A_616 : vector<16xf32>
        %swap3A_624 = arith.index_cast %add3A_619 : i32 to index
        %swap3A_625 = arith.constant 0 : index
        %swap3A_626 = tpu.vector_load %arg11[%swap3A_624, %swap3A_625] {strides = array<i32>} : memref<160x64xf32, #tpu.memory_space<vmem>>, vector<16xf32>,
        tpu.vector_store %arg11[%swap3A_624, %swap3A_625], %mul3A_623 {strides = array<i32>} : memref<160x64xf32, #tpu.memory_space<vmem>>, vector<16xf32>,
        %mul3A_627 = arith.constant 80 : i32
        %mul3A_628 = arith.muli %and3A_341, %mul3A_627 : i32
        %add3A_629 = arith.addi %mul3A_628, %add3A_607 : i32
        %get3A_630 = arith.index_cast %add3A_629 : i32 to index
        %get3A_631 = arith.constant 16 : index
        %get3A_632 = tpu.vector_load %arg11[%get3A_630, %get3A_631] {strides = array<i32>} : memref<160x64xf32, #tpu.memory_space<vmem>>, vector<16xf32>,
        %mul3A_633 = arith.mulf %get3A_632, %gather3A_616 : vector<16xf32>
        %swap3A_634 = arith.index_cast %add3A_629 : i32 to index
        %swap3A_635 = arith.constant 16 : index
        %swap3A_636 = tpu.vector_load %arg11[%swap3A_634, %swap3A_635] {strides = array<i32>} : memref<160x64xf32, #tpu.memory_space<vmem>>, vector<16xf32>,
        tpu.vector_store %arg11[%swap3A_634, %swap3A_635], %mul3A_633 {strides = array<i32>} : memref<160x64xf32, #tpu.memory_space<vmem>>, vector<16xf32>,
        %mul3A_637 = arith.constant 80 : i32
        %mul3A_638 = arith.muli %and3A_341, %mul3A_637 : i32
        %add3A_639 = arith.addi %mul3A_638, %add3A_607 : i32
        %get3A_640 = arith.index_cast %add3A_639 : i32 to index
        %get3A_641 = arith.constant 32 : index
        %get3A_642 = tpu.vector_load %arg11[%get3A_640, %get3A_641] {strides = array<i32>} : memref<160x64xf32, #tpu.memory_space<vmem>>, vector<16xf32>,
        %mul3A_643 = arith.mulf %get3A_642, %gather3A_616 : vector<16xf32>
        %swap3A_644 = arith.index_cast %add3A_639 : i32 to index
        %swap3A_645 = arith.constant 32 : index
        %swap3A_646 = tpu.vector_load %arg11[%swap3A_644, %swap3A_645] {strides = array<i32>} : memref<160x64xf32, #tpu.memory_space<vmem>>, vector<16xf32>,
        tpu.vector_store %arg11[%swap3A_644, %swap3A_645], %mul3A_643 {strides = array<i32>} : memref<160x64xf32, #tpu.memory_space<vmem>>, vector<16xf32>,
        %mul3A_647 = arith.constant 80 : i32
        %mul3A_648 = arith.muli %and3A_341, %mul3A_647 : i32
        %add3A_649 = arith.addi %mul3A_648, %add3A_607 : i32
        %get3A_650 = arith.index_cast %add3A_649 : i32 to index
        %get3A_651 = arith.constant 48 : index
        %get3A_652 = tpu.vector_load %arg11[%get3A_650, %get3A_651] {strides = array<i32>} : memref<160x64xf32, #tpu.memory_space<vmem>>, vector<16xf32>,
        %mul3A_653 = arith.mulf %get3A_652, %gather3A_616 : vector<16xf32>
        %swap3A_654 = arith.index_cast %add3A_649 : i32 to index
        %swap3A_655 = arith.constant 48 : index
        %swap3A_656 = tpu.vector_load %arg11[%swap3A_654, %swap3A_655] {strides = array<i32>} : memref<160x64xf32, #tpu.memory_space<vmem>>, vector<16xf32>,
        tpu.vector_store %arg11[%swap3A_654, %swap3A_655], %mul3A_653 {strides = array<i32>} : memref<160x64xf32, #tpu.memory_space<vmem>>, vector<16xf32>,
        %mul3A_657 = arith.constant 16 : i32
        %mul3A_658 = arith.muli %scan3A_393, %mul3A_657 : i32
        %add3A_659 = arith.constant 5 : i32
        %add3A_660 = arith.addi %mul3A_658, %add3A_659 : i32
        %broadcast_in_dim3A_661 = arith.constant 0 : i32
        %broadcast_in_dim3A_662 = vector.broadcast %broadcast_in_dim3A_661 : i32 to vector<16xi32>
        %add3A_663 = vector.broadcast %and3A_341 : i32 to vector<16xi32>
        %add3A_664 = arith.addi %broadcast_in_dim3A_662, %add3A_663 : vector<16xi32>
        %broadcast_in_dim3A_665 = arith.constant 0 : i32
        %broadcast_in_dim3A_666 = vector.broadcast %broadcast_in_dim3A_665 : i32 to vector<16xi32>
        %add3A_667 = vector.broadcast %add3A_660 : i32 to vector<16xi32>
        %add3A_668 = arith.addi %broadcast_in_dim3A_666, %add3A_667 : vector<16xi32>
        %gather3A_669 = tpu.vector_load_idx %arg10[%add3A_664, %add3A_668] : memref<2x80xf32, #tpu.memory_space<vmem>>[vector<16xi32>, vector<16xi32>], vector<16xf32>,
        %mul3A_670 = arith.constant 80 : i32
        %mul3A_671 = arith.muli %and3A_341, %mul3A_670 : i32
        %add3A_672 = arith.addi %mul3A_671, %add3A_660 : i32
        %get3A_673 = arith.index_cast %add3A_672 : i32 to index
        %get3A_674 = arith.constant 0 : index
        %get3A_675 = tpu.vector_load %arg11[%get3A_673, %get3A_674] {strides = array<i32>} : memref<160x64xf32, #tpu.memory_space<vmem>>, vector<16xf32>,
        %mul3A_676 = arith.mulf %get3A_675, %gather3A_669 : vector<16xf32>
        %swap3A_677 = arith.index_cast %add3A_672 : i32 to index
        %swap3A_678 = arith.constant 0 : index
        %swap3A_679 = tpu.vector_load %arg11[%swap3A_677, %swap3A_678] {strides = array<i32>} : memref<160x64xf32, #tpu.memory_space<vmem>>, vector<16xf32>,
        tpu.vector_store %arg11[%swap3A_677, %swap3A_678], %mul3A_676 {strides = array<i32>} : memref<160x64xf32, #tpu.memory_space<vmem>>, vector<16xf32>,
        %mul3A_680 = arith.constant 80 : i32
        %mul3A_681 = arith.muli %and3A_341, %mul3A_680 : i32
        %add3A_682 = arith.addi %mul3A_681, %add3A_660 : i32
        %get3A_683 = arith.index_cast %add3A_682 : i32 to index
        %get3A_684 = arith.constant 16 : index
        %get3A_685 = tpu.vector_load %arg11[%get3A_683, %get3A_684] {strides = array<i32>} : memref<160x64xf32, #tpu.memory_space<vmem>>, vector<16xf32>,
        %mul3A_686 = arith.mulf %get3A_685, %gather3A_669 : vector<16xf32>
        %swap3A_687 = arith.index_cast %add3A_682 : i32 to index
        %swap3A_688 = arith.constant 16 : index
        %swap3A_689 = tpu.vector_load %arg11[%swap3A_687, %swap3A_688] {strides = array<i32>} : memref<160x64xf32, #tpu.memory_space<vmem>>, vector<16xf32>,
        tpu.vector_store %arg11[%swap3A_687, %swap3A_688], %mul3A_686 {strides = array<i32>} : memref<160x64xf32, #tpu.memory_space<vmem>>, vector<16xf32>,
        %mul3A_690 = arith.constant 80 : i32
        %mul3A_691 = arith.muli %and3A_341, %mul3A_690 : i32
        %add3A_692 = arith.addi %mul3A_691, %add3A_660 : i32
        %get3A_693 = arith.index_cast %add3A_692 : i32 to index
        %get3A_694 = arith.constant 32 : index
        %get3A_695 = tpu.vector_load %arg11[%get3A_693, %get3A_694] {strides = array<i32>} : memref<160x64xf32, #tpu.memory_space<vmem>>, vector<16xf32>,
        %mul3A_696 = arith.mulf %get3A_695, %gather3A_669 : vector<16xf32>
        %swap3A_697 = arith.index_cast %add3A_692 : i32 to index
        %swap3A_698 = arith.constant 32 : index
        %swap3A_699 = tpu.vector_load %arg11[%swap3A_697, %swap3A_698] {strides = array<i32>} : memref<160x64xf32, #tpu.memory_space<vmem>>, vector<16xf32>,
        tpu.vector_store %arg11[%swap3A_697, %swap3A_698], %mul3A_696 {strides = array<i32>} : memref<160x64xf32, #tpu.memory_space<vmem>>, vector<16xf32>,
        %mul3A_700 = arith.constant 80 : i32
        %mul3A_701 = arith.muli %and3A_341, %mul3A_700 : i32
        %add3A_702 = arith.addi %mul3A_701, %add3A_660 : i32
        %get3A_703 = arith.index_cast %add3A_702 : i32 to index
        %get3A_704 = arith.constant 48 : index
        %get3A_705 = tpu.vector_load %arg11[%get3A_703, %get3A_704] {strides = array<i32>} : memref<160x64xf32, #tpu.memory_space<vmem>>, vector<16xf32>,
        %mul3A_706 = arith.mulf %get3A_705, %gather3A_669 : vector<16xf32>
        %swap3A_707 = arith.index_cast %add3A_702 : i32 to index
        %swap3A_708 = arith.constant 48 : index
        %swap3A_709 = tpu.vector_load %arg11[%swap3A_707, %swap3A_708] {strides = array<i32>} : memref<160x64xf32, #tpu.memory_space<vmem>>, vector<16xf32>,
        tpu.vector_store %arg11[%swap3A_707, %swap3A_708], %mul3A_706 {strides = array<i32>} : memref<160x64xf32, #tpu.memory_space<vmem>>, vector<16xf32>,
        %mul3A_710 = arith.constant 16 : i32
        %mul3A_711 = arith.muli %scan3A_393, %mul3A_710 : i32
        %add3A_712 = arith.constant 6 : i32
        %add3A_713 = arith.addi %mul3A_711, %add3A_712 : i32
        %broadcast_in_dim3A_714 = arith.constant 0 : i32
        %broadcast_in_dim3A_715 = vector.broadcast %broadcast_in_dim3A_714 : i32 to vector<16xi32>
        %add3A_716 = vector.broadcast %and3A_341 : i32 to vector<16xi32>
        %add3A_717 = arith.addi %broadcast_in_dim3A_715, %add3A_716 : vector<16xi32>
        %broadcast_in_dim3A_718 = arith.constant 0 : i32
        %broadcast_in_dim3A_719 = vector.broadcast %broadcast_in_dim3A_718 : i32 to vector<16xi32>
        %add3A_720 = vector.broadcast %add3A_713 : i32 to vector<16xi32>
        %add3A_721 = arith.addi %broadcast_in_dim3A_719, %add3A_720 : vector<16xi32>
        %gather3A_722 = tpu.vector_load_idx %arg10[%add3A_717, %add3A_721] : memref<2x80xf32, #tpu.memory_space<vmem>>[vector<16xi32>, vector<16xi32>], vector<16xf32>,
        %mul3A_723 = arith.constant 80 : i32
        %mul3A_724 = arith.muli %and3A_341, %mul3A_723 : i32
        %add3A_725 = arith.addi %mul3A_724, %add3A_713 : i32
        %get3A_726 = arith.index_cast %add3A_725 : i32 to index
        %get3A_727 = arith.constant 0 : index
        %get3A_728 = tpu.vector_load %arg11[%get3A_726, %get3A_727] {strides = array<i32>} : memref<160x64xf32, #tpu.memory_space<vmem>>, vector<16xf32>,
        %mul3A_729 = arith.mulf %get3A_728, %gather3A_722 : vector<16xf32>
        %swap3A_730 = arith.index_cast %add3A_725 : i32 to index
        %swap3A_731 = arith.constant 0 : index
        %swap3A_732 = tpu.vector_load %arg11[%swap3A_730, %swap3A_731] {strides = array<i32>} : memref<160x64xf32, #tpu.memory_space<vmem>>, vector<16xf32>,
        tpu.vector_store %arg11[%swap3A_730, %swap3A_731], %mul3A_729 {strides = array<i32>} : memref<160x64xf32, #tpu.memory_space<vmem>>, vector<16xf32>,
        %mul3A_733 = arith.constant 80 : i32
        %mul3A_734 = arith.muli %and3A_341, %mul3A_733 : i32
        %add3A_735 = arith.addi %mul3A_734, %add3A_713 : i32
        %get3A_736 = arith.index_cast %add3A_735 : i32 to index
        %get3A_737 = arith.constant 16 : index
        %get3A_738 = tpu.vector_load %arg11[%get3A_736, %get3A_737] {strides = array<i32>} : memref<160x64xf32, #tpu.memory_space<vmem>>, vector<16xf32>,
        %mul3A_739 = arith.mulf %get3A_738, %gather3A_722 : vector<16xf32>
        %swap3A_740 = arith.index_cast %add3A_735 : i32 to index
        %swap3A_741 = arith.constant 16 : index
        %swap3A_742 = tpu.vector_load %arg11[%swap3A_740, %swap3A_741] {strides = array<i32>} : memref<160x64xf32, #tpu.memory_space<vmem>>, vector<16xf32>,
        tpu.vector_store %arg11[%swap3A_740, %swap3A_741], %mul3A_739 {strides = array<i32>} : memref<160x64xf32, #tpu.memory_space<vmem>>, vector<16xf32>,
        %mul3A_743 = arith.constant 80 : i32
        %mul3A_744 = arith.muli %and3A_341, %mul3A_743 : i32
        %add3A_745 = arith.addi %mul3A_744, %add3A_713 : i32
        %get3A_746 = arith.index_cast %add3A_745 : i32 to index
        %get3A_747 = arith.constant 32 : index
        %get3A_748 = tpu.vector_load %arg11[%get3A_746, %get3A_747] {strides = array<i32>} : memref<160x64xf32, #tpu.memory_space<vmem>>, vector<16xf32>,
        %mul3A_749 = arith.mulf %get3A_748, %gather3A_722 : vector<16xf32>
        %swap3A_750 = arith.index_cast %add3A_745 : i32 to index
        %swap3A_751 = arith.constant 32 : index
        %swap3A_752 = tpu.vector_load %arg11[%swap3A_750, %swap3A_751] {strides = array<i32>} : memref<160x64xf32, #tpu.memory_space<vmem>>, vector<16xf32>,
        tpu.vector_store %arg11[%swap3A_750, %swap3A_751], %mul3A_749 {strides = array<i32>} : memref<160x64xf32, #tpu.memory_space<vmem>>, vector<16xf32>,
        %mul3A_753 = arith.constant 80 : i32
        %mul3A_754 = arith.muli %and3A_341, %mul3A_753 : i32
        %add3A_755 = arith.addi %mul3A_754, %add3A_713 : i32
        %get3A_756 = arith.index_cast %add3A_755 : i32 to index
        %get3A_757 = arith.constant 48 : index
        %get3A_758 = tpu.vector_load %arg11[%get3A_756, %get3A_757] {strides = array<i32>} : memref<160x64xf32, #tpu.memory_space<vmem>>, vector<16xf32>,
        %mul3A_759 = arith.mulf %get3A_758, %gather3A_722 : vector<16xf32>
        %swap3A_760 = arith.index_cast %add3A_755 : i32 to index
        %swap3A_761 = arith.constant 48 : index
        %swap3A_762 = tpu.vector_load %arg11[%swap3A_760, %swap3A_761] {strides = array<i32>} : memref<160x64xf32, #tpu.memory_space<vmem>>, vector<16xf32>,
        tpu.vector_store %arg11[%swap3A_760, %swap3A_761], %mul3A_759 {strides = array<i32>} : memref<160x64xf32, #tpu.memory_space<vmem>>, vector<16xf32>,
        %mul3A_763 = arith.constant 16 : i32
        %mul3A_764 = arith.muli %scan3A_393, %mul3A_763 : i32
        %add3A_765 = arith.constant 7 : i32
        %add3A_766 = arith.addi %mul3A_764, %add3A_765 : i32
        %broadcast_in_dim3A_767 = arith.constant 0 : i32
        %broadcast_in_dim3A_768 = vector.broadcast %broadcast_in_dim3A_767 : i32 to vector<16xi32>
        %add3A_769 = vector.broadcast %and3A_341 : i32 to vector<16xi32>
        %add3A_770 = arith.addi %broadcast_in_dim3A_768, %add3A_769 : vector<16xi32>
        %broadcast_in_dim3A_771 = arith.constant 0 : i32
        %broadcast_in_dim3A_772 = vector.broadcast %broadcast_in_dim3A_771 : i32 to vector<16xi32>
        %add3A_773 = vector.broadcast %add3A_766 : i32 to vector<16xi32>
        %add3A_774 = arith.addi %broadcast_in_dim3A_772, %add3A_773 : vector<16xi32>
        %gather3A_775 = tpu.vector_load_idx %arg10[%add3A_770, %add3A_774] : memref<2x80xf32, #tpu.memory_space<vmem>>[vector<16xi32>, vector<16xi32>], vector<16xf32>,
        %mul3A_776 = arith.constant 80 : i32
        %mul3A_777 = arith.muli %and3A_341, %mul3A_776 : i32
        %add3A_778 = arith.addi %mul3A_777, %add3A_766 : i32
        %get3A_779 = arith.index_cast %add3A_778 : i32 to index
        %get3A_780 = arith.constant 0 : index
        %get3A_781 = tpu.vector_load %arg11[%get3A_779, %get3A_780] {strides = array<i32>} : memref<160x64xf32, #tpu.memory_space<vmem>>, vector<16xf32>,
        %mul3A_782 = arith.mulf %get3A_781, %gather3A_775 : vector<16xf32>
        %swap3A_783 = arith.index_cast %add3A_778 : i32 to index
        %swap3A_784 = arith.constant 0 : index
        %swap3A_785 = tpu.vector_load %arg11[%swap3A_783, %swap3A_784] {strides = array<i32>} : memref<160x64xf32, #tpu.memory_space<vmem>>, vector<16xf32>,
        tpu.vector_store %arg11[%swap3A_783, %swap3A_784], %mul3A_782 {strides = array<i32>} : memref<160x64xf32, #tpu.memory_space<vmem>>, vector<16xf32>,
        %mul3A_786 = arith.constant 80 : i32
        %mul3A_787 = arith.muli %and3A_341, %mul3A_786 : i32
        %add3A_788 = arith.addi %mul3A_787, %add3A_766 : i32
        %get3A_789 = arith.index_cast %add3A_788 : i32 to index
        %get3A_790 = arith.constant 16 : index
        %get3A_791 = tpu.vector_load %arg11[%get3A_789, %get3A_790] {strides = array<i32>} : memref<160x64xf32, #tpu.memory_space<vmem>>, vector<16xf32>,
        %mul3A_792 = arith.mulf %get3A_791, %gather3A_775 : vector<16xf32>
        %swap3A_793 = arith.index_cast %add3A_788 : i32 to index
        %swap3A_794 = arith.constant 16 : index
        %swap3A_795 = tpu.vector_load %arg11[%swap3A_793, %swap3A_794] {strides = array<i32>} : memref<160x64xf32, #tpu.memory_space<vmem>>, vector<16xf32>,
        tpu.vector_store %arg11[%swap3A_793, %swap3A_794], %mul3A_792 {strides = array<i32>} : memref<160x64xf32, #tpu.memory_space<vmem>>, vector<16xf32>,
        %mul3A_796 = arith.constant 80 : i32
        %mul3A_797 = arith.muli %and3A_341, %mul3A_796 : i32
        %add3A_798 = arith.addi %mul3A_797, %add3A_766 : i32
        %get3A_799 = arith.index_cast %add3A_798 : i32 to index
        %get3A_800 = arith.constant 32 : index
        %get3A_801 = tpu.vector_load %arg11[%get3A_799, %get3A_800] {strides = array<i32>} : memref<160x64xf32, #tpu.memory_space<vmem>>, vector<16xf32>,
        %mul3A_802 = arith.mulf %get3A_801, %gather3A_775 : vector<16xf32>
        %swap3A_803 = arith.index_cast %add3A_798 : i32 to index
        %swap3A_804 = arith.constant 32 : index
        %swap3A_805 = tpu.vector_load %arg11[%swap3A_803, %swap3A_804] {strides = array<i32>} : memref<160x64xf32, #tpu.memory_space<vmem>>, vector<16xf32>,
        tpu.vector_store %arg11[%swap3A_803, %swap3A_804], %mul3A_802 {strides = array<i32>} : memref<160x64xf32, #tpu.memory_space<vmem>>, vector<16xf32>,
        %mul3A_806 = arith.constant 80 : i32
        %mul3A_807 = arith.muli %and3A_341, %mul3A_806 : i32
        %add3A_808 = arith.addi %mul3A_807, %add3A_766 : i32
        %get3A_809 = arith.index_cast %add3A_808 : i32 to index
        %get3A_810 = arith.constant 48 : index
        %get3A_811 = tpu.vector_load %arg11[%get3A_809, %get3A_810] {strides = array<i32>} : memref<160x64xf32, #tpu.memory_space<vmem>>, vector<16xf32>,
        %mul3A_812 = arith.mulf %get3A_811, %gather3A_775 : vector<16xf32>
        %swap3A_813 = arith.index_cast %add3A_808 : i32 to index
        %swap3A_814 = arith.constant 48 : index
        %swap3A_815 = tpu.vector_load %arg11[%swap3A_813, %swap3A_814] {strides = array<i32>} : memref<160x64xf32, #tpu.memory_space<vmem>>, vector<16xf32>,
        tpu.vector_store %arg11[%swap3A_813, %swap3A_814], %mul3A_812 {strides = array<i32>} : memref<160x64xf32, #tpu.memory_space<vmem>>, vector<16xf32>,
        %mul3A_816 = arith.constant 16 : i32
        %mul3A_817 = arith.muli %scan3A_393, %mul3A_816 : i32
        %add3A_818 = arith.constant 8 : i32
        %add3A_819 = arith.addi %mul3A_817, %add3A_818 : i32
        %broadcast_in_dim3A_820 = arith.constant 0 : i32
        %broadcast_in_dim3A_821 = vector.broadcast %broadcast_in_dim3A_820 : i32 to vector<16xi32>
        %add3A_822 = vector.broadcast %and3A_341 : i32 to vector<16xi32>
        %add3A_823 = arith.addi %broadcast_in_dim3A_821, %add3A_822 : vector<16xi32>
        %broadcast_in_dim3A_824 = arith.constant 0 : i32
        %broadcast_in_dim3A_825 = vector.broadcast %broadcast_in_dim3A_824 : i32 to vector<16xi32>
        %add3A_826 = vector.broadcast %add3A_819 : i32 to vector<16xi32>
        %add3A_827 = arith.addi %broadcast_in_dim3A_825, %add3A_826 : vector<16xi32>
        %gather3A_828 = tpu.vector_load_idx %arg10[%add3A_823, %add3A_827] : memref<2x80xf32, #tpu.memory_space<vmem>>[vector<16xi32>, vector<16xi32>], vector<16xf32>,
        %mul3A_829 = arith.constant 80 : i32
        %mul3A_830 = arith.muli %and3A_341, %mul3A_829 : i32
        %add3A_831 = arith.addi %mul3A_830, %add3A_819 : i32
        %get3A_832 = arith.index_cast %add3A_831 : i32 to index
        %get3A_833 = arith.constant 0 : index
        %get3A_834 = tpu.vector_load %arg11[%get3A_832, %get3A_833] {strides = array<i32>} : memref<160x64xf32, #tpu.memory_space<vmem>>, vector<16xf32>,
        %mul3A_835 = arith.mulf %get3A_834, %gather3A_828 : vector<16xf32>
        %swap3A_836 = arith.index_cast %add3A_831 : i32 to index
        %swap3A_837 = arith.constant 0 : index
        %swap3A_838 = tpu.vector_load %arg11[%swap3A_836, %swap3A_837] {strides = array<i32>} : memref<160x64xf32, #tpu.memory_space<vmem>>, vector<16xf32>,
        tpu.vector_store %arg11[%swap3A_836, %swap3A_837], %mul3A_835 {strides = array<i32>} : memref<160x64xf32, #tpu.memory_space<vmem>>, vector<16xf32>,
        %mul3A_839 = arith.constant 80 : i32
        %mul3A_840 = arith.muli %and3A_341, %mul3A_839 : i32
        %add3A_841 = arith.addi %mul3A_840, %add3A_819 : i32
        %get3A_842 = arith.index_cast %add3A_841 : i32 to index
        %get3A_843 = arith.constant 16 : index
        %get3A_844 = tpu.vector_load %arg11[%get3A_842, %get3A_843] {strides = array<i32>} : memref<160x64xf32, #tpu.memory_space<vmem>>, vector<16xf32>,
        %mul3A_845 = arith.mulf %get3A_844, %gather3A_828 : vector<16xf32>
        %swap3A_846 = arith.index_cast %add3A_841 : i32 to index
        %swap3A_847 = arith.constant 16 : index
        %swap3A_848 = tpu.vector_load %arg11[%swap3A_846, %swap3A_847] {strides = array<i32>} : memref<160x64xf32, #tpu.memory_space<vmem>>, vector<16xf32>,
        tpu.vector_store %arg11[%swap3A_846, %swap3A_847], %mul3A_845 {strides = array<i32>} : memref<160x64xf32, #tpu.memory_space<vmem>>, vector<16xf32>,
        %mul3A_849 = arith.constant 80 : i32
        %mul3A_850 = arith.muli %and3A_341, %mul3A_849 : i32
        %add3A_851 = arith.addi %mul3A_850, %add3A_819 : i32
        %get3A_852 = arith.index_cast %add3A_851 : i32 to index
        %get3A_853 = arith.constant 32 : index
        %get3A_854 = tpu.vector_load %arg11[%get3A_852, %get3A_853] {strides = array<i32>} : memref<160x64xf32, #tpu.memory_space<vmem>>, vector<16xf32>,
        %mul3A_855 = arith.mulf %get3A_854, %gather3A_828 : vector<16xf32>
        %swap3A_856 = arith.index_cast %add3A_851 : i32 to index
        %swap3A_857 = arith.constant 32 : index
        %swap3A_858 = tpu.vector_load %arg11[%swap3A_856, %swap3A_857] {strides = array<i32>} : memref<160x64xf32, #tpu.memory_space<vmem>>, vector<16xf32>,
        tpu.vector_store %arg11[%swap3A_856, %swap3A_857], %mul3A_855 {strides = array<i32>} : memref<160x64xf32, #tpu.memory_space<vmem>>, vector<16xf32>,
        %mul3A_859 = arith.constant 80 : i32
        %mul3A_860 = arith.muli %and3A_341, %mul3A_859 : i32
        %add3A_861 = arith.addi %mul3A_860, %add3A_819 : i32
        %get3A_862 = arith.index_cast %add3A_861 : i32 to index
        %get3A_863 = arith.constant 48 : index
        %get3A_864 = tpu.vector_load %arg11[%get3A_862, %get3A_863] {strides = array<i32>} : memref<160x64xf32, #tpu.memory_space<vmem>>, vector<16xf32>,
        %mul3A_865 = arith.mulf %get3A_864, %gather3A_828 : vector<16xf32>
        %swap3A_866 = arith.index_cast %add3A_861 : i32 to index
        %swap3A_867 = arith.constant 48 : index
        %swap3A_868 = tpu.vector_load %arg11[%swap3A_866, %swap3A_867] {strides = array<i32>} : memref<160x64xf32, #tpu.memory_space<vmem>>, vector<16xf32>,
        tpu.vector_store %arg11[%swap3A_866, %swap3A_867], %mul3A_865 {strides = array<i32>} : memref<160x64xf32, #tpu.memory_space<vmem>>, vector<16xf32>,
        %mul3A_869 = arith.constant 16 : i32
        %mul3A_870 = arith.muli %scan3A_393, %mul3A_869 : i32
        %add3A_871 = arith.constant 9 : i32
        %add3A_872 = arith.addi %mul3A_870, %add3A_871 : i32
        %broadcast_in_dim3A_873 = arith.constant 0 : i32
        %broadcast_in_dim3A_874 = vector.broadcast %broadcast_in_dim3A_873 : i32 to vector<16xi32>
        %add3A_875 = vector.broadcast %and3A_341 : i32 to vector<16xi32>
        %add3A_876 = arith.addi %broadcast_in_dim3A_874, %add3A_875 : vector<16xi32>
        %broadcast_in_dim3A_877 = arith.constant 0 : i32
        %broadcast_in_dim3A_878 = vector.broadcast %broadcast_in_dim3A_877 : i32 to vector<16xi32>
        %add3A_879 = vector.broadcast %add3A_872 : i32 to vector<16xi32>
        %add3A_880 = arith.addi %broadcast_in_dim3A_878, %add3A_879 : vector<16xi32>
        %gather3A_881 = tpu.vector_load_idx %arg10[%add3A_876, %add3A_880] : memref<2x80xf32, #tpu.memory_space<vmem>>[vector<16xi32>, vector<16xi32>], vector<16xf32>,
        %mul3A_882 = arith.constant 80 : i32
        %mul3A_883 = arith.muli %and3A_341, %mul3A_882 : i32
        %add3A_884 = arith.addi %mul3A_883, %add3A_872 : i32
        %get3A_885 = arith.index_cast %add3A_884 : i32 to index
        %get3A_886 = arith.constant 0 : index
        %get3A_887 = tpu.vector_load %arg11[%get3A_885, %get3A_886] {strides = array<i32>} : memref<160x64xf32, #tpu.memory_space<vmem>>, vector<16xf32>,
        %mul3A_888 = arith.mulf %get3A_887, %gather3A_881 : vector<16xf32>
        %swap3A_889 = arith.index_cast %add3A_884 : i32 to index
        %swap3A_890 = arith.constant 0 : index
        %swap3A_891 = tpu.vector_load %arg11[%swap3A_889, %swap3A_890] {strides = array<i32>} : memref<160x64xf32, #tpu.memory_space<vmem>>, vector<16xf32>,
        tpu.vector_store %arg11[%swap3A_889, %swap3A_890], %mul3A_888 {strides = array<i32>} : memref<160x64xf32, #tpu.memory_space<vmem>>, vector<16xf32>,
        %mul3A_892 = arith.constant 80 : i32
        %mul3A_893 = arith.muli %and3A_341, %mul3A_892 : i32
        %add3A_894 = arith.addi %mul3A_893, %add3A_872 : i32
        %get3A_895 = arith.index_cast %add3A_894 : i32 to index
        %get3A_896 = arith.constant 16 : index
        %get3A_897 = tpu.vector_load %arg11[%get3A_895, %get3A_896] {strides = array<i32>} : memref<160x64xf32, #tpu.memory_space<vmem>>, vector<16xf32>,
        %mul3A_898 = arith.mulf %get3A_897, %gather3A_881 : vector<16xf32>
        %swap3A_899 = arith.index_cast %add3A_894 : i32 to index
        %swap3A_900 = arith.constant 16 : index
        %swap3A_901 = tpu.vector_load %arg11[%swap3A_899, %swap3A_900] {strides = array<i32>} : memref<160x64xf32, #tpu.memory_space<vmem>>, vector<16xf32>,
        tpu.vector_store %arg11[%swap3A_899, %swap3A_900], %mul3A_898 {strides = array<i32>} : memref<160x64xf32, #tpu.memory_space<vmem>>, vector<16xf32>,
        %mul3A_902 = arith.constant 80 : i32
        %mul3A_903 = arith.muli %and3A_341, %mul3A_902 : i32
        %add3A_904 = arith.addi %mul3A_903, %add3A_872 : i32
        %get3A_905 = arith.index_cast %add3A_904 : i32 to index
        %get3A_906 = arith.constant 32 : index
        %get3A_907 = tpu.vector_load %arg11[%get3A_905, %get3A_906] {strides = array<i32>} : memref<160x64xf32, #tpu.memory_space<vmem>>, vector<16xf32>,
        %mul3A_908 = arith.mulf %get3A_907, %gather3A_881 : vector<16xf32>
        %swap3A_909 = arith.index_cast %add3A_904 : i32 to index
        %swap3A_910 = arith.constant 32 : index
        %swap3A_911 = tpu.vector_load %arg11[%swap3A_909, %swap3A_910] {strides = array<i32>} : memref<160x64xf32, #tpu.memory_space<vmem>>, vector<16xf32>,
        tpu.vector_store %arg11[%swap3A_909, %swap3A_910], %mul3A_908 {strides = array<i32>} : memref<160x64xf32, #tpu.memory_space<vmem>>, vector<16xf32>,
        %mul3A_912 = arith.constant 80 : i32
        %mul3A_913 = arith.muli %and3A_341, %mul3A_912 : i32
        %add3A_914 = arith.addi %mul3A_913, %add3A_872 : i32
        %get3A_915 = arith.index_cast %add3A_914 : i32 to index
        %get3A_916 = arith.constant 48 : index
        %get3A_917 = tpu.vector_load %arg11[%get3A_915, %get3A_916] {strides = array<i32>} : memref<160x64xf32, #tpu.memory_space<vmem>>, vector<16xf32>,
        %mul3A_918 = arith.mulf %get3A_917, %gather3A_881 : vector<16xf32>
        %swap3A_919 = arith.index_cast %add3A_914 : i32 to index
        %swap3A_920 = arith.constant 48 : index
        %swap3A_921 = tpu.vector_load %arg11[%swap3A_919, %swap3A_920] {strides = array<i32>} : memref<160x64xf32, #tpu.memory_space<vmem>>, vector<16xf32>,
        tpu.vector_store %arg11[%swap3A_919, %swap3A_920], %mul3A_918 {strides = array<i32>} : memref<160x64xf32, #tpu.memory_space<vmem>>, vector<16xf32>,
        %mul3A_922 = arith.constant 16 : i32
        %mul3A_923 = arith.muli %scan3A_393, %mul3A_922 : i32
        %add3A_924 = arith.constant 10 : i32
        %add3A_925 = arith.addi %mul3A_923, %add3A_924 : i32
        %broadcast_in_dim3A_926 = arith.constant 0 : i32
        %broadcast_in_dim3A_927 = vector.broadcast %broadcast_in_dim3A_926 : i32 to vector<16xi32>
        %add3A_928 = vector.broadcast %and3A_341 : i32 to vector<16xi32>
        %add3A_929 = arith.addi %broadcast_in_dim3A_927, %add3A_928 : vector<16xi32>
        %broadcast_in_dim3A_930 = arith.constant 0 : i32
        %broadcast_in_dim3A_931 = vector.broadcast %broadcast_in_dim3A_930 : i32 to vector<16xi32>
        %add3A_932 = vector.broadcast %add3A_925 : i32 to vector<16xi32>
        %add3A_933 = arith.addi %broadcast_in_dim3A_931, %add3A_932 : vector<16xi32>
        %gather3A_934 = tpu.vector_load_idx %arg10[%add3A_929, %add3A_933] : memref<2x80xf32, #tpu.memory_space<vmem>>[vector<16xi32>, vector<16xi32>], vector<16xf32>,
        %mul3A_935 = arith.constant 80 : i32
        %mul3A_936 = arith.muli %and3A_341, %mul3A_935 : i32
        %add3A_937 = arith.addi %mul3A_936, %add3A_925 : i32
        %get3A_938 = arith.index_cast %add3A_937 : i32 to index
        %get3A_939 = arith.constant 0 : index
        %get3A_940 = tpu.vector_load %arg11[%get3A_938, %get3A_939] {strides = array<i32>} : memref<160x64xf32, #tpu.memory_space<vmem>>, vector<16xf32>,
        %mul3A_941 = arith.mulf %get3A_940, %gather3A_934 : vector<16xf32>
        %swap3A_942 = arith.index_cast %add3A_937 : i32 to index
        %swap3A_943 = arith.constant 0 : index
        %swap3A_944 = tpu.vector_load %arg11[%swap3A_942, %swap3A_943] {strides = array<i32>} : memref<160x64xf32, #tpu.memory_space<vmem>>, vector<16xf32>,
        tpu.vector_store %arg11[%swap3A_942, %swap3A_943], %mul3A_941 {strides = array<i32>} : memref<160x64xf32, #tpu.memory_space<vmem>>, vector<16xf32>,
        %mul3A_945 = arith.constant 80 : i32
        %mul3A_946 = arith.muli %and3A_341, %mul3A_945 : i32
        %add3A_947 = arith.addi %mul3A_946, %add3A_925 : i32
        %get3A_948 = arith.index_cast %add3A_947 : i32 to index
        %get3A_949 = arith.constant 16 : index
        %get3A_950 = tpu.vector_load %arg11[%get3A_948, %get3A_949] {strides = array<i32>} : memref<160x64xf32, #tpu.memory_space<vmem>>, vector<16xf32>,
        %mul3A_951 = arith.mulf %get3A_950, %gather3A_934 : vector<16xf32>
        %swap3A_952 = arith.index_cast %add3A_947 : i32 to index
        %swap3A_953 = arith.constant 16 : index
        %swap3A_954 = tpu.vector_load %arg11[%swap3A_952, %swap3A_953] {strides = array<i32>} : memref<160x64xf32, #tpu.memory_space<vmem>>, vector<16xf32>,
        tpu.vector_store %arg11[%swap3A_952, %swap3A_953], %mul3A_951 {strides = array<i32>} : memref<160x64xf32, #tpu.memory_space<vmem>>, vector<16xf32>,
        %mul3A_955 = arith.constant 80 : i32
        %mul3A_956 = arith.muli %and3A_341, %mul3A_955 : i32
        %add3A_957 = arith.addi %mul3A_956, %add3A_925 : i32
        %get3A_958 = arith.index_cast %add3A_957 : i32 to index
        %get3A_959 = arith.constant 32 : index
        %get3A_960 = tpu.vector_load %arg11[%get3A_958, %get3A_959] {strides = array<i32>} : memref<160x64xf32, #tpu.memory_space<vmem>>, vector<16xf32>,
        %mul3A_961 = arith.mulf %get3A_960, %gather3A_934 : vector<16xf32>
        %swap3A_962 = arith.index_cast %add3A_957 : i32 to index
        %swap3A_963 = arith.constant 32 : index
        %swap3A_964 = tpu.vector_load %arg11[%swap3A_962, %swap3A_963] {strides = array<i32>} : memref<160x64xf32, #tpu.memory_space<vmem>>, vector<16xf32>,
        tpu.vector_store %arg11[%swap3A_962, %swap3A_963], %mul3A_961 {strides = array<i32>} : memref<160x64xf32, #tpu.memory_space<vmem>>, vector<16xf32>,
        %mul3A_965 = arith.constant 80 : i32
        %mul3A_966 = arith.muli %and3A_341, %mul3A_965 : i32
        %add3A_967 = arith.addi %mul3A_966, %add3A_925 : i32
        %get3A_968 = arith.index_cast %add3A_967 : i32 to index
        %get3A_969 = arith.constant 48 : index
        %get3A_970 = tpu.vector_load %arg11[%get3A_968, %get3A_969] {strides = array<i32>} : memref<160x64xf32, #tpu.memory_space<vmem>>, vector<16xf32>,
        %mul3A_971 = arith.mulf %get3A_970, %gather3A_934 : vector<16xf32>
        %swap3A_972 = arith.index_cast %add3A_967 : i32 to index
        %swap3A_973 = arith.constant 48 : index
        %swap3A_974 = tpu.vector_load %arg11[%swap3A_972, %swap3A_973] {strides = array<i32>} : memref<160x64xf32, #tpu.memory_space<vmem>>, vector<16xf32>,
        tpu.vector_store %arg11[%swap3A_972, %swap3A_973], %mul3A_971 {strides = array<i32>} : memref<160x64xf32, #tpu.memory_space<vmem>>, vector<16xf32>,
        %mul3A_975 = arith.constant 16 : i32
        %mul3A_976 = arith.muli %scan3A_393, %mul3A_975 : i32
        %add3A_977 = arith.constant 11 : i32
        %add3A_978 = arith.addi %mul3A_976, %add3A_977 : i32
        %broadcast_in_dim3A_979 = arith.constant 0 : i32
        %broadcast_in_dim3A_980 = vector.broadcast %broadcast_in_dim3A_979 : i32 to vector<16xi32>
        %add3A_981 = vector.broadcast %and3A_341 : i32 to vector<16xi32>
        %add3A_982 = arith.addi %broadcast_in_dim3A_980, %add3A_981 : vector<16xi32>
        %broadcast_in_dim3A_983 = arith.constant 0 : i32
        %broadcast_in_dim3A_984 = vector.broadcast %broadcast_in_dim3A_983 : i32 to vector<16xi32>
        %add3A_985 = vector.broadcast %add3A_978 : i32 to vector<16xi32>
        %add3A_986 = arith.addi %broadcast_in_dim3A_984, %add3A_985 : vector<16xi32>
        %gather3A_987 = tpu.vector_load_idx %arg10[%add3A_982, %add3A_986] : memref<2x80xf32, #tpu.memory_space<vmem>>[vector<16xi32>, vector<16xi32>], vector<16xf32>,
        %mul3A_988 = arith.constant 80 : i32
        %mul3A_989 = arith.muli %and3A_341, %mul3A_988 : i32
        %add3A_990 = arith.addi %mul3A_989, %add3A_978 : i32
        %get3A_991 = arith.index_cast %add3A_990 : i32 to index
        %get3A_992 = arith.constant 0 : index
        %get3A_993 = tpu.vector_load %arg11[%get3A_991, %get3A_992] {strides = array<i32>} : memref<160x64xf32, #tpu.memory_space<vmem>>, vector<16xf32>,
        %mul3A_994 = arith.mulf %get3A_993, %gather3A_987 : vector<16xf32>
        %swap3A_995 = arith.index_cast %add3A_990 : i32 to index
        %swap3A_996 = arith.constant 0 : index
        %swap3A_997 = tpu.vector_load %arg11[%swap3A_995, %swap3A_996] {strides = array<i32>} : memref<160x64xf32, #tpu.memory_space<vmem>>, vector<16xf32>,
        tpu.vector_store %arg11[%swap3A_995, %swap3A_996], %mul3A_994 {strides = array<i32>} : memref<160x64xf32, #tpu.memory_space<vmem>>, vector<16xf32>,
        %mul3A_998 = arith.constant 80 : i32
        %mul3A_999 = arith.muli %and3A_341, %mul3A_998 : i32
        %add3A_1000 = arith.addi %mul3A_999, %add3A_978 : i32
        %get3A_1001 = arith.index_cast %add3A_1000 : i32 to index
        %get3A_1002 = arith.constant 16 : index
        %get3A_1003 = tpu.vector_load %arg11[%get3A_1001, %get3A_1002] {strides = array<i32>} : memref<160x64xf32, #tpu.memory_space<vmem>>, vector<16xf32>,
        %mul3A_1004 = arith.mulf %get3A_1003, %gather3A_987 : vector<16xf32>
        %swap3A_1005 = arith.index_cast %add3A_1000 : i32 to index
        %swap3A_1006 = arith.constant 16 : index
        %swap3A_1007 = tpu.vector_load %arg11[%swap3A_1005, %swap3A_1006] {strides = array<i32>} : memref<160x64xf32, #tpu.memory_space<vmem>>, vector<16xf32>,
        tpu.vector_store %arg11[%swap3A_1005, %swap3A_1006], %mul3A_1004 {strides = array<i32>} : memref<160x64xf32, #tpu.memory_space<vmem>>, vector<16xf32>,
        %mul3A_1008 = arith.constant 80 : i32
        %mul3A_1009 = arith.muli %and3A_341, %mul3A_1008 : i32
        %add3A_1010 = arith.addi %mul3A_1009, %add3A_978 : i32
        %get3A_1011 = arith.index_cast %add3A_1010 : i32 to index
        %get3A_1012 = arith.constant 32 : index
        %get3A_1013 = tpu.vector_load %arg11[%get3A_1011, %get3A_1012] {strides = array<i32>} : memref<160x64xf32, #tpu.memory_space<vmem>>, vector<16xf32>,
        %mul3A_1014 = arith.mulf %get3A_1013, %gather3A_987 : vector<16xf32>
        %swap3A_1015 = arith.index_cast %add3A_1010 : i32 to index
        %swap3A_1016 = arith.constant 32 : index
        %swap3A_1017 = tpu.vector_load %arg11[%swap3A_1015, %swap3A_1016] {strides = array<i32>} : memref<160x64xf32, #tpu.memory_space<vmem>>, vector<16xf32>,
        tpu.vector_store %arg11[%swap3A_1015, %swap3A_1016], %mul3A_1014 {strides = array<i32>} : memref<160x64xf32, #tpu.memory_space<vmem>>, vector<16xf32>,
        %mul3A_1018 = arith.constant 80 : i32
        %mul3A_1019 = arith.muli %and3A_341, %mul3A_1018 : i32
        %add3A_1020 = arith.addi %mul3A_1019, %add3A_978 : i32
        %get3A_1021 = arith.index_cast %add3A_1020 : i32 to index
        %get3A_1022 = arith.constant 48 : index
        %get3A_1023 = tpu.vector_load %arg11[%get3A_1021, %get3A_1022] {strides = array<i32>} : memref<160x64xf32, #tpu.memory_space<vmem>>, vector<16xf32>,
        %mul3A_1024 = arith.mulf %get3A_1023, %gather3A_987 : vector<16xf32>
        %swap3A_1025 = arith.index_cast %add3A_1020 : i32 to index
        %swap3A_1026 = arith.constant 48 : index
        %swap3A_1027 = tpu.vector_load %arg11[%swap3A_1025, %swap3A_1026] {strides = array<i32>} : memref<160x64xf32, #tpu.memory_space<vmem>>, vector<16xf32>,
        tpu.vector_store %arg11[%swap3A_1025, %swap3A_1026], %mul3A_1024 {strides = array<i32>} : memref<160x64xf32, #tpu.memory_space<vmem>>, vector<16xf32>,
        %mul3A_1028 = arith.constant 16 : i32
        %mul3A_1029 = arith.muli %scan3A_393, %mul3A_1028 : i32
        %add3A_1030 = arith.constant 12 : i32
        %add3A_1031 = arith.addi %mul3A_1029, %add3A_1030 : i32
        %broadcast_in_dim3A_1032 = arith.constant 0 : i32
        %broadcast_in_dim3A_1033 = vector.broadcast %broadcast_in_dim3A_1032 : i32 to vector<16xi32>
        %add3A_1034 = vector.broadcast %and3A_341 : i32 to vector<16xi32>
        %add3A_1035 = arith.addi %broadcast_in_dim3A_1033, %add3A_1034 : vector<16xi32>
        %broadcast_in_dim3A_1036 = arith.constant 0 : i32
        %broadcast_in_dim3A_1037 = vector.broadcast %broadcast_in_dim3A_1036 : i32 to vector<16xi32>
        %add3A_1038 = vector.broadcast %add3A_1031 : i32 to vector<16xi32>
        %add3A_1039 = arith.addi %broadcast_in_dim3A_1037, %add3A_1038 : vector<16xi32>
        %gather3A_1040 = tpu.vector_load_idx %arg10[%add3A_1035, %add3A_1039] : memref<2x80xf32, #tpu.memory_space<vmem>>[vector<16xi32>, vector<16xi32>], vector<16xf32>,
        %mul3A_1041 = arith.constant 80 : i32
        %mul3A_1042 = arith.muli %and3A_341, %mul3A_1041 : i32
        %add3A_1043 = arith.addi %mul3A_1042, %add3A_1031 : i32
        %get3A_1044 = arith.index_cast %add3A_1043 : i32 to index
        %get3A_1045 = arith.constant 0 : index
        %get3A_1046 = tpu.vector_load %arg11[%get3A_1044, %get3A_1045] {strides = array<i32>} : memref<160x64xf32, #tpu.memory_space<vmem>>, vector<16xf32>,
        %mul3A_1047 = arith.mulf %get3A_1046, %gather3A_1040 : vector<16xf32>
        %swap3A_1048 = arith.index_cast %add3A_1043 : i32 to index
        %swap3A_1049 = arith.constant 0 : index
        %swap3A_1050 = tpu.vector_load %arg11[%swap3A_1048, %swap3A_1049] {strides = array<i32>} : memref<160x64xf32, #tpu.memory_space<vmem>>, vector<16xf32>,
        tpu.vector_store %arg11[%swap3A_1048, %swap3A_1049], %mul3A_1047 {strides = array<i32>} : memref<160x64xf32, #tpu.memory_space<vmem>>, vector<16xf32>,
        %mul3A_1051 = arith.constant 80 : i32
        %mul3A_1052 = arith.muli %and3A_341, %mul3A_1051 : i32
        %add3A_1053 = arith.addi %mul3A_1052, %add3A_1031 : i32
        %get3A_1054 = arith.index_cast %add3A_1053 : i32 to index
        %get3A_1055 = arith.constant 16 : index
        %get3A_1056 = tpu.vector_load %arg11[%get3A_1054, %get3A_1055] {strides = array<i32>} : memref<160x64xf32, #tpu.memory_space<vmem>>, vector<16xf32>,
        %mul3A_1057 = arith.mulf %get3A_1056, %gather3A_1040 : vector<16xf32>
        %swap3A_1058 = arith.index_cast %add3A_1053 : i32 to index
        %swap3A_1059 = arith.constant 16 : index
        %swap3A_1060 = tpu.vector_load %arg11[%swap3A_1058, %swap3A_1059] {strides = array<i32>} : memref<160x64xf32, #tpu.memory_space<vmem>>, vector<16xf32>,
        tpu.vector_store %arg11[%swap3A_1058, %swap3A_1059], %mul3A_1057 {strides = array<i32>} : memref<160x64xf32, #tpu.memory_space<vmem>>, vector<16xf32>,
        %mul3A_1061 = arith.constant 80 : i32
        %mul3A_1062 = arith.muli %and3A_341, %mul3A_1061 : i32
        %add3A_1063 = arith.addi %mul3A_1062, %add3A_1031 : i32
        %get3A_1064 = arith.index_cast %add3A_1063 : i32 to index
        %get3A_1065 = arith.constant 32 : index
        %get3A_1066 = tpu.vector_load %arg11[%get3A_1064, %get3A_1065] {strides = array<i32>} : memref<160x64xf32, #tpu.memory_space<vmem>>, vector<16xf32>,
        %mul3A_1067 = arith.mulf %get3A_1066, %gather3A_1040 : vector<16xf32>
        %swap3A_1068 = arith.index_cast %add3A_1063 : i32 to index
        %swap3A_1069 = arith.constant 32 : index
        %swap3A_1070 = tpu.vector_load %arg11[%swap3A_1068, %swap3A_1069] {strides = array<i32>} : memref<160x64xf32, #tpu.memory_space<vmem>>, vector<16xf32>,
        tpu.vector_store %arg11[%swap3A_1068, %swap3A_1069], %mul3A_1067 {strides = array<i32>} : memref<160x64xf32, #tpu.memory_space<vmem>>, vector<16xf32>,
        %mul3A_1071 = arith.constant 80 : i32
        %mul3A_1072 = arith.muli %and3A_341, %mul3A_1071 : i32
        %add3A_1073 = arith.addi %mul3A_1072, %add3A_1031 : i32
        %get3A_1074 = arith.index_cast %add3A_1073 : i32 to index
        %get3A_1075 = arith.constant 48 : index
        %get3A_1076 = tpu.vector_load %arg11[%get3A_1074, %get3A_1075] {strides = array<i32>} : memref<160x64xf32, #tpu.memory_space<vmem>>, vector<16xf32>,
        %mul3A_1077 = arith.mulf %get3A_1076, %gather3A_1040 : vector<16xf32>
        %swap3A_1078 = arith.index_cast %add3A_1073 : i32 to index
        %swap3A_1079 = arith.constant 48 : index
        %swap3A_1080 = tpu.vector_load %arg11[%swap3A_1078, %swap3A_1079] {strides = array<i32>} : memref<160x64xf32, #tpu.memory_space<vmem>>, vector<16xf32>,
        tpu.vector_store %arg11[%swap3A_1078, %swap3A_1079], %mul3A_1077 {strides = array<i32>} : memref<160x64xf32, #tpu.memory_space<vmem>>, vector<16xf32>,
        %mul3A_1081 = arith.constant 16 : i32
        %mul3A_1082 = arith.muli %scan3A_393, %mul3A_1081 : i32
        %add3A_1083 = arith.constant 13 : i32
        %add3A_1084 = arith.addi %mul3A_1082, %add3A_1083 : i32
        %broadcast_in_dim3A_1085 = arith.constant 0 : i32
        %broadcast_in_dim3A_1086 = vector.broadcast %broadcast_in_dim3A_1085 : i32 to vector<16xi32>
        %add3A_1087 = vector.broadcast %and3A_341 : i32 to vector<16xi32>
        %add3A_1088 = arith.addi %broadcast_in_dim3A_1086, %add3A_1087 : vector<16xi32>
        %broadcast_in_dim3A_1089 = arith.constant 0 : i32
        %broadcast_in_dim3A_1090 = vector.broadcast %broadcast_in_dim3A_1089 : i32 to vector<16xi32>
        %add3A_1091 = vector.broadcast %add3A_1084 : i32 to vector<16xi32>
        %add3A_1092 = arith.addi %broadcast_in_dim3A_1090, %add3A_1091 : vector<16xi32>
        %gather3A_1093 = tpu.vector_load_idx %arg10[%add3A_1088, %add3A_1092] : memref<2x80xf32, #tpu.memory_space<vmem>>[vector<16xi32>, vector<16xi32>], vector<16xf32>,
        %mul3A_1094 = arith.constant 80 : i32
        %mul3A_1095 = arith.muli %and3A_341, %mul3A_1094 : i32
        %add3A_1096 = arith.addi %mul3A_1095, %add3A_1084 : i32
        %get3A_1097 = arith.index_cast %add3A_1096 : i32 to index
        %get3A_1098 = arith.constant 0 : index
        %get3A_1099 = tpu.vector_load %arg11[%get3A_1097, %get3A_1098] {strides = array<i32>} : memref<160x64xf32, #tpu.memory_space<vmem>>, vector<16xf32>,
        %mul3A_1100 = arith.mulf %get3A_1099, %gather3A_1093 : vector<16xf32>
        %swap3A_1101 = arith.index_cast %add3A_1096 : i32 to index
        %swap3A_1102 = arith.constant 0 : index
        %swap3A_1103 = tpu.vector_load %arg11[%swap3A_1101, %swap3A_1102] {strides = array<i32>} : memref<160x64xf32, #tpu.memory_space<vmem>>, vector<16xf32>,
        tpu.vector_store %arg11[%swap3A_1101, %swap3A_1102], %mul3A_1100 {strides = array<i32>} : memref<160x64xf32, #tpu.memory_space<vmem>>, vector<16xf32>,
        %mul3A_1104 = arith.constant 80 : i32
        %mul3A_1105 = arith.muli %and3A_341, %mul3A_1104 : i32
        %add3A_1106 = arith.addi %mul3A_1105, %add3A_1084 : i32
        %get3A_1107 = arith.index_cast %add3A_1106 : i32 to index
        %get3A_1108 = arith.constant 16 : index
        %get3A_1109 = tpu.vector_load %arg11[%get3A_1107, %get3A_1108] {strides = array<i32>} : memref<160x64xf32, #tpu.memory_space<vmem>>, vector<16xf32>,
        %mul3A_1110 = arith.mulf %get3A_1109, %gather3A_1093 : vector<16xf32>
        %swap3A_1111 = arith.index_cast %add3A_1106 : i32 to index
        %swap3A_1112 = arith.constant 16 : index
        %swap3A_1113 = tpu.vector_load %arg11[%swap3A_1111, %swap3A_1112] {strides = array<i32>} : memref<160x64xf32, #tpu.memory_space<vmem>>, vector<16xf32>,
        tpu.vector_store %arg11[%swap3A_1111, %swap3A_1112], %mul3A_1110 {strides = array<i32>} : memref<160x64xf32, #tpu.memory_space<vmem>>, vector<16xf32>,
        %mul3A_1114 = arith.constant 80 : i32
        %mul3A_1115 = arith.muli %and3A_341, %mul3A_1114 : i32
        %add3A_1116 = arith.addi %mul3A_1115, %add3A_1084 : i32
        %get3A_1117 = arith.index_cast %add3A_1116 : i32 to index
        %get3A_1118 = arith.constant 32 : index
        %get3A_1119 = tpu.vector_load %arg11[%get3A_1117, %get3A_1118] {strides = array<i32>} : memref<160x64xf32, #tpu.memory_space<vmem>>, vector<16xf32>,
        %mul3A_1120 = arith.mulf %get3A_1119, %gather3A_1093 : vector<16xf32>
        %swap3A_1121 = arith.index_cast %add3A_1116 : i32 to index
        %swap3A_1122 = arith.constant 32 : index
        %swap3A_1123 = tpu.vector_load %arg11[%swap3A_1121, %swap3A_1122] {strides = array<i32>} : memref<160x64xf32, #tpu.memory_space<vmem>>, vector<16xf32>,
        tpu.vector_store %arg11[%swap3A_1121, %swap3A_1122], %mul3A_1120 {strides = array<i32>} : memref<160x64xf32, #tpu.memory_space<vmem>>, vector<16xf32>,
        %mul3A_1124 = arith.constant 80 : i32
        %mul3A_1125 = arith.muli %and3A_341, %mul3A_1124 : i32
        %add3A_1126 = arith.addi %mul3A_1125, %add3A_1084 : i32
        %get3A_1127 = arith.index_cast %add3A_1126 : i32 to index
        %get3A_1128 = arith.constant 48 : index
        %get3A_1129 = tpu.vector_load %arg11[%get3A_1127, %get3A_1128] {strides = array<i32>} : memref<160x64xf32, #tpu.memory_space<vmem>>, vector<16xf32>,
        %mul3A_1130 = arith.mulf %get3A_1129, %gather3A_1093 : vector<16xf32>
        %swap3A_1131 = arith.index_cast %add3A_1126 : i32 to index
        %swap3A_1132 = arith.constant 48 : index
        %swap3A_1133 = tpu.vector_load %arg11[%swap3A_1131, %swap3A_1132] {strides = array<i32>} : memref<160x64xf32, #tpu.memory_space<vmem>>, vector<16xf32>,
        tpu.vector_store %arg11[%swap3A_1131, %swap3A_1132], %mul3A_1130 {strides = array<i32>} : memref<160x64xf32, #tpu.memory_space<vmem>>, vector<16xf32>,
        %mul3A_1134 = arith.constant 16 : i32
        %mul3A_1135 = arith.muli %scan3A_393, %mul3A_1134 : i32
        %add3A_1136 = arith.constant 14 : i32
        %add3A_1137 = arith.addi %mul3A_1135, %add3A_1136 : i32
        %broadcast_in_dim3A_1138 = arith.constant 0 : i32
        %broadcast_in_dim3A_1139 = vector.broadcast %broadcast_in_dim3A_1138 : i32 to vector<16xi32>
        %add3A_1140 = vector.broadcast %and3A_341 : i32 to vector<16xi32>
        %add3A_1141 = arith.addi %broadcast_in_dim3A_1139, %add3A_1140 : vector<16xi32>
        %broadcast_in_dim3A_1142 = arith.constant 0 : i32
        %broadcast_in_dim3A_1143 = vector.broadcast %broadcast_in_dim3A_1142 : i32 to vector<16xi32>
        %add3A_1144 = vector.broadcast %add3A_1137 : i32 to vector<16xi32>
        %add3A_1145 = arith.addi %broadcast_in_dim3A_1143, %add3A_1144 : vector<16xi32>
        %gather3A_1146 = tpu.vector_load_idx %arg10[%add3A_1141, %add3A_1145] : memref<2x80xf32, #tpu.memory_space<vmem>>[vector<16xi32>, vector<16xi32>], vector<16xf32>,
        %mul3A_1147 = arith.constant 80 : i32
        %mul3A_1148 = arith.muli %and3A_341, %mul3A_1147 : i32
        %add3A_1149 = arith.addi %mul3A_1148, %add3A_1137 : i32
        %get3A_1150 = arith.index_cast %add3A_1149 : i32 to index
        %get3A_1151 = arith.constant 0 : index
        %get3A_1152 = tpu.vector_load %arg11[%get3A_1150, %get3A_1151] {strides = array<i32>} : memref<160x64xf32, #tpu.memory_space<vmem>>, vector<16xf32>,
        %mul3A_1153 = arith.mulf %get3A_1152, %gather3A_1146 : vector<16xf32>
        %swap3A_1154 = arith.index_cast %add3A_1149 : i32 to index
        %swap3A_1155 = arith.constant 0 : index
        %swap3A_1156 = tpu.vector_load %arg11[%swap3A_1154, %swap3A_1155] {strides = array<i32>} : memref<160x64xf32, #tpu.memory_space<vmem>>, vector<16xf32>,
        tpu.vector_store %arg11[%swap3A_1154, %swap3A_1155], %mul3A_1153 {strides = array<i32>} : memref<160x64xf32, #tpu.memory_space<vmem>>, vector<16xf32>,
        %mul3A_1157 = arith.constant 80 : i32
        %mul3A_1158 = arith.muli %and3A_341, %mul3A_1157 : i32
        %add3A_1159 = arith.addi %mul3A_1158, %add3A_1137 : i32
        %get3A_1160 = arith.index_cast %add3A_1159 : i32 to index
        %get3A_1161 = arith.constant 16 : index
        %get3A_1162 = tpu.vector_load %arg11[%get3A_1160, %get3A_1161] {strides = array<i32>} : memref<160x64xf32, #tpu.memory_space<vmem>>, vector<16xf32>,
        %mul3A_1163 = arith.mulf %get3A_1162, %gather3A_1146 : vector<16xf32>
        %swap3A_1164 = arith.index_cast %add3A_1159 : i32 to index
        %swap3A_1165 = arith.constant 16 : index
        %swap3A_1166 = tpu.vector_load %arg11[%swap3A_1164, %swap3A_1165] {strides = array<i32>} : memref<160x64xf32, #tpu.memory_space<vmem>>, vector<16xf32>,
        tpu.vector_store %arg11[%swap3A_1164, %swap3A_1165], %mul3A_1163 {strides = array<i32>} : memref<160x64xf32, #tpu.memory_space<vmem>>, vector<16xf32>,
        %mul3A_1167 = arith.constant 80 : i32
        %mul3A_1168 = arith.muli %and3A_341, %mul3A_1167 : i32
        %add3A_1169 = arith.addi %mul3A_1168, %add3A_1137 : i32
        %get3A_1170 = arith.index_cast %add3A_1169 : i32 to index
        %get3A_1171 = arith.constant 32 : index
        %get3A_1172 = tpu.vector_load %arg11[%get3A_1170, %get3A_1171] {strides = array<i32>} : memref<160x64xf32, #tpu.memory_space<vmem>>, vector<16xf32>,
        %mul3A_1173 = arith.mulf %get3A_1172, %gather3A_1146 : vector<16xf32>
        %swap3A_1174 = arith.index_cast %add3A_1169 : i32 to index
        %swap3A_1175 = arith.constant 32 : index
        %swap3A_1176 = tpu.vector_load %arg11[%swap3A_1174, %swap3A_1175] {strides = array<i32>} : memref<160x64xf32, #tpu.memory_space<vmem>>, vector<16xf32>,
        tpu.vector_store %arg11[%swap3A_1174, %swap3A_1175], %mul3A_1173 {strides = array<i32>} : memref<160x64xf32, #tpu.memory_space<vmem>>, vector<16xf32>,
        %mul3A_1177 = arith.constant 80 : i32
        %mul3A_1178 = arith.muli %and3A_341, %mul3A_1177 : i32
        %add3A_1179 = arith.addi %mul3A_1178, %add3A_1137 : i32
        %get3A_1180 = arith.index_cast %add3A_1179 : i32 to index
        %get3A_1181 = arith.constant 48 : index
        %get3A_1182 = tpu.vector_load %arg11[%get3A_1180, %get3A_1181] {strides = array<i32>} : memref<160x64xf32, #tpu.memory_space<vmem>>, vector<16xf32>,
        %mul3A_1183 = arith.mulf %get3A_1182, %gather3A_1146 : vector<16xf32>
        %swap3A_1184 = arith.index_cast %add3A_1179 : i32 to index
        %swap3A_1185 = arith.constant 48 : index
        %swap3A_1186 = tpu.vector_load %arg11[%swap3A_1184, %swap3A_1185] {strides = array<i32>} : memref<160x64xf32, #tpu.memory_space<vmem>>, vector<16xf32>,
        tpu.vector_store %arg11[%swap3A_1184, %swap3A_1185], %mul3A_1183 {strides = array<i32>} : memref<160x64xf32, #tpu.memory_space<vmem>>, vector<16xf32>,
        %mul3A_1187 = arith.constant 16 : i32
        %mul3A_1188 = arith.muli %scan3A_393, %mul3A_1187 : i32
        %add3A_1189 = arith.constant 15 : i32
        %add3A_1190 = arith.addi %mul3A_1188, %add3A_1189 : i32
        %broadcast_in_dim3A_1191 = arith.constant 0 : i32
        %broadcast_in_dim3A_1192 = vector.broadcast %broadcast_in_dim3A_1191 : i32 to vector<16xi32>
        %add3A_1193 = vector.broadcast %and3A_341 : i32 to vector<16xi32>
        %add3A_1194 = arith.addi %broadcast_in_dim3A_1192, %add3A_1193 : vector<16xi32>
        %broadcast_in_dim3A_1195 = arith.constant 0 : i32
        %broadcast_in_dim3A_1196 = vector.broadcast %broadcast_in_dim3A_1195 : i32 to vector<16xi32>
        %add3A_1197 = vector.broadcast %add3A_1190 : i32 to vector<16xi32>
        %add3A_1198 = arith.addi %broadcast_in_dim3A_1196, %add3A_1197 : vector<16xi32>
        %gather3A_1199 = tpu.vector_load_idx %arg10[%add3A_1194, %add3A_1198] : memref<2x80xf32, #tpu.memory_space<vmem>>[vector<16xi32>, vector<16xi32>], vector<16xf32>,
        %mul3A_1200 = arith.constant 80 : i32
        %mul3A_1201 = arith.muli %and3A_341, %mul3A_1200 : i32
        %add3A_1202 = arith.addi %mul3A_1201, %add3A_1190 : i32
        %get3A_1203 = arith.index_cast %add3A_1202 : i32 to index
        %get3A_1204 = arith.constant 0 : index
        %get3A_1205 = tpu.vector_load %arg11[%get3A_1203, %get3A_1204] {strides = array<i32>} : memref<160x64xf32, #tpu.memory_space<vmem>>, vector<16xf32>,
        %mul3A_1206 = arith.mulf %get3A_1205, %gather3A_1199 : vector<16xf32>
        %swap3A_1207 = arith.index_cast %add3A_1202 : i32 to index
        %swap3A_1208 = arith.constant 0 : index
        %swap3A_1209 = tpu.vector_load %arg11[%swap3A_1207, %swap3A_1208] {strides = array<i32>} : memref<160x64xf32, #tpu.memory_space<vmem>>, vector<16xf32>,
        tpu.vector_store %arg11[%swap3A_1207, %swap3A_1208], %mul3A_1206 {strides = array<i32>} : memref<160x64xf32, #tpu.memory_space<vmem>>, vector<16xf32>,
        %mul3A_1210 = arith.constant 80 : i32
        %mul3A_1211 = arith.muli %and3A_341, %mul3A_1210 : i32
        %add3A_1212 = arith.addi %mul3A_1211, %add3A_1190 : i32
        %get3A_1213 = arith.index_cast %add3A_1212 : i32 to index
        %get3A_1214 = arith.constant 16 : index
        %get3A_1215 = tpu.vector_load %arg11[%get3A_1213, %get3A_1214] {strides = array<i32>} : memref<160x64xf32, #tpu.memory_space<vmem>>, vector<16xf32>,
        %mul3A_1216 = arith.mulf %get3A_1215, %gather3A_1199 : vector<16xf32>
        %swap3A_1217 = arith.index_cast %add3A_1212 : i32 to index
        %swap3A_1218 = arith.constant 16 : index
        %swap3A_1219 = tpu.vector_load %arg11[%swap3A_1217, %swap3A_1218] {strides = array<i32>} : memref<160x64xf32, #tpu.memory_space<vmem>>, vector<16xf32>,
        tpu.vector_store %arg11[%swap3A_1217, %swap3A_1218], %mul3A_1216 {strides = array<i32>} : memref<160x64xf32, #tpu.memory_space<vmem>>, vector<16xf32>,
        %mul3A_1220 = arith.constant 80 : i32
        %mul3A_1221 = arith.muli %and3A_341, %mul3A_1220 : i32
        %add3A_1222 = arith.addi %mul3A_1221, %add3A_1190 : i32
        %get3A_1223 = arith.index_cast %add3A_1222 : i32 to index
        %get3A_1224 = arith.constant 32 : index
        %get3A_1225 = tpu.vector_load %arg11[%get3A_1223, %get3A_1224] {strides = array<i32>} : memref<160x64xf32, #tpu.memory_space<vmem>>, vector<16xf32>,
        %mul3A_1226 = arith.mulf %get3A_1225, %gather3A_1199 : vector<16xf32>
        %swap3A_1227 = arith.index_cast %add3A_1222 : i32 to index
        %swap3A_1228 = arith.constant 32 : index
        %swap3A_1229 = tpu.vector_load %arg11[%swap3A_1227, %swap3A_1228] {strides = array<i32>} : memref<160x64xf32, #tpu.memory_space<vmem>>, vector<16xf32>,
        tpu.vector_store %arg11[%swap3A_1227, %swap3A_1228], %mul3A_1226 {strides = array<i32>} : memref<160x64xf32, #tpu.memory_space<vmem>>, vector<16xf32>,
        %mul3A_1230 = arith.constant 80 : i32
        %mul3A_1231 = arith.muli %and3A_341, %mul3A_1230 : i32
        %add3A_1232 = arith.addi %mul3A_1231, %add3A_1190 : i32
        %get3A_1233 = arith.index_cast %add3A_1232 : i32 to index
        %get3A_1234 = arith.constant 48 : index
        %get3A_1235 = tpu.vector_load %arg11[%get3A_1233, %get3A_1234] {strides = array<i32>} : memref<160x64xf32, #tpu.memory_space<vmem>>, vector<16xf32>,
        %mul3A_1236 = arith.mulf %get3A_1235, %gather3A_1199 : vector<16xf32>
        %swap3A_1237 = arith.index_cast %add3A_1232 : i32 to index
        %swap3A_1238 = arith.constant 48 : index
        %swap3A_1239 = tpu.vector_load %arg11[%swap3A_1237, %swap3A_1238] {strides = array<i32>} : memref<160x64xf32, #tpu.memory_space<vmem>>, vector<16xf32>,
        tpu.vector_store %arg11[%swap3A_1237, %swap3A_1238], %mul3A_1236 {strides = array<i32>} : memref<160x64xf32, #tpu.memory_space<vmem>>, vector<16xf32>,
        %scan3A_1240 = arith.constant 0 : i32
        scf.yield %scan3A_1240 : i32
      }
      %scan3A_379 = arith.constant 5 : i32
      %mul3A_380 = arith.constant 80 : i32
      %mul3A_381 = arith.muli %and3A_341, %mul3A_380 : i32
      %dma_start3A_382 = arith.constant 0 : i32
      %dma_start3A_383 = tpu.memref_slice %arg11[%mul3A_381, %dma_start3A_382] : memref<160x64xf32, #tpu.memory_space<vmem>> -> memref<80x64xf32, #tpu.memory_space<vmem>>
      %dma_start3A_384 = arith.constant 0 : i32
      %dma_start3A_385 = tpu.memref_slice %arg8[%and3A_341, %dma_start3A_384] : memref<2x80xi32, #tpu.memory_space<vmem>> -> memref<1x80xi32, #tpu.memory_space<vmem>>
      %dma_start3A_386 = tpu.memref_squeeze %dma_start3A_385 : memref<1x80xi32, #tpu.memory_space<vmem>> -> memref<80xi32, #tpu.memory_space<vmem>>
      %dma_start3A_387 = arith.constant 0 : i32
      %dma_start3A_388 = arith.constant 0 : i32
      %dma_start3A_389 = tpu.memref_slice %arg12[%dma_start3A_387, %dma_start3A_388] : memref<10240x64xf32, #tpu.memory_space<vmem_shared>> -> memref<10240x64xf32, #tpu.memory_space<vmem_shared>>
      %dma_start3A_390 = tpu.memref_slice %arg16[%and3A_341] : memref<2x!tpu.dma_semaphore, #tpu.memory_space<semaphore_mem>> -> memref<1x!tpu.dma_semaphore, #tpu.memory_space<semaphore_mem>>
      %dma_start3A_391 = tpu.memref_squeeze %dma_start3A_390 : memref<1x!tpu.dma_semaphore, #tpu.memory_space<semaphore_mem>> -> memref<!tpu.dma_semaphore, #tpu.memory_space<semaphore_mem>>
      tpu.enqueue_indirect_dma source(%dma_start3A_383 : memref<80x64xf32, #tpu.memory_space<vmem>>) target(%dma_start3A_389 : memref<10240x64xf32, #tpu.memory_space<vmem_shared>>) offsets(%dma_start3A_386 : memref<80xi32, #tpu.memory_space<vmem>>) semaphore(%dma_start3A_391 : memref<!tpu.dma_semaphore, #tpu.memory_space<semaphore_mem>>) {add = true}
      %scan3A_392 = arith.constant 0 : i32
      scf.yield %scan3A_392 : i32
    }
    %scan3A_283 = arith.constant 125 : i32
    %dma_wait3A_284 = arith.constant 1 : i32
    %dma_wait3A_285 = arith.constant 80 : i32
    %dma_wait3A_286 = arith.constant 0 : i32
    %dma_wait3A_287 = tpu.memref_slice %arg11[%dma_wait3A_285, %dma_wait3A_286] : memref<160x64xf32, #tpu.memory_space<vmem>> -> memref<80x64xf32, #tpu.memory_space<vmem>>
    %dma_wait3A_288 = arith.constant 0 : i32
    %dma_wait3A_289 = arith.constant 0 : i32
    %dma_wait3A_290 = tpu.memref_slice %arg3[%dma_wait3A_288, %dma_wait3A_289] : memref<163840x64xf32, #tpu.memory_space<hbm>> -> memref<80x64xf32, #tpu.memory_space<hbm>>
    %dma_wait3A_291 = tpu.memref_slice %arg16[%dma_wait3A_284] : memref<2x!tpu.dma_semaphore, #tpu.memory_space<semaphore_mem>> -> memref<1x!tpu.dma_semaphore, #tpu.memory_space<semaphore_mem>>
    %dma_wait3A_292 = tpu.memref_squeeze %dma_wait3A_291 : memref<1x!tpu.dma_semaphore, #tpu.memory_space<semaphore_mem>> -> memref<!tpu.dma_semaphore, #tpu.memory_space<semaphore_mem>>
    %dma_wait3A_293 = arith.constant 80 : i32
    %dma_wait3A_294 = arith.constant 0 : i32
    %dma_wait3A_295 = tpu.memref_slice %arg11[%dma_wait3A_293, %dma_wait3A_294] : memref<160x64xf32, #tpu.memory_space<vmem>> -> memref<80x64xf32, #tpu.memory_space<vmem>>
    %dma_wait3A_296 = arith.constant 0 : i32
    %dma_wait3A_297 = arith.constant 0 : i32
    %dma_wait3A_298 = tpu.memref_slice %arg3[%dma_wait3A_296, %dma_wait3A_297] : memref<163840x64xf32, #tpu.memory_space<hbm>> -> memref<80x64xf32, #tpu.memory_space<hbm>>
    tpu.wait_dma2 semaphore(%dma_wait3A_292 : memref<!tpu.dma_semaphore, #tpu.memory_space<semaphore_mem>>) src(%dma_wait3A_298 : memref<80x64xf32, #tpu.memory_space<hbm>>) dst(%dma_wait3A_295 : memref<80x64xf32, #tpu.memory_space<vmem>>)
    %dma_wait3A_299 = arith.constant 0 : i32
    %dma_wait3A_300 = arith.constant 0 : i32
    %dma_wait3A_301 = arith.constant 0 : i32
    %dma_wait3A_302 = tpu.memref_slice %arg11[%dma_wait3A_300, %dma_wait3A_301] : memref<160x64xf32, #tpu.memory_space<vmem>> -> memref<80x64xf32, #tpu.memory_space<vmem>>
    %dma_wait3A_303 = arith.constant 0 : i32
    %dma_wait3A_304 = arith.constant 0 : i32
    %dma_wait3A_305 = tpu.memref_slice %arg3[%dma_wait3A_303, %dma_wait3A_304] : memref<163840x64xf32, #tpu.memory_space<hbm>> -> memref<80x64xf32, #tpu.memory_space<hbm>>
    %dma_wait3A_306 = tpu.memref_slice %arg16[%dma_wait3A_299] : memref<2x!tpu.dma_semaphore, #tpu.memory_space<semaphore_mem>> -> memref<1x!tpu.dma_semaphore, #tpu.memory_space<semaphore_mem>>
    %dma_wait3A_307 = tpu.memref_squeeze %dma_wait3A_306 : memref<1x!tpu.dma_semaphore, #tpu.memory_space<semaphore_mem>> -> memref<!tpu.dma_semaphore, #tpu.memory_space<semaphore_mem>>
    %dma_wait3A_308 = arith.constant 0 : i32
    %dma_wait3A_309 = arith.constant 0 : i32
    %dma_wait3A_310 = tpu.memref_slice %arg11[%dma_wait3A_308, %dma_wait3A_309] : memref<160x64xf32, #tpu.memory_space<vmem>> -> memref<80x64xf32, #tpu.memory_space<vmem>>
    %dma_wait3A_311 = arith.constant 0 : i32
    %dma_wait3A_312 = arith.constant 0 : i32
    %dma_wait3A_313 = tpu.memref_slice %arg3[%dma_wait3A_311, %dma_wait3A_312] : memref<163840x64xf32, #tpu.memory_space<hbm>> -> memref<80x64xf32, #tpu.memory_space<hbm>>
    tpu.wait_dma2 semaphore(%dma_wait3A_307 : memref<!tpu.dma_semaphore, #tpu.memory_space<semaphore_mem>>) src(%dma_wait3A_313 : memref<80x64xf32, #tpu.memory_space<hbm>>) dst(%dma_wait3A_310 : memref<80x64xf32, #tpu.memory_space<vmem>>)
    %barrier3A_314 = arith.constant 0 : index
    tpu.barrier barrier_id(%barrier3A_314)
    %add3A_315 = arith.constant 0 : i32
    %add3A_316 = arith.addi %mul3A_3, %add3A_315 : i32
    %run_scoped3A_317 = arith.constant 1 : i32
    "tpu.region"() ({
      %run_scoped3A_339 = tpu.sem_alloc : memref<!tpu.dma_semaphore, #tpu.memory_space<semaphore_mem>>
      %dma_start3A_340 = arith.constant 0 : i32
      %dma_start3A_341 = tpu.memref_slice %arg5[%run_scoped3A_317, %arg0, %add3A_316, %dma_start3A_340] : memref<2x2x10240x64xf32, #tpu.memory_space<hbm>> -> memref<1x1x80x64xf32, #tpu.memory_space<hbm>>
      %dma_start3A_342 = tpu.memref_squeeze %dma_start3A_341 : memref<1x1x80x64xf32, #tpu.memory_space<hbm>> -> memref<80x64xf32, #tpu.memory_space<hbm>>
      %dma_start3A_343 = arith.constant 0 : i32
      %dma_start3A_344 = tpu.memref_slice %arg12[%add3A_316, %dma_start3A_343] : memref<10240x64xf32, #tpu.memory_space<vmem_shared>> -> memref<80x64xf32, #tpu.memory_space<vmem_shared>>
      tpu.enqueue_dma source(%dma_start3A_344 : memref<80x64xf32, #tpu.memory_space<vmem_shared>>) target(%dma_start3A_342 : memref<80x64xf32, #tpu.memory_space<hbm>>) target_semaphore(%run_scoped3A_339 : memref<!tpu.dma_semaphore, #tpu.memory_space<semaphore_mem>>)
      %dma_wait3A_345 = arith.constant 0 : i32
      %dma_wait3A_346 = tpu.memref_slice %arg5[%run_scoped3A_317, %arg0, %add3A_316, %dma_wait3A_345] : memref<2x2x10240x64xf32, #tpu.memory_space<hbm>> -> memref<1x1x80x64xf32, #tpu.memory_space<hbm>>
      %dma_wait3A_347 = tpu.memref_squeeze %dma_wait3A_346 : memref<1x1x80x64xf32, #tpu.memory_space<hbm>> -> memref<80x64xf32, #tpu.memory_space<hbm>>
      %dma_wait3A_348 = arith.constant 0 : i32
      %dma_wait3A_349 = tpu.memref_slice %arg12[%add3A_316, %dma_wait3A_348] : memref<10240x64xf32, #tpu.memory_space<vmem_shared>> -> memref<80x64xf32, #tpu.memory_space<vmem_shared>>
      tpu.wait_dma2 semaphore(%run_scoped3A_339 : memref<!tpu.dma_semaphore, #tpu.memory_space<semaphore_mem>>) src(%dma_wait3A_349 : memref<80x64xf32, #tpu.memory_space<vmem_shared>>) dst(%dma_wait3A_347 : memref<80x64xf32, #tpu.memory_space<hbm>>)
      tpu.yield
    }) : () -> ()
    %add3A_318 = arith.constant 80 : i32
    %add3A_319 = arith.addi %mul3A_3, %add3A_318 : i32
    %run_scoped3A_320 = arith.constant 1 : i32
    "tpu.region"() ({
      %run_scoped3A_339 = tpu.sem_alloc : memref<!tpu.dma_semaphore, #tpu.memory_space<semaphore_mem>>
      %dma_start3A_340 = arith.constant 0 : i32
      %dma_start3A_341 = tpu.memref_slice %arg5[%run_scoped3A_320, %arg0, %add3A_319, %dma_start3A_340] : memref<2x2x10240x64xf32, #tpu.memory_space<hbm>> -> memref<1x1x80x64xf32, #tpu.memory_space<hbm>>
      %dma_start3A_342 = tpu.memref_squeeze %dma_start3A_341 : memref<1x1x80x64xf32, #tpu.memory_space<hbm>> -> memref<80x64xf32, #tpu.memory_space<hbm>>
      %dma_start3A_343 = arith.constant 0 : i32
      %dma_start3A_344 = tpu.memref_slice %arg12[%add3A_319, %dma_start3A_343] : memref<10240x64xf32, #tpu.memory_space<vmem_shared>> -> memref<80x64xf32, #tpu.memory_space<vmem_shared>>
      tpu.enqueue_dma source(%dma_start3A_344 : memref<80x64xf32, #tpu.memory_space<vmem_shared>>) target(%dma_start3A_342 : memref<80x64xf32, #tpu.memory_space<hbm>>) target_semaphore(%run_scoped3A_339 : memref<!tpu.dma_semaphore, #tpu.memory_space<semaphore_mem>>)
      %dma_wait3A_345 = arith.constant 0 : i32
      %dma_wait3A_346 = tpu.memref_slice %arg5[%run_scoped3A_320, %arg0, %add3A_319, %dma_wait3A_345] : memref<2x2x10240x64xf32, #tpu.memory_space<hbm>> -> memref<1x1x80x64xf32, #tpu.memory_space<hbm>>
      %dma_wait3A_347 = tpu.memref_squeeze %dma_wait3A_346 : memref<1x1x80x64xf32, #tpu.memory_space<hbm>> -> memref<80x64xf32, #tpu.memory_space<hbm>>
      %dma_wait3A_348 = arith.constant 0 : i32
      %dma_wait3A_349 = tpu.memref_slice %arg12[%add3A_319, %dma_wait3A_348] : memref<10240x64xf32, #tpu.memory_space<vmem_shared>> -> memref<80x64xf32, #tpu.memory_space<vmem_shared>>
      tpu.wait_dma2 semaphore(%run_scoped3A_339 : memref<!tpu.dma_semaphore, #tpu.memory_space<semaphore_mem>>) src(%dma_wait3A_349 : memref<80x64xf32, #tpu.memory_space<vmem_shared>>) dst(%dma_wait3A_347 : memref<80x64xf32, #tpu.memory_space<hbm>>)
      tpu.yield
    }) : () -> ()
    %add3A_321 = arith.constant 160 : i32
    %add3A_322 = arith.addi %mul3A_3, %add3A_321 : i32
    %run_scoped3A_323 = arith.constant 1 : i32
    "tpu.region"() ({
      %run_scoped3A_339 = tpu.sem_alloc : memref<!tpu.dma_semaphore, #tpu.memory_space<semaphore_mem>>
      %dma_start3A_340 = arith.constant 0 : i32
      %dma_start3A_341 = tpu.memref_slice %arg5[%run_scoped3A_323, %arg0, %add3A_322, %dma_start3A_340] : memref<2x2x10240x64xf32, #tpu.memory_space<hbm>> -> memref<1x1x80x64xf32, #tpu.memory_space<hbm>>
      %dma_start3A_342 = tpu.memref_squeeze %dma_start3A_341 : memref<1x1x80x64xf32, #tpu.memory_space<hbm>> -> memref<80x64xf32, #tpu.memory_space<hbm>>
      %dma_start3A_343 = arith.constant 0 : i32
      %dma_start3A_344 = tpu.memref_slice %arg12[%add3A_322, %dma_start3A_343] : memref<10240x64xf32, #tpu.memory_space<vmem_shared>> -> memref<80x64xf32, #tpu.memory_space<vmem_shared>>
      tpu.enqueue_dma source(%dma_start3A_344 : memref<80x64xf32, #tpu.memory_space<vmem_shared>>) target(%dma_start3A_342 : memref<80x64xf32, #tpu.memory_space<hbm>>) target_semaphore(%run_scoped3A_339 : memref<!tpu.dma_semaphore, #tpu.memory_space<semaphore_mem>>)
      %dma_wait3A_345 = arith.constant 0 : i32
      %dma_wait3A_346 = tpu.memref_slice %arg5[%run_scoped3A_323, %arg0, %add3A_322, %dma_wait3A_345] : memref<2x2x10240x64xf32, #tpu.memory_space<hbm>> -> memref<1x1x80x64xf32, #tpu.memory_space<hbm>>
      %dma_wait3A_347 = tpu.memref_squeeze %dma_wait3A_346 : memref<1x1x80x64xf32, #tpu.memory_space<hbm>> -> memref<80x64xf32, #tpu.memory_space<hbm>>
      %dma_wait3A_348 = arith.constant 0 : i32
      %dma_wait3A_349 = tpu.memref_slice %arg12[%add3A_322, %dma_wait3A_348] : memref<10240x64xf32, #tpu.memory_space<vmem_shared>> -> memref<80x64xf32, #tpu.memory_space<vmem_shared>>
      tpu.wait_dma2 semaphore(%run_scoped3A_339 : memref<!tpu.dma_semaphore, #tpu.memory_space<semaphore_mem>>) src(%dma_wait3A_349 : memref<80x64xf32, #tpu.memory_space<vmem_shared>>) dst(%dma_wait3A_347 : memref<80x64xf32, #tpu.memory_space<hbm>>)
      tpu.yield
    }) : () -> ()
    %add3A_324 = arith.constant 240 : i32
    %add3A_325 = arith.addi %mul3A_3, %add3A_324 : i32
    %run_scoped3A_326 = arith.constant 1 : i32
    "tpu.region"() ({
      %run_scoped3A_339 = tpu.sem_alloc : memref<!tpu.dma_semaphore, #tpu.memory_space<semaphore_mem>>
      %dma_start3A_340 = arith.constant 0 : i32
      %dma_start3A_341 = tpu.memref_slice %arg5[%run_scoped3A_326, %arg0, %add3A_325, %dma_start3A_340] : memref<2x2x10240x64xf32, #tpu.memory_space<hbm>> -> memref<1x1x80x64xf32, #tpu.memory_space<hbm>>
      %dma_start3A_342 = tpu.memref_squeeze %dma_start3A_341 : memref<1x1x80x64xf32, #tpu.memory_space<hbm>> -> memref<80x64xf32, #tpu.memory_space<hbm>>
      %dma_start3A_343 = arith.constant 0 : i32
      %dma_start3A_344 = tpu.memref_slice %arg12[%add3A_325, %dma_start3A_343] : memref<10240x64xf32, #tpu.memory_space<vmem_shared>> -> memref<80x64xf32, #tpu.memory_space<vmem_shared>>
      tpu.enqueue_dma source(%dma_start3A_344 : memref<80x64xf32, #tpu.memory_space<vmem_shared>>) target(%dma_start3A_342 : memref<80x64xf32, #tpu.memory_space<hbm>>) target_semaphore(%run_scoped3A_339 : memref<!tpu.dma_semaphore, #tpu.memory_space<semaphore_mem>>)
      %dma_wait3A_345 = arith.constant 0 : i32
      %dma_wait3A_346 = tpu.memref_slice %arg5[%run_scoped3A_326, %arg0, %add3A_325, %dma_wait3A_345] : memref<2x2x10240x64xf32, #tpu.memory_space<hbm>> -> memref<1x1x80x64xf32, #tpu.memory_space<hbm>>
      %dma_wait3A_347 = tpu.memref_squeeze %dma_wait3A_346 : memref<1x1x80x64xf32, #tpu.memory_space<hbm>> -> memref<80x64xf32, #tpu.memory_space<hbm>>
      %dma_wait3A_348 = arith.constant 0 : i32
      %dma_wait3A_349 = tpu.memref_slice %arg12[%add3A_325, %dma_wait3A_348] : memref<10240x64xf32, #tpu.memory_space<vmem_shared>> -> memref<80x64xf32, #tpu.memory_space<vmem_shared>>
      tpu.wait_dma2 semaphore(%run_scoped3A_339 : memref<!tpu.dma_semaphore, #tpu.memory_space<semaphore_mem>>) src(%dma_wait3A_349 : memref<80x64xf32, #tpu.memory_space<vmem_shared>>) dst(%dma_wait3A_347 : memref<80x64xf32, #tpu.memory_space<hbm>>)
      tpu.yield
    }) : () -> ()
    %add3A_327 = arith.constant 320 : i32
    %add3A_328 = arith.addi %mul3A_3, %add3A_327 : i32
    %run_scoped3A_329 = arith.constant 1 : i32
    "tpu.region"() ({
      %run_scoped3A_339 = tpu.sem_alloc : memref<!tpu.dma_semaphore, #tpu.memory_space<semaphore_mem>>
      %dma_start3A_340 = arith.constant 0 : i32
      %dma_start3A_341 = tpu.memref_slice %arg5[%run_scoped3A_329, %arg0, %add3A_328, %dma_start3A_340] : memref<2x2x10240x64xf32, #tpu.memory_space<hbm>> -> memref<1x1x80x64xf32, #tpu.memory_space<hbm>>
      %dma_start3A_342 = tpu.memref_squeeze %dma_start3A_341 : memref<1x1x80x64xf32, #tpu.memory_space<hbm>> -> memref<80x64xf32, #tpu.memory_space<hbm>>
      %dma_start3A_343 = arith.constant 0 : i32
      %dma_start3A_344 = tpu.memref_slice %arg12[%add3A_328, %dma_start3A_343] : memref<10240x64xf32, #tpu.memory_space<vmem_shared>> -> memref<80x64xf32, #tpu.memory_space<vmem_shared>>
      tpu.enqueue_dma source(%dma_start3A_344 : memref<80x64xf32, #tpu.memory_space<vmem_shared>>) target(%dma_start3A_342 : memref<80x64xf32, #tpu.memory_space<hbm>>) target_semaphore(%run_scoped3A_339 : memref<!tpu.dma_semaphore, #tpu.memory_space<semaphore_mem>>)
      %dma_wait3A_345 = arith.constant 0 : i32
      %dma_wait3A_346 = tpu.memref_slice %arg5[%run_scoped3A_329, %arg0, %add3A_328, %dma_wait3A_345] : memref<2x2x10240x64xf32, #tpu.memory_space<hbm>> -> memref<1x1x80x64xf32, #tpu.memory_space<hbm>>
      %dma_wait3A_347 = tpu.memref_squeeze %dma_wait3A_346 : memref<1x1x80x64xf32, #tpu.memory_space<hbm>> -> memref<80x64xf32, #tpu.memory_space<hbm>>
      %dma_wait3A_348 = arith.constant 0 : i32
      %dma_wait3A_349 = tpu.memref_slice %arg12[%add3A_328, %dma_wait3A_348] : memref<10240x64xf32, #tpu.memory_space<vmem_shared>> -> memref<80x64xf32, #tpu.memory_space<vmem_shared>>
      tpu.wait_dma2 semaphore(%run_scoped3A_339 : memref<!tpu.dma_semaphore, #tpu.memory_space<semaphore_mem>>) src(%dma_wait3A_349 : memref<80x64xf32, #tpu.memory_space<vmem_shared>>) dst(%dma_wait3A_347 : memref<80x64xf32, #tpu.memory_space<hbm>>)
      tpu.yield
    }) : () -> ()
    %add3A_330 = arith.constant 400 : i32
    %add3A_331 = arith.addi %mul3A_3, %add3A_330 : i32
    %run_scoped3A_332 = arith.constant 1 : i32
    "tpu.region"() ({
      %run_scoped3A_339 = tpu.sem_alloc : memref<!tpu.dma_semaphore, #tpu.memory_space<semaphore_mem>>
      %dma_start3A_340 = arith.constant 0 : i32
      %dma_start3A_341 = tpu.memref_slice %arg5[%run_scoped3A_332, %arg0, %add3A_331, %dma_start3A_340] : memref<2x2x10240x64xf32, #tpu.memory_space<hbm>> -> memref<1x1x80x64xf32, #tpu.memory_space<hbm>>
      %dma_start3A_342 = tpu.memref_squeeze %dma_start3A_341 : memref<1x1x80x64xf32, #tpu.memory_space<hbm>> -> memref<80x64xf32, #tpu.memory_space<hbm>>
      %dma_start3A_343 = arith.constant 0 : i32
      %dma_start3A_344 = tpu.memref_slice %arg12[%add3A_331, %dma_start3A_343] : memref<10240x64xf32, #tpu.memory_space<vmem_shared>> -> memref<80x64xf32, #tpu.memory_space<vmem_shared>>
      tpu.enqueue_dma source(%dma_start3A_344 : memref<80x64xf32, #tpu.memory_space<vmem_shared>>) target(%dma_start3A_342 : memref<80x64xf32, #tpu.memory_space<hbm>>) target_semaphore(%run_scoped3A_339 : memref<!tpu.dma_semaphore, #tpu.memory_space<semaphore_mem>>)
      %dma_wait3A_345 = arith.constant 0 : i32
      %dma_wait3A_346 = tpu.memref_slice %arg5[%run_scoped3A_332, %arg0, %add3A_331, %dma_wait3A_345] : memref<2x2x10240x64xf32, #tpu.memory_space<hbm>> -> memref<1x1x80x64xf32, #tpu.memory_space<hbm>>
      %dma_wait3A_347 = tpu.memref_squeeze %dma_wait3A_346 : memref<1x1x80x64xf32, #tpu.memory_space<hbm>> -> memref<80x64xf32, #tpu.memory_space<hbm>>
      %dma_wait3A_348 = arith.constant 0 : i32
      %dma_wait3A_349 = tpu.memref_slice %arg12[%add3A_331, %dma_wait3A_348] : memref<10240x64xf32, #tpu.memory_space<vmem_shared>> -> memref<80x64xf32, #tpu.memory_space<vmem_shared>>
      tpu.wait_dma2 semaphore(%run_scoped3A_339 : memref<!tpu.dma_semaphore, #tpu.memory_space<semaphore_mem>>) src(%dma_wait3A_349 : memref<80x64xf32, #tpu.memory_space<vmem_shared>>) dst(%dma_wait3A_347 : memref<80x64xf32, #tpu.memory_space<hbm>>)
      tpu.yield
    }) : () -> ()
    %add3A_333 = arith.constant 480 : i32
    %add3A_334 = arith.addi %mul3A_3, %add3A_333 : i32
    %run_scoped3A_335 = arith.constant 1 : i32
    "tpu.region"() ({
      %run_scoped3A_339 = tpu.sem_alloc : memref<!tpu.dma_semaphore, #tpu.memory_space<semaphore_mem>>
      %dma_start3A_340 = arith.constant 0 : i32
      %dma_start3A_341 = tpu.memref_slice %arg5[%run_scoped3A_335, %arg0, %add3A_334, %dma_start3A_340] : memref<2x2x10240x64xf32, #tpu.memory_space<hbm>> -> memref<1x1x80x64xf32, #tpu.memory_space<hbm>>
      %dma_start3A_342 = tpu.memref_squeeze %dma_start3A_341 : memref<1x1x80x64xf32, #tpu.memory_space<hbm>> -> memref<80x64xf32, #tpu.memory_space<hbm>>
      %dma_start3A_343 = arith.constant 0 : i32
      %dma_start3A_344 = tpu.memref_slice %arg12[%add3A_334, %dma_start3A_343] : memref<10240x64xf32, #tpu.memory_space<vmem_shared>> -> memref<80x64xf32, #tpu.memory_space<vmem_shared>>
      tpu.enqueue_dma source(%dma_start3A_344 : memref<80x64xf32, #tpu.memory_space<vmem_shared>>) target(%dma_start3A_342 : memref<80x64xf32, #tpu.memory_space<hbm>>) target_semaphore(%run_scoped3A_339 : memref<!tpu.dma_semaphore, #tpu.memory_space<semaphore_mem>>)
      %dma_wait3A_345 = arith.constant 0 : i32
      %dma_wait3A_346 = tpu.memref_slice %arg5[%run_scoped3A_335, %arg0, %add3A_334, %dma_wait3A_345] : memref<2x2x10240x64xf32, #tpu.memory_space<hbm>> -> memref<1x1x80x64xf32, #tpu.memory_space<hbm>>
      %dma_wait3A_347 = tpu.memref_squeeze %dma_wait3A_346 : memref<1x1x80x64xf32, #tpu.memory_space<hbm>> -> memref<80x64xf32, #tpu.memory_space<hbm>>
      %dma_wait3A_348 = arith.constant 0 : i32
      %dma_wait3A_349 = tpu.memref_slice %arg12[%add3A_334, %dma_wait3A_348] : memref<10240x64xf32, #tpu.memory_space<vmem_shared>> -> memref<80x64xf32, #tpu.memory_space<vmem_shared>>
      tpu.wait_dma2 semaphore(%run_scoped3A_339 : memref<!tpu.dma_semaphore, #tpu.memory_space<semaphore_mem>>) src(%dma_wait3A_349 : memref<80x64xf32, #tpu.memory_space<vmem_shared>>) dst(%dma_wait3A_347 : memref<80x64xf32, #tpu.memory_space<hbm>>)
      tpu.yield
    }) : () -> ()
    %add3A_336 = arith.constant 560 : i32
    %add3A_337 = arith.addi %mul3A_3, %add3A_336 : i32
    %run_scoped3A_338 = arith.constant 1 : i32
    "tpu.region"() ({
      %run_scoped3A_339 = tpu.sem_alloc : memref<!tpu.dma_semaphore, #tpu.memory_space<semaphore_mem>>
      %dma_start3A_340 = arith.constant 0 : i32
      %dma_start3A_341 = tpu.memref_slice %arg5[%run_scoped3A_338, %arg0, %add3A_337, %dma_start3A_340] : memref<2x2x10240x64xf32, #tpu.memory_space<hbm>> -> memref<1x1x80x64xf32, #tpu.memory_space<hbm>>
      %dma_start3A_342 = tpu.memref_squeeze %dma_start3A_341 : memref<1x1x80x64xf32, #tpu.memory_space<hbm>> -> memref<80x64xf32, #tpu.memory_space<hbm>>
      %dma_start3A_343 = arith.constant 0 : i32
      %dma_start3A_344 = tpu.memref_slice %arg12[%add3A_337, %dma_start3A_343] : memref<10240x64xf32, #tpu.memory_space<vmem_shared>> -> memref<80x64xf32, #tpu.memory_space<vmem_shared>>
      tpu.enqueue_dma source(%dma_start3A_344 : memref<80x64xf32, #tpu.memory_space<vmem_shared>>) target(%dma_start3A_342 : memref<80x64xf32, #tpu.memory_space<hbm>>) target_semaphore(%run_scoped3A_339 : memref<!tpu.dma_semaphore, #tpu.memory_space<semaphore_mem>>)
      %dma_wait3A_345 = arith.constant 0 : i32
      %dma_wait3A_346 = tpu.memref_slice %arg5[%run_scoped3A_338, %arg0, %add3A_337, %dma_wait3A_345] : memref<2x2x10240x64xf32, #tpu.memory_space<hbm>> -> memref<1x1x80x64xf32, #tpu.memory_space<hbm>>
      %dma_wait3A_347 = tpu.memref_squeeze %dma_wait3A_346 : memref<1x1x80x64xf32, #tpu.memory_space<hbm>> -> memref<80x64xf32, #tpu.memory_space<hbm>>
      %dma_wait3A_348 = arith.constant 0 : i32
      %dma_wait3A_349 = tpu.memref_slice %arg12[%add3A_337, %dma_wait3A_348] : memref<10240x64xf32, #tpu.memory_space<vmem_shared>> -> memref<80x64xf32, #tpu.memory_space<vmem_shared>>
      tpu.wait_dma2 semaphore(%run_scoped3A_339 : memref<!tpu.dma_semaphore, #tpu.memory_space<semaphore_mem>>) src(%dma_wait3A_349 : memref<80x64xf32, #tpu.memory_space<vmem_shared>>) dst(%dma_wait3A_347 : memref<80x64xf32, #tpu.memory_space<hbm>>)
      tpu.yield
    }) : () -> ()
    return
  }
}

module attributes {stable_mosaic.version = 14 : i64} {
  func.func @_mm_body(%arg0: i32, %arg1: i32, %arg2: memref<2x1x2048x1xf32, #tpu.memory_space<vmem>>, %arg3: memref<2x1x2048x1xf32, #tpu.memory_space<vmem>>, %arg4: memref<2048x128xf32, #tpu.memory_space<vmem>>, %arg5: memref<1x128x128xf32, #tpu.memory_space<vmem>>, %arg6: memref<1x2048x128xf32, #tpu.memory_space<vmem>>, %arg7: memref<1x2048x1xf32, #tpu.memory_space<vmem>>) attributes {dimension_semantics = [#tpu.dimension_semantics<arbitrary>, #tpu.dimension_semantics<arbitrary>], iteration_bounds = array<i64: 8, 5>, scalar_prefetch = 0 : i64, scratch_operands = 0 : i64, tpu.core_type = #tpu.core_type<tc>, window_params = [{transform_indices = @transform_0, window_bounds = array<i64: 2, 1, 2048, 1>}, {transform_indices = @transform_1, window_bounds = array<i64: 2, 1, 2048, 1>}, {transform_indices = @transform_2, window_bounds = array<i64: 2048, 128>}, {transform_indices = @transform_3, window_bounds = array<i64: 1, 128, 128>}, {transform_indices = @transform_4, window_bounds = array<i64: 1, 2048, 128>}, {transform_indices = @transform_5, window_bounds = array<i64: 1, 2048, 1>}]} {
    %get3A = arith.constant 0 : index
    %get3A_0 = arith.constant 0 : index
    %get3A_1 = arith.constant 0 : index
    %get3A_2 = arith.constant 0 : index
    %get3A_3 = vector.load %arg2[%get3A, %get3A_0, %get3A_1, %get3A_2] : memref<2x1x2048x1xf32, #tpu.memory_space<vmem>>, vector<1x1x2048x1xf32>
    %get3A_4 = vector.shape_cast %get3A_3 : vector<1x1x2048x1xf32> to vector<2048x1xf32>
    %get3A_5 = arith.constant 1 : index
    %get3A_6 = arith.constant 0 : index
    %get3A_7 = arith.constant 0 : index
    %get3A_8 = arith.constant 0 : index
    %get3A_9 = vector.load %arg2[%get3A_5, %get3A_6, %get3A_7, %get3A_8] : memref<2x1x2048x1xf32, #tpu.memory_space<vmem>>, vector<1x1x2048x1xf32>
    %get3A_10 = vector.shape_cast %get3A_9 : vector<1x1x2048x1xf32> to vector<2048x1xf32>
    %add3A = arith.addf %get3A_4, %get3A_10 : vector<2048x1xf32>
    %get3A_11 = arith.constant 0 : index
    %get3A_12 = arith.constant 0 : index
    %get3A_13 = arith.constant 0 : index
    %get3A_14 = arith.constant 0 : index
    %get3A_15 = vector.load %arg3[%get3A_11, %get3A_12, %get3A_13, %get3A_14] : memref<2x1x2048x1xf32, #tpu.memory_space<vmem>>, vector<1x1x2048x1xf32>
    %get3A_16 = vector.shape_cast %get3A_15 : vector<1x1x2048x1xf32> to vector<2048x1xf32>
    %get3A_17 = arith.constant 1 : index
    %get3A_18 = arith.constant 0 : index
    %get3A_19 = arith.constant 0 : index
    %get3A_20 = arith.constant 0 : index
    %get3A_21 = vector.load %arg3[%get3A_17, %get3A_18, %get3A_19, %get3A_20] : memref<2x1x2048x1xf32, #tpu.memory_space<vmem>>, vector<1x1x2048x1xf32>
    %get3A_22 = vector.shape_cast %get3A_21 : vector<1x1x2048x1xf32> to vector<2048x1xf32>
    %add3A_23 = arith.addf %get3A_16, %get3A_22 : vector<2048x1xf32>
    %jit3A = arith.constant 1.000000e+00 : f32
    %max3A = vector.broadcast %jit3A : f32 to vector<2048x1xf32>
    %max3A_24 = arith.maximumf %max3A, %add3A : vector<2048x1xf32>
    %rsqrt3A = math.rsqrt %max3A_24 : vector<2048x1xf32>
    %jit3A_25 = arith.constant 1.000000e+00 : f32
    %max3A_26 = vector.broadcast %jit3A_25 : f32 to vector<2048x1xf32>
    %max3A_27 = arith.maximumf %max3A_26, %add3A_23 : vector<2048x1xf32>
    %rsqrt3A_28 = math.rsqrt %max3A_27 : vector<2048x1xf32>
    %swap3A = arith.constant 0 : index
    %swap3A_29 = arith.constant 0 : index
    %swap3A_30 = arith.constant 0 : index
    %swap3A_31 = vector.load %arg7[%swap3A, %swap3A_29, %swap3A_30] : memref<1x2048x1xf32, #tpu.memory_space<vmem>>, vector<1x2048x1xf32>
    %swap3A_32 = vector.shape_cast %swap3A_31 : vector<1x2048x1xf32> to vector<2048x1xf32>
    %swap3A_33 = vector.shape_cast %rsqrt3A_28 : vector<2048x1xf32> to vector<1x2048x1xf32>
    tpu.vector_store %arg7[%swap3A, %swap3A_29, %swap3A_30], %swap3A_33 {strides = array<i32>} : memref<1x2048x1xf32, #tpu.memory_space<vmem>>, vector<1x2048x1xf32>,
    %get3A_34 = arith.constant 0 : index
    %get3A_35 = arith.constant 0 : index
    %get3A_36 = vector.load %arg4[%get3A_34, %get3A_35] : memref<2048x128xf32, #tpu.memory_space<vmem>>, vector<2048x128xf32>
    %mul3A = vector.broadcast %rsqrt3A : vector<2048x1xf32> to vector<2048x128xf32>
    %mul3A_37 = arith.mulf %get3A_36, %mul3A : vector<2048x128xf32>
    %get3A_38 = arith.constant 0 : index
    %get3A_39 = arith.constant 0 : index
    %get3A_40 = arith.constant 0 : index
    %get3A_41 = vector.load %arg5[%get3A_38, %get3A_39, %get3A_40] : memref<1x128x128xf32, #tpu.memory_space<vmem>>, vector<1x128x128xf32>
    %get3A_42 = vector.shape_cast %get3A_41 : vector<1x128x128xf32> to vector<128x128xf32>
    %dot_general3A = arith.constant dense<0.000000e+00> : vector<2048x128xf32>
    %dot_general3A_43 = tpu.matmul %mul3A_37, %get3A_42, %dot_general3A {dimension_numbers = #tpu.dot_dimension_numbers<[1], [0], [0], [1], [0, 0, 1, 1], [], []>, precision = #tpu.contract_precision<fp32>, transpose_lhs_hint = false} : vector<2048x128xf32>, vector<128x128xf32>, vector<2048x128xf32> -> vector<2048x128xf32>
    %swap3A_44 = arith.constant 0 : index
    %swap3A_45 = arith.constant 0 : index
    %swap3A_46 = arith.constant 0 : index
    %swap3A_47 = vector.load %arg6[%swap3A_44, %swap3A_45, %swap3A_46] : memref<1x2048x128xf32, #tpu.memory_space<vmem>>, vector<1x2048x128xf32>
    %swap3A_48 = vector.shape_cast %swap3A_47 : vector<1x2048x128xf32> to vector<2048x128xf32>
    %swap3A_49 = vector.shape_cast %dot_general3A_43 : vector<2048x128xf32> to vector<1x2048x128xf32>
    tpu.vector_store %arg6[%swap3A_44, %swap3A_45, %swap3A_46], %swap3A_49 {strides = array<i32>} : memref<1x2048x128xf32, #tpu.memory_space<vmem>>, vector<1x2048x128xf32>,
    return
  }
  func.func @transform_0(%arg0: i32, %arg1: i32) -> (i32, i32, i32, i32) {
    %c0_i32 = arith.constant 0 : i32
    %c0_i32_0 = arith.constant 0 : i32
    %c0_i32_1 = arith.constant 0 : i32
    return %c0_i32, %arg0, %arg1, %c0_i32_0 : i32, i32, i32, i32
  }
  func.func @transform_1(%arg0: i32, %arg1: i32) -> (i32, i32, i32, i32) {
    %c0_i32 = arith.constant 0 : i32
    %c0_i32_0 = arith.constant 0 : i32
    %c0_i32_1 = arith.constant 0 : i32
    return %c0_i32, %arg0, %arg1, %c0_i32_0 : i32, i32, i32, i32
  }
  func.func @transform_2(%arg0: i32, %arg1: i32) -> (i32, i32) {
    %c0_i32 = arith.constant 0 : i32
    %c0_i32_0 = arith.constant 0 : i32
    return %arg1, %c0_i32 : i32, i32
  }
  func.func @transform_3(%arg0: i32, %arg1: i32) -> (i32, i32, i32) {
    %c0_i32 = arith.constant 0 : i32
    %c0_i32_0 = arith.constant 0 : i32
    %c0_i32_1 = arith.constant 0 : i32
    return %arg0, %c0_i32, %c0_i32_0 : i32, i32, i32
  }
  func.func @transform_4(%arg0: i32, %arg1: i32) -> (i32, i32, i32) {
    %c0_i32 = arith.constant 0 : i32
    %c0_i32_0 = arith.constant 0 : i32
    return %arg0, %arg1, %c0_i32 : i32, i32, i32
  }
  func.func @transform_5(%arg0: i32, %arg1: i32) -> (i32, i32, i32) {
    %c0_i32 = arith.constant 0 : i32
    %c0_i32_0 = arith.constant 0 : i32
    return %arg0, %arg1, %c0_i32 : i32, i32, i32
  }
}

module attributes {stable_mosaic.version = 14 : i64} {
  func.func @_fin_body(%arg0: i32, %arg1: memref<2x2x2000x64xf32, #tpu.memory_space<vmem>>, %arg2: memref<8x128xf32, #tpu.memory_space<vmem>>, %arg3: memref<2000x128xf32, #tpu.memory_space<vmem>>) attributes {dimension_semantics = [#tpu.dimension_semantics<arbitrary>], iteration_bounds = array<i64: 5>, scalar_prefetch = 0 : i64, scratch_operands = 0 : i64, tpu.core_type = #tpu.core_type<tc>, window_params = [{transform_indices = @transform_0, window_bounds = array<i64: 2, 2, 2000, 64>}, {pipeline_mode = #tpu.pipeline_mode<synchronous>, transform_indices = @transform_1, window_bounds = array<i64: 8, 128>}, {transform_indices = @transform_2, window_bounds = array<i64: 2000, 128>}]} {
    %get3A = arith.constant 0 : index
    %get3A_0 = arith.constant 0 : index
    %get3A_1 = vector.load %arg2[%get3A, %get3A_0] : memref<8x128xf32, #tpu.memory_space<vmem>>, vector<8x128xf32>
    %reduce_sum3A = arith.constant dense<0.000000e+00> : vector<128xf32>
    %reduce_sum3A_2 = vector.multi_reduction <add>, %get3A_1, %reduce_sum3A [0] : vector<8x128xf32> to vector<128xf32>
    %broadcast_in_dim3A = vector.shape_cast %reduce_sum3A_2 : vector<128xf32> to vector<1x128xf32>
    %get3A_3 = arith.constant 0 : index
    %get3A_4 = arith.constant 0 : index
    %get3A_5 = arith.constant 0 : index
    %get3A_6 = arith.constant 0 : index
    %get3A_7 = vector.load %arg1[%get3A_3, %get3A_4, %get3A_5, %get3A_6] : memref<2x2x2000x64xf32, #tpu.memory_space<vmem>>, vector<1x1x2000x64xf32>
    %get3A_8 = vector.shape_cast %get3A_7 : vector<1x1x2000x64xf32> to vector<2000x64xf32>
    %get3A_9 = arith.constant 0 : index
    %get3A_10 = arith.constant 1 : index
    %get3A_11 = arith.constant 0 : index
    %get3A_12 = arith.constant 0 : index
    %get3A_13 = vector.load %arg1[%get3A_9, %get3A_10, %get3A_11, %get3A_12] : memref<2x2x2000x64xf32, #tpu.memory_space<vmem>>, vector<1x1x2000x64xf32>
    %get3A_14 = vector.shape_cast %get3A_13 : vector<1x1x2000x64xf32> to vector<2000x64xf32>
    %add3A = arith.addf %get3A_8, %get3A_14 : vector<2000x64xf32>
    %get3A_15 = arith.constant 1 : index
    %get3A_16 = arith.constant 0 : index
    %get3A_17 = arith.constant 0 : index
    %get3A_18 = arith.constant 0 : index
    %get3A_19 = vector.load %arg1[%get3A_15, %get3A_16, %get3A_17, %get3A_18] : memref<2x2x2000x64xf32, #tpu.memory_space<vmem>>, vector<1x1x2000x64xf32>
    %get3A_20 = vector.shape_cast %get3A_19 : vector<1x1x2000x64xf32> to vector<2000x64xf32>
    %get3A_21 = arith.constant 1 : index
    %get3A_22 = arith.constant 1 : index
    %get3A_23 = arith.constant 0 : index
    %get3A_24 = arith.constant 0 : index
    %get3A_25 = vector.load %arg1[%get3A_21, %get3A_22, %get3A_23, %get3A_24] : memref<2x2x2000x64xf32, #tpu.memory_space<vmem>>, vector<1x1x2000x64xf32>
    %get3A_26 = vector.shape_cast %get3A_25 : vector<1x1x2000x64xf32> to vector<2000x64xf32>
    %add3A_27 = arith.addf %get3A_20, %get3A_26 : vector<2000x64xf32>
    %concatenate3A = tpu.concatenate %add3A, %add3A_27 in 1 : vector<2000x64xf32>, vector<2000x64xf32> -> vector<2000x128xf32>
    %add3A_28 = vector.broadcast %broadcast_in_dim3A : vector<1x128xf32> to vector<2000x128xf32>
    %add3A_29 = arith.addf %concatenate3A, %add3A_28 : vector<2000x128xf32>
    %swap3A = arith.constant 0 : index
    %swap3A_30 = arith.constant 0 : index
    %swap3A_31 = vector.load %arg3[%swap3A, %swap3A_30] : memref<2000x128xf32, #tpu.memory_space<vmem>>, vector<2000x128xf32>
    tpu.vector_store %arg3[%swap3A, %swap3A_30], %add3A_29 {strides = array<i32>} : memref<2000x128xf32, #tpu.memory_space<vmem>>, vector<2000x128xf32>,
    return
  }
  func.func @transform_0(%arg0: i32) -> (i32, i32, i32, i32) {
    %c0_i32 = arith.constant 0 : i32
    %c0_i32_0 = arith.constant 0 : i32
    %c0_i32_1 = arith.constant 0 : i32
    %c0_i32_2 = arith.constant 0 : i32
    return %c0_i32, %c0_i32_0, %arg0, %c0_i32_1 : i32, i32, i32, i32
  }
  func.func @transform_1(%arg0: i32) -> (i32, i32) {
    %c0_i32 = arith.constant 0 : i32
    %c0_i32_0 = arith.constant 0 : i32
    %c0_i32_1 = arith.constant 0 : i32
    return %c0_i32, %c0_i32_0 : i32, i32
  }
  func.func @transform_2(%arg0: i32) -> (i32, i32) {
    %c0_i32 = arith.constant 0 : i32
    %c0_i32_0 = arith.constant 0 : i32
    return %arg0, %c0_i32 : i32, i32
  }
}

</mosaic_0001>

<sc_bundles>
// kernel: kernel.6.cloned.1.call-start
scs
__scs_entry_jumppad:
0x0: {  	(pc) =	sbr.rel $0x88, $3  }
0x1: {  	(tag) =	ssettag $0x0;
	lr =	simm.s32 $0x1  }
0x2: {  	[smem:$0x3F9C] =	sst lr;
	_ =	strace $0xD0000000  }
0x3: {  	_ = 	snop  }
0x4: {  	_ = 	snop  }
0x5: {  	_ = 	snop  }
0x6: {  	_ = 	snop  }
0x7: {  	_ = 	snop  }
__scs_overlays_trampoline_lowered:
0x8: {  	[smem:$0x3FAB] =	sst s0  }
0x9: {  	[smem:$0x3FAC] =	sst s1  }
0xa: {  	[smem:$0x3FAD] =	sst s2  }
0xb: {  	[smem:$0x3FAE] =	sst s3  }
0xc: {  	[smem:$0x3FAF] =	sst s4  }
0xd: {  	[smem:$0x3FB0] =	sst s5  }
0xe: {  	[smem:$0x3FB1] =	sst s6  }
0xf: {  	[smem:$0x3FB2] =	sst s7  }
0x10: {  	[smem:$0x3FB3] =	sst s8  }
0x11: {  	[smem:$0x3FB4] =	sst s9;
	s0 =	simm.s32 @!p0 $0x0  }
0x12: {  	s1 =	sld [smem:$0x3F9A];
	s0 =	simm.s32 @p0 $0x1  }
0x13: {  	[smem:$0x3FB5] =	sst s0;
	s0 =	simm.s32 @!p1 $0x0  }
0x14: {  	s2 =	sld [smem:$0x3F99];
	s0 =	simm.s32 @p1 $0x1  }
0x15: {  	[smem:$0x3FB6] =	sst s0;
	s0 =	simm.s32 @!p2 $0x0  }
0x16: {  	s3 =	sld [smem:$0x3FDB];
	s0 =	simm.s32 @p2 $0x1  }
0x17: {  	s4 =	simm.s32 $0x1BF5;
	[smem:$0x3FB8] =	sst s0  }
0x18: {  	s0 =	sld [smem:$0x3F9B];
	_ =	swait.ge [sflag:s4], $0x0  }
0x19: {  	s7 =	sld [smem:$0x3F9C]  }
0x1a: {  	s8 =	sadd.s32 $0xFFFFE003, lr  }
0x1b: {  	s9 =	sadd.s32 $0xFFFFFEF7, lr;
	s5 =	simm.s32 $0xFFFFFFFF;
	p2 =	slt.u32 s8, $0xFFFFF086  }
0x1c: {  	p1 =	slt.u32 s9, $0xF7A;
	s5 =	simm.s32 @!p2 $0x0  }
0x1d: {  	s5 =	simm.s32 @p1 $0x1;
	p0 =	seq.s32 s7, s2  }
0x1e: {  	s7 =	smul.u32 @!p0 $0xF7A, s2;
	p2 =	seq.s32 @!p0 s5, $0x0  }
0x1f: {  	s9 =	smul.u32 $0xF7A, s1;
	s8 =	simm.s32 @!p0 $0x1BF5;
	p2 =	por !p2, p0  }
0x20: {  	[sflag:s8] =	ssyncset.s32 @!p0 $0xFFFFF086;
	s6 =	sadd.s32 @!p0 s3, s7;
	s7 =	simm.s32 @!p0 $0x108  }
0x21: {  	s3 =	sadd.s32 s3, s9;
	s6 =	sadd.s32 @!p0 $0x88, s6;
	s7 =	simm.s32 @p2 $0x1082  }
0x22: {  	[simem:s7], [sflag:s8] =	dma.local @!p0 [hbm:s6], $0xF7A  }
0x23: {  	s9 =	sor.u32 $0xD0000000, s2;
	s6 =	simm.s32 $0x108;
	_ =	swait.ge @!p0 [sflag:s8], $0x0  }
0x24: {  	s3 =	sadd.s32 $0x88, s3;
	s6 =	simm.s32 @!p1 $0x1082;
	[sflag:s4] =	ssyncset.s32 $0xFFFFF086  }
0x25: {  	[simem:s6], [sflag:s4] =	dma.local [hbm:s3], $0xF7A  }
0x26: {  	[smem:$0x3F9C] =	sst s1;
	(tag) =	ssettag s2;
	_ =	strace s9  }
0x27: {  	s1 =	sld [smem:$0x3FAC]  }
0x28: {  	s2 =	sld [smem:$0x3FAD]  }
0x29: {  	s4 =	sld [smem:$0x3FAF]  }
0x2a: {  	p0 =	seq.s32 s5, $0x0;
	s5 =	sld [smem:$0x3FB0]  }
0x2b: {  	s6 =	sld [smem:$0x3FB1]  }
0x2c: {  	s7 =	sld [smem:$0x3FB2]  }
0x2d: {  	s3 =	simm.s32 $0x108;
	s8 =	sld [smem:$0x3FB3]  }
0x2e: {  	s3 =	simm.s32 @!p0 $0x1082;
	s9 =	sld [smem:$0x3FB4]  }
0x2f: {  	lr =	sadd.s32 s0, s3;
	s0 =	sld [smem:$0x3FAB]  }
0x30: {  	s3 =	sld [smem:$0x3FAE]  }
0x31: {  	[smem:$0x3FB7] =	sst s10  }
0x32: {  	s10 =	sld [smem:$0x3FB5];
	_ =	sdelay $0x3  }
0x33: {  	p0 =	seq.s32 s10, $0x1;
	s10 =	sld [smem:$0x3FB7];
	_ =	sdelay $0x3  }
0x34: {  	[smem:$0x3FB7] =	sst s10  }
0x35: {  	s10 =	sld [smem:$0x3FB6];
	_ =	sdelay $0x3  }
0x36: {  	p1 =	seq.s32 s10, $0x1;
	s10 =	sld [smem:$0x3FB7];
	_ =	sdelay $0x3  }
0x37: {  	[smem:$0x3FB7] =	sst s10  }
0x38: {  	s10 =	sld [smem:$0x3FB8]  }
0x39: {  	_ = 	snop;
	(pc) =	sbr.ind lr, $3  }
0x3a: {  	_ = 	snop  }
0x3b: {  	_ = 	snop  }
0x3c: {  	p2 =	seq.s32 s10, $0x1;
	s10 =	sld [smem:$0x3FB7]  }
0x3d: {  	_ =	shalt  }
0x3e: {  	_ =	shalt  }
0x3f: {  	_ =	shalt  }
0x40: {  	_ =	shalt  }
0x41: {  	_ =	shalt  }
0x42: {  	_ =	shalt  }
0x43: {  	_ =	shalt  }
0x44: {  	_ =	shalt  }
0x45: {  	_ =	shalt  }
0x46: {  	_ =	shalt  }
0x47: {  	_ =	shalt  }
0x48: {  	_ =	shalt  }
0x49: {  	_ =	shalt  }
0x4a: {  	_ =	shalt  }
0x4b: {  	_ =	shalt  }
0x4c: {  	_ =	shalt  }
0x4d: {  	_ =	shalt  }
0x4e: {  	_ =	shalt  }
0x4f: {  	_ =	shalt  }
0x50: {  	_ =	shalt  }
0x51: {  	_ =	shalt  }
0x52: {  	_ =	shalt  }
0x53: {  	_ =	shalt  }
0x54: {  	_ =	shalt  }
0x55: {  	_ =	shalt  }
0x56: {  	_ =	shalt  }
0x57: {  	_ =	shalt  }
0x58: {  	_ =	shalt  }
0x59: {  	_ =	shalt  }
0x5a: {  	_ =	shalt  }
0x5b: {  	_ =	shalt  }
0x5c: {  	_ =	shalt  }
0x5d: {  	_ =	shalt  }
0x5e: {  	_ =	shalt  }
0x5f: {  	_ =	shalt  }
0x60: {  	_ =	shalt  }
0x61: {  	_ =	shalt  }
0x62: {  	_ =	shalt  }
0x63: {  	_ =	shalt  }
0x64: {  	_ =	shalt  }
0x65: {  	_ =	shalt  }
0x66: {  	_ =	shalt  }
0x67: {  	_ =	shalt  }
0x68: {  	_ =	shalt  }
0x69: {  	_ =	shalt  }
0x6a: {  	_ =	shalt  }
0x6b: {  	_ =	shalt  }
0x6c: {  	_ =	shalt  }
0x6d: {  	_ =	shalt  }
0x6e: {  	_ =	shalt  }
0x6f: {  	_ =	shalt  }
0x70: {  	_ =	shalt  }
0x71: {  	_ =	shalt  }
0x72: {  	_ =	shalt  }
0x73: {  	_ =	shalt  }
0x74: {  	_ =	shalt  }
0x75: {  	_ =	shalt  }
0x76: {  	_ =	shalt  }
0x77: {  	_ =	shalt  }
0x78: {  	_ =	shalt  }
0x79: {  	_ =	shalt  }
0x7a: {  	_ =	shalt  }
0x7b: {  	_ =	shalt  }
0x7c: {  	_ =	shalt  }
0x7d: {  	_ =	shalt  }
0x7e: {  	_ =	shalt  }
0x7f: {  	_ =	shalt  }
0x80: {  	_ =	shalt  }
0x81: {  	_ =	shalt  }
0x82: {  	_ =	shalt  }
0x83: {  	_ =	shalt  }
0x84: {  	_ =	shalt  }
0x85: {  	_ =	shalt  }
0x86: {  	_ =	shalt  }
0x87: {  	_ =	shalt  }
.Lfunc_end0:
.L_simem_size_0:
called_computation_lowered:
.L_overlay_start_0:
0x88: {  	s2 =	sld [smem:$0x3FD9]  }
0x89: {  	s3 =	sld [smem:$0x3FFE];
	_ =	sdelay $0x1  }
0x8a: {  	s1 =	srdreg.scid  }
0x8b: {  	s0 =	sand.u32 $0x1, s1  }
0x8c: {  	s17 =	sshll.u32 s0, $0xA;
	s2 =	sadd.s32 s3, s2  }
0x8d: {  	s2 =	sadd.s32 s2, s17  }
0x8e: {  	[smem:$0x3FC3] =	sst s2  }
0x8f: {  	_ = 	snop  }
0x90: {  	s2 =	sld [smem:$0x3FD0];
	(tm) =	ssettm $0x1  }
0x91: {  	s18 =	sld [smem:$0x3FFB];
	_ =	sdelay $0x3  }
0x92: {  	_ =	strace s18  }
0x93: {  	s3 =	sld [smem:$0x3FFC];
	_ =	sdelay $0x3  }
0x94: {  	_ =	strace s3  }
0x95: {  	s3 =	sld [smem:$0x3FFD];
	_ =	sdelay $0x3  }
0x96: {  	_ =	strace s3  }
0x97: {  	_ =	strace $0x8FFFFFFF  }
0x98: {  	s19 =	sld [smem:$0x3FDB];
	_ =	sdelay $0x1  }
0x99: {  	s4 =	simm.s32 $_scs_section_size  }
0x9a: {  	s5 =	simm.s32 $_size__tile_overlayer_lowered;
	s6 =	simm.s32 $_tile_overlayer_lowered  }
0x9b: {  	s22 =	simm.s32 $0x1BFF;
	s21 =	sshll.u32 s6, $0x1;
	s3 =	sadd.s32 s4, s19  }
0x9c: {  	s7 =	simm.s32 $0x0;
	s20 =	sshll.u32 s5, $0x1;
	s5 =	sadd.s32 s21, s3  }
0x9d: {  	[timem:s7], [sflag:s22] =	dma.local [hbm:s5], s20  }
0x9e: {  	_ =	swait.ge [sflag:s22], s20  }
0x9f: {  	s4 =	ssub.s32 $0x0, s20;
	[sflag:s22] =	ssyncset.done $0x0  }
0xa0: {  	[sflag:s22] =	ssyncadd.s32 s4;
	_ =	sdelay $0x1  }
0xa1: {  	s23 =	simm.s32 $0x1B8B  }
0xa2: {  	_ =	swait.ge [sflag:s23], $0x1  }
0xa3: {  	[sflag:s23] =	ssyncset.done $0x0  }
0xa4: {  	s25 =	simm.s32 $0x1B8E;
	s24 =	sld [smem:$0x3FFE];
	[sflag:s23] =	ssyncadd.s32 $0xFFFFFFFF  }
0xa5: {  	s26 =	simm.s32 $execute0_lowered;
	[smem:$0x3FD2] =	sst s25  }
0xa6: {  	s5 =	sshll.u32 s26, $0x1;
	_ =	strace $0x80000046;
	[dreg:$0x1] =	wrdreg $0xFFFFFFFF  }
0xa7: {  	s28 =	simm.s32 $_size_execute0_lowered;
	s3 =	sadd.s32 s3, s5;
	[dreg:$0x0] =	wrdreg $0x0  }
0xa8: {  	s5 =	sshll.u32 s28, $0x1;
	[dreg:$0x2] =	wrdreg s3  }
0xa9: {  	[dreg:$0x3] =	wrdreg s5  }
0xaa: {  	[dreg:$0x4] =	wrdreg $0xC0  }
0xab: {  	_ =	task [dreg:s7], $0x5FFFF  }
0xac: {  	[dreg:$0x1] =	wrdreg $0xFFFFFFFF  }
0xad: {  	[dreg:$0x0] =	wrdreg $0x60  }
0xae: {  	[dreg:$0x2] =	wrdreg s2  }
0xaf: {  	[dreg:$0x3] =	wrdreg s24  }
0xb0: {  	[dreg:$0x4] =	wrdreg $0x15E00  }
0xb1: {  	[dreg:$0x5] =	wrdreg $0x29E00  }
0xb2: {  	[dreg:$0x6] =	wrdreg $0x9  }
0xb3: {  	_ =	task.clear_ibuf [dreg:s7], $0x7FFFF;
	_ =	strace $0x90000046  }
0xb4: {  	s29 =	simm.s32 $0x9;
	_ =	strace $0x80000048  }
0xb5: {  	_ =	swait.ge [sflag:s29], $0x1  }
0xb6: {  	[sflag:s29] =	ssyncadd.s32 $0xFFFFFFFF  }
0xb7: {  	_ =	strace $0x90000048  }
0xb8: {  	_ =	sfence  }
0xb9: {  	s30 =	sld [smem:$0x0];
	_ =	sdelay $0x2  }
0xba: {  	s31 =	sshll.u32 s1, $0xD;
	s1 =	sshrl.u32 s1, $0x2  }
0xbb: {  	s3 =	sand.u32 $0x4000, s31;
	s1 =	sadd.s32 s1, s30  }
0xbc: {  	s0 =	sor.u32 s3, s0;
	s1 =	sshll.u32 s1, $0x11  }
0xbd: {  	s0 =	sor.u32 s1, s0  }
0xbe: {  	s0 =	sadd.s32 $0x8F2B, s0  }
0xbf: {  	[sflag:s0] =	ssyncadd.remote.s32 $0x1  }
0xc0: {  	_ =	sfence.sel $0xFFFF  }
0xc1: {  	[dreg:$0x0] =	wrdreg $0xFFFFFFFF;
	(pc) =	sbr.abs _section_cstart, $3  }
0xc2: {  	[dreg:$0x1] =	wrdreg $0xFFFFFFFF  }
0xc3: {  	_ =	task.clear_ibuf [dreg:s7], $0x2FFFF;
	_ =	strace $0x9FFFFFFF  }
0xc4: {  	(tm) =	ssettm $0x7FFFFFFF  }
0xc5: {  	_ =	shalt  }
tec
execute0_lowered:
.L_overlay_start_1:
0x0: {  	(tag) =	ssettag $0x1  }
0x1: {  	s10 =	rddreg [dreg:$0x0]  }
0x2: {  	s5 =	rddreg [dreg:$0x1]  }
0x3: {  	s1 =	srdreg.scid;
	s2 =	rddreg [dreg:$0x2]  }
0x4: {  	s0 =	stileid.u32;
	s3 =	rddreg [dreg:$0x3]  }
0x5: {  	s4 =	simm.s32 $0x0;
	s14 =	simm.s32 $0xF0;
	s15 =	simm.s32 $0x190  }
0x6: {  	s16 =	simm.s32 $0x140;
	s20 =	simm.s32 $0x0;
	s6 =	smul.u32 $0x1400, s0  }
0x7: {  	s8 =	sand.u32 $0x1, s1;
	s1 =	rddreg [dreg:$0x4];
	s12 =	smul.u32 $0x1D4C, s0  }
0x8: {  	[smem:$0x7FF] =	sst s4;
	s17 =	sshll.u32 s0, $0x6;
	s7 =	smul.u32 $0x14000, s8  }
0x9: {  	s9 =	ssub.s32 $0x2, s8;
	_ =	strace $0x80000047;
	s13 =	smul.u32 $0xEA6, s8  }
0xa: {  	s17 =	sor.u32 $0x1C01, s17;
	s31 =	sshrl.u32 s9, $0x1;
	s10 =	sadd.s32 s12, s10  }
0xb: {  	s12 =	simm.s32 $0x1;
	s7 =	sadd.s32 s6, s7;
	s9 =	ssub.s32 s9, s31  }
0xc: {  	s10 =	sadd.s32 s13, s10;
	s13 =	simm.s32 $0x50;
	s7 =	sshrl.u32 s7, $0x3  }
0xd: {  	s9 =	smax.u32 s9, $0x1;
	s11 =	sadd.s32 s7, s5;
	s5 =	sadd.s32 s6, s2  }
0xe: {  	s6 =	sadd.s32 s6, s3;
	s7 =	sadd.s32 $0x5E00, s11;
	s8 =	sadd.s32 $0xE00, s11  }
0xf: {  	v0 =	vimm.f32 $1.000000000e+00;
	v1 =	vimm.f32 $0.0e+00;
	s11 =	simm.s32 $0x1E0;
	s18 =	sshrl.u32 s5, $0x3;
	s19 =	sshrl.u32 s6, $0x3  }
.LBB2_1:
0x10: {  	[tilespmem:$0x190] =	vst v0  }
0x11: {  	[tilespmem:$0x1A0] =	vst v0  }
0x12: {  	[tilespmem:$0x1B0] =	vst v0  }
0x13: {  	[tilespmem:$0x1C0] =	vst v0  }
0x14: {  	[tilespmem:$0x1D0] =	vst v0;
	s21 =	simm.s32 $0x40;
	s22 =	simm.s32 $0x0  }
.LBB2_2:
0x15: {  	p0 =	sne.s32 s21, $0x4FC0;
	[tilespmem:s22+$0x1E0] =	vst v1;
	s22 =	smov.u32 s21;
	s21 =	sadd.s32 $0x40, s21  }
.Ltmp0:
0x16: {  	(pc) =	sbr.rel @p0 .LBB2_2-.Ltmp0, $2  }
0x17: {  	_ =	sdelay $0x2  }
0x18: {  	s22 =	sshra.s32 s22, $0x2  }
0x19: {  	[tilespmem:s22+$0x1E0] =	vst v1  }
0x1a: {  	[spmem:s5] =	stream.linear.scatter [tilespmem:s11], [sflag:$0x1], $0x1400, $0x38;
	[tilespmem:$0x3DE0] =	vst v63  }
0x1b: {  	_ =	swait.ge [sflag:s12], $0x1400  }
0x1c: {  	[sflag:s12] =	ssyncset.done $0x0  }
0x1d: {  	[sflag:s12] =	ssyncadd.s32 $0xFFFFEC00  }
0x1e: {  	[spmem:s6] =	stream.linear.scatter [tilespmem:s11], [sflag:$0x1], $0x1400, $0x38;
	[tilespmem:$0x3DE0] =	vst v63  }
0x1f: {  	_ =	swait.ge [sflag:s12], $0x1400  }
0x20: {  	[sflag:s12] =	ssyncset.done $0x0  }
0x21: {  	[sflag:s12] =	ssyncadd.s32 $0xFFFFEC00  }
0x22: {  	s21 =	sadd.s32 $0x0, s10;
	[bflag:$0x0] =	sbarrier.arrive $0xFFFF  }
0x23: {  	[tilespmem:s4], [sflag:$0x1] =	stream.linear.gather [hbm4b:s21+s4], $0xF0, $0x38;
	[tilespmem:$0x3DE0] =	vst v63  }
0x24: {  	_ =	swait.ge [sflag:s12], $0xF0  }
0x25: {  	[sflag:s12] =	ssyncset.done $0x0  }
0x26: {  	[sflag:s12] =	ssyncadd.s32 $0xFFFFFF10  }
0x27: {  	v7 =	vld [tilespmem:$0xB0]  }
0x28: {  	v2 =	vld [tilespmem:$0x70]  }
0x29: {  	v5 =	vld [tilespmem:$0x60]  }
0x2a: {  	v4 =	vld [tilespmem:$0xA0]  }
0x2b: {  	v3 =	vld [tilespmem:$0xD0]  }
0x2c: {  	v8 =	vld [tilespmem:$0x10]  }
0x2d: {  	s21 =	simm.s32 $0x1E;
	v6 =	vld [tilespmem:$0xC0]  }
.LBB2_4:
0x2e: {  	p0 =	sne.s32 s21, $0xE88;
	v9 =	vld [tilespmem:$0x0];
	s22 =	smov.u32 s21;
	s21 =	sadd.s32 $0x1E, s21  }
0x2f: {  	v7 =	vmul.u32 $0x2800, v7;
	v10 =	vld [tilespmem:$0x50]  }
0x30: {  	v11 =	vld [tilespmem:$0x20]  }
0x31: {  	v5 =	vadd.s32 v5, v7;
	v8 =	vadd.s32 v8, v7;
	v7 =	vld [tilespmem:$0x80]  }
0x32: {  	v4 =	vmul.u32 $0x2800, v4;
	[tilespmem:$0x150] =	vst v5;
	v5 =	vld [tilespmem:$0x30]  }
0x33: {  	v6 =	vmul.u32 $0x2800, v6;
	[tilespmem:$0x100] =	vst v8;
	v8 =	vld [tilespmem:$0xE0]  }
0x34: {  	v9 =	vadd.s32 v9, v4;
	v4 =	vadd.s32 v10, v4;
	v10 =	vld [tilespmem:$0x90]  }
0x35: {  	v3 =	vmul.u32 $0x2800, v3;
	v2 =	vadd.s32 v2, v6;
	[tilespmem:$0x140] =	vst v4;
	v4 =	vadd.s32 v11, v6;
	v6 =	vld [tilespmem:$0x40]  }
0x36: {  	[tilespmem:$0x110] =	vst v4  }
0x37: {  	[tilespmem:$0xF0] =	vst v9;
	v4 =	vadd.s32 v5, v3;
	v3 =	vadd.s32 v7, v3  }
0x38: {  	[tilespmem:$0x160] =	vst v2;
	v2 =	vmul.u32 $0x2800, v8  }
0x39: {  	[tilespmem:$0x120] =	vst v4  }
0x3a: {  	[tilespmem:$0x170] =	vst v3;
	v3 =	vadd.s32 v6, v2;
	v2 =	vadd.s32 v10, v2  }
0x3b: {  	[tilespmem:$0x180] =	vst v2  }
0x3c: {  	[tilespmem:$0x130] =	vst v3  }
0x3d: {  	[spmem:s2] =	stream.indirect.scatter.add.f32 [tilespmem:s15], [sflag:$0x1], $0x1, s14, s13, $0xb8;
	[tilespmem:$0x3DE0] =	vst v63  }
0x3e: {  	_ =	swait.ge [sflag:s12], $0x50  }
0x3f: {  	[sflag:s12] =	ssyncset.done $0x0  }
0x40: {  	[sflag:s12] =	ssyncadd.s32 $0xFFFFFFB0  }
0x41: {  	[spmem:s3] =	stream.indirect.scatter.add.f32 [tilespmem:s15], [sflag:$0x1], $0x1, s16, s13, $0xb8;
	[tilespmem:$0x3DE0] =	vst v63  }
0x42: {  	_ =	swait.ge [sflag:s12], $0x50  }
0x43: {  	[sflag:s12] =	ssyncset.done $0x0  }
0x44: {  	s22 =	sadd.s32 s22, s10;
	[sflag:s12] =	ssyncadd.s32 $0xFFFFFFB0  }
0x45: {  	[tilespmem:s4], [sflag:$0x1] =	stream.linear.gather [hbm4b:s22+s4], $0xF0, $0x38;
	[tilespmem:$0x3DE0] =	vst v63  }
0x46: {  	_ =	swait.ge [sflag:s12], $0xF0  }
0x47: {  	[sflag:s12] =	ssyncset.done $0x0  }
0x48: {  	[sflag:s12] =	ssyncadd.s32 $0xFFFFFF10  }
0x49: {  	v7 =	vld [tilespmem:$0xB0]  }
0x4a: {  	v2 =	vld [tilespmem:$0x70]  }
.Ltmp1:
0x4b: {  	v5 =	vld [tilespmem:$0x60];
	(pc) =	sbr.rel @p0 .LBB2_4-.Ltmp1, $4  }
0x4c: {  	v4 =	vld [tilespmem:$0xA0]  }
0x4d: {  	v3 =	vld [tilespmem:$0xD0]  }
0x4e: {  	v8 =	vld [tilespmem:$0x10]  }
0x4f: {  	v6 =	vld [tilespmem:$0xC0]  }
0x50: {  	v9 =	vld [tilespmem:$0x50]  }
0x51: {  	v7 =	vmul.u32 $0x2800, v7;
	v11 =	vld [tilespmem:$0x0]  }
0x52: {  	v12 =	vld [tilespmem:$0x30]  }
0x53: {  	v57 =	vld [tilespmem:$0xE0];
	v4 =	vmul.u32 $0x2800, v4;
	v5 =	vadd.s32 v5, v7  }
0x54: {  	v58 =	vld [tilespmem:$0x80];
	v7 =	vadd.s32 v8, v7;
	[tilespmem:$0x150] =	vst v5  }
0x55: {  	v10 =	vld [tilespmem:$0x20];
	v3 =	vmul.u32 $0x2800, v3;
	[tilespmem:$0x100] =	vst v7;
	v59 =	vadd.s32 v9, v4  }
0x56: {  	v60 =	vld [tilespmem:$0x90];
	v56 =	vmul.u32 $0x2800, v6;
	v4 =	vadd.s32 v11, v4;
	[tilespmem:$0x140] =	vst v59  }
0x57: {  	v62 =	vld [tilespmem:$0x40];
	v63 =	vadd.s32 v12, v3;
	[tilespmem:$0xF0] =	vst v4  }
0x58: {  	v2 =	vadd.s32 v2, v56;
	[tilespmem:$0x120] =	vst v63  }
0x59: {  	v3 =	vadd.s32 v58, v3;
	[tilespmem:$0x160] =	vst v2;
	v2 =	vmul.u32 $0x2800, v57  }
0x5a: {  	v61 =	vadd.s32 v10, v56;
	[tilespmem:$0x170] =	vst v3  }
0x5b: {  	[tilespmem:$0x110] =	vst v61;
	v3 =	vadd.s32 v60, v2  }
0x5c: {  	v2 =	vadd.s32 v62, v2;
	[tilespmem:$0x180] =	vst v3  }
0x5d: {  	[tilespmem:$0x130] =	vst v2  }
0x5e: {  	[spmem:s2] =	stream.indirect.scatter.add.f32 [tilespmem:s15], [sflag:$0x1], $0x1, s14, s13, $0xb8;
	[tilespmem:$0x3DE0] =	vst v63  }
0x5f: {  	_ =	swait.ge [sflag:s12], $0x50  }
0x60: {  	[sflag:s12] =	ssyncset.done $0x0  }
0x61: {  	[sflag:s12] =	ssyncadd.s32 $0xFFFFFFB0  }
0x62: {  	[spmem:s3] =	stream.indirect.scatter.add.f32 [tilespmem:s15], [sflag:$0x1], $0x1, s16, s13, $0xb8;
	[tilespmem:$0x3DE0] =	vst v63  }
0x63: {  	_ =	swait.ge [sflag:s12], $0x50  }
0x64: {  	[sflag:s12] =	ssyncset.done $0x0  }
0x65: {  	[sflag:s12] =	ssyncadd.s32 $0xFFFFFFB0  }
0x66: {  	[bflag:$0x0] =	sbarrier.arrive $0xFFFF  }
0x67: {  	[hbm:s7], [sflag:s17] =	dma.local [spmem:s18], $0x280  }
0x68: {  	s20 =	sadd.s32 $0x1, s20;
	_ =	swait.ge [sflag:s12], $0x280  }
0x69: {  	p0 =	sne.s32 s20, s9;
	[sflag:s12] =	ssyncset.done $0x0  }
.Ltmp2:
0x6a: {  	[sflag:s12] =	ssyncadd.s32 $0xFFFFFD80;
	(pc) =	sbr.rel @p0 .LBB2_1-.Ltmp2, $4  }
0x6b: {  	[hbm:s8], [sflag:s17] =	dma.local [spmem:s19], $0x280  }
0x6c: {  	_ =	swait.ge [sflag:s12], $0x280  }
0x6d: {  	[sflag:s12] =	ssyncset.done $0x0  }
0x6e: {  	[sflag:s12] =	ssyncadd.s32 $0xFFFFFD80  }
0x6f: {  	_ =	sfence.sel $0x180000  }
0x70: {  	[bflag:$0x0] =	sbarrier.arrive $0xFFFF  }
0x71: {  	p0 =	sne.s32 s0, $0x0;
	_ =	strace $0x90000047  }
0x72: {  	s0 =	sadd.s32 @!p0 $0x100000, s1;
	[bflag:$0x2] =	sbarrier.arrive $0xFFFF  }
0x73: {  	[sflag:s0] =	ssyncadd.tile.s32 @!p0 $0x1;
	_ =	shalt  }
.Lfunc_end2:
_tile_overlayer_lowered:
.L_overlay_start_2:
0x74: {  	(tag) =	ssettag $0x2  }
0x75: {  	s0 =	rddreg [dreg:$0x0];
	s2 =	stileid.u32  }
0x76: {  	s1 =	rddreg [dreg:$0x1];
	p0 =	sne.s32 s2, $0x0  }
0x77: {  	s3 =	rddreg [dreg:$0x2];
	[bflag:$0x3] =	sbarrier.arrive $0xFFFF;
	s2 =	simm.s32 @!p0 $0x1C01  }
0x78: {  	[timem:s3], [sflag:s2] =	dma.local @!p0 [hbm:s0], s1  }
0x79: {  	s0 =	simm.s32 @!p0 $0x1  }
0x7a: {  	_ =	swait.ge @!p0 [sflag:s0], s1  }
0x7b: {  	s1 =	ssub.s32 @!p0 $0x0, s1;
	[sflag:s0] =	ssyncset.done @!p0 $0x0  }
0x7c: {  	[sflag:s0] =	ssyncadd.s32 @!p0 s1  }
0x7d: {  	[bflag:$0x3] =	sbarrier.arrive $0xFFFF  }
0x7e: {  	_ =	shalt  }

// kernel: kernel.9.cloned.1.call-start
scs
__scs_entry_jumppad:
0x0: {  	(pc) =	sbr.rel $0x88, $3  }
0x1: {  	(tag) =	ssettag $0x0;
	lr =	simm.s32 $0x1  }
0x2: {  	[smem:$0x3F9C] =	sst lr;
	_ =	strace $0xD0000000  }
0x3: {  	_ = 	snop  }
0x4: {  	_ = 	snop  }
0x5: {  	_ = 	snop  }
0x6: {  	_ = 	snop  }
0x7: {  	_ = 	snop  }
__scs_overlays_trampoline_lowered:
0x8: {  	[smem:$0x3FAB] =	sst s0  }
0x9: {  	[smem:$0x3FAC] =	sst s1  }
0xa: {  	[smem:$0x3FAD] =	sst s2  }
0xb: {  	[smem:$0x3FAE] =	sst s3  }
0xc: {  	[smem:$0x3FAF] =	sst s4  }
0xd: {  	[smem:$0x3FB0] =	sst s5  }
0xe: {  	[smem:$0x3FB1] =	sst s6  }
0xf: {  	[smem:$0x3FB2] =	sst s7  }
0x10: {  	[smem:$0x3FB3] =	sst s8  }
0x11: {  	[smem:$0x3FB4] =	sst s9;
	s0 =	simm.s32 @!p0 $0x0  }
0x12: {  	s1 =	sld [smem:$0x3F9A];
	s0 =	simm.s32 @p0 $0x1  }
0x13: {  	[smem:$0x3FB5] =	sst s0;
	s0 =	simm.s32 @!p1 $0x0  }
0x14: {  	s2 =	sld [smem:$0x3F99];
	s0 =	simm.s32 @p1 $0x1  }
0x15: {  	[smem:$0x3FB6] =	sst s0;
	s0 =	simm.s32 @!p2 $0x0  }
0x16: {  	s3 =	sld [smem:$0x3FDB];
	s0 =	simm.s32 @p2 $0x1  }
0x17: {  	s4 =	simm.s32 $0x1BF5;
	[smem:$0x3FB8] =	sst s0  }
0x18: {  	s0 =	sld [smem:$0x3F9B];
	_ =	swait.ge [sflag:s4], $0x0  }
0x19: {  	s7 =	sld [smem:$0x3F9C]  }
0x1a: {  	s8 =	sadd.s32 $0xFFFFE003, lr  }
0x1b: {  	s9 =	sadd.s32 $0xFFFFFEF7, lr;
	s5 =	simm.s32 $0xFFFFFFFF;
	p2 =	slt.u32 s8, $0xFFFFF086  }
0x1c: {  	p1 =	slt.u32 s9, $0xF7A;
	s5 =	simm.s32 @!p2 $0x0  }
0x1d: {  	s5 =	simm.s32 @p1 $0x1;
	p0 =	seq.s32 s7, s2  }
0x1e: {  	s7 =	smul.u32 @!p0 $0xF7A, s2;
	p2 =	seq.s32 @!p0 s5, $0x0  }
0x1f: {  	s9 =	smul.u32 $0xF7A, s1;
	s8 =	simm.s32 @!p0 $0x1BF5;
	p2 =	por !p2, p0  }
0x20: {  	[sflag:s8] =	ssyncset.s32 @!p0 $0xFFFFF086;
	s6 =	sadd.s32 @!p0 s3, s7;
	s7 =	simm.s32 @!p0 $0x108  }
0x21: {  	s3 =	sadd.s32 s3, s9;
	s6 =	sadd.s32 @!p0 $0x88, s6;
	s7 =	simm.s32 @p2 $0x1082  }
0x22: {  	[simem:s7], [sflag:s8] =	dma.local @!p0 [hbm:s6], $0xF7A  }
0x23: {  	s9 =	sor.u32 $0xD0000000, s2;
	s6 =	simm.s32 $0x108;
	_ =	swait.ge @!p0 [sflag:s8], $0x0  }
0x24: {  	s3 =	sadd.s32 $0x88, s3;
	s6 =	simm.s32 @!p1 $0x1082;
	[sflag:s4] =	ssyncset.s32 $0xFFFFF086  }
0x25: {  	[simem:s6], [sflag:s4] =	dma.local [hbm:s3], $0xF7A  }
0x26: {  	[smem:$0x3F9C] =	sst s1;
	(tag) =	ssettag s2;
	_ =	strace s9  }
0x27: {  	s1 =	sld [smem:$0x3FAC]  }
0x28: {  	s2 =	sld [smem:$0x3FAD]  }
0x29: {  	s4 =	sld [smem:$0x3FAF]  }
0x2a: {  	p0 =	seq.s32 s5, $0x0;
	s5 =	sld [smem:$0x3FB0]  }
0x2b: {  	s6 =	sld [smem:$0x3FB1]  }
0x2c: {  	s7 =	sld [smem:$0x3FB2]  }
0x2d: {  	s3 =	simm.s32 $0x108;
	s8 =	sld [smem:$0x3FB3]  }
0x2e: {  	s3 =	simm.s32 @!p0 $0x1082;
	s9 =	sld [smem:$0x3FB4]  }
0x2f: {  	lr =	sadd.s32 s0, s3;
	s0 =	sld [smem:$0x3FAB]  }
0x30: {  	s3 =	sld [smem:$0x3FAE]  }
0x31: {  	[smem:$0x3FB7] =	sst s10  }
0x32: {  	s10 =	sld [smem:$0x3FB5];
	_ =	sdelay $0x3  }
0x33: {  	p0 =	seq.s32 s10, $0x1;
	s10 =	sld [smem:$0x3FB7];
	_ =	sdelay $0x3  }
0x34: {  	[smem:$0x3FB7] =	sst s10  }
0x35: {  	s10 =	sld [smem:$0x3FB6];
	_ =	sdelay $0x3  }
0x36: {  	p1 =	seq.s32 s10, $0x1;
	s10 =	sld [smem:$0x3FB7];
	_ =	sdelay $0x3  }
0x37: {  	[smem:$0x3FB7] =	sst s10  }
0x38: {  	s10 =	sld [smem:$0x3FB8]  }
0x39: {  	_ = 	snop;
	(pc) =	sbr.ind lr, $3  }
0x3a: {  	_ = 	snop  }
0x3b: {  	_ = 	snop  }
0x3c: {  	p2 =	seq.s32 s10, $0x1;
	s10 =	sld [smem:$0x3FB7]  }
0x3d: {  	_ =	shalt  }
0x3e: {  	_ =	shalt  }
0x3f: {  	_ =	shalt  }
0x40: {  	_ =	shalt  }
0x41: {  	_ =	shalt  }
0x42: {  	_ =	shalt  }
0x43: {  	_ =	shalt  }
0x44: {  	_ =	shalt  }
0x45: {  	_ =	shalt  }
0x46: {  	_ =	shalt  }
0x47: {  	_ =	shalt  }
0x48: {  	_ =	shalt  }
0x49: {  	_ =	shalt  }
0x4a: {  	_ =	shalt  }
0x4b: {  	_ =	shalt  }
0x4c: {  	_ =	shalt  }
0x4d: {  	_ =	shalt  }
0x4e: {  	_ =	shalt  }
0x4f: {  	_ =	shalt  }
0x50: {  	_ =	shalt  }
0x51: {  	_ =	shalt  }
0x52: {  	_ =	shalt  }
0x53: {  	_ =	shalt  }
0x54: {  	_ =	shalt  }
0x55: {  	_ =	shalt  }
0x56: {  	_ =	shalt  }
0x57: {  	_ =	shalt  }
0x58: {  	_ =	shalt  }
0x59: {  	_ =	shalt  }
0x5a: {  	_ =	shalt  }
0x5b: {  	_ =	shalt  }
0x5c: {  	_ =	shalt  }
0x5d: {  	_ =	shalt  }
0x5e: {  	_ =	shalt  }
0x5f: {  	_ =	shalt  }
0x60: {  	_ =	shalt  }
0x61: {  	_ =	shalt  }
0x62: {  	_ =	shalt  }
0x63: {  	_ =	shalt  }
0x64: {  	_ =	shalt  }
0x65: {  	_ =	shalt  }
0x66: {  	_ =	shalt  }
0x67: {  	_ =	shalt  }
0x68: {  	_ =	shalt  }
0x69: {  	_ =	shalt  }
0x6a: {  	_ =	shalt  }
0x6b: {  	_ =	shalt  }
0x6c: {  	_ =	shalt  }
0x6d: {  	_ =	shalt  }
0x6e: {  	_ =	shalt  }
0x6f: {  	_ =	shalt  }
0x70: {  	_ =	shalt  }
0x71: {  	_ =	shalt  }
0x72: {  	_ =	shalt  }
0x73: {  	_ =	shalt  }
0x74: {  	_ =	shalt  }
0x75: {  	_ =	shalt  }
0x76: {  	_ =	shalt  }
0x77: {  	_ =	shalt  }
0x78: {  	_ =	shalt  }
0x79: {  	_ =	shalt  }
0x7a: {  	_ =	shalt  }
0x7b: {  	_ =	shalt  }
0x7c: {  	_ =	shalt  }
0x7d: {  	_ =	shalt  }
0x7e: {  	_ =	shalt  }
0x7f: {  	_ =	shalt  }
0x80: {  	_ =	shalt  }
0x81: {  	_ =	shalt  }
0x82: {  	_ =	shalt  }
0x83: {  	_ =	shalt  }
0x84: {  	_ =	shalt  }
0x85: {  	_ =	shalt  }
0x86: {  	_ =	shalt  }
0x87: {  	_ =	shalt  }
.Lfunc_end0:
.L_simem_size_0:
called_computation.1_lowered:
.L_overlay_start_0:
0x88: {  	s2 =	sld [smem:$0x3FD9]  }
0x89: {  	s3 =	sld [smem:$0x3FFE];
	_ =	sdelay $0x1  }
0x8a: {  	s1 =	srdreg.scid  }
0x8b: {  	s0 =	sand.u32 $0x1, s1  }
0x8c: {  	s17 =	sshll.u32 s0, $0xA;
	s2 =	sadd.s32 s3, s2  }
0x8d: {  	s2 =	sadd.s32 s2, s17  }
0x8e: {  	[smem:$0x3FC3] =	sst s2  }
0x8f: {  	_ = 	snop  }
0x90: {  	s2 =	sld [smem:$0x3FD0];
	(tm) =	ssettm $0x1  }
0x91: {  	s18 =	sld [smem:$0x3FFB];
	_ =	sdelay $0x3  }
0x92: {  	_ =	strace s18  }
0x93: {  	s3 =	sld [smem:$0x3FFC];
	_ =	sdelay $0x3  }
0x94: {  	_ =	strace s3  }
0x95: {  	s3 =	sld [smem:$0x3FFD];
	_ =	sdelay $0x3  }
0x96: {  	_ =	strace s3  }
0x97: {  	_ =	strace $0x8FFFFFFF  }
0x98: {  	s19 =	sld [smem:$0x3FDB];
	_ =	sdelay $0x1  }
0x99: {  	s4 =	simm.s32 $_scs_section_size  }
0x9a: {  	s5 =	simm.s32 $_size__tile_overlayer_lowered;
	s6 =	simm.s32 $_tile_overlayer_lowered  }
0x9b: {  	s22 =	simm.s32 $0x1BFF;
	s21 =	sshll.u32 s6, $0x1;
	s3 =	sadd.s32 s4, s19  }
0x9c: {  	s7 =	simm.s32 $0x0;
	s20 =	sshll.u32 s5, $0x1;
	s5 =	sadd.s32 s21, s3  }
0x9d: {  	[timem:s7], [sflag:s22] =	dma.local [hbm:s5], s20  }
0x9e: {  	_ =	swait.ge [sflag:s22], s20  }
0x9f: {  	s4 =	ssub.s32 $0x0, s20;
	[sflag:s22] =	ssyncset.done $0x0  }
0xa0: {  	[sflag:s22] =	ssyncadd.s32 s4;
	_ =	sdelay $0x1  }
0xa1: {  	s23 =	simm.s32 $0x1B8B  }
0xa2: {  	_ =	swait.ge [sflag:s23], $0x1  }
0xa3: {  	[sflag:s23] =	ssyncset.done $0x0  }
0xa4: {  	s25 =	simm.s32 $0x1B8E;
	s24 =	sld [smem:$0x3FFE];
	[sflag:s23] =	ssyncadd.s32 $0xFFFFFFFF  }
0xa5: {  	s26 =	simm.s32 $execute0_lowered;
	[smem:$0x3FD2] =	sst s25  }
0xa6: {  	s5 =	sshll.u32 s26, $0x1;
	_ =	strace $0x80000049;
	[dreg:$0x1] =	wrdreg $0xFFFFFFFF  }
0xa7: {  	s28 =	simm.s32 $_size_execute0_lowered;
	s3 =	sadd.s32 s3, s5;
	[dreg:$0x0] =	wrdreg $0x0  }
0xa8: {  	s5 =	sshll.u32 s28, $0x1;
	[dreg:$0x2] =	wrdreg s3  }
0xa9: {  	[dreg:$0x3] =	wrdreg s5  }
0xaa: {  	[dreg:$0x4] =	wrdreg $0xC0  }
0xab: {  	_ =	task [dreg:s7], $0x5FFFF  }
0xac: {  	[dreg:$0x1] =	wrdreg $0xFFFFFFFF  }
0xad: {  	[dreg:$0x0] =	wrdreg $0x60  }
0xae: {  	[dreg:$0x2] =	wrdreg s2  }
0xaf: {  	[dreg:$0x3] =	wrdreg s24  }
0xb0: {  	[dreg:$0x4] =	wrdreg $0x2C600  }
0xb1: {  	[dreg:$0x5] =	wrdreg $0x9  }
0xb2: {  	_ =	task.clear_ibuf [dreg:s7], $0x6FFFF;
	_ =	strace $0x90000049  }
0xb3: {  	s29 =	simm.s32 $0x9;
	_ =	strace $0x8000004B  }
0xb4: {  	_ =	swait.ge [sflag:s29], $0x1  }
0xb5: {  	[sflag:s29] =	ssyncadd.s32 $0xFFFFFFFF  }
0xb6: {  	_ =	strace $0x9000004B  }
0xb7: {  	_ =	sfence  }
0xb8: {  	s30 =	sld [smem:$0x0];
	_ =	sdelay $0x2  }
0xb9: {  	s31 =	sshll.u32 s1, $0xD;
	s1 =	sshrl.u32 s1, $0x2  }
0xba: {  	s3 =	sand.u32 $0x4000, s31;
	s1 =	sadd.s32 s1, s30  }
0xbb: {  	s0 =	sor.u32 s3, s0;
	s1 =	sshll.u32 s1, $0x11  }
0xbc: {  	s0 =	sor.u32 s1, s0  }
0xbd: {  	s0 =	sadd.s32 $0x8F2B, s0  }
0xbe: {  	[sflag:s0] =	ssyncadd.remote.s32 $0x1  }
0xbf: {  	_ =	sfence.sel $0xFFFF  }
0xc0: {  	[dreg:$0x0] =	wrdreg $0xFFFFFFFF;
	(pc) =	sbr.abs _section_cstart, $3  }
0xc1: {  	[dreg:$0x1] =	wrdreg $0xFFFFFFFF  }
0xc2: {  	_ =	task.clear_ibuf [dreg:s7], $0x2FFFF;
	_ =	strace $0x9FFFFFFF  }
0xc3: {  	(tm) =	ssettm $0x7FFFFFFF  }
tec
execute0_lowered:
.L_overlay_start_1:
0x0: {  	(tag) =	ssettag $0x1  }
0x1: {  	s1 =	rddreg [dreg:$0x0]  }
0x2: {  	s0 =	rddreg [dreg:$0x1]  }
0x3: {  	s2 =	rddreg [dreg:$0x2]  }
0x4: {  	s3 =	simm.s32 $0x0;
	s4 =	srdreg.scid;
	s10 =	stileid.u32  }
0x5: {  	[smem:$0x7FF] =	sst s3;
	s5 =	sadd.s32 $0x64AE00, s0;
	s6 =	sadd.s32 $0xE00, s0  }
0x6: {  	s4 =	sand.u32 $0x1, s4;
	s9 =	sshll.u32 s10, $0x1;
	s10 =	smul.u32 $0xA000, s10  }
0x7: {  	s0 =	sadd.s32 $0x3600, s0;
	_ =	strace $0x8000004A;
	s7 =	ssub.s32 $0x2, s4  }
0x8: {  	s8 =	sshrl.u32 s7, $0x1;
	s11 =	sadd.s32 $0x2800, s10;
	s12 =	sadd.s32 $0x3C00, s10  }
0x9: {  	s7 =	ssub.s32 s7, s8;
	s8 =	sor.u32 s4, s9;
	s4 =	smul.u32 $0xA0000, s4  }
0xa: {  	s13 =	sadd.s32 $0x5000, s10;
	s14 =	sadd.s32 $0x6400, s10;
	s16 =	sadd.s32 $0x7800, s10  }
0xb: {  	s18 =	sadd.s32 $0x8C00, s10;
	s9 =	sor.u32 $0x1400, s10;
	s15 =	sadd.s32 s10, s4  }
0xc: {  	s17 =	sadd.s32 s4, s9;
	s25 =	sadd.s32 s4, s11;
	s26 =	sadd.s32 s4, s12  }
0xd: {  	s19 =	sadd.s32 s4, s13;
	s21 =	sadd.s32 s4, s14;
	s15 =	sshrl.u32 s15, $0x3  }
0xe: {  	s20 =	sadd.s32 s0, s15;
	s15 =	sshrl.u32 s25, $0x3;
	s25 =	sadd.s32 s10, s2  }
0xf: {  	s22 =	sadd.s32 s4, s16;
	s10 =	sadd.s32 s9, s2;
	[dreg:$0xc] =	wrdreg s25  }
0x10: {  	s4 =	sadd.s32 s4, s18;
	s24 =	sshrl.u32 s17, $0x3;
	[dreg:$0xd] =	wrdreg s10  }
0x11: {  	s17 =	sshrl.u32 s26, $0x3;
	s23 =	sadd.s32 s0, s24;
	[dreg:$0x4] =	wrdreg s20  }
0x12: {  	s19 =	sshrl.u32 s19, $0x3;
	s26 =	sadd.s32 s0, s17;
	[dreg:$0x5] =	wrdreg s23  }
0x13: {  	s4 =	sshrl.u32 s4, $0x3;
	s19 =	sadd.s32 s0, s19;
	[dreg:$0x7] =	wrdreg s26  }
0x14: {  	s28 =	sadd.s32 s0, s4;
	s24 =	sadd.s32 s0, s15;
	[dreg:$0x8] =	wrdreg s19  }
0x15: {  	s15 =	sshrl.u32 s21, $0x3;
	s21 =	sadd.s32 s11, s2;
	[dreg:$0xb] =	wrdreg s28  }
0x16: {  	s25 =	sadd.s32 s12, s2;
	[dreg:$0xe] =	wrdreg s21  }
0x17: {  	s10 =	sadd.s32 s13, s2;
	[dreg:$0xf] =	wrdreg s25  }
0x18: {  	s11 =	sadd.s32 s14, s2;
	[dreg:$0x10] =	wrdreg s10  }
0x19: {  	s12 =	smax.u32 s7, $0x1;
	[dreg:$0x11] =	wrdreg s11  }
0x1a: {  	s29 =	simm.s32 $0x9;
	s13 =	sadd.s32 $0x28000, s20;
	[dreg:$0x14] =	wrdreg s12  }
0x1b: {  	s30 =	simm.s32 $0x50;
	s14 =	sadd.s32 $0x28000, s23;
	[dreg:$0x15] =	wrdreg s13  }
0x1c: {  	s31 =	simm.s32 $0x3C0;
	s17 =	sshrl.u32 s22, $0x3;
	[dreg:$0x16] =	wrdreg s14  }
0x1d: {  	s22 =	smul.u32 $0x7530, s8;
	s20 =	sadd.s32 $0x28000, s19;
	[dreg:$0x6] =	wrdreg s24  }
0x1e: {  	s17 =	sadd.s32 s0, s17;
	s21 =	sadd.s32 s16, s2;
	[dreg:$0x19] =	wrdreg s20  }
0x1f: {  	s4 =	sshrl.u32 s22, $0x3;
	s16 =	sadd.s32 $0x28000, s24;
	[dreg:$0xa] =	wrdreg s17  }
0x20: {  	s22 =	sadd.s32 s18, s2;
	s18 =	sadd.s32 $0x28000, s26;
	[dreg:$0x17] =	wrdreg s16  }
0x21: {  	s15 =	sadd.s32 s0, s15;
	s0 =	smul.u32 $0x7D, s8;
	[dreg:$0x18] =	wrdreg s18  }
0x22: {  	s8 =	smul.u32 $0xEA6, s8;
	s24 =	sadd.s32 $0x28000, s17;
	[dreg:$0x9] =	wrdreg s15  }
0x23: {  	s26 =	sadd.s32 $0x28000, s28;
	s28 =	simm.s32 $0x460;
	[dreg:$0x1b] =	wrdreg s24  }
0x24: {  	s4 =	sadd.s32 s1, s4;
	s23 =	sadd.s32 $0x28000, s15;
	[dreg:$0x1c] =	wrdreg s26  }
0x25: {  	s8 =	sadd.s32 s1, s8;
	s4 =	sadd.s32 $0x1E, s4;
	[dreg:$0x1a] =	wrdreg s23  }
0x26: {  	v1 =	vimm.s32 $0x0;
	vm0 =	vcmask $0x300;
	s25 =	sadd.s32 $0x2, s0;
	s0 =	simm.s32 $0x8;
	[dreg:$0x12] =	wrdreg s8  }
0x27: {  	v0 =	vimm.f32 $0.0e+00;
	v1 =	vsel vm0, $0x3, v1;
	[dreg:$0x13] =	wrdreg s4;
	s8 =	simm.s32 $0x1;
	s4 =	simm.s32 $0x7  }
.LBB2_1:
0x28: {  	s9 =	simm.s32 $0x100;
	s7 =	simm.s32 $0x0  }
.LBB2_2:
0x29: {  	p0 =	sne.s32 s9, $0x4F00;
	[tilespmem:s7+$0x490] =	vst v0;
	s10 =	smov.u32 s9;
	s9 =	sadd.s32 $0x100, s9  }
.Ltmp0:
0x2a: {  	[tilespmem:s7+$0x480] =	vst v0;
	(pc) =	sbr.rel @p0 .LBB2_2-.Ltmp0, $3  }
0x2b: {  	[tilespmem:s7+$0x460] =	vst v0  }
0x2c: {  	[tilespmem:s7+$0x470] =	vst v0;
	_ =	sdelay $0x1  }
0x2d: {  	s7 =	sshra.s32 s10, $0x2  }
0x2e: {  	[tilespmem:s7+$0x490] =	vst v0  }
0x2f: {  	[tilespmem:s7+$0x480] =	vst v0  }
0x30: {  	[tilespmem:s7+$0x460] =	vst v0  }
0x31: {  	[tilespmem:s7+$0x470] =	vst v0;
	s18 =	rddreg [dreg:$0xc]  }
0x32: {  	[spmem:s18] =	stream.linear.scatter [tilespmem:s28], [sflag:$0x9], $0x1400, $0x38;
	[tilespmem:$0xCC60] =	vst v63  }
0x33: {  	_ =	swait.ge [sflag:s29], $0x1400  }
0x34: {  	[sflag:s29] =	ssyncset.done $0x0  }
0x35: {  	s19 =	rddreg [dreg:$0xd];
	[sflag:s29] =	ssyncadd.s32 $0xFFFFEC00  }
0x36: {  	[spmem:s19] =	stream.linear.scatter [tilespmem:s28], [sflag:$0x9], $0x1400, $0x38;
	[tilespmem:$0xCC60] =	vst v63  }
0x37: {  	_ =	swait.ge [sflag:s29], $0x1400  }
0x38: {  	[sflag:s29] =	ssyncset.done $0x0  }
0x39: {  	s20 =	rddreg [dreg:$0xe];
	[sflag:s29] =	ssyncadd.s32 $0xFFFFEC00  }
0x3a: {  	[spmem:s20] =	stream.linear.scatter [tilespmem:s28], [sflag:$0x9], $0x1400, $0x38;
	[tilespmem:$0xCC60] =	vst v63  }
0x3b: {  	_ =	swait.ge [sflag:s29], $0x1400  }
0x3c: {  	[sflag:s29] =	ssyncset.done $0x0  }
0x3d: {  	s24 =	rddreg [dreg:$0xf];
	[sflag:s29] =	ssyncadd.s32 $0xFFFFEC00  }
0x3e: {  	[spmem:s24] =	stream.linear.scatter [tilespmem:s28], [sflag:$0x9], $0x1400, $0x38;
	[tilespmem:$0xCC60] =	vst v63  }
0x3f: {  	_ =	swait.ge [sflag:s29], $0x1400  }
0x40: {  	[sflag:s29] =	ssyncset.done $0x0  }
0x41: {  	s15 =	rddreg [dreg:$0x10];
	[sflag:s29] =	ssyncadd.s32 $0xFFFFEC00  }
0x42: {  	[spmem:s15] =	stream.linear.scatter [tilespmem:s28], [sflag:$0x9], $0x1400, $0x38;
	[tilespmem:$0xCC60] =	vst v63  }
0x43: {  	_ =	swait.ge [sflag:s29], $0x1400  }
0x44: {  	[sflag:s29] =	ssyncset.done $0x0  }
0x45: {  	s16 =	rddreg [dreg:$0x11];
	[sflag:s29] =	ssyncadd.s32 $0xFFFFEC00  }
0x46: {  	[spmem:s16] =	stream.linear.scatter [tilespmem:s28], [sflag:$0x9], $0x1400, $0x38;
	[tilespmem:$0xCC60] =	vst v63  }
0x47: {  	_ =	swait.ge [sflag:s29], $0x1400  }
0x48: {  	[sflag:s29] =	ssyncset.done $0x0  }
0x49: {  	[sflag:s29] =	ssyncadd.s32 $0xFFFFEC00  }
0x4a: {  	[spmem:s21] =	stream.linear.scatter [tilespmem:s28], [sflag:$0x9], $0x1400, $0x38;
	[tilespmem:$0xCC60] =	vst v63  }
0x4b: {  	_ =	swait.ge [sflag:s29], $0x1400  }
0x4c: {  	[sflag:s29] =	ssyncset.done $0x0  }
0x4d: {  	[sflag:s29] =	ssyncadd.s32 $0xFFFFEC00  }
0x4e: {  	[spmem:s22] =	stream.linear.scatter [tilespmem:s28], [sflag:$0x9], $0x1400, $0x38;
	[tilespmem:$0xCC60] =	vst v63  }
0x4f: {  	_ =	swait.ge [sflag:s29], $0x1400  }
0x50: {  	[sflag:s29] =	ssyncset.done $0x0  }
0x51: {  	[sflag:s29] =	ssyncadd.s32 $0xFFFFEC00  }
0x52: {  	[bflag:$0x0] =	sbarrier.arrive $0xFFFF  }
0x53: {  	s7 =	simm.s32 $0x0;
	s9 =	rddreg [dreg:$0x12]  }
0x54: {  	[tilespmem:s7], [sflag:$0x1] =	stream.linear.gather [hbm4b:s9+s7], $0xF0, $0x38;
	[tilespmem:$0xCC60] =	vst v63  }
0x55: {  	_ =	swait.ge [sflag:s8], $0xF0  }
0x56: {  	[sflag:s8] =	ssyncset.done $0x0  }
0x57: {  	[sflag:s8] =	ssyncadd.s32 $0xFFFFFF10  }
0x58: {  	v2 =	vld [tilespmem:$0xA0]  }
0x59: {  	v3 =	vld [tilespmem:$0x0]  }
0x5a: {  	v4 =	vld [tilespmem:$0xB0]  }
0x5b: {  	v5 =	vld [tilespmem:$0x50]  }
0x5c: {  	v8 =	vld [tilespmem:$0x60]  }
0x5d: {  	v6 =	vld [tilespmem:$0x10]  }
0x5e: {  	v7 =	vld [tilespmem:$0xC0]  }
0x5f: {  	v9 =	vld [tilespmem:$0x20];
	v2 =	vmul.u32 $0x2800, v2  }
0x60: {  	v52 =	vld [tilespmem:$0x70];
	v4 =	vmul.u32 $0x2800, v4;
	[tilespmem:$0x280] =	vst v5  }
0x61: {  	v56 =	vld [tilespmem:$0x80];
	[tilespmem:$0x290] =	vst v8;
	v3 =	vadd.s32 v3, v2;
	v2 =	vadd.s32 v5, v2  }
0x62: {  	v62 =	vld [tilespmem:$0x90];
	v51 =	vadd.s32 v6, v4;
	v3 =	vshll.u32 v3, $0x1;
	[tilespmem:$0x320] =	vst v2  }
0x63: {  	v2 =	vshll.u32 v51, $0x1;
	[tilespmem:$0x1E0] =	vst v3;
	v3 =	vld [tilespmem:$0xD0]  }
0x64: {  	[tilespmem:$0x1F0] =	vst v2;
	v2 =	vld [tilespmem:$0xE0]  }
0x65: {  	v54 =	vld [tilespmem:$0x30];
	[tilespmem:$0x2A0] =	vst v52  }
0x66: {  	v58 =	vld [tilespmem:$0x40];
	v53 =	vmul.u32 $0x2800, v7;
	[tilespmem:$0x2B0] =	vst v56  }
0x67: {  	[tilespmem:$0x2C0] =	vst v62;
	v4 =	vadd.s32 v8, v4  }
0x68: {  	v55 =	vadd.s32 v9, v53;
	v59 =	vadd.s32 v52, v53;
	[tilespmem:$0x330] =	vst v4;
	v3 =	vmul.u32 $0x2800, v3  }
0x69: {  	v57 =	vshll.u32 v55, $0x1;
	[tilespmem:$0x340] =	vst v59;
	v2 =	vmul.u32 $0x2800, v2  }
0x6a: {  	[tilespmem:$0x200] =	vst v57;
	v60 =	vadd.s32 v54, v3;
	v3 =	vadd.s32 v56, v3  }
0x6b: {  	v63 =	vadd.s32 v58, v2;
	v2 =	vadd.s32 v62, v2;
	[tilespmem:$0x350] =	vst v3  }
0x6c: {  	v61 =	vshll.u32 v60, $0x1;
	[tilespmem:$0x360] =	vst v2  }
0x6d: {  	v3 =	vshll.u32 v63, $0x1;
	[tilespmem:$0x210] =	vst v61  }
0x6e: {  	s17 =	simm.s32 $0x1E0;
	[tilespmem:$0x220] =	vst v3  }
0x6f: {  	[tilespmem:s28], [sflag:$0x3] =	stream.indirect.gather [hbm4b:s5+s30], $0x40, s17, s30, $0xb8;
	[tilespmem:$0xCC60] =	vst v63  }
0x70: {  	s23 =	simm.s32 $0x320  }
0x71: {  	[tilespmem:s31], [sflag:$0x5] =	stream.indirect.gather [hbm4b:s6+s30], $0x1, s23, s30, $0xb8;
	[tilespmem:$0xCC60] =	vst v63  }
0x72: {  	s10 =	simm.s32 $0xF0;
	p0 =	por $0x0, $0x0;
	s26 =	rddreg [dreg:$0x13]  }
0x73: {  	[tilespmem:s10], [sflag:$0x2] =	stream.linear.gather [hbm4b:s26+s7], $0xF0, $0x38;
	[tilespmem:$0xCC60] =	vst v63  }
.LBB2_4:
0x74: {  	p1 =	seq.s32 s7, $0x7C  }
.Ltmp1:
0x75: {  	_ = 	snop;
	(pc) =	sbr.rel @p1 .LBB2_6-.Ltmp1, $2  }
0x76: {  	_ =	sdelay $0x2  }
0x77: {  	s9 =	sand.u32 $0x1, s7  }
0x78: {  	s10 =	sxor.u32 $0x1, s9  }
0x79: {  	s11 =	sadd.s32 $0x1, s10  }
0x7a: {  	s12 =	smul.u32 $0x3C0, s10;
	_ =	swait.ge [sflag:s11], $0xF0  }
0x7b: {  	[sflag:s11] =	ssyncset.done $0x0  }
0x7c: {  	s15 =	sshrl.u32 s12, $0x2;
	[sflag:s11] =	ssyncadd.s32 $0xFFFFFF10  }
0x7d: {  	v2 =	vld [tilespmem:s15+$0xA0]  }
0x7e: {  	v3 =	vld [tilespmem:s15+$0x0]  }
0x7f: {  	v4 =	vld [tilespmem:s15+$0x50];
	_ =	sdelay $0x2  }
0x80: {  	s16 =	smul.u32 $0x50, s10;
	v2 =	vmul.u32 $0x2800, v2;
	_ =	sdelay $0x1  }
0x81: {  	[tilespmem:s16+$0x280] =	vst v4;
	v3 =	vadd.s32 v3, v2;
	v2 =	vadd.s32 v4, v2  }
0x82: {  	v3 =	vshll.u32 v3, $0x1;
	[tilespmem:s16+$0x320] =	vst v2  }
0x83: {  	[tilespmem:s16+$0x1E0] =	vst v3  }
0x84: {  	v2 =	vld [tilespmem:s15+$0xB0]  }
0x85: {  	v3 =	vld [tilespmem:s15+$0x10]  }
0x86: {  	v60 =	vld [tilespmem:s15+$0x60];
	_ =	sdelay $0x2  }
0x87: {  	v2 =	vmul.u32 $0x2800, v2;
	_ =	sdelay $0x1  }
0x88: {  	[tilespmem:s16+$0x290] =	vst v60;
	v3 =	vadd.s32 v3, v2;
	v2 =	vadd.s32 v60, v2  }
0x89: {  	v3 =	vshll.u32 v3, $0x1;
	[tilespmem:s16+$0x330] =	vst v2  }
0x8a: {  	[tilespmem:s16+$0x1F0] =	vst v3  }
0x8b: {  	v2 =	vld [tilespmem:s15+$0xC0]  }
0x8c: {  	v3 =	vld [tilespmem:s15+$0x20]  }
0x8d: {  	v61 =	vld [tilespmem:s15+$0x70];
	_ =	sdelay $0x2  }
0x8e: {  	v2 =	vmul.u32 $0x2800, v2;
	_ =	sdelay $0x1  }
0x8f: {  	[tilespmem:s16+$0x2A0] =	vst v61;
	v3 =	vadd.s32 v3, v2;
	v2 =	vadd.s32 v61, v2  }
0x90: {  	v3 =	vshll.u32 v3, $0x1;
	[tilespmem:s16+$0x340] =	vst v2  }
0x91: {  	[tilespmem:s16+$0x200] =	vst v3  }
0x92: {  	v2 =	vld [tilespmem:s15+$0xD0]  }
0x93: {  	v3 =	vld [tilespmem:s15+$0x30]  }
0x94: {  	v62 =	vld [tilespmem:s15+$0x80];
	_ =	sdelay $0x2  }
0x95: {  	v2 =	vmul.u32 $0x2800, v2;
	_ =	sdelay $0x1  }
0x96: {  	[tilespmem:s16+$0x2B0] =	vst v62;
	v3 =	vadd.s32 v3, v2;
	v2 =	vadd.s32 v62, v2  }
0x97: {  	v3 =	vshll.u32 v3, $0x1;
	[tilespmem:s16+$0x350] =	vst v2  }
0x98: {  	[tilespmem:s16+$0x210] =	vst v3  }
0x99: {  	v2 =	vld [tilespmem:s15+$0xE0]  }
0x9a: {  	v3 =	vld [tilespmem:s15+$0x40]  }
0x9b: {  	v63 =	vld [tilespmem:s15+$0x90];
	_ =	sdelay $0x2  }
0x9c: {  	v2 =	vmul.u32 $0x2800, v2;
	_ =	sdelay $0x1  }
0x9d: {  	[tilespmem:s16+$0x2C0] =	vst v63;
	v3 =	vadd.s32 v3, v2;
	v2 =	vadd.s32 v63, v2  }
0x9e: {  	p1 =	seq.s32 s7, $0x0;
	v3 =	vshll.u32 v3, $0x1;
	[tilespmem:s16+$0x360] =	vst v2  }
0x9f: {  	s13 =	smul.u32 $0x5000, s10;
	s11 =	sadd.s32 @!p1 $0x7, s10;
	[tilespmem:s16+$0x220] =	vst v3  }
0xa0: {  	s23 =	sadd.s32 $0x3, s10;
	_ =	swait.ge @!p1 [sflag:s11], $0x1400  }
0xa1: {  	s14 =	sadd.s32 $0x1E0, s16;
	s13 =	sshrl.u32 s13, $0x2;
	[sflag:s11] =	ssyncset.done @!p1 $0x0  }
0xa2: {  	s17 =	sadd.s32 $0x460, s13;
	[sflag:s11] =	ssyncadd.s32 @!p1 $0xFFFFEC00;
	p1 =	sgt.u32 s7, $0x7A  }
0xa3: {  	[tilespmem:s17], [sflag:s23] =	stream.indirect.gather [hbm4b:s5+s30], $0x40, s14, s30, $0xb8;
	[tilespmem:$0xCC60] =	vst v63  }
0xa4: {  	s26 =	sadd.s32 $0x320, s16;
	s11 =	sadd.s32 @!p1 s7, s25  }
0xa5: {  	s12 =	sadd.s32 $0x3C0, s16;
	s10 =	sadd.s32 $0x5, s10;
	s11 =	smul.u32 @!p1 $0x1E, s11  }
0xa6: {  	[tilespmem:s12], [sflag:s10] =	stream.indirect.gather [hbm4b:s6+s30], $0x1, s26, s30, $0xb8;
	[tilespmem:$0xCC60] =	vst v63  }
0xa7: {  	s10 =	smul.u32 @!p1 $0x3C0, s9  }
0xa8: {  	s13 =	simm.s32 @!p1 $0x0  }
0xa9: {  	s12 =	sadd.s32 @!p1 $0x1, s9;
	s11 =	sadd.s32 @!p1 s1, s11;
	s10 =	sshrl.u32 @!p1 s10, $0x2  }
0xaa: {  	[tilespmem:s10], [sflag:s12] =	stream.linear.gather @!p1 [hbm4b:s11+s13], $0xF0, $0x38;
	[tilespmem:$0xCC60] =	vst v63  }
.LBB2_6:
0xab: {  	s11 =	sadd.s32 $0x3, s9  }
0xac: {  	s10 =	simm.s32 $0x1;
	v2 =	vmov s9;
	_ =	swait.ge [sflag:s11], $0x1400  }
0xad: {  	s10 =	simm.s32 @!p0 $0x0;
	v2 =	vmul.u32 $0x50, v2;
	[sflag:s11] =	ssyncset.done $0x0  }
0xae: {  	s12 =	sadd.s32 $0x5, s9;
	s10 =	smul.u32 $0x5000, s10;
	[sflag:s11] =	ssyncadd.s32 $0xFFFFEC00  }
0xaf: {  	s7 =	sadd.s32 $0x1, s7;
	v3 =	vor.u32 $0x1, v2;
	_ =	swait.ge [sflag:s12], $0x50  }
0xb0: {  	v4 =	vor.u32 $0x2, v2;
	v5 =	vor.u32 $0x3, v2;
	v6 =	vor.u32 $0x4, v2;
	s11 =	smul.u32 $0x50, s9;
	s10 =	sshrl.u32 s10, $0x2;
	[sflag:s12] =	ssyncset.done $0x0  }
0xb1: {  	v7 =	vor.u32 $0x5, v2;
	v8 =	vor.u32 $0x6, v2;
	v9 =	vor.u32 $0x7, v2;
	s10 =	sadd.s32 $0x660, s10;
	[sflag:s12] =	ssyncadd.s32 $0xFFFFFFB0;
	s12 =	simm.s32 $0xF  }
.LBB2_7:
0xb2: {  	s13 =	sadd.s32 $0xFFFFFFF1, s12  }
0xb3: {  	v10 =	vmov s13  }
0xb4: {  	v10 =	vshrl.u32 v10, $0x3  }
0xb5: {  	v10 =	vshll.u32 v10, v1  }
0xb6: {  	v10 =	vadd.s32 v2, v10  }
0xb7: {  	v10 =	vbroadcast v10, $0x0;
	_ =	sdelay $0x4  }
0xb8: {  	v11 =	vld [tilespmem:s10+$0xFFFFFE00]  }
0xb9: {  	v10 =	vld.idx.msk [tilespmem:v10+s31+$0x0], $0xffff;
	_ =	sdelay $0x4  }
0xba: {  	v11 =	vmul.f32 v11, v10;
	_ =	sdelay $0x1  }
0xbb: {  	[tilespmem:s10+$0xFFFFFE00] =	vst v11;
	v11 =	vld [tilespmem:s10+$0xFFFFFE10];
	_ =	sdelay $0x4  }
0xbc: {  	v11 =	vmul.f32 v11, v10;
	_ =	sdelay $0x1  }
0xbd: {  	[tilespmem:s10+$0xFFFFFE10] =	vst v11;
	v11 =	vld [tilespmem:s10+$0xFFFFFE20];
	_ =	sdelay $0x4  }
0xbe: {  	s23 =	sadd.s32 $0xFFFFFFF2, s12;
	v11 =	vmul.f32 v11, v10  }
0xbf: {  	v12 =	vmov s23  }
0xc0: {  	[tilespmem:s10+$0xFFFFFE20] =	vst v11;
	v11 =	vshrl.u32 v12, $0x3  }
0xc1: {  	v35 =	vld [tilespmem:s10+$0xFFFFFE30];
	v11 =	vshll.u32 v11, v1  }
0xc2: {  	v11 =	vadd.s32 v11, v3  }
0xc3: {  	v11 =	vbroadcast v11, $0x0;
	_ =	sdelay $0x2  }
0xc4: {  	v10 =	vmul.f32 v35, v10;
	_ =	sdelay $0x1  }
0xc5: {  	[tilespmem:s10+$0xFFFFFE30] =	vst v10  }
0xc6: {  	v10 =	vld.idx.msk [tilespmem:v11+s31+$0x0], $0xffff  }
0xc7: {  	v11 =	vld [tilespmem:s10+$0xFFFFFE40];
	_ =	sdelay $0x4  }
0xc8: {  	v11 =	vmul.f32 v11, v10;
	_ =	sdelay $0x1  }
0xc9: {  	[tilespmem:s10+$0xFFFFFE40] =	vst v11;
	v11 =	vld [tilespmem:s10+$0xFFFFFE50];
	_ =	sdelay $0x4  }
0xca: {  	v11 =	vmul.f32 v11, v10;
	_ =	sdelay $0x1  }
0xcb: {  	[tilespmem:s10+$0xFFFFFE50] =	vst v11;
	v11 =	vld [tilespmem:s10+$0xFFFFFE60];
	_ =	sdelay $0x4  }
0xcc: {  	s26 =	sadd.s32 $0xFFFFFFF3, s12;
	v11 =	vmul.f32 v11, v10  }
0xcd: {  	v36 =	vmov s26  }
0xce: {  	[tilespmem:s10+$0xFFFFFE60] =	vst v11;
	v11 =	vshrl.u32 v36, $0x3  }
0xcf: {  	v37 =	vld [tilespmem:s10+$0xFFFFFE70];
	v11 =	vshll.u32 v11, v1  }
0xd0: {  	v11 =	vadd.s32 v11, v4  }
0xd1: {  	v11 =	vbroadcast v11, $0x0;
	_ =	sdelay $0x2  }
0xd2: {  	v10 =	vmul.f32 v37, v10;
	_ =	sdelay $0x1  }
0xd3: {  	[tilespmem:s10+$0xFFFFFE70] =	vst v10  }
0xd4: {  	v10 =	vld.idx.msk [tilespmem:v11+s31+$0x0], $0xffff  }
0xd5: {  	v11 =	vld [tilespmem:s10+$0xFFFFFE80];
	_ =	sdelay $0x4  }
0xd6: {  	v11 =	vmul.f32 v11, v10;
	_ =	sdelay $0x1  }
0xd7: {  	[tilespmem:s10+$0xFFFFFE80] =	vst v11;
	v11 =	vld [tilespmem:s10+$0xFFFFFE90];
	_ =	sdelay $0x4  }
0xd8: {  	v11 =	vmul.f32 v11, v10;
	_ =	sdelay $0x1  }
0xd9: {  	[tilespmem:s10+$0xFFFFFE90] =	vst v11;
	v11 =	vld [tilespmem:s10+$0xFFFFFEA0];
	_ =	sdelay $0x4  }
0xda: {  	s14 =	sadd.s32 $0xFFFFFFF4, s12;
	v11 =	vmul.f32 v11, v10  }
0xdb: {  	v38 =	vmov s14  }
0xdc: {  	[tilespmem:s10+$0xFFFFFEA0] =	vst v11;
	v11 =	vshrl.u32 v38, $0x3  }
0xdd: {  	v39 =	vld [tilespmem:s10+$0xFFFFFEB0];
	v11 =	vshll.u32 v11, v1  }
0xde: {  	v11 =	vadd.s32 v11, v5  }
0xdf: {  	v11 =	vbroadcast v11, $0x0;
	_ =	sdelay $0x2  }
0xe0: {  	v10 =	vmul.f32 v39, v10;
	_ =	sdelay $0x1  }
0xe1: {  	[tilespmem:s10+$0xFFFFFEB0] =	vst v10  }
0xe2: {  	v10 =	vld.idx.msk [tilespmem:v11+s31+$0x0], $0xffff  }
0xe3: {  	v11 =	vld [tilespmem:s10+$0xFFFFFEC0];
	_ =	sdelay $0x4  }
0xe4: {  	v11 =	vmul.f32 v11, v10;
	_ =	sdelay $0x1  }
0xe5: {  	[tilespmem:s10+$0xFFFFFEC0] =	vst v11;
	v11 =	vld [tilespmem:s10+$0xFFFFFED0];
	_ =	sdelay $0x4  }
0xe6: {  	v11 =	vmul.f32 v11, v10;
	_ =	sdelay $0x1  }
0xe7: {  	[tilespmem:s10+$0xFFFFFED0] =	vst v11;
	v11 =	vld [tilespmem:s10+$0xFFFFFEE0];
	_ =	sdelay $0x4  }
0xe8: {  	s15 =	sadd.s32 $0xFFFFFFF5, s12;
	v11 =	vmul.f32 v11, v10  }
0xe9: {  	v40 =	vmov s15  }
0xea: {  	[tilespmem:s10+$0xFFFFFEE0] =	vst v11;
	v11 =	vshrl.u32 v40, $0x3  }
0xeb: {  	v41 =	vld [tilespmem:s10+$0xFFFFFEF0];
	v11 =	vshll.u32 v11, v1  }
0xec: {  	v11 =	vadd.s32 v11, v6  }
0xed: {  	v11 =	vbroadcast v11, $0x0;
	_ =	sdelay $0x2  }
0xee: {  	v10 =	vmul.f32 v41, v10;
	_ =	sdelay $0x1  }
0xef: {  	[tilespmem:s10+$0xFFFFFEF0] =	vst v10  }
0xf0: {  	v10 =	vld.idx.msk [tilespmem:v11+s31+$0x0], $0xffff  }
0xf1: {  	v11 =	vld [tilespmem:s10+$0xFFFFFF00];
	_ =	sdelay $0x4  }
0xf2: {  	v11 =	vmul.f32 v11, v10;
	_ =	sdelay $0x1  }
0xf3: {  	[tilespmem:s10+$0xFFFFFF00] =	vst v11;
	v11 =	vld [tilespmem:s10+$0xFFFFFF10];
	_ =	sdelay $0x4  }
0xf4: {  	v11 =	vmul.f32 v11, v10;
	_ =	sdelay $0x1  }
0xf5: {  	[tilespmem:s10+$0xFFFFFF10] =	vst v11;
	v11 =	vld [tilespmem:s10+$0xFFFFFF20];
	_ =	sdelay $0x4  }
0xf6: {  	s16 =	sadd.s32 $0xFFFFFFF6, s12;
	v11 =	vmul.f32 v11, v10  }
0xf7: {  	v42 =	vmov s16  }
0xf8: {  	[tilespmem:s10+$0xFFFFFF20] =	vst v11;
	v11 =	vshrl.u32 v42, $0x3  }
0xf9: {  	v43 =	vld [tilespmem:s10+$0xFFFFFF30];
	v11 =	vshll.u32 v11, v1  }
0xfa: {  	v11 =	vadd.s32 v11, v7  }
0xfb: {  	v11 =	vbroadcast v11, $0x0;
	_ =	sdelay $0x2  }
0xfc: {  	v10 =	vmul.f32 v43, v10;
	_ =	sdelay $0x1  }
0xfd: {  	[tilespmem:s10+$0xFFFFFF30] =	vst v10  }
0xfe: {  	v10 =	vld.idx.msk [tilespmem:v11+s31+$0x0], $0xffff  }
0xff: {  	v11 =	vld [tilespmem:s10+$0xFFFFFF40];
	_ =	sdelay $0x4  }
0x100: {  	v11 =	vmul.f32 v11, v10;
	_ =	sdelay $0x1  }
0x101: {  	[tilespmem:s10+$0xFFFFFF40] =	vst v11;
	v11 =	vld [tilespmem:s10+$0xFFFFFF50];
	_ =	sdelay $0x4  }
0x102: {  	v11 =	vmul.f32 v11, v10;
	_ =	sdelay $0x1  }
0x103: {  	[tilespmem:s10+$0xFFFFFF50] =	vst v11;
	v11 =	vld [tilespmem:s10+$0xFFFFFF60];
	_ =	sdelay $0x4  }
0x104: {  	s17 =	sadd.s32 $0xFFFFFFF7, s12;
	v11 =	vmul.f32 v11, v10  }
0x105: {  	v44 =	vmov s17  }
0x106: {  	[tilespmem:s10+$0xFFFFFF60] =	vst v11;
	v11 =	vshrl.u32 v44, $0x3  }
0x107: {  	v45 =	vld [tilespmem:s10+$0xFFFFFF70];
	v11 =	vshll.u32 v11, v1  }
0x108: {  	v11 =	vadd.s32 v11, v8  }
0x109: {  	v11 =	vbroadcast v11, $0x0;
	_ =	sdelay $0x2  }
0x10a: {  	v10 =	vmul.f32 v45, v10;
	_ =	sdelay $0x1  }
0x10b: {  	[tilespmem:s10+$0xFFFFFF70] =	vst v10  }
0x10c: {  	v10 =	vld.idx.msk [tilespmem:v11+s31+$0x0], $0xffff  }
0x10d: {  	v11 =	vld [tilespmem:s10+$0xFFFFFF80];
	_ =	sdelay $0x4  }
0x10e: {  	v11 =	vmul.f32 v11, v10;
	_ =	sdelay $0x1  }
0x10f: {  	[tilespmem:s10+$0xFFFFFF80] =	vst v11;
	v11 =	vld [tilespmem:s10+$0xFFFFFF90];
	_ =	sdelay $0x4  }
0x110: {  	v11 =	vmul.f32 v11, v10;
	_ =	sdelay $0x1  }
0x111: {  	[tilespmem:s10+$0xFFFFFF90] =	vst v11;
	v11 =	vld [tilespmem:s10+$0xFFFFFFA0];
	_ =	sdelay $0x4  }
0x112: {  	s23 =	sadd.s32 $0xFFFFFFF8, s12;
	v11 =	vmul.f32 v11, v10  }
0x113: {  	v46 =	vmov s23  }
0x114: {  	[tilespmem:s10+$0xFFFFFFA0] =	vst v11;
	v11 =	vshrl.u32 v46, $0x3  }
0x115: {  	v47 =	vld [tilespmem:s10+$0xFFFFFFB0];
	v11 =	vshll.u32 v11, v1  }
0x116: {  	v11 =	vadd.s32 v11, v9  }
0x117: {  	v11 =	vbroadcast v11, $0x0;
	_ =	sdelay $0x2  }
0x118: {  	v10 =	vmul.f32 v47, v10;
	_ =	sdelay $0x1  }
0x119: {  	[tilespmem:s10+$0xFFFFFFB0] =	vst v10  }
0x11a: {  	v10 =	vld.idx.msk [tilespmem:v11+s31+$0x0], $0xffff  }
0x11b: {  	v11 =	vld [tilespmem:s10+$0xFFFFFFC0];
	_ =	sdelay $0x4  }
0x11c: {  	v11 =	vmul.f32 v11, v10;
	_ =	sdelay $0x1  }
0x11d: {  	[tilespmem:s10+$0xFFFFFFC0] =	vst v11;
	v11 =	vld [tilespmem:s10+$0xFFFFFFD0];
	_ =	sdelay $0x4  }
0x11e: {  	v11 =	vmul.f32 v11, v10;
	_ =	sdelay $0x1  }
0x11f: {  	[tilespmem:s10+$0xFFFFFFD0] =	vst v11;
	v11 =	vld [tilespmem:s10+$0xFFFFFFE0];
	_ =	sdelay $0x4  }
0x120: {  	s26 =	sadd.s32 $0xFFFFFFF9, s12;
	v11 =	vmul.f32 v11, v10  }
0x121: {  	v48 =	vmov s26  }
0x122: {  	[tilespmem:s10+$0xFFFFFFE0] =	vst v11;
	v11 =	vshrl.u32 v48, $0x3  }
0x123: {  	v49 =	vld [tilespmem:s10+$0xFFFFFFF0];
	v11 =	vshll.u32 v11, v1  }
0x124: {  	v11 =	vadd.s32 v2, v11  }
0x125: {  	v11 =	vbroadcast v11, $0x0;
	_ =	sdelay $0x2  }
0x126: {  	v10 =	vmul.f32 v49, v10;
	_ =	sdelay $0x1  }
0x127: {  	[tilespmem:s10+$0xFFFFFFF0] =	vst v10  }
0x128: {  	v10 =	vld.idx.msk [tilespmem:v11+s31+$0x0], $0xffff  }
0x129: {  	v11 =	vld [tilespmem:s10+$0x0];
	_ =	sdelay $0x4  }
0x12a: {  	v11 =	vmul.f32 v11, v10;
	_ =	sdelay $0x1  }
0x12b: {  	[tilespmem:s10+$0x0] =	vst v11;
	v11 =	vld [tilespmem:s10+$0x10];
	_ =	sdelay $0x4  }
0x12c: {  	v11 =	vmul.f32 v11, v10;
	_ =	sdelay $0x1  }
0x12d: {  	[tilespmem:s10+$0x10] =	vst v11;
	v11 =	vld [tilespmem:s10+$0x20];
	_ =	sdelay $0x4  }
0x12e: {  	s14 =	sadd.s32 $0xFFFFFFFA, s12;
	v11 =	vmul.f32 v11, v10  }
0x12f: {  	v50 =	vmov s14  }
0x130: {  	[tilespmem:s10+$0x20] =	vst v11;
	v11 =	vshrl.u32 v50, $0x3  }
0x131: {  	v51 =	vld [tilespmem:s10+$0x30];
	v11 =	vshll.u32 v11, v1  }
0x132: {  	v11 =	vadd.s32 v11, v3  }
0x133: {  	v11 =	vbroadcast v11, $0x0;
	_ =	sdelay $0x2  }
0x134: {  	v10 =	vmul.f32 v51, v10;
	_ =	sdelay $0x1  }
0x135: {  	[tilespmem:s10+$0x30] =	vst v10  }
0x136: {  	v10 =	vld.idx.msk [tilespmem:v11+s31+$0x0], $0xffff  }
0x137: {  	v11 =	vld [tilespmem:s10+$0x40];
	_ =	sdelay $0x4  }
0x138: {  	v11 =	vmul.f32 v11, v10;
	_ =	sdelay $0x1  }
0x139: {  	[tilespmem:s10+$0x40] =	vst v11;
	v11 =	vld [tilespmem:s10+$0x50];
	_ =	sdelay $0x4  }
0x13a: {  	v11 =	vmul.f32 v11, v10;
	_ =	sdelay $0x1  }
0x13b: {  	[tilespmem:s10+$0x50] =	vst v11;
	v11 =	vld [tilespmem:s10+$0x60];
	_ =	sdelay $0x4  }
0x13c: {  	s15 =	sadd.s32 $0xFFFFFFFB, s12;
	v11 =	vmul.f32 v11, v10  }
0x13d: {  	v52 =	vmov s15  }
0x13e: {  	[tilespmem:s10+$0x60] =	vst v11;
	v11 =	vshrl.u32 v52, $0x3  }
0x13f: {  	v53 =	vld [tilespmem:s10+$0x70];
	v11 =	vshll.u32 v11, v1  }
0x140: {  	v11 =	vadd.s32 v11, v4  }
0x141: {  	v11 =	vbroadcast v11, $0x0;
	_ =	sdelay $0x2  }
0x142: {  	v10 =	vmul.f32 v53, v10;
	_ =	sdelay $0x1  }
0x143: {  	[tilespmem:s10+$0x70] =	vst v10  }
0x144: {  	v10 =	vld.idx.msk [tilespmem:v11+s31+$0x0], $0xffff  }
0x145: {  	v11 =	vld [tilespmem:s10+$0x80];
	_ =	sdelay $0x4  }
0x146: {  	v11 =	vmul.f32 v11, v10;
	_ =	sdelay $0x1  }
0x147: {  	[tilespmem:s10+$0x80] =	vst v11;
	v11 =	vld [tilespmem:s10+$0x90];
	_ =	sdelay $0x4  }
0x148: {  	v11 =	vmul.f32 v11, v10;
	_ =	sdelay $0x1  }
0x149: {  	[tilespmem:s10+$0x90] =	vst v11;
	v11 =	vld [tilespmem:s10+$0xA0];
	_ =	sdelay $0x4  }
0x14a: {  	s16 =	sadd.s32 $0xFFFFFFFC, s12;
	v11 =	vmul.f32 v11, v10  }
0x14b: {  	v54 =	vmov s16  }
0x14c: {  	[tilespmem:s10+$0xA0] =	vst v11;
	v11 =	vshrl.u32 v54, $0x3  }
0x14d: {  	v55 =	vld [tilespmem:s10+$0xB0];
	v11 =	vshll.u32 v11, v1  }
0x14e: {  	v11 =	vadd.s32 v11, v5  }
0x14f: {  	v11 =	vbroadcast v11, $0x0;
	_ =	sdelay $0x2  }
0x150: {  	v10 =	vmul.f32 v55, v10;
	_ =	sdelay $0x1  }
0x151: {  	[tilespmem:s10+$0xB0] =	vst v10  }
0x152: {  	v10 =	vld.idx.msk [tilespmem:v11+s31+$0x0], $0xffff  }
0x153: {  	v11 =	vld [tilespmem:s10+$0xC0];
	_ =	sdelay $0x4  }
0x154: {  	v11 =	vmul.f32 v11, v10;
	_ =	sdelay $0x1  }
0x155: {  	[tilespmem:s10+$0xC0] =	vst v11;
	v11 =	vld [tilespmem:s10+$0xD0];
	_ =	sdelay $0x4  }
0x156: {  	v11 =	vmul.f32 v11, v10;
	_ =	sdelay $0x1  }
0x157: {  	[tilespmem:s10+$0xD0] =	vst v11;
	v11 =	vld [tilespmem:s10+$0xE0];
	_ =	sdelay $0x4  }
0x158: {  	s17 =	sadd.s32 $0xFFFFFFFD, s12;
	v11 =	vmul.f32 v11, v10  }
0x159: {  	v56 =	vmov s17  }
0x15a: {  	[tilespmem:s10+$0xE0] =	vst v11;
	v11 =	vshrl.u32 v56, $0x3  }
0x15b: {  	v57 =	vld [tilespmem:s10+$0xF0];
	v11 =	vshll.u32 v11, v1  }
0x15c: {  	v11 =	vadd.s32 v11, v6  }
0x15d: {  	v11 =	vbroadcast v11, $0x0;
	_ =	sdelay $0x2  }
0x15e: {  	v10 =	vmul.f32 v57, v10;
	_ =	sdelay $0x1  }
0x15f: {  	[tilespmem:s10+$0xF0] =	vst v10  }
0x160: {  	v10 =	vld.idx.msk [tilespmem:v11+s31+$0x0], $0xffff  }
0x161: {  	v11 =	vld [tilespmem:s10+$0x100];
	_ =	sdelay $0x4  }
0x162: {  	v11 =	vmul.f32 v11, v10;
	_ =	sdelay $0x1  }
0x163: {  	[tilespmem:s10+$0x100] =	vst v11;
	v11 =	vld [tilespmem:s10+$0x110];
	_ =	sdelay $0x4  }
0x164: {  	v11 =	vmul.f32 v11, v10;
	_ =	sdelay $0x1  }
0x165: {  	[tilespmem:s10+$0x110] =	vst v11;
	v11 =	vld [tilespmem:s10+$0x120];
	_ =	sdelay $0x4  }
0x166: {  	s23 =	sadd.s32 $0xFFFFFFFE, s12;
	v11 =	vmul.f32 v11, v10  }
0x167: {  	v58 =	vmov s23  }
0x168: {  	[tilespmem:s10+$0x120] =	vst v11;
	v11 =	vshrl.u32 v58, $0x3  }
0x169: {  	v59 =	vld [tilespmem:s10+$0x130];
	v11 =	vshll.u32 v11, v1  }
0x16a: {  	v11 =	vadd.s32 v11, v7  }
0x16b: {  	v11 =	vbroadcast v11, $0x0;
	_ =	sdelay $0x2  }
0x16c: {  	v10 =	vmul.f32 v59, v10;
	_ =	sdelay $0x1  }
0x16d: {  	[tilespmem:s10+$0x130] =	vst v10  }
0x16e: {  	v10 =	vld.idx.msk [tilespmem:v11+s31+$0x0], $0xffff  }
0x16f: {  	v11 =	vld [tilespmem:s10+$0x140];
	_ =	sdelay $0x4  }
0x170: {  	v11 =	vmul.f32 v11, v10;
	_ =	sdelay $0x1  }
0x171: {  	[tilespmem:s10+$0x140] =	vst v11;
	v11 =	vld [tilespmem:s10+$0x150];
	_ =	sdelay $0x4  }
0x172: {  	v11 =	vmul.f32 v11, v10;
	_ =	sdelay $0x1  }
0x173: {  	[tilespmem:s10+$0x150] =	vst v11;
	v11 =	vld [tilespmem:s10+$0x160];
	_ =	sdelay $0x4  }
0x174: {  	s26 =	sadd.s32 $0xFFFFFFFF, s12;
	v11 =	vmul.f32 v11, v10  }
0x175: {  	v60 =	vmov s26  }
0x176: {  	[tilespmem:s10+$0x160] =	vst v11;
	v11 =	vshrl.u32 v60, $0x3  }
0x177: {  	v61 =	vld [tilespmem:s10+$0x170];
	v11 =	vshll.u32 v11, v1  }
0x178: {  	v11 =	vadd.s32 v11, v8  }
0x179: {  	v11 =	vbroadcast v11, $0x0;
	_ =	sdelay $0x2  }
0x17a: {  	v10 =	vmul.f32 v61, v10;
	_ =	sdelay $0x1  }
0x17b: {  	[tilespmem:s10+$0x170] =	vst v10  }
0x17c: {  	v10 =	vld.idx.msk [tilespmem:v11+s31+$0x0], $0xffff  }
0x17d: {  	v11 =	vld [tilespmem:s10+$0x180];
	_ =	sdelay $0x4  }
0x17e: {  	v11 =	vmul.f32 v11, v10;
	_ =	sdelay $0x1  }
0x17f: {  	[tilespmem:s10+$0x180] =	vst v11;
	v11 =	vld [tilespmem:s10+$0x190];
	_ =	sdelay $0x4  }
0x180: {  	v11 =	vmul.f32 v11, v10;
	_ =	sdelay $0x1  }
0x181: {  	[tilespmem:s10+$0x190] =	vst v11;
	v11 =	vld [tilespmem:s10+$0x1A0];
	_ =	sdelay $0x4  }
0x182: {  	v11 =	vmul.f32 v11, v10  }
0x183: {  	v62 =	vmov s12  }
0x184: {  	[tilespmem:s10+$0x1A0] =	vst v11;
	v11 =	vshrl.u32 v62, $0x3  }
0x185: {  	v63 =	vld [tilespmem:s10+$0x1B0];
	v11 =	vshll.u32 v11, v1  }
0x186: {  	v11 =	vadd.s32 v11, v9  }
0x187: {  	v11 =	vbroadcast v11, $0x0;
	_ =	sdelay $0x2  }
0x188: {  	v10 =	vmul.f32 v63, v10;
	_ =	sdelay $0x1  }
0x189: {  	[tilespmem:s10+$0x1B0] =	vst v10  }
0x18a: {  	v10 =	vld.idx.msk [tilespmem:v11+s31+$0x0], $0xffff  }
0x18b: {  	v11 =	vld [tilespmem:s10+$0x1C0];
	_ =	sdelay $0x4  }
0x18c: {  	v11 =	vmul.f32 v11, v10;
	_ =	sdelay $0x1  }
0x18d: {  	[tilespmem:s10+$0x1C0] =	vst v11;
	v11 =	vld [tilespmem:s10+$0x1D0];
	_ =	sdelay $0x4  }
0x18e: {  	v11 =	vmul.f32 v11, v10;
	_ =	sdelay $0x1  }
0x18f: {  	[tilespmem:s10+$0x1D0] =	vst v11;
	v11 =	vld [tilespmem:s10+$0x1E0];
	_ =	sdelay $0x4  }
0x190: {  	v11 =	vmul.f32 v11, v10;
	_ =	sdelay $0x1  }
0x191: {  	[tilespmem:s10+$0x1E0] =	vst v11;
	v11 =	vld [tilespmem:s10+$0x1F0];
	_ =	sdelay $0x1  }
0x192: {  	p1 =	sne.s32 s12, $0x4F  }
.Ltmp2:
0x193: {  	_ = 	snop;
	(pc) =	sbr.rel @p1 .LBB2_7-.Ltmp2, $3  }
0x194: {  	_ = 	snop  }
0x195: {  	v10 =	vmul.f32 v11, v10;
	_ =	sdelay $0x1  }
0x196: {  	s12 =	sadd.s32 $0x10, s12;
	[tilespmem:s10+$0x1F0] =	vst v10;
	s10 =	sadd.s32 $0x400, s10  }
0x197: {  	s10 =	smul.u32 $0x5000, s9;
	p1 =	sne.s32 s7, $0x7D  }
.Ltmp3:
0x198: {  	_ = 	snop;
	(pc) =	sbr.rel @p1 .LBB2_4-.Ltmp3, $4  }
0x199: {  	_ = 	snop  }
0x19a: {  	s11 =	sor.u32 $0x280, s11;
	s10 =	sshrl.u32 s10, $0x2  }
0x19b: {  	s26 =	sadd.s32 $0x7, s9;
	p0 =	por !p0, !p0;
	s10 =	sadd.s32 $0x460, s10  }
0x19c: {  	[spmem:s2] =	stream.indirect.scatter.add.f32 [tilespmem:s10], [sflag:s26], $0x40, s11, s30, $0xb8;
	[tilespmem:$0xCC60] =	vst v63  }
0x19d: {  	_ =	swait.ge [sflag:s0], $0x1400  }
0x19e: {  	[sflag:s0] =	ssyncset.done $0x0  }
0x19f: {  	[sflag:s0] =	ssyncadd.s32 $0xFFFFEC00  }
0x1a0: {  	_ =	swait.ge [sflag:s4], $0x1400  }
0x1a1: {  	[sflag:s4] =	ssyncset.done $0x0  }
0x1a2: {  	s7 =	stileid.u32;
	[sflag:s4] =	ssyncadd.s32 $0xFFFFEC00  }
0x1a3: {  	s7 =	sshll.u32 s7, $0x6;
	[bflag:$0x0] =	sbarrier.arrive $0xFFFF  }
0x1a4: {  	s26 =	sor.u32 $0x1C09, s7;
	s7 =	sshrl.u32 s18, $0x3;
	s9 =	rddreg [dreg:$0x4]  }
0x1a5: {  	[hbm:s9], [sflag:s26] =	dma.local [spmem:s7], $0x280  }
0x1a6: {  	_ =	swait.ge [sflag:s29], $0x280  }
0x1a7: {  	[sflag:s29] =	ssyncset.done $0x0  }
0x1a8: {  	s9 =	sshrl.u32 s19, $0x3;
	s10 =	rddreg [dreg:$0x5];
	[sflag:s29] =	ssyncadd.s32 $0xFFFFFD80  }
0x1a9: {  	[hbm:s10], [sflag:s26] =	dma.local [spmem:s9], $0x280  }
0x1aa: {  	_ =	swait.ge [sflag:s29], $0x280  }
0x1ab: {  	[sflag:s29] =	ssyncset.done $0x0  }
0x1ac: {  	s10 =	sshrl.u32 s20, $0x3;
	s11 =	rddreg [dreg:$0x6];
	[sflag:s29] =	ssyncadd.s32 $0xFFFFFD80  }
0x1ad: {  	[hbm:s11], [sflag:s26] =	dma.local [spmem:s10], $0x280  }
0x1ae: {  	_ =	swait.ge [sflag:s29], $0x280  }
0x1af: {  	[sflag:s29] =	ssyncset.done $0x0  }
0x1b0: {  	s11 =	sshrl.u32 s24, $0x3;
	s12 =	rddreg [dreg:$0x7];
	[sflag:s29] =	ssyncadd.s32 $0xFFFFFD80  }
0x1b1: {  	[hbm:s12], [sflag:s26] =	dma.local [spmem:s11], $0x280  }
0x1b2: {  	_ =	swait.ge [sflag:s29], $0x280  }
0x1b3: {  	[sflag:s29] =	ssyncset.done $0x0;
	s15 =	rddreg [dreg:$0x10]  }
0x1b4: {  	s13 =	rddreg [dreg:$0x8];
	[sflag:s29] =	ssyncadd.s32 $0xFFFFFD80;
	s12 =	sshrl.u32 s15, $0x3  }
0x1b5: {  	[hbm:s13], [sflag:s26] =	dma.local [spmem:s12], $0x280  }
0x1b6: {  	_ =	swait.ge [sflag:s29], $0x280  }
0x1b7: {  	[sflag:s29] =	ssyncset.done $0x0;
	s16 =	rddreg [dreg:$0x11]  }
0x1b8: {  	s14 =	rddreg [dreg:$0x9];
	[sflag:s29] =	ssyncadd.s32 $0xFFFFFD80;
	s13 =	sshrl.u32 s16, $0x3  }
0x1b9: {  	[hbm:s14], [sflag:s26] =	dma.local [spmem:s13], $0x280  }
0x1ba: {  	_ =	swait.ge [sflag:s29], $0x280  }
0x1bb: {  	[sflag:s29] =	ssyncset.done $0x0  }
0x1bc: {  	s14 =	sshrl.u32 s21, $0x3;
	s15 =	rddreg [dreg:$0xa];
	[sflag:s29] =	ssyncadd.s32 $0xFFFFFD80  }
0x1bd: {  	[hbm:s15], [sflag:s26] =	dma.local [spmem:s14], $0x280  }
0x1be: {  	_ =	swait.ge [sflag:s29], $0x280  }
0x1bf: {  	[sflag:s29] =	ssyncset.done $0x0  }
0x1c0: {  	s23 =	sshrl.u32 s22, $0x3;
	s17 =	rddreg [dreg:$0xb];
	[sflag:s29] =	ssyncadd.s32 $0xFFFFFD80  }
0x1c1: {  	[hbm:s17], [sflag:s26] =	dma.local [spmem:s23], $0x280  }
0x1c2: {  	_ =	swait.ge [sflag:s29], $0x280  }
0x1c3: {  	[sflag:s29] =	ssyncset.done $0x0  }
0x1c4: {  	s16 =	simm.s32 $0x100;
	s15 =	simm.s32 $0x0;
	[sflag:s29] =	ssyncadd.s32 $0xFFFFFD80  }
.LBB2_10:
0x1c5: {  	p0 =	sne.s32 s16, $0x4F00;
	[tilespmem:s15+$0x490] =	vst v0;
	s17 =	smov.u32 s16;
	s16 =	sadd.s32 $0x100, s16  }
.Ltmp4:
0x1c6: {  	[tilespmem:s15+$0x480] =	vst v0;
	(pc) =	sbr.rel @p0 .LBB2_10-.Ltmp4, $3  }
0x1c7: {  	[tilespmem:s15+$0x460] =	vst v0  }
0x1c8: {  	[tilespmem:s15+$0x470] =	vst v0;
	_ =	sdelay $0x1  }
0x1c9: {  	s15 =	sshra.s32 s17, $0x2  }
0x1ca: {  	[tilespmem:s15+$0x490] =	vst v0  }
0x1cb: {  	[tilespmem:s15+$0x480] =	vst v0  }
0x1cc: {  	[tilespmem:s15+$0x460] =	vst v0  }
0x1cd: {  	[tilespmem:s15+$0x470] =	vst v0  }
0x1ce: {  	[spmem:s18] =	stream.linear.scatter [tilespmem:s28], [sflag:$0x9], $0x1400, $0x38;
	[tilespmem:$0xCC60] =	vst v63  }
0x1cf: {  	_ =	swait.ge [sflag:s29], $0x1400  }
0x1d0: {  	[sflag:s29] =	ssyncset.done $0x0  }
0x1d1: {  	[sflag:s29] =	ssyncadd.s32 $0xFFFFEC00  }
0x1d2: {  	[spmem:s19] =	stream.linear.scatter [tilespmem:s28], [sflag:$0x9], $0x1400, $0x38;
	[tilespmem:$0xCC60] =	vst v63  }
0x1d3: {  	_ =	swait.ge [sflag:s29], $0x1400  }
0x1d4: {  	[sflag:s29] =	ssyncset.done $0x0  }
0x1d5: {  	[sflag:s29] =	ssyncadd.s32 $0xFFFFEC00  }
0x1d6: {  	[spmem:s20] =	stream.linear.scatter [tilespmem:s28], [sflag:$0x9], $0x1400, $0x38;
	[tilespmem:$0xCC60] =	vst v63  }
0x1d7: {  	_ =	swait.ge [sflag:s29], $0x1400  }
0x1d8: {  	[sflag:s29] =	ssyncset.done $0x0  }
0x1d9: {  	[sflag:s29] =	ssyncadd.s32 $0xFFFFEC00  }
0x1da: {  	[spmem:s24] =	stream.linear.scatter [tilespmem:s28], [sflag:$0x9], $0x1400, $0x38;
	[tilespmem:$0xCC60] =	vst v63  }
0x1db: {  	_ =	swait.ge [sflag:s29], $0x1400  }
0x1dc: {  	[sflag:s29] =	ssyncset.done $0x0  }
0x1dd: {  	s24 =	rddreg [dreg:$0x10];
	[sflag:s29] =	ssyncadd.s32 $0xFFFFEC00  }
0x1de: {  	[spmem:s24] =	stream.linear.scatter [tilespmem:s28], [sflag:$0x9], $0x1400, $0x38;
	[tilespmem:$0xCC60] =	vst v63  }
0x1df: {  	_ =	swait.ge [sflag:s29], $0x1400  }
0x1e0: {  	[sflag:s29] =	ssyncset.done $0x0  }
0x1e1: {  	s16 =	rddreg [dreg:$0x11];
	[sflag:s29] =	ssyncadd.s32 $0xFFFFEC00  }
0x1e2: {  	[spmem:s16] =	stream.linear.scatter [tilespmem:s28], [sflag:$0x9], $0x1400, $0x38;
	[tilespmem:$0xCC60] =	vst v63  }
0x1e3: {  	_ =	swait.ge [sflag:s29], $0x1400  }
0x1e4: {  	[sflag:s29] =	ssyncset.done $0x0  }
0x1e5: {  	[sflag:s29] =	ssyncadd.s32 $0xFFFFEC00  }
0x1e6: {  	[spmem:s21] =	stream.linear.scatter [tilespmem:s28], [sflag:$0x9], $0x1400, $0x38;
	[tilespmem:$0xCC60] =	vst v63  }
0x1e7: {  	_ =	swait.ge [sflag:s29], $0x1400  }
0x1e8: {  	[sflag:s29] =	ssyncset.done $0x0  }
0x1e9: {  	[sflag:s29] =	ssyncadd.s32 $0xFFFFEC00  }
0x1ea: {  	[spmem:s22] =	stream.linear.scatter [tilespmem:s28], [sflag:$0x9], $0x1400, $0x38;
	[tilespmem:$0xCC60] =	vst v63  }
0x1eb: {  	_ =	swait.ge [sflag:s29], $0x1400  }
0x1ec: {  	[sflag:s29] =	ssyncset.done $0x0  }
0x1ed: {  	[sflag:s29] =	ssyncadd.s32 $0xFFFFEC00  }
0x1ee: {  	[bflag:$0x0] =	sbarrier.arrive $0xFFFF  }
0x1ef: {  	s24 =	simm.s32 $0x0;
	s17 =	rddreg [dreg:$0x12]  }
0x1f0: {  	[tilespmem:s24], [sflag:$0x1] =	stream.linear.gather [hbm4b:s17+s24], $0xF0, $0x38;
	[tilespmem:$0xCC60] =	vst v63  }
0x1f1: {  	_ =	swait.ge [sflag:s8], $0xF0  }
0x1f2: {  	[sflag:s8] =	ssyncset.done $0x0  }
0x1f3: {  	[sflag:s8] =	ssyncadd.s32 $0xFFFFFF10  }
0x1f4: {  	v2 =	vld [tilespmem:$0xA0]  }
0x1f5: {  	v3 =	vld [tilespmem:$0x0]  }
0x1f6: {  	v4 =	vld [tilespmem:$0xB0]  }
0x1f7: {  	v5 =	vld [tilespmem:$0x50]  }
0x1f8: {  	v6 =	vld [tilespmem:$0x10]  }
0x1f9: {  	v7 =	vld [tilespmem:$0xC0]  }
0x1fa: {  	v8 =	vld [tilespmem:$0x60];
	v2 =	vmul.u32 $0x2800, v2  }
0x1fb: {  	v9 =	vld [tilespmem:$0x20]  }
0x1fc: {  	v10 =	vld [tilespmem:$0xD0];
	v3 =	vadd.s32 v3, v2  }
0x1fd: {  	v57 =	vld [tilespmem:$0x70];
	v4 =	vmul.u32 $0x2800, v4;
	v3 =	vshll.u32 v3, $0x1  }
0x1fe: {  	v59 =	vld [tilespmem:$0x30];
	[tilespmem:$0x280] =	vst v5;
	v3 =	vor.u32 $0x1, v3  }
0x1ff: {  	v62 =	vld [tilespmem:$0x80];
	[tilespmem:$0x1E0] =	vst v3;
	v3 =	vadd.s32 v6, v4  }
0x200: {  	v63 =	vld [tilespmem:$0x90];
	v58 =	vmul.u32 $0x2800, v7;
	[tilespmem:$0x290] =	vst v8;
	v2 =	vadd.s32 v5, v2;
	v3 =	vshll.u32 v3, $0x1  }
0x201: {  	[tilespmem:$0x320] =	vst v2;
	v2 =	vor.u32 $0x1, v3;
	v3 =	vld [tilespmem:$0xE0]  }
0x202: {  	[tilespmem:$0x1F0] =	vst v2;
	v2 =	vadd.s32 v9, v58  }
0x203: {  	v61 =	vld [tilespmem:$0x40];
	v60 =	vmul.u32 $0x2800, v10;
	[tilespmem:$0x2A0] =	vst v57;
	v2 =	vshll.u32 v2, $0x1  }
0x204: {  	[tilespmem:$0x2B0] =	vst v62;
	v2 =	vor.u32 $0x1, v2  }
0x205: {  	[tilespmem:$0x200] =	vst v2;
	v2 =	vadd.s32 v59, v60  }
0x206: {  	[tilespmem:$0x2C0] =	vst v63;
	v5 =	vadd.s32 v57, v58;
	v2 =	vshll.u32 v2, $0x1;
	v3 =	vmul.u32 $0x2800, v3  }
0x207: {  	[tilespmem:$0x340] =	vst v5;
	v2 =	vor.u32 $0x1, v2  }
0x208: {  	v4 =	vadd.s32 v8, v4;
	[tilespmem:$0x210] =	vst v2;
	v2 =	vadd.s32 v61, v3  }
0x209: {  	[tilespmem:$0x330] =	vst v4;
	v4 =	vadd.s32 v62, v60;
	v2 =	vshll.u32 v2, $0x1  }
0x20a: {  	[tilespmem:$0x350] =	vst v4;
	v2 =	vor.u32 $0x1, v2  }
0x20b: {  	[tilespmem:$0x220] =	vst v2;
	v2 =	vadd.s32 v63, v3  }
0x20c: {  	s18 =	simm.s32 $0x1E0;
	[tilespmem:$0x360] =	vst v2  }
0x20d: {  	[tilespmem:s28], [sflag:$0x3] =	stream.indirect.gather [hbm4b:s5+s30], $0x40, s18, s30, $0xb8;
	[tilespmem:$0xCC60] =	vst v63  }
0x20e: {  	s19 =	simm.s32 $0x320  }
0x20f: {  	[tilespmem:s31], [sflag:$0x5] =	stream.indirect.gather [hbm4b:s6+s30], $0x1, s19, s30, $0xb8;
	[tilespmem:$0xCC60] =	vst v63  }
0x210: {  	p0 =	por $0x0, $0x0;
	s16 =	simm.s32 $0xF0;
	s20 =	rddreg [dreg:$0x13]  }
0x211: {  	[tilespmem:s16], [sflag:$0x2] =	stream.linear.gather [hbm4b:s20+s24], $0xF0, $0x38;
	[tilespmem:$0xCC60] =	vst v63  }
.LBB2_12:
0x212: {  	p1 =	seq.s32 s24, $0x7C  }
.Ltmp5:
0x213: {  	_ = 	snop;
	(pc) =	sbr.rel @p1 .LBB2_14-.Ltmp5, $2  }
0x214: {  	_ =	sdelay $0x2  }
0x215: {  	s15 =	sand.u32 $0x1, s24  }
0x216: {  	s16 =	sxor.u32 $0x1, s15  }
0x217: {  	s17 =	sadd.s32 $0x1, s16  }
0x218: {  	s18 =	smul.u32 $0x3C0, s16;
	_ =	swait.ge [sflag:s17], $0xF0  }
0x219: {  	[sflag:s17] =	ssyncset.done $0x0  }
0x21a: {  	s18 =	sshrl.u32 s18, $0x2;
	[sflag:s17] =	ssyncadd.s32 $0xFFFFFF10  }
0x21b: {  	v2 =	vld [tilespmem:s18+$0xA0];
	_ =	sdelay $0x1  }
0x21c: {  	v3 =	vld [tilespmem:s18+$0x0]  }
0x21d: {  	v4 =	vld [tilespmem:s18+$0x50];
	_ =	sdelay $0x1  }
0x21e: {  	v2 =	vmul.u32 $0x2800, v2  }
0x21f: {  	s17 =	smul.u32 $0x50, s16  }
0x220: {  	v3 =	vadd.s32 v3, v2  }
0x221: {  	[tilespmem:s17+$0x280] =	vst v4;
	v2 =	vadd.s32 v4, v2;
	v3 =	vshll.u32 v3, $0x1  }
0x222: {  	[tilespmem:s17+$0x320] =	vst v2;
	v3 =	vor.u32 $0x1, v3  }
0x223: {  	[tilespmem:s17+$0x1E0] =	vst v3  }
0x224: {  	v2 =	vld [tilespmem:s18+$0xB0];
	_ =	sdelay $0x1  }
0x225: {  	v3 =	vld [tilespmem:s18+$0x10]  }
0x226: {  	v60 =	vld [tilespmem:s18+$0x60];
	_ =	sdelay $0x1  }
0x227: {  	v2 =	vmul.u32 $0x2800, v2;
	_ =	sdelay $0x1  }
0x228: {  	v3 =	vadd.s32 v3, v2  }
0x229: {  	[tilespmem:s17+$0x290] =	vst v60;
	v2 =	vadd.s32 v60, v2;
	v3 =	vshll.u32 v3, $0x1  }
0x22a: {  	[tilespmem:s17+$0x330] =	vst v2;
	v3 =	vor.u32 $0x1, v3  }
0x22b: {  	[tilespmem:s17+$0x1F0] =	vst v3  }
0x22c: {  	v2 =	vld [tilespmem:s18+$0xC0];
	_ =	sdelay $0x1  }
0x22d: {  	v3 =	vld [tilespmem:s18+$0x20]  }
0x22e: {  	v61 =	vld [tilespmem:s18+$0x70];
	_ =	sdelay $0x1  }
0x22f: {  	v2 =	vmul.u32 $0x2800, v2;
	_ =	sdelay $0x1  }
0x230: {  	v3 =	vadd.s32 v3, v2  }
0x231: {  	[tilespmem:s17+$0x2A0] =	vst v61;
	v2 =	vadd.s32 v61, v2;
	v3 =	vshll.u32 v3, $0x1  }
0x232: {  	[tilespmem:s17+$0x340] =	vst v2;
	v3 =	vor.u32 $0x1, v3  }
0x233: {  	[tilespmem:s17+$0x200] =	vst v3  }
0x234: {  	v2 =	vld [tilespmem:s18+$0xD0];
	_ =	sdelay $0x1  }
0x235: {  	v3 =	vld [tilespmem:s18+$0x30]  }
0x236: {  	v62 =	vld [tilespmem:s18+$0x80];
	_ =	sdelay $0x1  }
0x237: {  	v2 =	vmul.u32 $0x2800, v2;
	_ =	sdelay $0x1  }
0x238: {  	v3 =	vadd.s32 v3, v2  }
0x239: {  	[tilespmem:s17+$0x2B0] =	vst v62;
	v2 =	vadd.s32 v62, v2;
	v3 =	vshll.u32 v3, $0x1  }
0x23a: {  	[tilespmem:s17+$0x350] =	vst v2;
	v3 =	vor.u32 $0x1, v3  }
0x23b: {  	[tilespmem:s17+$0x210] =	vst v3  }
0x23c: {  	v2 =	vld [tilespmem:s18+$0xE0];
	_ =	sdelay $0x1  }
0x23d: {  	v3 =	vld [tilespmem:s18+$0x40]  }
0x23e: {  	v63 =	vld [tilespmem:s18+$0x90];
	_ =	sdelay $0x1  }
0x23f: {  	v2 =	vmul.u32 $0x2800, v2;
	_ =	sdelay $0x1  }
0x240: {  	v3 =	vadd.s32 v3, v2  }
0x241: {  	[tilespmem:s17+$0x2C0] =	vst v63;
	v2 =	vadd.s32 v63, v2;
	v3 =	vshll.u32 v3, $0x1  }
0x242: {  	p1 =	seq.s32 s24, $0x0;
	[tilespmem:s17+$0x360] =	vst v2;
	v3 =	vor.u32 $0x1, v3  }
0x243: {  	s18 =	sadd.s32 @!p1 $0x7, s16;
	[tilespmem:s17+$0x220] =	vst v3  }
0x244: {  	s19 =	smul.u32 $0x5000, s16;
	_ =	swait.ge @!p1 [sflag:s18], $0x1400  }
0x245: {  	[sflag:s18] =	ssyncset.done @!p1 $0x0  }
0x246: {  	s19 =	sshrl.u32 s19, $0x2;
	s20 =	sadd.s32 $0x1E0, s17;
	[sflag:s18] =	ssyncadd.s32 @!p1 $0xFFFFEC00  }
0x247: {  	s18 =	sadd.s32 $0x460, s19;
	s19 =	sadd.s32 $0x3, s16;
	s16 =	sadd.s32 $0x5, s16  }
0x248: {  	[tilespmem:s18], [sflag:s19] =	stream.indirect.gather [hbm4b:s5+s30], $0x40, s20, s30, $0xb8;
	[tilespmem:$0xCC60] =	vst v63  }
0x249: {  	p1 =	sgt.u32 s24, $0x7A;
	s20 =	sadd.s32 $0x320, s17;
	s17 =	sadd.s32 $0x3C0, s17  }
0x24a: {  	[tilespmem:s17], [sflag:s16] =	stream.indirect.gather [hbm4b:s6+s30], $0x1, s20, s30, $0xb8;
	[tilespmem:$0xCC60] =	vst v63  }
0x24b: {  	s16 =	smul.u32 @!p1 $0x3C0, s15;
	s17 =	sadd.s32 @!p1 s24, s25  }
0x24c: {  	s17 =	smul.u32 @!p1 $0x1E, s17  }
0x24d: {  	s18 =	sadd.s32 @!p1 $0x1, s15  }
0x24e: {  	s19 =	simm.s32 @!p1 $0x0;
	s16 =	sshrl.u32 @!p1 s16, $0x2;
	s17 =	sadd.s32 @!p1 s1, s17  }
0x24f: {  	[tilespmem:s16], [sflag:s18] =	stream.linear.gather @!p1 [hbm4b:s17+s19], $0xF0, $0x38;
	[tilespmem:$0xCC60] =	vst v63  }
.LBB2_14:
0x250: {  	s17 =	sadd.s32 $0x3, s15  }
0x251: {  	s16 =	simm.s32 $0x1;
	v2 =	vmov s15;
	_ =	swait.ge [sflag:s17], $0x1400  }
0x252: {  	s16 =	simm.s32 @!p0 $0x0;
	v2 =	vmul.u32 $0x50, v2;
	[sflag:s17] =	ssyncset.done $0x0  }
0x253: {  	s18 =	sadd.s32 $0x5, s15;
	s16 =	smul.u32 $0x5000, s16;
	[sflag:s17] =	ssyncadd.s32 $0xFFFFEC00  }
0x254: {  	s24 =	sadd.s32 $0x1, s24;
	v3 =	vor.u32 $0x1, v2;
	_ =	swait.ge [sflag:s18], $0x50  }
0x255: {  	v4 =	vor.u32 $0x2, v2;
	v5 =	vor.u32 $0x3, v2;
	v6 =	vor.u32 $0x4, v2;
	s17 =	smul.u32 $0x50, s15;
	s16 =	sshrl.u32 s16, $0x2;
	[sflag:s18] =	ssyncset.done $0x0  }
0x256: {  	v7 =	vor.u32 $0x5, v2;
	v8 =	vor.u32 $0x6, v2;
	v9 =	vor.u32 $0x7, v2;
	s16 =	sadd.s32 $0x660, s16;
	[sflag:s18] =	ssyncadd.s32 $0xFFFFFFB0;
	s18 =	simm.s32 $0xF  }
.LBB2_15:
0x257: {  	s19 =	sadd.s32 $0xFFFFFFF1, s18  }
0x258: {  	v10 =	vmov s19  }
0x259: {  	v10 =	vshrl.u32 v10, $0x3  }
0x25a: {  	v10 =	vshll.u32 v10, v1  }
0x25b: {  	v10 =	vadd.s32 v2, v10  }
0x25c: {  	v10 =	vbroadcast v10, $0x0;
	_ =	sdelay $0x4  }
0x25d: {  	v11 =	vld [tilespmem:s16+$0xFFFFFE00]  }
0x25e: {  	v10 =	vld.idx.msk [tilespmem:v10+s31+$0x0], $0xffff;
	_ =	sdelay $0x4  }
0x25f: {  	v11 =	vmul.f32 v11, v10;
	_ =	sdelay $0x1  }
0x260: {  	[tilespmem:s16+$0xFFFFFE00] =	vst v11;
	v11 =	vld [tilespmem:s16+$0xFFFFFE10];
	_ =	sdelay $0x4  }
0x261: {  	v11 =	vmul.f32 v11, v10;
	_ =	sdelay $0x1  }
0x262: {  	[tilespmem:s16+$0xFFFFFE10] =	vst v11;
	v11 =	vld [tilespmem:s16+$0xFFFFFE20];
	_ =	sdelay $0x4  }
0x263: {  	s20 =	sadd.s32 $0xFFFFFFF2, s18;
	v11 =	vmul.f32 v11, v10  }
0x264: {  	v12 =	vmov s20  }
0x265: {  	[tilespmem:s16+$0xFFFFFE20] =	vst v11;
	v11 =	vshrl.u32 v12, $0x3  }
0x266: {  	v35 =	vld [tilespmem:s16+$0xFFFFFE30];
	v11 =	vshll.u32 v11, v1  }
0x267: {  	v11 =	vadd.s32 v11, v3  }
0x268: {  	v11 =	vbroadcast v11, $0x0;
	_ =	sdelay $0x2  }
0x269: {  	v10 =	vmul.f32 v35, v10;
	_ =	sdelay $0x1  }
0x26a: {  	[tilespmem:s16+$0xFFFFFE30] =	vst v10  }
0x26b: {  	v10 =	vld.idx.msk [tilespmem:v11+s31+$0x0], $0xffff  }
0x26c: {  	v11 =	vld [tilespmem:s16+$0xFFFFFE40];
	_ =	sdelay $0x4  }
0x26d: {  	v11 =	vmul.f32 v11, v10;
	_ =	sdelay $0x1  }
0x26e: {  	[tilespmem:s16+$0xFFFFFE40] =	vst v11;
	v11 =	vld [tilespmem:s16+$0xFFFFFE50];
	_ =	sdelay $0x4  }
0x26f: {  	v11 =	vmul.f32 v11, v10;
	_ =	sdelay $0x1  }
0x270: {  	[tilespmem:s16+$0xFFFFFE50] =	vst v11;
	v11 =	vld [tilespmem:s16+$0xFFFFFE60];
	_ =	sdelay $0x4  }
0x271: {  	s20 =	sadd.s32 $0xFFFFFFF3, s18;
	v11 =	vmul.f32 v11, v10  }
0x272: {  	v36 =	vmov s20  }
0x273: {  	[tilespmem:s16+$0xFFFFFE60] =	vst v11;
	v11 =	vshrl.u32 v36, $0x3  }
0x274: {  	v37 =	vld [tilespmem:s16+$0xFFFFFE70];
	v11 =	vshll.u32 v11, v1  }
0x275: {  	v11 =	vadd.s32 v11, v4  }
0x276: {  	v11 =	vbroadcast v11, $0x0;
	_ =	sdelay $0x2  }
0x277: {  	v10 =	vmul.f32 v37, v10;
	_ =	sdelay $0x1  }
0x278: {  	[tilespmem:s16+$0xFFFFFE70] =	vst v10  }
0x279: {  	v10 =	vld.idx.msk [tilespmem:v11+s31+$0x0], $0xffff  }
0x27a: {  	v11 =	vld [tilespmem:s16+$0xFFFFFE80];
	_ =	sdelay $0x4  }
0x27b: {  	v11 =	vmul.f32 v11, v10;
	_ =	sdelay $0x1  }
0x27c: {  	[tilespmem:s16+$0xFFFFFE80] =	vst v11;
	v11 =	vld [tilespmem:s16+$0xFFFFFE90];
	_ =	sdelay $0x4  }
0x27d: {  	v11 =	vmul.f32 v11, v10;
	_ =	sdelay $0x1  }
0x27e: {  	[tilespmem:s16+$0xFFFFFE90] =	vst v11;
	v11 =	vld [tilespmem:s16+$0xFFFFFEA0];
	_ =	sdelay $0x4  }
0x27f: {  	s20 =	sadd.s32 $0xFFFFFFF4, s18;
	v11 =	vmul.f32 v11, v10  }
0x280: {  	v38 =	vmov s20  }
0x281: {  	[tilespmem:s16+$0xFFFFFEA0] =	vst v11;
	v11 =	vshrl.u32 v38, $0x3  }
0x282: {  	v39 =	vld [tilespmem:s16+$0xFFFFFEB0];
	v11 =	vshll.u32 v11, v1  }
0x283: {  	v11 =	vadd.s32 v11, v5  }
0x284: {  	v11 =	vbroadcast v11, $0x0;
	_ =	sdelay $0x2  }
0x285: {  	v10 =	vmul.f32 v39, v10;
	_ =	sdelay $0x1  }
0x286: {  	[tilespmem:s16+$0xFFFFFEB0] =	vst v10  }
0x287: {  	v10 =	vld.idx.msk [tilespmem:v11+s31+$0x0], $0xffff  }
0x288: {  	v11 =	vld [tilespmem:s16+$0xFFFFFEC0];
	_ =	sdelay $0x4  }
0x289: {  	v11 =	vmul.f32 v11, v10;
	_ =	sdelay $0x1  }
0x28a: {  	[tilespmem:s16+$0xFFFFFEC0] =	vst v11;
	v11 =	vld [tilespmem:s16+$0xFFFFFED0];
	_ =	sdelay $0x4  }
0x28b: {  	v11 =	vmul.f32 v11, v10;
	_ =	sdelay $0x1  }
0x28c: {  	[tilespmem:s16+$0xFFFFFED0] =	vst v11;
	v11 =	vld [tilespmem:s16+$0xFFFFFEE0];
	_ =	sdelay $0x4  }
0x28d: {  	s20 =	sadd.s32 $0xFFFFFFF5, s18;
	v11 =	vmul.f32 v11, v10  }
0x28e: {  	v40 =	vmov s20  }
0x28f: {  	[tilespmem:s16+$0xFFFFFEE0] =	vst v11;
	v11 =	vshrl.u32 v40, $0x3  }
0x290: {  	v41 =	vld [tilespmem:s16+$0xFFFFFEF0];
	v11 =	vshll.u32 v11, v1  }
0x291: {  	v11 =	vadd.s32 v11, v6  }
0x292: {  	v11 =	vbroadcast v11, $0x0;
	_ =	sdelay $0x2  }
0x293: {  	v10 =	vmul.f32 v41, v10;
	_ =	sdelay $0x1  }
0x294: {  	[tilespmem:s16+$0xFFFFFEF0] =	vst v10  }
0x295: {  	v10 =	vld.idx.msk [tilespmem:v11+s31+$0x0], $0xffff  }
0x296: {  	v11 =	vld [tilespmem:s16+$0xFFFFFF00];
	_ =	sdelay $0x4  }
0x297: {  	v11 =	vmul.f32 v11, v10;
	_ =	sdelay $0x1  }
0x298: {  	[tilespmem:s16+$0xFFFFFF00] =	vst v11;
	v11 =	vld [tilespmem:s16+$0xFFFFFF10];
	_ =	sdelay $0x4  }
0x299: {  	v11 =	vmul.f32 v11, v10;
	_ =	sdelay $0x1  }
0x29a: {  	[tilespmem:s16+$0xFFFFFF10] =	vst v11;
	v11 =	vld [tilespmem:s16+$0xFFFFFF20];
	_ =	sdelay $0x4  }
0x29b: {  	s20 =	sadd.s32 $0xFFFFFFF6, s18;
	v11 =	vmul.f32 v11, v10  }
0x29c: {  	v42 =	vmov s20  }
0x29d: {  	[tilespmem:s16+$0xFFFFFF20] =	vst v11;
	v11 =	vshrl.u32 v42, $0x3  }
0x29e: {  	v43 =	vld [tilespmem:s16+$0xFFFFFF30];
	v11 =	vshll.u32 v11, v1  }
0x29f: {  	v11 =	vadd.s32 v11, v7  }
0x2a0: {  	v11 =	vbroadcast v11, $0x0;
	_ =	sdelay $0x2  }
0x2a1: {  	v10 =	vmul.f32 v43, v10;
	_ =	sdelay $0x1  }
0x2a2: {  	[tilespmem:s16+$0xFFFFFF30] =	vst v10  }
0x2a3: {  	v10 =	vld.idx.msk [tilespmem:v11+s31+$0x0], $0xffff  }
0x2a4: {  	v11 =	vld [tilespmem:s16+$0xFFFFFF40];
	_ =	sdelay $0x4  }
0x2a5: {  	v11 =	vmul.f32 v11, v10;
	_ =	sdelay $0x1  }
0x2a6: {  	[tilespmem:s16+$0xFFFFFF40] =	vst v11;
	v11 =	vld [tilespmem:s16+$0xFFFFFF50];
	_ =	sdelay $0x4  }
0x2a7: {  	v11 =	vmul.f32 v11, v10;
	_ =	sdelay $0x1  }
0x2a8: {  	[tilespmem:s16+$0xFFFFFF50] =	vst v11;
	v11 =	vld [tilespmem:s16+$0xFFFFFF60];
	_ =	sdelay $0x4  }
0x2a9: {  	s20 =	sadd.s32 $0xFFFFFFF7, s18;
	v11 =	vmul.f32 v11, v10  }
0x2aa: {  	v44 =	vmov s20  }
0x2ab: {  	[tilespmem:s16+$0xFFFFFF60] =	vst v11;
	v11 =	vshrl.u32 v44, $0x3  }
0x2ac: {  	v45 =	vld [tilespmem:s16+$0xFFFFFF70];
	v11 =	vshll.u32 v11, v1  }
0x2ad: {  	v11 =	vadd.s32 v11, v8  }
0x2ae: {  	v11 =	vbroadcast v11, $0x0;
	_ =	sdelay $0x2  }
0x2af: {  	v10 =	vmul.f32 v45, v10;
	_ =	sdelay $0x1  }
0x2b0: {  	[tilespmem:s16+$0xFFFFFF70] =	vst v10  }
0x2b1: {  	v10 =	vld.idx.msk [tilespmem:v11+s31+$0x0], $0xffff  }
0x2b2: {  	v11 =	vld [tilespmem:s16+$0xFFFFFF80];
	_ =	sdelay $0x4  }
0x2b3: {  	v11 =	vmul.f32 v11, v10;
	_ =	sdelay $0x1  }
0x2b4: {  	[tilespmem:s16+$0xFFFFFF80] =	vst v11;
	v11 =	vld [tilespmem:s16+$0xFFFFFF90];
	_ =	sdelay $0x4  }
0x2b5: {  	v11 =	vmul.f32 v11, v10;
	_ =	sdelay $0x1  }
0x2b6: {  	[tilespmem:s16+$0xFFFFFF90] =	vst v11;
	v11 =	vld [tilespmem:s16+$0xFFFFFFA0];
	_ =	sdelay $0x4  }
0x2b7: {  	s20 =	sadd.s32 $0xFFFFFFF8, s18;
	v11 =	vmul.f32 v11, v10  }
0x2b8: {  	v46 =	vmov s20  }
0x2b9: {  	[tilespmem:s16+$0xFFFFFFA0] =	vst v11;
	v11 =	vshrl.u32 v46, $0x3  }
0x2ba: {  	v47 =	vld [tilespmem:s16+$0xFFFFFFB0];
	v11 =	vshll.u32 v11, v1  }
0x2bb: {  	v11 =	vadd.s32 v11, v9  }
0x2bc: {  	v11 =	vbroadcast v11, $0x0;
	_ =	sdelay $0x2  }
0x2bd: {  	v10 =	vmul.f32 v47, v10;
	_ =	sdelay $0x1  }
0x2be: {  	[tilespmem:s16+$0xFFFFFFB0] =	vst v10  }
0x2bf: {  	v10 =	vld.idx.msk [tilespmem:v11+s31+$0x0], $0xffff  }
0x2c0: {  	v11 =	vld [tilespmem:s16+$0xFFFFFFC0];
	_ =	sdelay $0x4  }
0x2c1: {  	v11 =	vmul.f32 v11, v10;
	_ =	sdelay $0x1  }
0x2c2: {  	[tilespmem:s16+$0xFFFFFFC0] =	vst v11;
	v11 =	vld [tilespmem:s16+$0xFFFFFFD0];
	_ =	sdelay $0x4  }
0x2c3: {  	v11 =	vmul.f32 v11, v10;
	_ =	sdelay $0x1  }
0x2c4: {  	[tilespmem:s16+$0xFFFFFFD0] =	vst v11;
	v11 =	vld [tilespmem:s16+$0xFFFFFFE0];
	_ =	sdelay $0x4  }
0x2c5: {  	s20 =	sadd.s32 $0xFFFFFFF9, s18;
	v11 =	vmul.f32 v11, v10  }
0x2c6: {  	v48 =	vmov s20  }
0x2c7: {  	[tilespmem:s16+$0xFFFFFFE0] =	vst v11;
	v11 =	vshrl.u32 v48, $0x3  }
0x2c8: {  	v49 =	vld [tilespmem:s16+$0xFFFFFFF0];
	v11 =	vshll.u32 v11, v1  }
0x2c9: {  	v11 =	vadd.s32 v2, v11  }
0x2ca: {  	v11 =	vbroadcast v11, $0x0;
	_ =	sdelay $0x2  }
0x2cb: {  	v10 =	vmul.f32 v49, v10;
	_ =	sdelay $0x1  }
0x2cc: {  	[tilespmem:s16+$0xFFFFFFF0] =	vst v10  }
0x2cd: {  	v10 =	vld.idx.msk [tilespmem:v11+s31+$0x0], $0xffff  }
0x2ce: {  	v11 =	vld [tilespmem:s16+$0x0];
	_ =	sdelay $0x4  }
0x2cf: {  	v11 =	vmul.f32 v11, v10;
	_ =	sdelay $0x1  }
0x2d0: {  	[tilespmem:s16+$0x0] =	vst v11;
	v11 =	vld [tilespmem:s16+$0x10];
	_ =	sdelay $0x4  }
0x2d1: {  	v11 =	vmul.f32 v11, v10;
	_ =	sdelay $0x1  }
0x2d2: {  	[tilespmem:s16+$0x10] =	vst v11;
	v11 =	vld [tilespmem:s16+$0x20];
	_ =	sdelay $0x4  }
0x2d3: {  	s20 =	sadd.s32 $0xFFFFFFFA, s18;
	v11 =	vmul.f32 v11, v10  }
0x2d4: {  	v50 =	vmov s20  }
0x2d5: {  	[tilespmem:s16+$0x20] =	vst v11;
	v11 =	vshrl.u32 v50, $0x3  }
0x2d6: {  	v51 =	vld [tilespmem:s16+$0x30];
	v11 =	vshll.u32 v11, v1  }
0x2d7: {  	v11 =	vadd.s32 v11, v3  }
0x2d8: {  	v11 =	vbroadcast v11, $0x0;
	_ =	sdelay $0x2  }
0x2d9: {  	v10 =	vmul.f32 v51, v10;
	_ =	sdelay $0x1  }
0x2da: {  	[tilespmem:s16+$0x30] =	vst v10  }
0x2db: {  	v10 =	vld.idx.msk [tilespmem:v11+s31+$0x0], $0xffff  }
0x2dc: {  	v11 =	vld [tilespmem:s16+$0x40];
	_ =	sdelay $0x4  }
0x2dd: {  	v11 =	vmul.f32 v11, v10;
	_ =	sdelay $0x1  }
0x2de: {  	[tilespmem:s16+$0x40] =	vst v11;
	v11 =	vld [tilespmem:s16+$0x50];
	_ =	sdelay $0x4  }
0x2df: {  	v11 =	vmul.f32 v11, v10;
	_ =	sdelay $0x1  }
0x2e0: {  	[tilespmem:s16+$0x50] =	vst v11;
	v11 =	vld [tilespmem:s16+$0x60];
	_ =	sdelay $0x4  }
0x2e1: {  	s20 =	sadd.s32 $0xFFFFFFFB, s18;
	v11 =	vmul.f32 v11, v10  }
0x2e2: {  	v52 =	vmov s20  }
0x2e3: {  	[tilespmem:s16+$0x60] =	vst v11;
	v11 =	vshrl.u32 v52, $0x3  }
0x2e4: {  	v53 =	vld [tilespmem:s16+$0x70];
	v11 =	vshll.u32 v11, v1  }
0x2e5: {  	v11 =	vadd.s32 v11, v4  }
0x2e6: {  	v11 =	vbroadcast v11, $0x0;
	_ =	sdelay $0x2  }
0x2e7: {  	v10 =	vmul.f32 v53, v10;
	_ =	sdelay $0x1  }
0x2e8: {  	[tilespmem:s16+$0x70] =	vst v10  }
0x2e9: {  	v10 =	vld.idx.msk [tilespmem:v11+s31+$0x0], $0xffff  }
0x2ea: {  	v11 =	vld [tilespmem:s16+$0x80];
	_ =	sdelay $0x4  }
0x2eb: {  	v11 =	vmul.f32 v11, v10;
	_ =	sdelay $0x1  }
0x2ec: {  	[tilespmem:s16+$0x80] =	vst v11;
	v11 =	vld [tilespmem:s16+$0x90];
	_ =	sdelay $0x4  }
0x2ed: {  	v11 =	vmul.f32 v11, v10;
	_ =	sdelay $0x1  }
0x2ee: {  	[tilespmem:s16+$0x90] =	vst v11;
	v11 =	vld [tilespmem:s16+$0xA0];
	_ =	sdelay $0x4  }
0x2ef: {  	s20 =	sadd.s32 $0xFFFFFFFC, s18;
	v11 =	vmul.f32 v11, v10  }
0x2f0: {  	v54 =	vmov s20  }
0x2f1: {  	[tilespmem:s16+$0xA0] =	vst v11;
	v11 =	vshrl.u32 v54, $0x3  }
0x2f2: {  	v55 =	vld [tilespmem:s16+$0xB0];
	v11 =	vshll.u32 v11, v1  }
0x2f3: {  	v11 =	vadd.s32 v11, v5  }
0x2f4: {  	v11 =	vbroadcast v11, $0x0;
	_ =	sdelay $0x2  }
0x2f5: {  	v10 =	vmul.f32 v55, v10;
	_ =	sdelay $0x1  }
0x2f6: {  	[tilespmem:s16+$0xB0] =	vst v10  }
0x2f7: {  	v10 =	vld.idx.msk [tilespmem:v11+s31+$0x0], $0xffff  }
0x2f8: {  	v11 =	vld [tilespmem:s16+$0xC0];
	_ =	sdelay $0x4  }
0x2f9: {  	v11 =	vmul.f32 v11, v10;
	_ =	sdelay $0x1  }
0x2fa: {  	[tilespmem:s16+$0xC0] =	vst v11;
	v11 =	vld [tilespmem:s16+$0xD0];
	_ =	sdelay $0x4  }
0x2fb: {  	v11 =	vmul.f32 v11, v10;
	_ =	sdelay $0x1  }
0x2fc: {  	[tilespmem:s16+$0xD0] =	vst v11;
	v11 =	vld [tilespmem:s16+$0xE0];
	_ =	sdelay $0x4  }
0x2fd: {  	s20 =	sadd.s32 $0xFFFFFFFD, s18;
	v11 =	vmul.f32 v11, v10  }
0x2fe: {  	v56 =	vmov s20  }
0x2ff: {  	[tilespmem:s16+$0xE0] =	vst v11;
	v11 =	vshrl.u32 v56, $0x3  }
0x300: {  	v57 =	vld [tilespmem:s16+$0xF0];
	v11 =	vshll.u32 v11, v1  }
0x301: {  	v11 =	vadd.s32 v11, v6  }
0x302: {  	v11 =	vbroadcast v11, $0x0;
	_ =	sdelay $0x2  }
0x303: {  	v10 =	vmul.f32 v57, v10;
	_ =	sdelay $0x1  }
0x304: {  	[tilespmem:s16+$0xF0] =	vst v10  }
0x305: {  	v10 =	vld.idx.msk [tilespmem:v11+s31+$0x0], $0xffff  }
0x306: {  	v11 =	vld [tilespmem:s16+$0x100];
	_ =	sdelay $0x4  }
0x307: {  	v11 =	vmul.f32 v11, v10;
	_ =	sdelay $0x1  }
0x308: {  	[tilespmem:s16+$0x100] =	vst v11;
	v11 =	vld [tilespmem:s16+$0x110];
	_ =	sdelay $0x4  }
0x309: {  	v11 =	vmul.f32 v11, v10;
	_ =	sdelay $0x1  }
0x30a: {  	[tilespmem:s16+$0x110] =	vst v11;
	v11 =	vld [tilespmem:s16+$0x120];
	_ =	sdelay $0x4  }
0x30b: {  	s20 =	sadd.s32 $0xFFFFFFFE, s18;
	v11 =	vmul.f32 v11, v10  }
0x30c: {  	v58 =	vmov s20  }
0x30d: {  	[tilespmem:s16+$0x120] =	vst v11;
	v11 =	vshrl.u32 v58, $0x3  }
0x30e: {  	v59 =	vld [tilespmem:s16+$0x130];
	v11 =	vshll.u32 v11, v1  }
0x30f: {  	v11 =	vadd.s32 v11, v7  }
0x310: {  	v11 =	vbroadcast v11, $0x0;
	_ =	sdelay $0x2  }
0x311: {  	v10 =	vmul.f32 v59, v10;
	_ =	sdelay $0x1  }
0x312: {  	[tilespmem:s16+$0x130] =	vst v10  }
0x313: {  	v10 =	vld.idx.msk [tilespmem:v11+s31+$0x0], $0xffff  }
0x314: {  	v11 =	vld [tilespmem:s16+$0x140];
	_ =	sdelay $0x4  }
0x315: {  	v11 =	vmul.f32 v11, v10;
	_ =	sdelay $0x1  }
0x316: {  	[tilespmem:s16+$0x140] =	vst v11;
	v11 =	vld [tilespmem:s16+$0x150];
	_ =	sdelay $0x4  }
0x317: {  	v11 =	vmul.f32 v11, v10;
	_ =	sdelay $0x1  }
0x318: {  	[tilespmem:s16+$0x150] =	vst v11;
	v11 =	vld [tilespmem:s16+$0x160];
	_ =	sdelay $0x4  }
0x319: {  	s20 =	sadd.s32 $0xFFFFFFFF, s18;
	v11 =	vmul.f32 v11, v10  }
0x31a: {  	v60 =	vmov s20  }
0x31b: {  	[tilespmem:s16+$0x160] =	vst v11;
	v11 =	vshrl.u32 v60, $0x3  }
0x31c: {  	v61 =	vld [tilespmem:s16+$0x170];
	v11 =	vshll.u32 v11, v1  }
0x31d: {  	v11 =	vadd.s32 v11, v8  }
0x31e: {  	v11 =	vbroadcast v11, $0x0;
	_ =	sdelay $0x2  }
0x31f: {  	v10 =	vmul.f32 v61, v10;
	_ =	sdelay $0x1  }
0x320: {  	[tilespmem:s16+$0x170] =	vst v10  }
0x321: {  	v10 =	vld.idx.msk [tilespmem:v11+s31+$0x0], $0xffff  }
0x322: {  	v11 =	vld [tilespmem:s16+$0x180];
	_ =	sdelay $0x4  }
0x323: {  	v11 =	vmul.f32 v11, v10;
	_ =	sdelay $0x1  }
0x324: {  	[tilespmem:s16+$0x180] =	vst v11;
	v11 =	vld [tilespmem:s16+$0x190];
	_ =	sdelay $0x4  }
0x325: {  	v11 =	vmul.f32 v11, v10;
	_ =	sdelay $0x1  }
0x326: {  	[tilespmem:s16+$0x190] =	vst v11;
	v11 =	vld [tilespmem:s16+$0x1A0];
	_ =	sdelay $0x4  }
0x327: {  	v11 =	vmul.f32 v11, v10  }
0x328: {  	v62 =	vmov s18  }
0x329: {  	[tilespmem:s16+$0x1A0] =	vst v11;
	v11 =	vshrl.u32 v62, $0x3  }
0x32a: {  	v63 =	vld [tilespmem:s16+$0x1B0];
	v11 =	vshll.u32 v11, v1  }
0x32b: {  	v11 =	vadd.s32 v11, v9  }
0x32c: {  	v11 =	vbroadcast v11, $0x0;
	_ =	sdelay $0x2  }
0x32d: {  	v10 =	vmul.f32 v63, v10;
	_ =	sdelay $0x1  }
0x32e: {  	[tilespmem:s16+$0x1B0] =	vst v10  }
0x32f: {  	v10 =	vld.idx.msk [tilespmem:v11+s31+$0x0], $0xffff  }
0x330: {  	v11 =	vld [tilespmem:s16+$0x1C0];
	_ =	sdelay $0x4  }
0x331: {  	v11 =	vmul.f32 v11, v10;
	_ =	sdelay $0x1  }
0x332: {  	[tilespmem:s16+$0x1C0] =	vst v11;
	v11 =	vld [tilespmem:s16+$0x1D0];
	_ =	sdelay $0x4  }
0x333: {  	v11 =	vmul.f32 v11, v10;
	_ =	sdelay $0x1  }
0x334: {  	[tilespmem:s16+$0x1D0] =	vst v11;
	v11 =	vld [tilespmem:s16+$0x1E0];
	_ =	sdelay $0x4  }
0x335: {  	v11 =	vmul.f32 v11, v10;
	_ =	sdelay $0x1  }
0x336: {  	[tilespmem:s16+$0x1E0] =	vst v11;
	v11 =	vld [tilespmem:s16+$0x1F0];
	_ =	sdelay $0x1  }
0x337: {  	p1 =	sne.s32 s18, $0x4F  }
.Ltmp6:
0x338: {  	_ = 	snop;
	(pc) =	sbr.rel @p1 .LBB2_15-.Ltmp6, $3  }
0x339: {  	_ = 	snop  }
0x33a: {  	v10 =	vmul.f32 v11, v10;
	_ =	sdelay $0x1  }
0x33b: {  	s18 =	sadd.s32 $0x10, s18;
	[tilespmem:s16+$0x1F0] =	vst v10;
	s16 =	sadd.s32 $0x400, s16  }
0x33c: {  	s16 =	smul.u32 $0x5000, s15;
	p1 =	sne.s32 s24, $0x7D  }
.Ltmp7:
0x33d: {  	_ = 	snop;
	(pc) =	sbr.rel @p1 .LBB2_12-.Ltmp7, $4  }
0x33e: {  	_ = 	snop  }
0x33f: {  	s17 =	sor.u32 $0x280, s17;
	s16 =	sshrl.u32 s16, $0x2  }
0x340: {  	s20 =	sadd.s32 $0x7, s15;
	p0 =	por !p0, !p0;
	s16 =	sadd.s32 $0x460, s16  }
0x341: {  	[spmem:s2] =	stream.indirect.scatter.add.f32 [tilespmem:s16], [sflag:s20], $0x40, s17, s30, $0xb8;
	[tilespmem:$0xCC60] =	vst v63  }
0x342: {  	_ =	swait.ge [sflag:s0], $0x1400  }
0x343: {  	[sflag:s0] =	ssyncset.done $0x0  }
0x344: {  	[sflag:s0] =	ssyncadd.s32 $0xFFFFEC00  }
0x345: {  	_ =	swait.ge [sflag:s4], $0x1400  }
0x346: {  	[sflag:s4] =	ssyncset.done $0x0  }
0x347: {  	[sflag:s4] =	ssyncadd.s32 $0xFFFFEC00  }
0x348: {  	[bflag:$0x0] =	sbarrier.arrive $0xFFFF  }
0x349: {  	s15 =	rddreg [dreg:$0x15]  }
0x34a: {  	[hbm:s15], [sflag:s26] =	dma.local [spmem:s7], $0x280  }
0x34b: {  	_ =	swait.ge [sflag:s29], $0x280  }
0x34c: {  	[sflag:s29] =	ssyncset.done $0x0  }
0x34d: {  	s15 =	rddreg [dreg:$0x16];
	[sflag:s29] =	ssyncadd.s32 $0xFFFFFD80  }
0x34e: {  	[hbm:s15], [sflag:s26] =	dma.local [spmem:s9], $0x280  }
0x34f: {  	_ =	swait.ge [sflag:s29], $0x280  }
0x350: {  	[sflag:s29] =	ssyncset.done $0x0  }
0x351: {  	s16 =	rddreg [dreg:$0x17];
	[sflag:s29] =	ssyncadd.s32 $0xFFFFFD80  }
0x352: {  	[hbm:s16], [sflag:s26] =	dma.local [spmem:s10], $0x280  }
0x353: {  	_ =	swait.ge [sflag:s29], $0x280  }
0x354: {  	[sflag:s29] =	ssyncset.done $0x0  }
0x355: {  	s17 =	rddreg [dreg:$0x18];
	[sflag:s29] =	ssyncadd.s32 $0xFFFFFD80  }
0x356: {  	[hbm:s17], [sflag:s26] =	dma.local [spmem:s11], $0x280  }
0x357: {  	_ =	swait.ge [sflag:s29], $0x280  }
0x358: {  	[sflag:s29] =	ssyncset.done $0x0  }
0x359: {  	s18 =	rddreg [dreg:$0x19];
	[sflag:s29] =	ssyncadd.s32 $0xFFFFFD80  }
0x35a: {  	[hbm:s18], [sflag:s26] =	dma.local [spmem:s12], $0x280  }
0x35b: {  	_ =	swait.ge [sflag:s29], $0x280  }
0x35c: {  	[sflag:s29] =	ssyncset.done $0x0  }
0x35d: {  	s19 =	rddreg [dreg:$0x1a];
	[sflag:s29] =	ssyncadd.s32 $0xFFFFFD80  }
0x35e: {  	[hbm:s19], [sflag:s26] =	dma.local [spmem:s13], $0x280  }
0x35f: {  	_ =	swait.ge [sflag:s29], $0x280  }
0x360: {  	[sflag:s29] =	ssyncset.done $0x0  }
0x361: {  	s20 =	rddreg [dreg:$0x1b];
	[sflag:s29] =	ssyncadd.s32 $0xFFFFFD80  }
0x362: {  	[hbm:s20], [sflag:s26] =	dma.local [spmem:s14], $0x280  }
0x363: {  	_ =	swait.ge [sflag:s29], $0x280  }
0x364: {  	[sflag:s29] =	ssyncset.done $0x0  }
0x365: {  	s24 =	rddreg [dreg:$0x1c];
	[sflag:s29] =	ssyncadd.s32 $0xFFFFFD80  }
0x366: {  	[hbm:s24], [sflag:s26] =	dma.local [spmem:s23], $0x280  }
0x367: {  	_ =	swait.ge [sflag:s29], $0x280  }
0x368: {  	s3 =	sadd.s32 $0x1, s3;
	s26 =	rddreg [dreg:$0x14]  }
0x369: {  	p0 =	sne.s32 s3, s26  }
.Ltmp8:
0x36a: {  	_ = 	snop;
	(pc) =	sbr.rel @p0 .LBB2_1-.Ltmp8, $3  }
0x36b: {  	_ =	sdelay $0x1  }
0x36c: {  	[sflag:s29] =	ssyncset.done $0x0  }
0x36d: {  	[sflag:s29] =	ssyncadd.s32 $0xFFFFFD80  }
0x36e: {  	_ =	sfence.sel $0x180000  }
0x36f: {  	[bflag:$0x0] =	sbarrier.arrive $0xFFFF  }
0x370: {  	_ =	strace $0x9000004A  }
0x371: {  	s0 =	stileid.u32;
	[bflag:$0x2] =	sbarrier.arrive $0xFFFF  }
0x372: {  	p0 =	sne.s32 s0, $0x0;
	s0 =	rddreg [dreg:$0x3]  }
0x373: {  	s0 =	sadd.s32 @!p0 $0x100000, s0  }
0x374: {  	[sflag:s0] =	ssyncadd.tile.s32 @!p0 $0x1;
	_ =	shalt  }
.Lfunc_end2:
_tile_overlayer_lowered:
.L_overlay_start_2:
0x375: {  	(tag) =	ssettag $0x2  }
0x376: {  	s0 =	rddreg [dreg:$0x0];
	s2 =	stileid.u32  }
0x377: {  	s1 =	rddreg [dreg:$0x1];
	p0 =	sne.s32 s2, $0x0  }
0x378: {  	s3 =	rddreg [dreg:$0x2];
	[bflag:$0x3] =	sbarrier.arrive $0xFFFF;
	s2 =	simm.s32 @!p0 $0x1C09  }
0x379: {  	[timem:s3], [sflag:s2] =	dma.local @!p0 [hbm:s0], s1  }
0x37a: {  	s0 =	simm.s32 @!p0 $0x9  }
0x37b: {  	_ =	swait.ge @!p0 [sflag:s0], s1  }
0x37c: {  	s1 =	ssub.s32 @!p0 $0x0, s1;
	[sflag:s0] =	ssyncset.done @!p0 $0x0  }
0x37d: {  	[sflag:s0] =	ssyncadd.s32 @!p0 s1  }
0x37e: {  	[bflag:$0x3] =	sbarrier.arrive $0xFFFF  }
0x37f: {  	_ =	shalt  }

</sc_bundles>
